<compile_context>
chip_gen: v7x
topology: tpu7x:2x2x1
jax: 0.10.2.dev20260603
libtpu: 0.0.44.dev20260713+nightly
codegen_flags: <defaults>
</compile_context>

<pallas_src>
import functools

import jax
import jax.numpy as jnp
from jax import lax
from jax.experimental import pallas as pl
from jax.experimental.pallas import tpu as pltpu
from jax.experimental.pallas import tpu_sc as plsc

_B, _S, _LC = 64, 50, 16
_CHV = 5000
_N = _B * _S
_WD, _CD, _CH, _DD = 128, 200, 64, 32
_CDP = 256
_DDP = 128
_G = 4 * _CH
_OUT = _WD + 2 * _CH + _DD

_NC, _NS = 2, 16
_NW = _NC * _NS
_H = _N // 2
_NPAD = 2048
_WB = _NPAD // _NW
_CCH = 80
_CNCH = (_H * _LC) // (_NW * _CCH)
_NBUF = 8
_LEAD = 4

_BLK = 320
_NB = _H // _BLK


def _sc_body(do_db, words_ref, ext_ref, cidx_ref, dom_ref, domb_ref,
             wword_ref, wext_ref, ctab_ref, wdom_ref,
             xw_ref, xe_ref, ce_ref, xd_ref, db_ref,
             widx_v, eidx_v, didx_v, dbidx_v, cidx_v,
             wrows_v, erows_v, drows_v, dbrows_v, cbufs,
             wsem, esem, dsem, dbsem, gsems, osems):
    wid = lax.axis_index("s") * _NC + lax.axis_index("c")
    base = wid * _WB

    pltpu.sync_copy(words_ref.at[pl.ds(base, _WB)], widx_v)
    pltpu.sync_copy(ext_ref.at[pl.ds(base, _WB)], eidx_v)
    pltpu.sync_copy(dom_ref.at[pl.ds(base, _WB)], didx_v)
    pltpu.sync_copy(cidx_ref.at[wid], cidx_v)

    gw = pltpu.async_copy(wword_ref.at[widx_v], wrows_v, wsem)
    ge = pltpu.async_copy(wext_ref.at[eidx_v], erows_v, esem)
    gd = pltpu.async_copy(wdom_ref.at[didx_v], drows_v, dsem)

    if do_db:
        @pl.when(wid < 8)
        def _():
            pltpu.sync_copy(domb_ref.at[pl.ds(wid * 8, 8)], dbidx_v)

        @pl.when(wid < 8)
        def _():
            pltpu.async_copy(wdom_ref.at[dbidx_v], dbrows_v, dbsem).wait()
            pltpu.sync_copy(dbrows_v, db_ref.at[pl.ds(wid * 8, 8)])

    cbase = wid * (_CNCH * _CCH)
    cg = [None] * (_CNCH + _LEAD)
    cw = [None] * _CNCH
    for k in range(_LEAD):
        cg[k] = pltpu.async_copy(ctab_ref.at[cidx_v.at[k]], cbufs[k % _NBUF],
                                 gsems[k % _NBUF])
    for k in range(_CNCH):
        b = k % _NBUF
        if k + _LEAD - _NBUF >= 0:
            cw[k + _LEAD - _NBUF].wait()
        if k + _LEAD < _CNCH:
            bb = (k + _LEAD) % _NBUF
            cg[k + _LEAD] = pltpu.async_copy(
                ctab_ref.at[cidx_v.at[k + _LEAD]], cbufs[bb], gsems[bb])
        cg[k].wait()
        cw[k] = pltpu.async_copy(
            cbufs[b], ce_ref.at[pl.ds(cbase + k * _CCH, _CCH)], osems[b])
    gw.wait()
    ww = pltpu.async_copy(wrows_v, xw_ref.at[pl.ds(base, _WB)], wsem)
    ge.wait()
    we = pltpu.async_copy(erows_v, xe_ref.at[pl.ds(base, _WB)], esem)
    gd.wait()
    wd = pltpu.async_copy(drows_v, xd_ref.at[pl.ds(base, _WB)], dsem)
    for k in range(max(0, _CNCH + _LEAD - _NBUF), _CNCH):
        cw[k].wait()
    ww.wait()
    we.wait()
    wd.wait()


@functools.cache
def _sc_gather(do_db):
    return pl.kernel(
        functools.partial(_sc_body, do_db),
        out_type=(
            jax.ShapeDtypeStruct((_NPAD, _WD), jnp.float32),
            jax.ShapeDtypeStruct((_NPAD, _WD), jnp.float32),
            jax.ShapeDtypeStruct((_H * _LC, 128), jnp.int32),
            jax.ShapeDtypeStruct((_NPAD, _DDP), jnp.float32),
            jax.ShapeDtypeStruct((_B, _DDP), jnp.float32),
        ),
        mesh=plsc.VectorSubcoreMesh(core_axis_name="c", subcore_axis_name="s",
                                    num_cores=_NC, num_subcores=_NS),
        scratch_types=[
            pltpu.VMEM((_WB,), jnp.int32),
            pltpu.VMEM((_WB,), jnp.int32),
            pltpu.VMEM((_WB,), jnp.int32),
            pltpu.VMEM((8,), jnp.int32),
            pltpu.VMEM((_CNCH, _CCH), jnp.int32),
            pltpu.VMEM((_WB, _WD), jnp.float32),
            pltpu.VMEM((_WB, _WD), jnp.float32),
            pltpu.VMEM((_WB, _DDP), jnp.float32),
            pltpu.VMEM((8, _DDP), jnp.float32),
            [pltpu.VMEM((_CCH, 128), jnp.int32) for _ in range(_NBUF)],
            pltpu.SemaphoreType.DMA,
            pltpu.SemaphoreType.DMA,
            pltpu.SemaphoreType.DMA,
            pltpu.SemaphoreType.DMA,
            [pltpu.SemaphoreType.DMA for _ in range(_NBUF)],
            [pltpu.SemaphoreType.DMA for _ in range(_NBUF)],
        ],
    )


def _pack_body(tab_ref, out_ref):
    x = tab_ref[...]
    lo = x[:, 0:128].astype(jnp.bfloat16)
    hi = jnp.concatenate(
        [x[:, 128:_CD], jnp.zeros((x.shape[0], _CDP - _CD), jnp.float32)],
        axis=1).astype(jnp.bfloat16)
    l16 = jax.lax.bitcast_convert_type(lo, jnp.uint16).astype(jnp.int32)
    h16 = jax.lax.bitcast_convert_type(hi, jnp.uint16).astype(jnp.int32)
    out_ref[...] = (h16 << 16) | l16


def _pack_table(char_table):
    return pl.pallas_call(
        _pack_body,
        grid=(5,),
        in_specs=[pl.BlockSpec((_CHV // 5, _CD), lambda i: (i, 0))],
        out_specs=pl.BlockSpec((_CHV // 5, 128), lambda i: (i, 0)),
        out_shape=jax.ShapeDtypeStruct((_CHV, 128), jnp.int32),
    )(char_table)


def _lstm_body(emb_ref, lens_ref, xw_ref, xe_ref, xd_ref,
               wf_ref, uf_ref, bf_ref, wb_ref, ub_ref, bb_ref,
               out_ref, pf_ref, pb_ref):
    v = emb_ref[...].reshape(_LC * _BLK, 128)
    e = jax.lax.bitcast_convert_type(v << 16, jnp.float32).astype(jnp.bfloat16)
    o = jax.lax.bitcast_convert_type(v & jnp.int32(-65536),
                                     jnp.float32).astype(jnp.bfloat16)
    pf_ref[...] = (jnp.dot(e, wf_ref[0:128], preferred_element_type=jnp.float32)
                   + jnp.dot(o, wf_ref[128:256], preferred_element_type=jnp.float32)
                   + bf_ref[...]).reshape(_LC, _BLK, _G)
    pb_ref[...] = (jnp.dot(e, wb_ref[0:128], preferred_element_type=jnp.float32)
                   + jnp.dot(o, wb_ref[128:256], preferred_element_type=jnp.float32)
                   + bb_ref[...]).reshape(_LC, _BLK, _G)
    lens = lens_ref[...]

    def step(p_ref, u, h, c, t):
        g = p_ref[t] + jnp.dot(h.astype(jnp.bfloat16), u,
                               preferred_element_type=jnp.float32)
        sg = 0.5 + 0.5 * jnp.tanh(0.5 * g[:, 0:3 * _CH])
        gg = jnp.tanh(g[:, 3 * _CH:4 * _CH])
        i = sg[:, 0:_CH]
        f = sg[:, _CH:2 * _CH]
        o = sg[:, 2 * _CH:3 * _CH]
        c_new = f * c + i * gg
        h_new = o * jnp.tanh(c_new)
        m = lens > float(t)
        return jnp.where(m, h_new, h), jnp.where(m, c_new, c)

    uf = uf_ref[...]
    ub = ub_ref[...]
    hf = cf = hb = cb = jnp.zeros((_BLK, _CH), jnp.float32)
    for s in range(_LC):
        hf, cf = step(pf_ref, uf, hf, cf, s)
        hb, cb = step(pb_ref, ub, hb, cb, _LC - 1 - s)
    out_ref[...] = jnp.concatenate(
        [xw_ref[...] + xe_ref[...], hf, hb, xd_ref[:, 0:_DD]], axis=1)


def _tc_call(emb_t, lens_col, xw, xe, xd, wf, uf, bf, wb, ub, bb):
    full = lambda s: pl.BlockSpec(s, lambda i: tuple(0 for _ in s))
    return pl.pallas_call(
        _lstm_body,
        grid=(_NB,),
        in_specs=[
            pl.BlockSpec((_LC, _BLK, 128), lambda i: (0, i, 0)),
            pl.BlockSpec((_BLK, 1), lambda i: (i, 0)),
            pl.BlockSpec((_BLK, _WD), lambda i: (i, 0)),
            pl.BlockSpec((_BLK, _WD), lambda i: (i, 0)),
            pl.BlockSpec((_BLK, _DDP), lambda i: (i, 0)),
            full((_CDP, _G)), full((_CH, _G)), full((1, _G)),
            full((_CDP, _G)), full((_CH, _G)), full((1, _G)),
        ],
        out_specs=pl.BlockSpec((_BLK, _OUT), lambda i: (i, 0)),
        out_shape=jax.ShapeDtypeStruct((_H, _OUT), jnp.float32),
        scratch_shapes=[
            pltpu.VMEM((_LC, _BLK, _G), jnp.float32),
            pltpu.VMEM((_LC, _BLK, _G), jnp.float32),
        ],
    )(emb_t, lens_col, xw, xe, xd, wf, uf, bf, wb, ub, bb)


def _ifog(w):
    return jnp.concatenate(
        [w[:, 0:2 * _CH], w[:, 3 * _CH:4 * _CH], w[:, 2 * _CH:3 * _CH]], axis=1)


def kernel(domain_batch, words, ext_words, tags, domains, word_lens_encoder,
           char_idxs_encoder, W_word, W_ext, W_domain, char_table,
           W_ih_f, W_hh_f, b_ih_f, b_hh_f, W_ih_b, W_hh_b, b_ih_b, b_hh_b):
    ctab = _pack_table(char_table)
    wf = _ifog(jnp.pad(W_ih_f.T, ((0, _CDP - _CD), (0, 0)))).astype(jnp.bfloat16)
    wb = _ifog(jnp.pad(W_ih_b.T, ((0, _CDP - _CD), (0, 0)))).astype(jnp.bfloat16)
    uf = _ifog(W_hh_f.T).astype(jnp.bfloat16)
    ub = _ifog(W_hh_b.T).astype(jnp.bfloat16)
    bf = _ifog((b_ih_f + b_hh_f).reshape(1, _G))
    bb = _ifog((b_ih_b + b_hh_b).reshape(1, _G))
    wdom_p = jnp.pad(W_domain, ((0, 0), (0, _DDP - _DD)))
    lens_col = word_lens_encoder.reshape(_N, 1).astype(jnp.float32)
    words_f = words.reshape(-1).astype(jnp.int32)
    ext_f = ext_words.reshape(-1).astype(jnp.int32)
    dom_f = domains.reshape(-1).astype(jnp.int32)
    cidx_f = char_idxs_encoder.astype(jnp.int32)
    domb = domain_batch.astype(jnp.int32)

    pad = _NPAD - _H
    halves = []
    for h0 in (0, _H):
        words_p = jnp.pad(words_f[h0:h0 + _H], (0, pad))
        ext_p = jnp.pad(ext_f[h0:h0 + _H], (0, pad))
        dom_p = jnp.pad(dom_f[h0:h0 + _H], (0, pad))
        cidx = cidx_f[h0:h0 + _H].T.reshape(_NW, _CNCH, _CCH)
        halves.append(_sc_gather(h0 != 0)(words_p, ext_p, cidx, dom_p, domb,
                                          W_word, W_ext, ctab, wdom_p))

    outs = []
    for h0, (xw, xe, ce, xd, db) in zip((0, _H), halves):
        emb_t = ce.reshape(_LC, _H, 128)
        outs.append(_tc_call(emb_t, lens_col[h0:h0 + _H], xw, xe, xd,
                             wf, uf, bf, wb, ub, bb))

    x2d = jnp.concatenate(outs, axis=0)
    return x2d.reshape(_B, _S, _OUT), halves[1][4][:, :_DD]

# --- scband reference (transcript-rebuilt; emitter-appended) ---
"""Pipeline reference for scband-input-layer-1314259993199 (READ-ONLY COPY).

The authoritative reference and input builder live on the scoring server;
editing this copy changes nothing except your own understanding.
"""

import jax, jax.numpy as jnp
import numpy as np

B, S, LC = 64, 50, 16
N = B * S
WORD_VOCAB, CHAR_VOCAB, DOMAIN = 100000, 5000, 17
WD, CD, CH, DD = 128, 200, 64, 32


def setup_inputs(seed: int = 0):
    key = jax.random.key(seed)
    ks = jax.random.split(key, 24)
    s = 0.02
    inp = {}
    inp["domain_batch"] = jax.random.randint(ks[0], (B,), 0, DOMAIN)
    inp["words"] = jax.random.randint(ks[1], (B, S), 0, WORD_VOCAB)
    inp["ext_words"] = jax.random.randint(ks[2], (B, S), 0, WORD_VOCAB)
    inp["tags"] = jax.random.randint(ks[3], (B, S), 0, 64)
    inp["domains"] = jax.random.randint(ks[4], (B, S), 0, DOMAIN)
    inp["word_lens_encoder"] = jax.random.randint(ks[5], (N,), 1, LC + 1)
    inp["char_idxs_encoder"] = jax.random.randint(ks[6], (N, LC), 0, CHAR_VOCAB)
    inp["W_word"] = (jax.random.normal(ks[7], (WORD_VOCAB, WD), jnp.float32) * s).at[0].set(0.0)
    inp["W_ext"] = (jax.random.normal(ks[8], (WORD_VOCAB, WD), jnp.float32) * s).at[0].set(0.0)
    inp["W_domain"] = jax.random.normal(ks[9], (DOMAIN, DD), jnp.float32) * s
    inp["char_table"] = (jax.random.normal(ks[10], (CHAR_VOCAB, CD), jnp.float32) * s).at[0].set(0.0)
    inp["W_ih_f"] = jax.random.normal(ks[11], (4 * CH, CD), jnp.float32) * s
    inp["W_hh_f"] = jax.random.normal(ks[12], (4 * CH, CH), jnp.float32) * s
    inp["b_ih_f"] = jnp.zeros((4 * CH,), jnp.float32)
    inp["b_hh_f"] = jnp.zeros((4 * CH,), jnp.float32)
    inp["W_ih_b"] = jax.random.normal(ks[13], (4 * CH, CD), jnp.float32) * s
    inp["W_hh_b"] = jax.random.normal(ks[14], (4 * CH, CH), jnp.float32) * s
    inp["b_ih_b"] = jnp.zeros((4 * CH,), jnp.float32)
    inp["b_hh_b"] = jnp.zeros((4 * CH,), jnp.float32)
    return inp


def _lstm_last(emb, lens, W_ih, W_hh, b_ih, b_hh):
    # masked LSTM scan; equivalent to pack_padded_sequence final hidden state
    n, L, _ = emb.shape
    H = W_hh.shape[1]
    h0 = jnp.zeros((n, H), emb.dtype)
    c0 = jnp.zeros((n, H), emb.dtype)

    def step(carry, t):
        h, c = carry
        x_t = jax.lax.dynamic_index_in_dim(emb, t, axis=1, keepdims=False)
        g = x_t @ W_ih.T + h @ W_hh.T + b_ih + b_hh
        i, f, gg, o = jnp.split(g, 4, axis=1)  # torch gate order i,f,g,o
        i = jax.nn.sigmoid(i)
        f = jax.nn.sigmoid(f)
        gg = jnp.tanh(gg)
        o = jax.nn.sigmoid(o)
        c_new = f * c + i * gg
        h_new = o * jnp.tanh(c_new)
        m = (t < lens)[:, None]
        return (jnp.where(m, h_new, h), jnp.where(m, c_new, c)), None

    (hT, _), _ = jax.lax.scan(step, (h0, c0), jnp.arange(L))
    return hT


def _char_lstm(char_idxs, lens, char_table, W_ih_f, W_hh_f, b_ih_f, b_hh_f, W_ih_b, W_hh_b, b_ih_b, b_hh_b):
    emb = char_table[char_idxs]  # [N, LC, CD]
    h_f = _lstm_last(emb, lens, W_ih_f, W_hh_f, b_ih_f, b_hh_f)
    L = emb.shape[1]
    rev = jnp.clip(lens[:, None] - 1 - jnp.arange(L)[None, :], 0, L - 1)
    emb_rev = jnp.take_along_axis(emb, rev[:, :, None], axis=1)
    h_b = _lstm_last(emb_rev, lens, W_ih_b, W_hh_b, b_ih_b, b_hh_b)
    return jnp.concatenate([h_f, h_b], axis=1)  # [N, 2*CH]


def reference(domain_batch, words, ext_words, tags, domains, word_lens_encoder, char_idxs_encoder,
              W_word, W_ext, W_domain, char_table,
              W_ih_f, W_hh_f, b_ih_f, b_hh_f, W_ih_b, W_hh_b, b_ih_b, b_hh_b):
    x_word = jnp.take(W_word, words, axis=0)
    x_ext = jnp.take(W_ext, ext_words, axis=0)
    x_embed = x_word + x_ext  # [B, S, WD]
    x_char = _char_lstm(char_idxs_encoder, word_lens_encoder, char_table,
                        W_ih_f, W_hh_f, b_ih_f, b_hh_f, W_ih_b, W_hh_b, b_ih_b, b_hh_b)
    x_char = x_char.reshape(x_embed.shape[0], x_embed.shape[1], -1)  # [B, S, 2*CH]
    x_word_char = jnp.concatenate([x_embed, x_char], axis=2)
    x_domain = jnp.take(W_domain, domains, axis=0)  # [B, S, DD]
    x_final = jnp.concatenate([x_word_char, x_domain], axis=2)  # [B, S, WD+2*CH+DD]
    return (x_final, jnp.take(W_domain, domain_batch, axis=0))

if __name__ == "__main__":
    import jax
    _d = setup_inputs()
    print(jax.jit(kernel)(*tuple(_d.values())))

</pallas_src>

<mosaic_0001>
#map = affine_map<(d0, d1) -> (0)>
#map1 = affine_map<(d0, d1) -> (0, 0, 0)>
#map2 = affine_map<(d0, d1) -> (0, 0)>
module attributes {stable_mosaic.version = 14 : i64} {
  func.func @_sc_body(%arg0: i32, %arg1: i32, %arg2: memref<2048xi32, #tpu.memory_space<hbm>>, %arg3: memref<2048xi32, #tpu.memory_space<hbm>>, %arg4: memref<32x10x80xi32, #tpu.memory_space<hbm>>, %arg5: memref<2048xi32, #tpu.memory_space<hbm>>, %arg6: memref<64xi32, #tpu.memory_space<hbm>>, %arg7: memref<100000x128xf32, #tpu.memory_space<hbm>>, %arg8: memref<100000x128xf32, #tpu.memory_space<hbm>>, %arg9: memref<5000x128xi32, #tpu.memory_space<hbm>>, %arg10: memref<17x128xf32, #tpu.memory_space<hbm>>, %arg11: memref<2048x128xf32, #tpu.memory_space<hbm>>, %arg12: memref<2048x128xf32, #tpu.memory_space<hbm>>, %arg13: memref<25600x128xi32, #tpu.memory_space<hbm>>, %arg14: memref<2048x128xf32, #tpu.memory_space<hbm>>, %arg15: memref<64x128xf32, #tpu.memory_space<hbm>>, %arg16: memref<64xi32, #tpu.memory_space<vmem>>, %arg17: memref<64xi32, #tpu.memory_space<vmem>>, %arg18: memref<64xi32, #tpu.memory_space<vmem>>, %arg19: memref<8xi32, #tpu.memory_space<vmem>>, %arg20: memref<10x80xi32, #tpu.memory_space<vmem>>, %arg21: memref<64x128xf32, #tpu.memory_space<vmem>>, %arg22: memref<64x128xf32, #tpu.memory_space<vmem>>, %arg23: memref<64x128xf32, #tpu.memory_space<vmem>>, %arg24: memref<8x128xf32, #tpu.memory_space<vmem>>, %arg25: memref<80x128xi32, #tpu.memory_space<vmem>>, %arg26: memref<80x128xi32, #tpu.memory_space<vmem>>, %arg27: memref<80x128xi32, #tpu.memory_space<vmem>>, %arg28: memref<80x128xi32, #tpu.memory_space<vmem>>, %arg29: memref<80x128xi32, #tpu.memory_space<vmem>>, %arg30: memref<80x128xi32, #tpu.memory_space<vmem>>, %arg31: memref<80x128xi32, #tpu.memory_space<vmem>>, %arg32: memref<80x128xi32, #tpu.memory_space<vmem>>, %arg33: memref<!tpu.dma_semaphore, #tpu.memory_space<semaphore_mem>>, %arg34: memref<!tpu.dma_semaphore, #tpu.memory_space<semaphore_mem>>, %arg35: memref<!tpu.dma_semaphore, #tpu.memory_space<semaphore_mem>>, %arg36: memref<!tpu.dma_semaphore, #tpu.memory_space<semaphore_mem>>, %arg37: memref<!tpu.dma_semaphore, #tpu.memory_space<semaphore_mem>>, %arg38: memref<!tpu.dma_semaphore, #tpu.memory_space<semaphore_mem>>, %arg39: memref<!tpu.dma_semaphore, #tpu.memory_space<semaphore_mem>>, %arg40: memref<!tpu.dma_semaphore, #tpu.memory_space<semaphore_mem>>, %arg41: memref<!tpu.dma_semaphore, #tpu.memory_space<semaphore_mem>>, %arg42: memref<!tpu.dma_semaphore, #tpu.memory_space<semaphore_mem>>, %arg43: memref<!tpu.dma_semaphore, #tpu.memory_space<semaphore_mem>>, %arg44: memref<!tpu.dma_semaphore, #tpu.memory_space<semaphore_mem>>, %arg45: memref<!tpu.dma_semaphore, #tpu.memory_space<semaphore_mem>>, %arg46: memref<!tpu.dma_semaphore, #tpu.memory_space<semaphore_mem>>, %arg47: memref<!tpu.dma_semaphore, #tpu.memory_space<semaphore_mem>>, %arg48: memref<!tpu.dma_semaphore, #tpu.memory_space<semaphore_mem>>, %arg49: memref<!tpu.dma_semaphore, #tpu.memory_space<semaphore_mem>>, %arg50: memref<!tpu.dma_semaphore, #tpu.memory_space<semaphore_mem>>, %arg51: memref<!tpu.dma_semaphore, #tpu.memory_space<semaphore_mem>>, %arg52: memref<!tpu.dma_semaphore, #tpu.memory_space<semaphore_mem>>) attributes {dimension_semantics = [#tpu.dimension_semantics<core_parallel>, #tpu.dimension_semantics<subcore_parallel>], iteration_bounds = array<i64: 2, 16>, scalar_prefetch = 0 : i64, scratch_operands = 37 : i64, tpu.core_type = #tpu.core_type<sc_vector_subcore>, window_params = [{transform_indices = #map}, {transform_indices = #map}, {transform_indices = #map1}, {transform_indices = #map}, {transform_indices = #map}, {transform_indices = #map2}, {transform_indices = #map2}, {transform_indices = #map2}, {transform_indices = #map2}, {transform_indices = #map2}, {transform_indices = #map2}, {transform_indices = #map2}, {transform_indices = #map2}, {transform_indices = #map2}]} {
    %mul3A = arith.constant 2 : i32
    %mul3A_0 = arith.muli %arg1, %mul3A : i32
    %add3A = arith.addi %mul3A_0, %arg0 : i32
    %mul3A_1 = arith.constant 64 : i32
    %mul3A_2 = arith.muli %add3A, %mul3A_1 : i32
    "tpu.region"() ({
      %run_scoped3A = tpu.sem_alloc : memref<!tpu.dma_semaphore, #tpu.memory_space<semaphore_mem>>
      %dma_start3A_285 = tpu.memref_slice %arg2[%mul3A_2] : memref<2048xi32, #tpu.memory_space<hbm>> -> memref<64xi32, #tpu.memory_space<hbm>>
      %dma_start3A_286 = tpu.memref_slice %arg2[%mul3A_2] : memref<2048xi32, #tpu.memory_space<hbm>> -> memref<64xi32, #tpu.memory_space<hbm>>
      tpu.enqueue_dma source(%dma_start3A_286 : memref<64xi32, #tpu.memory_space<hbm>>) target(%arg16 : memref<64xi32, #tpu.memory_space<vmem>>) target_semaphore(%run_scoped3A : memref<!tpu.dma_semaphore, #tpu.memory_space<semaphore_mem>>)
      %dma_wait3A_287 = tpu.memref_slice %arg2[%mul3A_2] : memref<2048xi32, #tpu.memory_space<hbm>> -> memref<64xi32, #tpu.memory_space<hbm>>
      %dma_wait3A_288 = tpu.memref_slice %arg2[%mul3A_2] : memref<2048xi32, #tpu.memory_space<hbm>> -> memref<64xi32, #tpu.memory_space<hbm>>
      tpu.wait_dma2 semaphore(%run_scoped3A : memref<!tpu.dma_semaphore, #tpu.memory_space<semaphore_mem>>) src(%dma_wait3A_288 : memref<64xi32, #tpu.memory_space<hbm>>) dst(%arg16 : memref<64xi32, #tpu.memory_space<vmem>>)
      tpu.yield
    }) : () -> ()
    "tpu.region"() ({
      %run_scoped3A = tpu.sem_alloc : memref<!tpu.dma_semaphore, #tpu.memory_space<semaphore_mem>>
      %dma_start3A_285 = tpu.memref_slice %arg3[%mul3A_2] : memref<2048xi32, #tpu.memory_space<hbm>> -> memref<64xi32, #tpu.memory_space<hbm>>
      %dma_start3A_286 = tpu.memref_slice %arg3[%mul3A_2] : memref<2048xi32, #tpu.memory_space<hbm>> -> memref<64xi32, #tpu.memory_space<hbm>>
      tpu.enqueue_dma source(%dma_start3A_286 : memref<64xi32, #tpu.memory_space<hbm>>) target(%arg17 : memref<64xi32, #tpu.memory_space<vmem>>) target_semaphore(%run_scoped3A : memref<!tpu.dma_semaphore, #tpu.memory_space<semaphore_mem>>)
      %dma_wait3A_287 = tpu.memref_slice %arg3[%mul3A_2] : memref<2048xi32, #tpu.memory_space<hbm>> -> memref<64xi32, #tpu.memory_space<hbm>>
      %dma_wait3A_288 = tpu.memref_slice %arg3[%mul3A_2] : memref<2048xi32, #tpu.memory_space<hbm>> -> memref<64xi32, #tpu.memory_space<hbm>>
      tpu.wait_dma2 semaphore(%run_scoped3A : memref<!tpu.dma_semaphore, #tpu.memory_space<semaphore_mem>>) src(%dma_wait3A_288 : memref<64xi32, #tpu.memory_space<hbm>>) dst(%arg17 : memref<64xi32, #tpu.memory_space<vmem>>)
      tpu.yield
    }) : () -> ()
    "tpu.region"() ({
      %run_scoped3A = tpu.sem_alloc : memref<!tpu.dma_semaphore, #tpu.memory_space<semaphore_mem>>
      %dma_start3A_285 = tpu.memref_slice %arg5[%mul3A_2] : memref<2048xi32, #tpu.memory_space<hbm>> -> memref<64xi32, #tpu.memory_space<hbm>>
      %dma_start3A_286 = tpu.memref_slice %arg5[%mul3A_2] : memref<2048xi32, #tpu.memory_space<hbm>> -> memref<64xi32, #tpu.memory_space<hbm>>
      tpu.enqueue_dma source(%dma_start3A_286 : memref<64xi32, #tpu.memory_space<hbm>>) target(%arg18 : memref<64xi32, #tpu.memory_space<vmem>>) target_semaphore(%run_scoped3A : memref<!tpu.dma_semaphore, #tpu.memory_space<semaphore_mem>>)
      %dma_wait3A_287 = tpu.memref_slice %arg5[%mul3A_2] : memref<2048xi32, #tpu.memory_space<hbm>> -> memref<64xi32, #tpu.memory_space<hbm>>
      %dma_wait3A_288 = tpu.memref_slice %arg5[%mul3A_2] : memref<2048xi32, #tpu.memory_space<hbm>> -> memref<64xi32, #tpu.memory_space<hbm>>
      tpu.wait_dma2 semaphore(%run_scoped3A : memref<!tpu.dma_semaphore, #tpu.memory_space<semaphore_mem>>) src(%dma_wait3A_288 : memref<64xi32, #tpu.memory_space<hbm>>) dst(%arg18 : memref<64xi32, #tpu.memory_space<vmem>>)
      tpu.yield
    }) : () -> ()
    "tpu.region"() ({
      %run_scoped3A = tpu.sem_alloc : memref<!tpu.dma_semaphore, #tpu.memory_space<semaphore_mem>>
      %dma_start3A_285 = arith.constant 0 : i32
      %dma_start3A_286 = arith.constant 0 : i32
      %dma_start3A_287 = tpu.memref_slice %arg4[%add3A, %dma_start3A_285, %dma_start3A_286] : memref<32x10x80xi32, #tpu.memory_space<hbm>> -> memref<1x10x80xi32, #tpu.memory_space<hbm>>
      %dma_start3A_288 = tpu.memref_squeeze %dma_start3A_287 : memref<1x10x80xi32, #tpu.memory_space<hbm>> -> memref<10x80xi32, #tpu.memory_space<hbm>>
      %dma_start3A_289 = arith.constant 0 : i32
      %dma_start3A_290 = arith.constant 0 : i32
      %dma_start3A_291 = tpu.memref_slice %arg4[%add3A, %dma_start3A_289, %dma_start3A_290] : memref<32x10x80xi32, #tpu.memory_space<hbm>> -> memref<1x10x80xi32, #tpu.memory_space<hbm>>
      %dma_start3A_292 = tpu.memref_squeeze %dma_start3A_291 : memref<1x10x80xi32, #tpu.memory_space<hbm>> -> memref<10x80xi32, #tpu.memory_space<hbm>>
      tpu.enqueue_dma source(%dma_start3A_292 : memref<10x80xi32, #tpu.memory_space<hbm>>) target(%arg20 : memref<10x80xi32, #tpu.memory_space<vmem>>) target_semaphore(%run_scoped3A : memref<!tpu.dma_semaphore, #tpu.memory_space<semaphore_mem>>)
      %dma_wait3A_293 = arith.constant 0 : i32
      %dma_wait3A_294 = arith.constant 0 : i32
      %dma_wait3A_295 = tpu.memref_slice %arg4[%add3A, %dma_wait3A_293, %dma_wait3A_294] : memref<32x10x80xi32, #tpu.memory_space<hbm>> -> memref<1x10x80xi32, #tpu.memory_space<hbm>>
      %dma_wait3A_296 = tpu.memref_squeeze %dma_wait3A_295 : memref<1x10x80xi32, #tpu.memory_space<hbm>> -> memref<10x80xi32, #tpu.memory_space<hbm>>
      %dma_wait3A_297 = arith.constant 0 : i32
      %dma_wait3A_298 = arith.constant 0 : i32
      %dma_wait3A_299 = tpu.memref_slice %arg4[%add3A, %dma_wait3A_297, %dma_wait3A_298] : memref<32x10x80xi32, #tpu.memory_space<hbm>> -> memref<1x10x80xi32, #tpu.memory_space<hbm>>
      %dma_wait3A_300 = tpu.memref_squeeze %dma_wait3A_299 : memref<1x10x80xi32, #tpu.memory_space<hbm>> -> memref<10x80xi32, #tpu.memory_space<hbm>>
      tpu.wait_dma2 semaphore(%run_scoped3A : memref<!tpu.dma_semaphore, #tpu.memory_space<semaphore_mem>>) src(%dma_wait3A_300 : memref<10x80xi32, #tpu.memory_space<hbm>>) dst(%arg20 : memref<10x80xi32, #tpu.memory_space<vmem>>)
      tpu.yield
    }) : () -> ()
    %dma_start3A = arith.constant 0 : i32
    %dma_start3A_3 = arith.constant 0 : i32
    %dma_start3A_4 = tpu.memref_slice %arg7[%dma_start3A, %dma_start3A_3] : memref<100000x128xf32, #tpu.memory_space<hbm>> -> memref<100000x128xf32, #tpu.memory_space<hbm>>
    tpu.enqueue_indirect_dma source(%dma_start3A_4 : memref<100000x128xf32, #tpu.memory_space<hbm>>) target(%arg21 : memref<64x128xf32, #tpu.memory_space<vmem>>) offsets(%arg16 : memref<64xi32, #tpu.memory_space<vmem>>) semaphore(%arg33 : memref<!tpu.dma_semaphore, #tpu.memory_space<semaphore_mem>>)
    %dma_start3A_5 = arith.constant 0 : i32
    %dma_start3A_6 = arith.constant 0 : i32
    %dma_start3A_7 = tpu.memref_slice %arg8[%dma_start3A_5, %dma_start3A_6] : memref<100000x128xf32, #tpu.memory_space<hbm>> -> memref<100000x128xf32, #tpu.memory_space<hbm>>
    tpu.enqueue_indirect_dma source(%dma_start3A_7 : memref<100000x128xf32, #tpu.memory_space<hbm>>) target(%arg22 : memref<64x128xf32, #tpu.memory_space<vmem>>) offsets(%arg17 : memref<64xi32, #tpu.memory_space<vmem>>) semaphore(%arg34 : memref<!tpu.dma_semaphore, #tpu.memory_space<semaphore_mem>>)
    %dma_start3A_8 = arith.constant 0 : i32
    %dma_start3A_9 = arith.constant 0 : i32
    %dma_start3A_10 = tpu.memref_slice %arg10[%dma_start3A_8, %dma_start3A_9] : memref<17x128xf32, #tpu.memory_space<hbm>> -> memref<17x128xf32, #tpu.memory_space<hbm>>
    tpu.enqueue_indirect_dma source(%dma_start3A_10 : memref<17x128xf32, #tpu.memory_space<hbm>>) target(%arg23 : memref<64x128xf32, #tpu.memory_space<vmem>>) offsets(%arg18 : memref<64xi32, #tpu.memory_space<vmem>>) semaphore(%arg35 : memref<!tpu.dma_semaphore, #tpu.memory_space<semaphore_mem>>)
    %mul3A_11 = arith.constant 800 : i32
    %mul3A_12 = arith.muli %add3A, %mul3A_11 : i32
    %dma_start3A_13 = arith.constant 0 : i32
    %dma_start3A_14 = arith.constant 0 : i32
    %dma_start3A_15 = tpu.memref_slice %arg20[%dma_start3A_13, %dma_start3A_14] : memref<10x80xi32, #tpu.memory_space<vmem>> -> memref<1x80xi32, #tpu.memory_space<vmem>>
    %dma_start3A_16 = tpu.memref_squeeze %dma_start3A_15 : memref<1x80xi32, #tpu.memory_space<vmem>> -> memref<80xi32, #tpu.memory_space<vmem>>
    %dma_start3A_17 = arith.constant 0 : i32
    %dma_start3A_18 = arith.constant 0 : i32
    %dma_start3A_19 = tpu.memref_slice %arg9[%dma_start3A_17, %dma_start3A_18] : memref<5000x128xi32, #tpu.memory_space<hbm>> -> memref<5000x128xi32, #tpu.memory_space<hbm>>
    tpu.enqueue_indirect_dma source(%dma_start3A_19 : memref<5000x128xi32, #tpu.memory_space<hbm>>) target(%arg25 : memref<80x128xi32, #tpu.memory_space<vmem>>) offsets(%dma_start3A_16 : memref<80xi32, #tpu.memory_space<vmem>>) semaphore(%arg37 : memref<!tpu.dma_semaphore, #tpu.memory_space<semaphore_mem>>)
    %dma_start3A_20 = arith.constant 1 : i32
    %dma_start3A_21 = arith.constant 0 : i32
    %dma_start3A_22 = tpu.memref_slice %arg20[%dma_start3A_20, %dma_start3A_21] : memref<10x80xi32, #tpu.memory_space<vmem>> -> memref<1x80xi32, #tpu.memory_space<vmem>>
    %dma_start3A_23 = tpu.memref_squeeze %dma_start3A_22 : memref<1x80xi32, #tpu.memory_space<vmem>> -> memref<80xi32, #tpu.memory_space<vmem>>
    %dma_start3A_24 = arith.constant 0 : i32
    %dma_start3A_25 = arith.constant 0 : i32
    %dma_start3A_26 = tpu.memref_slice %arg9[%dma_start3A_24, %dma_start3A_25] : memref<5000x128xi32, #tpu.memory_space<hbm>> -> memref<5000x128xi32, #tpu.memory_space<hbm>>
    tpu.enqueue_indirect_dma source(%dma_start3A_26 : memref<5000x128xi32, #tpu.memory_space<hbm>>) target(%arg26 : memref<80x128xi32, #tpu.memory_space<vmem>>) offsets(%dma_start3A_23 : memref<80xi32, #tpu.memory_space<vmem>>) semaphore(%arg38 : memref<!tpu.dma_semaphore, #tpu.memory_space<semaphore_mem>>)
    %dma_start3A_27 = arith.constant 2 : i32
    %dma_start3A_28 = arith.constant 0 : i32
    %dma_start3A_29 = tpu.memref_slice %arg20[%dma_start3A_27, %dma_start3A_28] : memref<10x80xi32, #tpu.memory_space<vmem>> -> memref<1x80xi32, #tpu.memory_space<vmem>>
    %dma_start3A_30 = tpu.memref_squeeze %dma_start3A_29 : memref<1x80xi32, #tpu.memory_space<vmem>> -> memref<80xi32, #tpu.memory_space<vmem>>
    %dma_start3A_31 = arith.constant 0 : i32
    %dma_start3A_32 = arith.constant 0 : i32
    %dma_start3A_33 = tpu.memref_slice %arg9[%dma_start3A_31, %dma_start3A_32] : memref<5000x128xi32, #tpu.memory_space<hbm>> -> memref<5000x128xi32, #tpu.memory_space<hbm>>
    tpu.enqueue_indirect_dma source(%dma_start3A_33 : memref<5000x128xi32, #tpu.memory_space<hbm>>) target(%arg27 : memref<80x128xi32, #tpu.memory_space<vmem>>) offsets(%dma_start3A_30 : memref<80xi32, #tpu.memory_space<vmem>>) semaphore(%arg39 : memref<!tpu.dma_semaphore, #tpu.memory_space<semaphore_mem>>)
    %dma_start3A_34 = arith.constant 3 : i32
    %dma_start3A_35 = arith.constant 0 : i32
    %dma_start3A_36 = tpu.memref_slice %arg20[%dma_start3A_34, %dma_start3A_35] : memref<10x80xi32, #tpu.memory_space<vmem>> -> memref<1x80xi32, #tpu.memory_space<vmem>>
    %dma_start3A_37 = tpu.memref_squeeze %dma_start3A_36 : memref<1x80xi32, #tpu.memory_space<vmem>> -> memref<80xi32, #tpu.memory_space<vmem>>
    %dma_start3A_38 = arith.constant 0 : i32
    %dma_start3A_39 = arith.constant 0 : i32
    %dma_start3A_40 = tpu.memref_slice %arg9[%dma_start3A_38, %dma_start3A_39] : memref<5000x128xi32, #tpu.memory_space<hbm>> -> memref<5000x128xi32, #tpu.memory_space<hbm>>
    tpu.enqueue_indirect_dma source(%dma_start3A_40 : memref<5000x128xi32, #tpu.memory_space<hbm>>) target(%arg28 : memref<80x128xi32, #tpu.memory_space<vmem>>) offsets(%dma_start3A_37 : memref<80xi32, #tpu.memory_space<vmem>>) semaphore(%arg40 : memref<!tpu.dma_semaphore, #tpu.memory_space<semaphore_mem>>)
    %dma_start3A_41 = arith.constant 4 : i32
    %dma_start3A_42 = arith.constant 0 : i32
    %dma_start3A_43 = tpu.memref_slice %arg20[%dma_start3A_41, %dma_start3A_42] : memref<10x80xi32, #tpu.memory_space<vmem>> -> memref<1x80xi32, #tpu.memory_space<vmem>>
    %dma_start3A_44 = tpu.memref_squeeze %dma_start3A_43 : memref<1x80xi32, #tpu.memory_space<vmem>> -> memref<80xi32, #tpu.memory_space<vmem>>
    %dma_start3A_45 = arith.constant 0 : i32
    %dma_start3A_46 = arith.constant 0 : i32
    %dma_start3A_47 = tpu.memref_slice %arg9[%dma_start3A_45, %dma_start3A_46] : memref<5000x128xi32, #tpu.memory_space<hbm>> -> memref<5000x128xi32, #tpu.memory_space<hbm>>
    tpu.enqueue_indirect_dma source(%dma_start3A_47 : memref<5000x128xi32, #tpu.memory_space<hbm>>) target(%arg29 : memref<80x128xi32, #tpu.memory_space<vmem>>) offsets(%dma_start3A_44 : memref<80xi32, #tpu.memory_space<vmem>>) semaphore(%arg41 : memref<!tpu.dma_semaphore, #tpu.memory_space<semaphore_mem>>)
    %dma_wait3A = arith.constant 0 : i32
    %dma_wait3A_48 = arith.constant 0 : i32
    %dma_wait3A_49 = tpu.memref_slice %arg20[%dma_wait3A, %dma_wait3A_48] : memref<10x80xi32, #tpu.memory_space<vmem>> -> memref<1x80xi32, #tpu.memory_space<vmem>>
    %dma_wait3A_50 = tpu.memref_squeeze %dma_wait3A_49 : memref<1x80xi32, #tpu.memory_space<vmem>> -> memref<80xi32, #tpu.memory_space<vmem>>
    %dma_wait3A_51 = arith.constant 0 : i32
    %dma_wait3A_52 = arith.constant 0 : i32
    %dma_wait3A_53 = tpu.memref_slice %arg9[%dma_wait3A_51, %dma_wait3A_52] : memref<5000x128xi32, #tpu.memory_space<hbm>> -> memref<5000x128xi32, #tpu.memory_space<hbm>>
    tpu.wait_indirect_dma semaphore(%arg37 : memref<!tpu.dma_semaphore, #tpu.memory_space<semaphore_mem>>) src(%dma_wait3A_53 : memref<5000x128xi32, #tpu.memory_space<hbm>>) dst(%arg25 : memref<80x128xi32, #tpu.memory_space<vmem>>)
    %add3A_54 = arith.constant 0 : i32
    %add3A_55 = arith.addi %mul3A_12, %add3A_54 : i32
    %dma_start3A_56 = arith.constant 0 : i32
    %dma_start3A_57 = tpu.memref_slice %arg13[%add3A_55, %dma_start3A_56] : memref<25600x128xi32, #tpu.memory_space<hbm>> -> memref<80x128xi32, #tpu.memory_space<hbm>>
    %dma_start3A_58 = arith.constant 0 : i32
    %dma_start3A_59 = tpu.memref_slice %arg13[%add3A_55, %dma_start3A_58] : memref<25600x128xi32, #tpu.memory_space<hbm>> -> memref<80x128xi32, #tpu.memory_space<hbm>>
    tpu.enqueue_dma source(%arg25 : memref<80x128xi32, #tpu.memory_space<vmem>>) target(%dma_start3A_59 : memref<80x128xi32, #tpu.memory_space<hbm>>) target_semaphore(%arg45 : memref<!tpu.dma_semaphore, #tpu.memory_space<semaphore_mem>>)
    %dma_start3A_60 = arith.constant 5 : i32
    %dma_start3A_61 = arith.constant 0 : i32
    %dma_start3A_62 = tpu.memref_slice %arg20[%dma_start3A_60, %dma_start3A_61] : memref<10x80xi32, #tpu.memory_space<vmem>> -> memref<1x80xi32, #tpu.memory_space<vmem>>
    %dma_start3A_63 = tpu.memref_squeeze %dma_start3A_62 : memref<1x80xi32, #tpu.memory_space<vmem>> -> memref<80xi32, #tpu.memory_space<vmem>>
    %dma_start3A_64 = arith.constant 0 : i32
    %dma_start3A_65 = arith.constant 0 : i32
    %dma_start3A_66 = tpu.memref_slice %arg9[%dma_start3A_64, %dma_start3A_65] : memref<5000x128xi32, #tpu.memory_space<hbm>> -> memref<5000x128xi32, #tpu.memory_space<hbm>>
    tpu.enqueue_indirect_dma source(%dma_start3A_66 : memref<5000x128xi32, #tpu.memory_space<hbm>>) target(%arg30 : memref<80x128xi32, #tpu.memory_space<vmem>>) offsets(%dma_start3A_63 : memref<80xi32, #tpu.memory_space<vmem>>) semaphore(%arg42 : memref<!tpu.dma_semaphore, #tpu.memory_space<semaphore_mem>>)
    %dma_wait3A_67 = arith.constant 1 : i32
    %dma_wait3A_68 = arith.constant 0 : i32
    %dma_wait3A_69 = tpu.memref_slice %arg20[%dma_wait3A_67, %dma_wait3A_68] : memref<10x80xi32, #tpu.memory_space<vmem>> -> memref<1x80xi32, #tpu.memory_space<vmem>>
    %dma_wait3A_70 = tpu.memref_squeeze %dma_wait3A_69 : memref<1x80xi32, #tpu.memory_space<vmem>> -> memref<80xi32, #tpu.memory_space<vmem>>
    %dma_wait3A_71 = arith.constant 0 : i32
    %dma_wait3A_72 = arith.constant 0 : i32
    %dma_wait3A_73 = tpu.memref_slice %arg9[%dma_wait3A_71, %dma_wait3A_72] : memref<5000x128xi32, #tpu.memory_space<hbm>> -> memref<5000x128xi32, #tpu.memory_space<hbm>>
    tpu.wait_indirect_dma semaphore(%arg38 : memref<!tpu.dma_semaphore, #tpu.memory_space<semaphore_mem>>) src(%dma_wait3A_73 : memref<5000x128xi32, #tpu.memory_space<hbm>>) dst(%arg26 : memref<80x128xi32, #tpu.memory_space<vmem>>)
    %add3A_74 = arith.constant 80 : i32
    %add3A_75 = arith.addi %mul3A_12, %add3A_74 : i32
    %dma_start3A_76 = arith.constant 0 : i32
    %dma_start3A_77 = tpu.memref_slice %arg13[%add3A_75, %dma_start3A_76] : memref<25600x128xi32, #tpu.memory_space<hbm>> -> memref<80x128xi32, #tpu.memory_space<hbm>>
    %dma_start3A_78 = arith.constant 0 : i32
    %dma_start3A_79 = tpu.memref_slice %arg13[%add3A_75, %dma_start3A_78] : memref<25600x128xi32, #tpu.memory_space<hbm>> -> memref<80x128xi32, #tpu.memory_space<hbm>>
    tpu.enqueue_dma source(%arg26 : memref<80x128xi32, #tpu.memory_space<vmem>>) target(%dma_start3A_79 : memref<80x128xi32, #tpu.memory_space<hbm>>) target_semaphore(%arg46 : memref<!tpu.dma_semaphore, #tpu.memory_space<semaphore_mem>>)
    %dma_start3A_80 = arith.constant 6 : i32
    %dma_start3A_81 = arith.constant 0 : i32
    %dma_start3A_82 = tpu.memref_slice %arg20[%dma_start3A_80, %dma_start3A_81] : memref<10x80xi32, #tpu.memory_space<vmem>> -> memref<1x80xi32, #tpu.memory_space<vmem>>
    %dma_start3A_83 = tpu.memref_squeeze %dma_start3A_82 : memref<1x80xi32, #tpu.memory_space<vmem>> -> memref<80xi32, #tpu.memory_space<vmem>>
    %dma_start3A_84 = arith.constant 0 : i32
    %dma_start3A_85 = arith.constant 0 : i32
    %dma_start3A_86 = tpu.memref_slice %arg9[%dma_start3A_84, %dma_start3A_85] : memref<5000x128xi32, #tpu.memory_space<hbm>> -> memref<5000x128xi32, #tpu.memory_space<hbm>>
    tpu.enqueue_indirect_dma source(%dma_start3A_86 : memref<5000x128xi32, #tpu.memory_space<hbm>>) target(%arg31 : memref<80x128xi32, #tpu.memory_space<vmem>>) offsets(%dma_start3A_83 : memref<80xi32, #tpu.memory_space<vmem>>) semaphore(%arg43 : memref<!tpu.dma_semaphore, #tpu.memory_space<semaphore_mem>>)
    %dma_wait3A_87 = arith.constant 2 : i32
    %dma_wait3A_88 = arith.constant 0 : i32
    %dma_wait3A_89 = tpu.memref_slice %arg20[%dma_wait3A_87, %dma_wait3A_88] : memref<10x80xi32, #tpu.memory_space<vmem>> -> memref<1x80xi32, #tpu.memory_space<vmem>>
    %dma_wait3A_90 = tpu.memref_squeeze %dma_wait3A_89 : memref<1x80xi32, #tpu.memory_space<vmem>> -> memref<80xi32, #tpu.memory_space<vmem>>
    %dma_wait3A_91 = arith.constant 0 : i32
    %dma_wait3A_92 = arith.constant 0 : i32
    %dma_wait3A_93 = tpu.memref_slice %arg9[%dma_wait3A_91, %dma_wait3A_92] : memref<5000x128xi32, #tpu.memory_space<hbm>> -> memref<5000x128xi32, #tpu.memory_space<hbm>>
    tpu.wait_indirect_dma semaphore(%arg39 : memref<!tpu.dma_semaphore, #tpu.memory_space<semaphore_mem>>) src(%dma_wait3A_93 : memref<5000x128xi32, #tpu.memory_space<hbm>>) dst(%arg27 : memref<80x128xi32, #tpu.memory_space<vmem>>)
    %add3A_94 = arith.constant 160 : i32
    %add3A_95 = arith.addi %mul3A_12, %add3A_94 : i32
    %dma_start3A_96 = arith.constant 0 : i32
    %dma_start3A_97 = tpu.memref_slice %arg13[%add3A_95, %dma_start3A_96] : memref<25600x128xi32, #tpu.memory_space<hbm>> -> memref<80x128xi32, #tpu.memory_space<hbm>>
    %dma_start3A_98 = arith.constant 0 : i32
    %dma_start3A_99 = tpu.memref_slice %arg13[%add3A_95, %dma_start3A_98] : memref<25600x128xi32, #tpu.memory_space<hbm>> -> memref<80x128xi32, #tpu.memory_space<hbm>>
    tpu.enqueue_dma source(%arg27 : memref<80x128xi32, #tpu.memory_space<vmem>>) target(%dma_start3A_99 : memref<80x128xi32, #tpu.memory_space<hbm>>) target_semaphore(%arg47 : memref<!tpu.dma_semaphore, #tpu.memory_space<semaphore_mem>>)
    %dma_start3A_100 = arith.constant 7 : i32
    %dma_start3A_101 = arith.constant 0 : i32
    %dma_start3A_102 = tpu.memref_slice %arg20[%dma_start3A_100, %dma_start3A_101] : memref<10x80xi32, #tpu.memory_space<vmem>> -> memref<1x80xi32, #tpu.memory_space<vmem>>
    %dma_start3A_103 = tpu.memref_squeeze %dma_start3A_102 : memref<1x80xi32, #tpu.memory_space<vmem>> -> memref<80xi32, #tpu.memory_space<vmem>>
    %dma_start3A_104 = arith.constant 0 : i32
    %dma_start3A_105 = arith.constant 0 : i32
    %dma_start3A_106 = tpu.memref_slice %arg9[%dma_start3A_104, %dma_start3A_105] : memref<5000x128xi32, #tpu.memory_space<hbm>> -> memref<5000x128xi32, #tpu.memory_space<hbm>>
    tpu.enqueue_indirect_dma source(%dma_start3A_106 : memref<5000x128xi32, #tpu.memory_space<hbm>>) target(%arg32 : memref<80x128xi32, #tpu.memory_space<vmem>>) offsets(%dma_start3A_103 : memref<80xi32, #tpu.memory_space<vmem>>) semaphore(%arg44 : memref<!tpu.dma_semaphore, #tpu.memory_space<semaphore_mem>>)
    %dma_wait3A_107 = arith.constant 3 : i32
    %dma_wait3A_108 = arith.constant 0 : i32
    %dma_wait3A_109 = tpu.memref_slice %arg20[%dma_wait3A_107, %dma_wait3A_108] : memref<10x80xi32, #tpu.memory_space<vmem>> -> memref<1x80xi32, #tpu.memory_space<vmem>>
    %dma_wait3A_110 = tpu.memref_squeeze %dma_wait3A_109 : memref<1x80xi32, #tpu.memory_space<vmem>> -> memref<80xi32, #tpu.memory_space<vmem>>
    %dma_wait3A_111 = arith.constant 0 : i32
    %dma_wait3A_112 = arith.constant 0 : i32
    %dma_wait3A_113 = tpu.memref_slice %arg9[%dma_wait3A_111, %dma_wait3A_112] : memref<5000x128xi32, #tpu.memory_space<hbm>> -> memref<5000x128xi32, #tpu.memory_space<hbm>>
    tpu.wait_indirect_dma semaphore(%arg40 : memref<!tpu.dma_semaphore, #tpu.memory_space<semaphore_mem>>) src(%dma_wait3A_113 : memref<5000x128xi32, #tpu.memory_space<hbm>>) dst(%arg28 : memref<80x128xi32, #tpu.memory_space<vmem>>)
    %add3A_114 = arith.constant 240 : i32
    %add3A_115 = arith.addi %mul3A_12, %add3A_114 : i32
    %dma_start3A_116 = arith.constant 0 : i32
    %dma_start3A_117 = tpu.memref_slice %arg13[%add3A_115, %dma_start3A_116] : memref<25600x128xi32, #tpu.memory_space<hbm>> -> memref<80x128xi32, #tpu.memory_space<hbm>>
    %dma_start3A_118 = arith.constant 0 : i32
    %dma_start3A_119 = tpu.memref_slice %arg13[%add3A_115, %dma_start3A_118] : memref<25600x128xi32, #tpu.memory_space<hbm>> -> memref<80x128xi32, #tpu.memory_space<hbm>>
    tpu.enqueue_dma source(%arg28 : memref<80x128xi32, #tpu.memory_space<vmem>>) target(%dma_start3A_119 : memref<80x128xi32, #tpu.memory_space<hbm>>) target_semaphore(%arg48 : memref<!tpu.dma_semaphore, #tpu.memory_space<semaphore_mem>>)
    %dma_wait3A_120 = arith.constant 0 : i32
    %dma_wait3A_121 = tpu.memref_slice %arg13[%add3A_55, %dma_wait3A_120] : memref<25600x128xi32, #tpu.memory_space<hbm>> -> memref<80x128xi32, #tpu.memory_space<hbm>>
    %dma_wait3A_122 = arith.constant 0 : i32
    %dma_wait3A_123 = tpu.memref_slice %arg13[%add3A_55, %dma_wait3A_122] : memref<25600x128xi32, #tpu.memory_space<hbm>> -> memref<80x128xi32, #tpu.memory_space<hbm>>
    tpu.wait_dma2 semaphore(%arg45 : memref<!tpu.dma_semaphore, #tpu.memory_space<semaphore_mem>>) src(%arg25 : memref<80x128xi32, #tpu.memory_space<vmem>>) dst(%dma_wait3A_123 : memref<80x128xi32, #tpu.memory_space<hbm>>)
    %dma_start3A_124 = arith.constant 8 : i32
    %dma_start3A_125 = arith.constant 0 : i32
    %dma_start3A_126 = tpu.memref_slice %arg20[%dma_start3A_124, %dma_start3A_125] : memref<10x80xi32, #tpu.memory_space<vmem>> -> memref<1x80xi32, #tpu.memory_space<vmem>>
    %dma_start3A_127 = tpu.memref_squeeze %dma_start3A_126 : memref<1x80xi32, #tpu.memory_space<vmem>> -> memref<80xi32, #tpu.memory_space<vmem>>
    %dma_start3A_128 = arith.constant 0 : i32
    %dma_start3A_129 = arith.constant 0 : i32
    %dma_start3A_130 = tpu.memref_slice %arg9[%dma_start3A_128, %dma_start3A_129] : memref<5000x128xi32, #tpu.memory_space<hbm>> -> memref<5000x128xi32, #tpu.memory_space<hbm>>
    tpu.enqueue_indirect_dma source(%dma_start3A_130 : memref<5000x128xi32, #tpu.memory_space<hbm>>) target(%arg25 : memref<80x128xi32, #tpu.memory_space<vmem>>) offsets(%dma_start3A_127 : memref<80xi32, #tpu.memory_space<vmem>>) semaphore(%arg37 : memref<!tpu.dma_semaphore, #tpu.memory_space<semaphore_mem>>)
    %dma_wait3A_131 = arith.constant 4 : i32
    %dma_wait3A_132 = arith.constant 0 : i32
    %dma_wait3A_133 = tpu.memref_slice %arg20[%dma_wait3A_131, %dma_wait3A_132] : memref<10x80xi32, #tpu.memory_space<vmem>> -> memref<1x80xi32, #tpu.memory_space<vmem>>
    %dma_wait3A_134 = tpu.memref_squeeze %dma_wait3A_133 : memref<1x80xi32, #tpu.memory_space<vmem>> -> memref<80xi32, #tpu.memory_space<vmem>>
    %dma_wait3A_135 = arith.constant 0 : i32
    %dma_wait3A_136 = arith.constant 0 : i32
    %dma_wait3A_137 = tpu.memref_slice %arg9[%dma_wait3A_135, %dma_wait3A_136] : memref<5000x128xi32, #tpu.memory_space<hbm>> -> memref<5000x128xi32, #tpu.memory_space<hbm>>
    tpu.wait_indirect_dma semaphore(%arg41 : memref<!tpu.dma_semaphore, #tpu.memory_space<semaphore_mem>>) src(%dma_wait3A_137 : memref<5000x128xi32, #tpu.memory_space<hbm>>) dst(%arg29 : memref<80x128xi32, #tpu.memory_space<vmem>>)
    %add3A_138 = arith.constant 320 : i32
    %add3A_139 = arith.addi %mul3A_12, %add3A_138 : i32
    %dma_start3A_140 = arith.constant 0 : i32
    %dma_start3A_141 = tpu.memref_slice %arg13[%add3A_139, %dma_start3A_140] : memref<25600x128xi32, #tpu.memory_space<hbm>> -> memref<80x128xi32, #tpu.memory_space<hbm>>
    %dma_start3A_142 = arith.constant 0 : i32
    %dma_start3A_143 = tpu.memref_slice %arg13[%add3A_139, %dma_start3A_142] : memref<25600x128xi32, #tpu.memory_space<hbm>> -> memref<80x128xi32, #tpu.memory_space<hbm>>
    tpu.enqueue_dma source(%arg29 : memref<80x128xi32, #tpu.memory_space<vmem>>) target(%dma_start3A_143 : memref<80x128xi32, #tpu.memory_space<hbm>>) target_semaphore(%arg49 : memref<!tpu.dma_semaphore, #tpu.memory_space<semaphore_mem>>)
    %dma_wait3A_144 = arith.constant 0 : i32
    %dma_wait3A_145 = tpu.memref_slice %arg13[%add3A_75, %dma_wait3A_144] : memref<25600x128xi32, #tpu.memory_space<hbm>> -> memref<80x128xi32, #tpu.memory_space<hbm>>
    %dma_wait3A_146 = arith.constant 0 : i32
    %dma_wait3A_147 = tpu.memref_slice %arg13[%add3A_75, %dma_wait3A_146] : memref<25600x128xi32, #tpu.memory_space<hbm>> -> memref<80x128xi32, #tpu.memory_space<hbm>>
    tpu.wait_dma2 semaphore(%arg46 : memref<!tpu.dma_semaphore, #tpu.memory_space<semaphore_mem>>) src(%arg26 : memref<80x128xi32, #tpu.memory_space<vmem>>) dst(%dma_wait3A_147 : memref<80x128xi32, #tpu.memory_space<hbm>>)
    %dma_start3A_148 = arith.constant 9 : i32
    %dma_start3A_149 = arith.constant 0 : i32
    %dma_start3A_150 = tpu.memref_slice %arg20[%dma_start3A_148, %dma_start3A_149] : memref<10x80xi32, #tpu.memory_space<vmem>> -> memref<1x80xi32, #tpu.memory_space<vmem>>
    %dma_start3A_151 = tpu.memref_squeeze %dma_start3A_150 : memref<1x80xi32, #tpu.memory_space<vmem>> -> memref<80xi32, #tpu.memory_space<vmem>>
    %dma_start3A_152 = arith.constant 0 : i32
    %dma_start3A_153 = arith.constant 0 : i32
    %dma_start3A_154 = tpu.memref_slice %arg9[%dma_start3A_152, %dma_start3A_153] : memref<5000x128xi32, #tpu.memory_space<hbm>> -> memref<5000x128xi32, #tpu.memory_space<hbm>>
    tpu.enqueue_indirect_dma source(%dma_start3A_154 : memref<5000x128xi32, #tpu.memory_space<hbm>>) target(%arg26 : memref<80x128xi32, #tpu.memory_space<vmem>>) offsets(%dma_start3A_151 : memref<80xi32, #tpu.memory_space<vmem>>) semaphore(%arg38 : memref<!tpu.dma_semaphore, #tpu.memory_space<semaphore_mem>>)
    %dma_wait3A_155 = arith.constant 5 : i32
    %dma_wait3A_156 = arith.constant 0 : i32
    %dma_wait3A_157 = tpu.memref_slice %arg20[%dma_wait3A_155, %dma_wait3A_156] : memref<10x80xi32, #tpu.memory_space<vmem>> -> memref<1x80xi32, #tpu.memory_space<vmem>>
    %dma_wait3A_158 = tpu.memref_squeeze %dma_wait3A_157 : memref<1x80xi32, #tpu.memory_space<vmem>> -> memref<80xi32, #tpu.memory_space<vmem>>
    %dma_wait3A_159 = arith.constant 0 : i32
    %dma_wait3A_160 = arith.constant 0 : i32
    %dma_wait3A_161 = tpu.memref_slice %arg9[%dma_wait3A_159, %dma_wait3A_160] : memref<5000x128xi32, #tpu.memory_space<hbm>> -> memref<5000x128xi32, #tpu.memory_space<hbm>>
    tpu.wait_indirect_dma semaphore(%arg42 : memref<!tpu.dma_semaphore, #tpu.memory_space<semaphore_mem>>) src(%dma_wait3A_161 : memref<5000x128xi32, #tpu.memory_space<hbm>>) dst(%arg30 : memref<80x128xi32, #tpu.memory_space<vmem>>)
    %add3A_162 = arith.constant 400 : i32
    %add3A_163 = arith.addi %mul3A_12, %add3A_162 : i32
    %dma_start3A_164 = arith.constant 0 : i32
    %dma_start3A_165 = tpu.memref_slice %arg13[%add3A_163, %dma_start3A_164] : memref<25600x128xi32, #tpu.memory_space<hbm>> -> memref<80x128xi32, #tpu.memory_space<hbm>>
    %dma_start3A_166 = arith.constant 0 : i32
    %dma_start3A_167 = tpu.memref_slice %arg13[%add3A_163, %dma_start3A_166] : memref<25600x128xi32, #tpu.memory_space<hbm>> -> memref<80x128xi32, #tpu.memory_space<hbm>>
    tpu.enqueue_dma source(%arg30 : memref<80x128xi32, #tpu.memory_space<vmem>>) target(%dma_start3A_167 : memref<80x128xi32, #tpu.memory_space<hbm>>) target_semaphore(%arg50 : memref<!tpu.dma_semaphore, #tpu.memory_space<semaphore_mem>>)
    %dma_wait3A_168 = arith.constant 0 : i32
    %dma_wait3A_169 = tpu.memref_slice %arg13[%add3A_95, %dma_wait3A_168] : memref<25600x128xi32, #tpu.memory_space<hbm>> -> memref<80x128xi32, #tpu.memory_space<hbm>>
    %dma_wait3A_170 = arith.constant 0 : i32
    %dma_wait3A_171 = tpu.memref_slice %arg13[%add3A_95, %dma_wait3A_170] : memref<25600x128xi32, #tpu.memory_space<hbm>> -> memref<80x128xi32, #tpu.memory_space<hbm>>
    tpu.wait_dma2 semaphore(%arg47 : memref<!tpu.dma_semaphore, #tpu.memory_space<semaphore_mem>>) src(%arg27 : memref<80x128xi32, #tpu.memory_space<vmem>>) dst(%dma_wait3A_171 : memref<80x128xi32, #tpu.memory_space<hbm>>)
    %dma_wait3A_172 = arith.constant 6 : i32
    %dma_wait3A_173 = arith.constant 0 : i32
    %dma_wait3A_174 = tpu.memref_slice %arg20[%dma_wait3A_172, %dma_wait3A_173] : memref<10x80xi32, #tpu.memory_space<vmem>> -> memref<1x80xi32, #tpu.memory_space<vmem>>
    %dma_wait3A_175 = tpu.memref_squeeze %dma_wait3A_174 : memref<1x80xi32, #tpu.memory_space<vmem>> -> memref<80xi32, #tpu.memory_space<vmem>>
    %dma_wait3A_176 = arith.constant 0 : i32
    %dma_wait3A_177 = arith.constant 0 : i32
    %dma_wait3A_178 = tpu.memref_slice %arg9[%dma_wait3A_176, %dma_wait3A_177] : memref<5000x128xi32, #tpu.memory_space<hbm>> -> memref<5000x128xi32, #tpu.memory_space<hbm>>
    tpu.wait_indirect_dma semaphore(%arg43 : memref<!tpu.dma_semaphore, #tpu.memory_space<semaphore_mem>>) src(%dma_wait3A_178 : memref<5000x128xi32, #tpu.memory_space<hbm>>) dst(%arg31 : memref<80x128xi32, #tpu.memory_space<vmem>>)
    %add3A_179 = arith.constant 480 : i32
    %add3A_180 = arith.addi %mul3A_12, %add3A_179 : i32
    %dma_start3A_181 = arith.constant 0 : i32
    %dma_start3A_182 = tpu.memref_slice %arg13[%add3A_180, %dma_start3A_181] : memref<25600x128xi32, #tpu.memory_space<hbm>> -> memref<80x128xi32, #tpu.memory_space<hbm>>
    %dma_start3A_183 = arith.constant 0 : i32
    %dma_start3A_184 = tpu.memref_slice %arg13[%add3A_180, %dma_start3A_183] : memref<25600x128xi32, #tpu.memory_space<hbm>> -> memref<80x128xi32, #tpu.memory_space<hbm>>
    tpu.enqueue_dma source(%arg31 : memref<80x128xi32, #tpu.memory_space<vmem>>) target(%dma_start3A_184 : memref<80x128xi32, #tpu.memory_space<hbm>>) target_semaphore(%arg51 : memref<!tpu.dma_semaphore, #tpu.memory_space<semaphore_mem>>)
    %dma_wait3A_185 = arith.constant 0 : i32
    %dma_wait3A_186 = tpu.memref_slice %arg13[%add3A_115, %dma_wait3A_185] : memref<25600x128xi32, #tpu.memory_space<hbm>> -> memref<80x128xi32, #tpu.memory_space<hbm>>
    %dma_wait3A_187 = arith.constant 0 : i32
    %dma_wait3A_188 = tpu.memref_slice %arg13[%add3A_115, %dma_wait3A_187] : memref<25600x128xi32, #tpu.memory_space<hbm>> -> memref<80x128xi32, #tpu.memory_space<hbm>>
    tpu.wait_dma2 semaphore(%arg48 : memref<!tpu.dma_semaphore, #tpu.memory_space<semaphore_mem>>) src(%arg28 : memref<80x128xi32, #tpu.memory_space<vmem>>) dst(%dma_wait3A_188 : memref<80x128xi32, #tpu.memory_space<hbm>>)
    %dma_wait3A_189 = arith.constant 7 : i32
    %dma_wait3A_190 = arith.constant 0 : i32
    %dma_wait3A_191 = tpu.memref_slice %arg20[%dma_wait3A_189, %dma_wait3A_190] : memref<10x80xi32, #tpu.memory_space<vmem>> -> memref<1x80xi32, #tpu.memory_space<vmem>>
    %dma_wait3A_192 = tpu.memref_squeeze %dma_wait3A_191 : memref<1x80xi32, #tpu.memory_space<vmem>> -> memref<80xi32, #tpu.memory_space<vmem>>
    %dma_wait3A_193 = arith.constant 0 : i32
    %dma_wait3A_194 = arith.constant 0 : i32
    %dma_wait3A_195 = tpu.memref_slice %arg9[%dma_wait3A_193, %dma_wait3A_194] : memref<5000x128xi32, #tpu.memory_space<hbm>> -> memref<5000x128xi32, #tpu.memory_space<hbm>>
    tpu.wait_indirect_dma semaphore(%arg44 : memref<!tpu.dma_semaphore, #tpu.memory_space<semaphore_mem>>) src(%dma_wait3A_195 : memref<5000x128xi32, #tpu.memory_space<hbm>>) dst(%arg32 : memref<80x128xi32, #tpu.memory_space<vmem>>)
    %add3A_196 = arith.constant 560 : i32
    %add3A_197 = arith.addi %mul3A_12, %add3A_196 : i32
    %dma_start3A_198 = arith.constant 0 : i32
    %dma_start3A_199 = tpu.memref_slice %arg13[%add3A_197, %dma_start3A_198] : memref<25600x128xi32, #tpu.memory_space<hbm>> -> memref<80x128xi32, #tpu.memory_space<hbm>>
    %dma_start3A_200 = arith.constant 0 : i32
    %dma_start3A_201 = tpu.memref_slice %arg13[%add3A_197, %dma_start3A_200] : memref<25600x128xi32, #tpu.memory_space<hbm>> -> memref<80x128xi32, #tpu.memory_space<hbm>>
    tpu.enqueue_dma source(%arg32 : memref<80x128xi32, #tpu.memory_space<vmem>>) target(%dma_start3A_201 : memref<80x128xi32, #tpu.memory_space<hbm>>) target_semaphore(%arg52 : memref<!tpu.dma_semaphore, #tpu.memory_space<semaphore_mem>>)
    %dma_wait3A_202 = arith.constant 0 : i32
    %dma_wait3A_203 = tpu.memref_slice %arg13[%add3A_139, %dma_wait3A_202] : memref<25600x128xi32, #tpu.memory_space<hbm>> -> memref<80x128xi32, #tpu.memory_space<hbm>>
    %dma_wait3A_204 = arith.constant 0 : i32
    %dma_wait3A_205 = tpu.memref_slice %arg13[%add3A_139, %dma_wait3A_204] : memref<25600x128xi32, #tpu.memory_space<hbm>> -> memref<80x128xi32, #tpu.memory_space<hbm>>
    tpu.wait_dma2 semaphore(%arg49 : memref<!tpu.dma_semaphore, #tpu.memory_space<semaphore_mem>>) src(%arg29 : memref<80x128xi32, #tpu.memory_space<vmem>>) dst(%dma_wait3A_205 : memref<80x128xi32, #tpu.memory_space<hbm>>)
    %dma_wait3A_206 = arith.constant 8 : i32
    %dma_wait3A_207 = arith.constant 0 : i32
    %dma_wait3A_208 = tpu.memref_slice %arg20[%dma_wait3A_206, %dma_wait3A_207] : memref<10x80xi32, #tpu.memory_space<vmem>> -> memref<1x80xi32, #tpu.memory_space<vmem>>
    %dma_wait3A_209 = tpu.memref_squeeze %dma_wait3A_208 : memref<1x80xi32, #tpu.memory_space<vmem>> -> memref<80xi32, #tpu.memory_space<vmem>>
    %dma_wait3A_210 = arith.constant 0 : i32
    %dma_wait3A_211 = arith.constant 0 : i32
    %dma_wait3A_212 = tpu.memref_slice %arg9[%dma_wait3A_210, %dma_wait3A_211] : memref<5000x128xi32, #tpu.memory_space<hbm>> -> memref<5000x128xi32, #tpu.memory_space<hbm>>
    tpu.wait_indirect_dma semaphore(%arg37 : memref<!tpu.dma_semaphore, #tpu.memory_space<semaphore_mem>>) src(%dma_wait3A_212 : memref<5000x128xi32, #tpu.memory_space<hbm>>) dst(%arg25 : memref<80x128xi32, #tpu.memory_space<vmem>>)
    %add3A_213 = arith.constant 640 : i32
    %add3A_214 = arith.addi %mul3A_12, %add3A_213 : i32
    %dma_start3A_215 = arith.constant 0 : i32
    %dma_start3A_216 = tpu.memref_slice %arg13[%add3A_214, %dma_start3A_215] : memref<25600x128xi32, #tpu.memory_space<hbm>> -> memref<80x128xi32, #tpu.memory_space<hbm>>
    %dma_start3A_217 = arith.constant 0 : i32
    %dma_start3A_218 = tpu.memref_slice %arg13[%add3A_214, %dma_start3A_217] : memref<25600x128xi32, #tpu.memory_space<hbm>> -> memref<80x128xi32, #tpu.memory_space<hbm>>
    tpu.enqueue_dma source(%arg25 : memref<80x128xi32, #tpu.memory_space<vmem>>) target(%dma_start3A_218 : memref<80x128xi32, #tpu.memory_space<hbm>>) target_semaphore(%arg45 : memref<!tpu.dma_semaphore, #tpu.memory_space<semaphore_mem>>)
    %dma_wait3A_219 = arith.constant 0 : i32
    %dma_wait3A_220 = tpu.memref_slice %arg13[%add3A_163, %dma_wait3A_219] : memref<25600x128xi32, #tpu.memory_space<hbm>> -> memref<80x128xi32, #tpu.memory_space<hbm>>
    %dma_wait3A_221 = arith.constant 0 : i32
    %dma_wait3A_222 = tpu.memref_slice %arg13[%add3A_163, %dma_wait3A_221] : memref<25600x128xi32, #tpu.memory_space<hbm>> -> memref<80x128xi32, #tpu.memory_space<hbm>>
    tpu.wait_dma2 semaphore(%arg50 : memref<!tpu.dma_semaphore, #tpu.memory_space<semaphore_mem>>) src(%arg30 : memref<80x128xi32, #tpu.memory_space<vmem>>) dst(%dma_wait3A_222 : memref<80x128xi32, #tpu.memory_space<hbm>>)
    %dma_wait3A_223 = arith.constant 9 : i32
    %dma_wait3A_224 = arith.constant 0 : i32
    %dma_wait3A_225 = tpu.memref_slice %arg20[%dma_wait3A_223, %dma_wait3A_224] : memref<10x80xi32, #tpu.memory_space<vmem>> -> memref<1x80xi32, #tpu.memory_space<vmem>>
    %dma_wait3A_226 = tpu.memref_squeeze %dma_wait3A_225 : memref<1x80xi32, #tpu.memory_space<vmem>> -> memref<80xi32, #tpu.memory_space<vmem>>
    %dma_wait3A_227 = arith.constant 0 : i32
    %dma_wait3A_228 = arith.constant 0 : i32
    %dma_wait3A_229 = tpu.memref_slice %arg9[%dma_wait3A_227, %dma_wait3A_228] : memref<5000x128xi32, #tpu.memory_space<hbm>> -> memref<5000x128xi32, #tpu.memory_space<hbm>>
    tpu.wait_indirect_dma semaphore(%arg38 : memref<!tpu.dma_semaphore, #tpu.memory_space<semaphore_mem>>) src(%dma_wait3A_229 : memref<5000x128xi32, #tpu.memory_space<hbm>>) dst(%arg26 : memref<80x128xi32, #tpu.memory_space<vmem>>)
    %add3A_230 = arith.constant 720 : i32
    %add3A_231 = arith.addi %mul3A_12, %add3A_230 : i32
    %dma_start3A_232 = arith.constant 0 : i32
    %dma_start3A_233 = tpu.memref_slice %arg13[%add3A_231, %dma_start3A_232] : memref<25600x128xi32, #tpu.memory_space<hbm>> -> memref<80x128xi32, #tpu.memory_space<hbm>>
    %dma_start3A_234 = arith.constant 0 : i32
    %dma_start3A_235 = tpu.memref_slice %arg13[%add3A_231, %dma_start3A_234] : memref<25600x128xi32, #tpu.memory_space<hbm>> -> memref<80x128xi32, #tpu.memory_space<hbm>>
    tpu.enqueue_dma source(%arg26 : memref<80x128xi32, #tpu.memory_space<vmem>>) target(%dma_start3A_235 : memref<80x128xi32, #tpu.memory_space<hbm>>) target_semaphore(%arg46 : memref<!tpu.dma_semaphore, #tpu.memory_space<semaphore_mem>>)
    %dma_wait3A_236 = arith.constant 0 : i32
    %dma_wait3A_237 = arith.constant 0 : i32
    %dma_wait3A_238 = tpu.memref_slice %arg7[%dma_wait3A_236, %dma_wait3A_237] : memref<100000x128xf32, #tpu.memory_space<hbm>> -> memref<100000x128xf32, #tpu.memory_space<hbm>>
    tpu.wait_indirect_dma semaphore(%arg33 : memref<!tpu.dma_semaphore, #tpu.memory_space<semaphore_mem>>) src(%dma_wait3A_238 : memref<100000x128xf32, #tpu.memory_space<hbm>>) dst(%arg21 : memref<64x128xf32, #tpu.memory_space<vmem>>)
    %dma_start3A_239 = arith.constant 0 : i32
    %dma_start3A_240 = tpu.memref_slice %arg11[%mul3A_2, %dma_start3A_239] : memref<2048x128xf32, #tpu.memory_space<hbm>> -> memref<64x128xf32, #tpu.memory_space<hbm>>
    %dma_start3A_241 = arith.constant 0 : i32
    %dma_start3A_242 = tpu.memref_slice %arg11[%mul3A_2, %dma_start3A_241] : memref<2048x128xf32, #tpu.memory_space<hbm>> -> memref<64x128xf32, #tpu.memory_space<hbm>>
    tpu.enqueue_dma source(%arg21 : memref<64x128xf32, #tpu.memory_space<vmem>>) target(%dma_start3A_242 : memref<64x128xf32, #tpu.memory_space<hbm>>) target_semaphore(%arg33 : memref<!tpu.dma_semaphore, #tpu.memory_space<semaphore_mem>>)
    %dma_wait3A_243 = arith.constant 0 : i32
    %dma_wait3A_244 = arith.constant 0 : i32
    %dma_wait3A_245 = tpu.memref_slice %arg8[%dma_wait3A_243, %dma_wait3A_244] : memref<100000x128xf32, #tpu.memory_space<hbm>> -> memref<100000x128xf32, #tpu.memory_space<hbm>>
    tpu.wait_indirect_dma semaphore(%arg34 : memref<!tpu.dma_semaphore, #tpu.memory_space<semaphore_mem>>) src(%dma_wait3A_245 : memref<100000x128xf32, #tpu.memory_space<hbm>>) dst(%arg22 : memref<64x128xf32, #tpu.memory_space<vmem>>)
    %dma_start3A_246 = arith.constant 0 : i32
    %dma_start3A_247 = tpu.memref_slice %arg12[%mul3A_2, %dma_start3A_246] : memref<2048x128xf32, #tpu.memory_space<hbm>> -> memref<64x128xf32, #tpu.memory_space<hbm>>
    %dma_start3A_248 = arith.constant 0 : i32
    %dma_start3A_249 = tpu.memref_slice %arg12[%mul3A_2, %dma_start3A_248] : memref<2048x128xf32, #tpu.memory_space<hbm>> -> memref<64x128xf32, #tpu.memory_space<hbm>>
    tpu.enqueue_dma source(%arg22 : memref<64x128xf32, #tpu.memory_space<vmem>>) target(%dma_start3A_249 : memref<64x128xf32, #tpu.memory_space<hbm>>) target_semaphore(%arg34 : memref<!tpu.dma_semaphore, #tpu.memory_space<semaphore_mem>>)
    %dma_wait3A_250 = arith.constant 0 : i32
    %dma_wait3A_251 = arith.constant 0 : i32
    %dma_wait3A_252 = tpu.memref_slice %arg10[%dma_wait3A_250, %dma_wait3A_251] : memref<17x128xf32, #tpu.memory_space<hbm>> -> memref<17x128xf32, #tpu.memory_space<hbm>>
    tpu.wait_indirect_dma semaphore(%arg35 : memref<!tpu.dma_semaphore, #tpu.memory_space<semaphore_mem>>) src(%dma_wait3A_252 : memref<17x128xf32, #tpu.memory_space<hbm>>) dst(%arg23 : memref<64x128xf32, #tpu.memory_space<vmem>>)
    %dma_start3A_253 = arith.constant 0 : i32
    %dma_start3A_254 = tpu.memref_slice %arg14[%mul3A_2, %dma_start3A_253] : memref<2048x128xf32, #tpu.memory_space<hbm>> -> memref<64x128xf32, #tpu.memory_space<hbm>>
    %dma_start3A_255 = arith.constant 0 : i32
    %dma_start3A_256 = tpu.memref_slice %arg14[%mul3A_2, %dma_start3A_255] : memref<2048x128xf32, #tpu.memory_space<hbm>> -> memref<64x128xf32, #tpu.memory_space<hbm>>
    tpu.enqueue_dma source(%arg23 : memref<64x128xf32, #tpu.memory_space<vmem>>) target(%dma_start3A_256 : memref<64x128xf32, #tpu.memory_space<hbm>>) target_semaphore(%arg35 : memref<!tpu.dma_semaphore, #tpu.memory_space<semaphore_mem>>)
    %dma_wait3A_257 = arith.constant 0 : i32
    %dma_wait3A_258 = tpu.memref_slice %arg13[%add3A_180, %dma_wait3A_257] : memref<25600x128xi32, #tpu.memory_space<hbm>> -> memref<80x128xi32, #tpu.memory_space<hbm>>
    %dma_wait3A_259 = arith.constant 0 : i32
    %dma_wait3A_260 = tpu.memref_slice %arg13[%add3A_180, %dma_wait3A_259] : memref<25600x128xi32, #tpu.memory_space<hbm>> -> memref<80x128xi32, #tpu.memory_space<hbm>>
    tpu.wait_dma2 semaphore(%arg51 : memref<!tpu.dma_semaphore, #tpu.memory_space<semaphore_mem>>) src(%arg31 : memref<80x128xi32, #tpu.memory_space<vmem>>) dst(%dma_wait3A_260 : memref<80x128xi32, #tpu.memory_space<hbm>>)
    %dma_wait3A_261 = arith.constant 0 : i32
    %dma_wait3A_262 = tpu.memref_slice %arg13[%add3A_197, %dma_wait3A_261] : memref<25600x128xi32, #tpu.memory_space<hbm>> -> memref<80x128xi32, #tpu.memory_space<hbm>>
    %dma_wait3A_263 = arith.constant 0 : i32
    %dma_wait3A_264 = tpu.memref_slice %arg13[%add3A_197, %dma_wait3A_263] : memref<25600x128xi32, #tpu.memory_space<hbm>> -> memref<80x128xi32, #tpu.memory_space<hbm>>
    tpu.wait_dma2 semaphore(%arg52 : memref<!tpu.dma_semaphore, #tpu.memory_space<semaphore_mem>>) src(%arg32 : memref<80x128xi32, #tpu.memory_space<vmem>>) dst(%dma_wait3A_264 : memref<80x128xi32, #tpu.memory_space<hbm>>)
    %dma_wait3A_265 = arith.constant 0 : i32
    %dma_wait3A_266 = tpu.memref_slice %arg13[%add3A_214, %dma_wait3A_265] : memref<25600x128xi32, #tpu.memory_space<hbm>> -> memref<80x128xi32, #tpu.memory_space<hbm>>
    %dma_wait3A_267 = arith.constant 0 : i32
    %dma_wait3A_268 = tpu.memref_slice %arg13[%add3A_214, %dma_wait3A_267] : memref<25600x128xi32, #tpu.memory_space<hbm>> -> memref<80x128xi32, #tpu.memory_space<hbm>>
    tpu.wait_dma2 semaphore(%arg45 : memref<!tpu.dma_semaphore, #tpu.memory_space<semaphore_mem>>) src(%arg25 : memref<80x128xi32, #tpu.memory_space<vmem>>) dst(%dma_wait3A_268 : memref<80x128xi32, #tpu.memory_space<hbm>>)
    %dma_wait3A_269 = arith.constant 0 : i32
    %dma_wait3A_270 = tpu.memref_slice %arg13[%add3A_231, %dma_wait3A_269] : memref<25600x128xi32, #tpu.memory_space<hbm>> -> memref<80x128xi32, #tpu.memory_space<hbm>>
    %dma_wait3A_271 = arith.constant 0 : i32
    %dma_wait3A_272 = tpu.memref_slice %arg13[%add3A_231, %dma_wait3A_271] : memref<25600x128xi32, #tpu.memory_space<hbm>> -> memref<80x128xi32, #tpu.memory_space<hbm>>
    tpu.wait_dma2 semaphore(%arg46 : memref<!tpu.dma_semaphore, #tpu.memory_space<semaphore_mem>>) src(%arg26 : memref<80x128xi32, #tpu.memory_space<vmem>>) dst(%dma_wait3A_272 : memref<80x128xi32, #tpu.memory_space<hbm>>)
    %dma_wait3A_273 = arith.constant 0 : i32
    %dma_wait3A_274 = tpu.memref_slice %arg11[%mul3A_2, %dma_wait3A_273] : memref<2048x128xf32, #tpu.memory_space<hbm>> -> memref<64x128xf32, #tpu.memory_space<hbm>>
    %dma_wait3A_275 = arith.constant 0 : i32
    %dma_wait3A_276 = tpu.memref_slice %arg11[%mul3A_2, %dma_wait3A_275] : memref<2048x128xf32, #tpu.memory_space<hbm>> -> memref<64x128xf32, #tpu.memory_space<hbm>>
    tpu.wait_dma2 semaphore(%arg33 : memref<!tpu.dma_semaphore, #tpu.memory_space<semaphore_mem>>) src(%arg21 : memref<64x128xf32, #tpu.memory_space<vmem>>) dst(%dma_wait3A_276 : memref<64x128xf32, #tpu.memory_space<hbm>>)
    %dma_wait3A_277 = arith.constant 0 : i32
    %dma_wait3A_278 = tpu.memref_slice %arg12[%mul3A_2, %dma_wait3A_277] : memref<2048x128xf32, #tpu.memory_space<hbm>> -> memref<64x128xf32, #tpu.memory_space<hbm>>
    %dma_wait3A_279 = arith.constant 0 : i32
    %dma_wait3A_280 = tpu.memref_slice %arg12[%mul3A_2, %dma_wait3A_279] : memref<2048x128xf32, #tpu.memory_space<hbm>> -> memref<64x128xf32, #tpu.memory_space<hbm>>
    tpu.wait_dma2 semaphore(%arg34 : memref<!tpu.dma_semaphore, #tpu.memory_space<semaphore_mem>>) src(%arg22 : memref<64x128xf32, #tpu.memory_space<vmem>>) dst(%dma_wait3A_280 : memref<64x128xf32, #tpu.memory_space<hbm>>)
    %dma_wait3A_281 = arith.constant 0 : i32
    %dma_wait3A_282 = tpu.memref_slice %arg14[%mul3A_2, %dma_wait3A_281] : memref<2048x128xf32, #tpu.memory_space<hbm>> -> memref<64x128xf32, #tpu.memory_space<hbm>>
    %dma_wait3A_283 = arith.constant 0 : i32
    %dma_wait3A_284 = tpu.memref_slice %arg14[%mul3A_2, %dma_wait3A_283] : memref<2048x128xf32, #tpu.memory_space<hbm>> -> memref<64x128xf32, #tpu.memory_space<hbm>>
    tpu.wait_dma2 semaphore(%arg35 : memref<!tpu.dma_semaphore, #tpu.memory_space<semaphore_mem>>) src(%arg23 : memref<64x128xf32, #tpu.memory_space<vmem>>) dst(%dma_wait3A_284 : memref<64x128xf32, #tpu.memory_space<hbm>>)
    return
  }
}

#map = affine_map<(d0, d1) -> (0)>
#map1 = affine_map<(d0, d1) -> (0, 0, 0)>
#map2 = affine_map<(d0, d1) -> (0, 0)>
module attributes {stable_mosaic.version = 14 : i64} {
  func.func @_sc_body(%arg0: i32, %arg1: i32, %arg2: memref<2048xi32, #tpu.memory_space<hbm>>, %arg3: memref<2048xi32, #tpu.memory_space<hbm>>, %arg4: memref<32x10x80xi32, #tpu.memory_space<hbm>>, %arg5: memref<2048xi32, #tpu.memory_space<hbm>>, %arg6: memref<64xi32, #tpu.memory_space<hbm>>, %arg7: memref<100000x128xf32, #tpu.memory_space<hbm>>, %arg8: memref<100000x128xf32, #tpu.memory_space<hbm>>, %arg9: memref<5000x128xi32, #tpu.memory_space<hbm>>, %arg10: memref<17x128xf32, #tpu.memory_space<hbm>>, %arg11: memref<2048x128xf32, #tpu.memory_space<hbm>>, %arg12: memref<2048x128xf32, #tpu.memory_space<hbm>>, %arg13: memref<25600x128xi32, #tpu.memory_space<hbm>>, %arg14: memref<2048x128xf32, #tpu.memory_space<hbm>>, %arg15: memref<64x128xf32, #tpu.memory_space<hbm>>, %arg16: memref<64xi32, #tpu.memory_space<vmem>>, %arg17: memref<64xi32, #tpu.memory_space<vmem>>, %arg18: memref<64xi32, #tpu.memory_space<vmem>>, %arg19: memref<8xi32, #tpu.memory_space<vmem>>, %arg20: memref<10x80xi32, #tpu.memory_space<vmem>>, %arg21: memref<64x128xf32, #tpu.memory_space<vmem>>, %arg22: memref<64x128xf32, #tpu.memory_space<vmem>>, %arg23: memref<64x128xf32, #tpu.memory_space<vmem>>, %arg24: memref<8x128xf32, #tpu.memory_space<vmem>>, %arg25: memref<80x128xi32, #tpu.memory_space<vmem>>, %arg26: memref<80x128xi32, #tpu.memory_space<vmem>>, %arg27: memref<80x128xi32, #tpu.memory_space<vmem>>, %arg28: memref<80x128xi32, #tpu.memory_space<vmem>>, %arg29: memref<80x128xi32, #tpu.memory_space<vmem>>, %arg30: memref<80x128xi32, #tpu.memory_space<vmem>>, %arg31: memref<80x128xi32, #tpu.memory_space<vmem>>, %arg32: memref<80x128xi32, #tpu.memory_space<vmem>>, %arg33: memref<!tpu.dma_semaphore, #tpu.memory_space<semaphore_mem>>, %arg34: memref<!tpu.dma_semaphore, #tpu.memory_space<semaphore_mem>>, %arg35: memref<!tpu.dma_semaphore, #tpu.memory_space<semaphore_mem>>, %arg36: memref<!tpu.dma_semaphore, #tpu.memory_space<semaphore_mem>>, %arg37: memref<!tpu.dma_semaphore, #tpu.memory_space<semaphore_mem>>, %arg38: memref<!tpu.dma_semaphore, #tpu.memory_space<semaphore_mem>>, %arg39: memref<!tpu.dma_semaphore, #tpu.memory_space<semaphore_mem>>, %arg40: memref<!tpu.dma_semaphore, #tpu.memory_space<semaphore_mem>>, %arg41: memref<!tpu.dma_semaphore, #tpu.memory_space<semaphore_mem>>, %arg42: memref<!tpu.dma_semaphore, #tpu.memory_space<semaphore_mem>>, %arg43: memref<!tpu.dma_semaphore, #tpu.memory_space<semaphore_mem>>, %arg44: memref<!tpu.dma_semaphore, #tpu.memory_space<semaphore_mem>>, %arg45: memref<!tpu.dma_semaphore, #tpu.memory_space<semaphore_mem>>, %arg46: memref<!tpu.dma_semaphore, #tpu.memory_space<semaphore_mem>>, %arg47: memref<!tpu.dma_semaphore, #tpu.memory_space<semaphore_mem>>, %arg48: memref<!tpu.dma_semaphore, #tpu.memory_space<semaphore_mem>>, %arg49: memref<!tpu.dma_semaphore, #tpu.memory_space<semaphore_mem>>, %arg50: memref<!tpu.dma_semaphore, #tpu.memory_space<semaphore_mem>>, %arg51: memref<!tpu.dma_semaphore, #tpu.memory_space<semaphore_mem>>, %arg52: memref<!tpu.dma_semaphore, #tpu.memory_space<semaphore_mem>>) attributes {dimension_semantics = [#tpu.dimension_semantics<core_parallel>, #tpu.dimension_semantics<subcore_parallel>], iteration_bounds = array<i64: 2, 16>, scalar_prefetch = 0 : i64, scratch_operands = 37 : i64, tpu.core_type = #tpu.core_type<sc_vector_subcore>, window_params = [{transform_indices = #map}, {transform_indices = #map}, {transform_indices = #map1}, {transform_indices = #map}, {transform_indices = #map}, {transform_indices = #map2}, {transform_indices = #map2}, {transform_indices = #map2}, {transform_indices = #map2}, {transform_indices = #map2}, {transform_indices = #map2}, {transform_indices = #map2}, {transform_indices = #map2}, {transform_indices = #map2}]} {
    %mul3A = arith.constant 2 : i32
    %mul3A_0 = arith.muli %arg1, %mul3A : i32
    %add3A = arith.addi %mul3A_0, %arg0 : i32
    %mul3A_1 = arith.constant 64 : i32
    %mul3A_2 = arith.muli %add3A, %mul3A_1 : i32
    "tpu.region"() ({
      %run_scoped3A = tpu.sem_alloc : memref<!tpu.dma_semaphore, #tpu.memory_space<semaphore_mem>>
      %dma_start3A_292 = tpu.memref_slice %arg2[%mul3A_2] : memref<2048xi32, #tpu.memory_space<hbm>> -> memref<64xi32, #tpu.memory_space<hbm>>
      %dma_start3A_293 = tpu.memref_slice %arg2[%mul3A_2] : memref<2048xi32, #tpu.memory_space<hbm>> -> memref<64xi32, #tpu.memory_space<hbm>>
      tpu.enqueue_dma source(%dma_start3A_293 : memref<64xi32, #tpu.memory_space<hbm>>) target(%arg16 : memref<64xi32, #tpu.memory_space<vmem>>) target_semaphore(%run_scoped3A : memref<!tpu.dma_semaphore, #tpu.memory_space<semaphore_mem>>)
      %dma_wait3A_294 = tpu.memref_slice %arg2[%mul3A_2] : memref<2048xi32, #tpu.memory_space<hbm>> -> memref<64xi32, #tpu.memory_space<hbm>>
      %dma_wait3A_295 = tpu.memref_slice %arg2[%mul3A_2] : memref<2048xi32, #tpu.memory_space<hbm>> -> memref<64xi32, #tpu.memory_space<hbm>>
      tpu.wait_dma2 semaphore(%run_scoped3A : memref<!tpu.dma_semaphore, #tpu.memory_space<semaphore_mem>>) src(%dma_wait3A_295 : memref<64xi32, #tpu.memory_space<hbm>>) dst(%arg16 : memref<64xi32, #tpu.memory_space<vmem>>)
      tpu.yield
    }) : () -> ()
    "tpu.region"() ({
      %run_scoped3A = tpu.sem_alloc : memref<!tpu.dma_semaphore, #tpu.memory_space<semaphore_mem>>
      %dma_start3A_292 = tpu.memref_slice %arg3[%mul3A_2] : memref<2048xi32, #tpu.memory_space<hbm>> -> memref<64xi32, #tpu.memory_space<hbm>>
      %dma_start3A_293 = tpu.memref_slice %arg3[%mul3A_2] : memref<2048xi32, #tpu.memory_space<hbm>> -> memref<64xi32, #tpu.memory_space<hbm>>
      tpu.enqueue_dma source(%dma_start3A_293 : memref<64xi32, #tpu.memory_space<hbm>>) target(%arg17 : memref<64xi32, #tpu.memory_space<vmem>>) target_semaphore(%run_scoped3A : memref<!tpu.dma_semaphore, #tpu.memory_space<semaphore_mem>>)
      %dma_wait3A_294 = tpu.memref_slice %arg3[%mul3A_2] : memref<2048xi32, #tpu.memory_space<hbm>> -> memref<64xi32, #tpu.memory_space<hbm>>
      %dma_wait3A_295 = tpu.memref_slice %arg3[%mul3A_2] : memref<2048xi32, #tpu.memory_space<hbm>> -> memref<64xi32, #tpu.memory_space<hbm>>
      tpu.wait_dma2 semaphore(%run_scoped3A : memref<!tpu.dma_semaphore, #tpu.memory_space<semaphore_mem>>) src(%dma_wait3A_295 : memref<64xi32, #tpu.memory_space<hbm>>) dst(%arg17 : memref<64xi32, #tpu.memory_space<vmem>>)
      tpu.yield
    }) : () -> ()
    "tpu.region"() ({
      %run_scoped3A = tpu.sem_alloc : memref<!tpu.dma_semaphore, #tpu.memory_space<semaphore_mem>>
      %dma_start3A_292 = tpu.memref_slice %arg5[%mul3A_2] : memref<2048xi32, #tpu.memory_space<hbm>> -> memref<64xi32, #tpu.memory_space<hbm>>
      %dma_start3A_293 = tpu.memref_slice %arg5[%mul3A_2] : memref<2048xi32, #tpu.memory_space<hbm>> -> memref<64xi32, #tpu.memory_space<hbm>>
      tpu.enqueue_dma source(%dma_start3A_293 : memref<64xi32, #tpu.memory_space<hbm>>) target(%arg18 : memref<64xi32, #tpu.memory_space<vmem>>) target_semaphore(%run_scoped3A : memref<!tpu.dma_semaphore, #tpu.memory_space<semaphore_mem>>)
      %dma_wait3A_294 = tpu.memref_slice %arg5[%mul3A_2] : memref<2048xi32, #tpu.memory_space<hbm>> -> memref<64xi32, #tpu.memory_space<hbm>>
      %dma_wait3A_295 = tpu.memref_slice %arg5[%mul3A_2] : memref<2048xi32, #tpu.memory_space<hbm>> -> memref<64xi32, #tpu.memory_space<hbm>>
      tpu.wait_dma2 semaphore(%run_scoped3A : memref<!tpu.dma_semaphore, #tpu.memory_space<semaphore_mem>>) src(%dma_wait3A_295 : memref<64xi32, #tpu.memory_space<hbm>>) dst(%arg18 : memref<64xi32, #tpu.memory_space<vmem>>)
      tpu.yield
    }) : () -> ()
    "tpu.region"() ({
      %run_scoped3A = tpu.sem_alloc : memref<!tpu.dma_semaphore, #tpu.memory_space<semaphore_mem>>
      %dma_start3A_292 = arith.constant 0 : i32
      %dma_start3A_293 = arith.constant 0 : i32
      %dma_start3A_294 = tpu.memref_slice %arg4[%add3A, %dma_start3A_292, %dma_start3A_293] : memref<32x10x80xi32, #tpu.memory_space<hbm>> -> memref<1x10x80xi32, #tpu.memory_space<hbm>>
      %dma_start3A_295 = tpu.memref_squeeze %dma_start3A_294 : memref<1x10x80xi32, #tpu.memory_space<hbm>> -> memref<10x80xi32, #tpu.memory_space<hbm>>
      %dma_start3A_296 = arith.constant 0 : i32
      %dma_start3A_297 = arith.constant 0 : i32
      %dma_start3A_298 = tpu.memref_slice %arg4[%add3A, %dma_start3A_296, %dma_start3A_297] : memref<32x10x80xi32, #tpu.memory_space<hbm>> -> memref<1x10x80xi32, #tpu.memory_space<hbm>>
      %dma_start3A_299 = tpu.memref_squeeze %dma_start3A_298 : memref<1x10x80xi32, #tpu.memory_space<hbm>> -> memref<10x80xi32, #tpu.memory_space<hbm>>
      tpu.enqueue_dma source(%dma_start3A_299 : memref<10x80xi32, #tpu.memory_space<hbm>>) target(%arg20 : memref<10x80xi32, #tpu.memory_space<vmem>>) target_semaphore(%run_scoped3A : memref<!tpu.dma_semaphore, #tpu.memory_space<semaphore_mem>>)
      %dma_wait3A_300 = arith.constant 0 : i32
      %dma_wait3A_301 = arith.constant 0 : i32
      %dma_wait3A_302 = tpu.memref_slice %arg4[%add3A, %dma_wait3A_300, %dma_wait3A_301] : memref<32x10x80xi32, #tpu.memory_space<hbm>> -> memref<1x10x80xi32, #tpu.memory_space<hbm>>
      %dma_wait3A_303 = tpu.memref_squeeze %dma_wait3A_302 : memref<1x10x80xi32, #tpu.memory_space<hbm>> -> memref<10x80xi32, #tpu.memory_space<hbm>>
      %dma_wait3A_304 = arith.constant 0 : i32
      %dma_wait3A_305 = arith.constant 0 : i32
      %dma_wait3A_306 = tpu.memref_slice %arg4[%add3A, %dma_wait3A_304, %dma_wait3A_305] : memref<32x10x80xi32, #tpu.memory_space<hbm>> -> memref<1x10x80xi32, #tpu.memory_space<hbm>>
      %dma_wait3A_307 = tpu.memref_squeeze %dma_wait3A_306 : memref<1x10x80xi32, #tpu.memory_space<hbm>> -> memref<10x80xi32, #tpu.memory_space<hbm>>
      tpu.wait_dma2 semaphore(%run_scoped3A : memref<!tpu.dma_semaphore, #tpu.memory_space<semaphore_mem>>) src(%dma_wait3A_307 : memref<10x80xi32, #tpu.memory_space<hbm>>) dst(%arg20 : memref<10x80xi32, #tpu.memory_space<vmem>>)
      tpu.yield
    }) : () -> ()
    %dma_start3A = arith.constant 0 : i32
    %dma_start3A_3 = arith.constant 0 : i32
    %dma_start3A_4 = tpu.memref_slice %arg7[%dma_start3A, %dma_start3A_3] : memref<100000x128xf32, #tpu.memory_space<hbm>> -> memref<100000x128xf32, #tpu.memory_space<hbm>>
    tpu.enqueue_indirect_dma source(%dma_start3A_4 : memref<100000x128xf32, #tpu.memory_space<hbm>>) target(%arg21 : memref<64x128xf32, #tpu.memory_space<vmem>>) offsets(%arg16 : memref<64xi32, #tpu.memory_space<vmem>>) semaphore(%arg33 : memref<!tpu.dma_semaphore, #tpu.memory_space<semaphore_mem>>)
    %dma_start3A_5 = arith.constant 0 : i32
    %dma_start3A_6 = arith.constant 0 : i32
    %dma_start3A_7 = tpu.memref_slice %arg8[%dma_start3A_5, %dma_start3A_6] : memref<100000x128xf32, #tpu.memory_space<hbm>> -> memref<100000x128xf32, #tpu.memory_space<hbm>>
    tpu.enqueue_indirect_dma source(%dma_start3A_7 : memref<100000x128xf32, #tpu.memory_space<hbm>>) target(%arg22 : memref<64x128xf32, #tpu.memory_space<vmem>>) offsets(%arg17 : memref<64xi32, #tpu.memory_space<vmem>>) semaphore(%arg34 : memref<!tpu.dma_semaphore, #tpu.memory_space<semaphore_mem>>)
    %dma_start3A_8 = arith.constant 0 : i32
    %dma_start3A_9 = arith.constant 0 : i32
    %dma_start3A_10 = tpu.memref_slice %arg10[%dma_start3A_8, %dma_start3A_9] : memref<17x128xf32, #tpu.memory_space<hbm>> -> memref<17x128xf32, #tpu.memory_space<hbm>>
    tpu.enqueue_indirect_dma source(%dma_start3A_10 : memref<17x128xf32, #tpu.memory_space<hbm>>) target(%arg23 : memref<64x128xf32, #tpu.memory_space<vmem>>) offsets(%arg18 : memref<64xi32, #tpu.memory_space<vmem>>) semaphore(%arg35 : memref<!tpu.dma_semaphore, #tpu.memory_space<semaphore_mem>>)
    %lt3A = arith.constant 8 : i32
    %lt3A_11 = arith.cmpi slt, %add3A, %lt3A : i32
    %convert_element_type3A = arith.extui %lt3A_11 : i1 to i32
    %cond3A = arith.constant 0 : i32
    %cond3A_12 = arith.cmpi ne, %convert_element_type3A, %cond3A : i32
    scf.if %cond3A_12 {
      %mul3A_292 = arith.constant 8 : i32
      %mul3A_293 = arith.muli %add3A, %mul3A_292 : i32
      "tpu.region"() ({
        %run_scoped3A = tpu.sem_alloc : memref<!tpu.dma_semaphore, #tpu.memory_space<semaphore_mem>>
        %dma_start3A_294 = tpu.memref_slice %arg6[%mul3A_293] : memref<64xi32, #tpu.memory_space<hbm>> -> memref<8xi32, #tpu.memory_space<hbm>>
        %dma_start3A_295 = tpu.memref_slice %arg6[%mul3A_293] : memref<64xi32, #tpu.memory_space<hbm>> -> memref<8xi32, #tpu.memory_space<hbm>>
        tpu.enqueue_dma source(%dma_start3A_295 : memref<8xi32, #tpu.memory_space<hbm>>) target(%arg19 : memref<8xi32, #tpu.memory_space<vmem>>) target_semaphore(%run_scoped3A : memref<!tpu.dma_semaphore, #tpu.memory_space<semaphore_mem>>)
        %dma_wait3A_296 = tpu.memref_slice %arg6[%mul3A_293] : memref<64xi32, #tpu.memory_space<hbm>> -> memref<8xi32, #tpu.memory_space<hbm>>
        %dma_wait3A_297 = tpu.memref_slice %arg6[%mul3A_293] : memref<64xi32, #tpu.memory_space<hbm>> -> memref<8xi32, #tpu.memory_space<hbm>>
        tpu.wait_dma2 semaphore(%run_scoped3A : memref<!tpu.dma_semaphore, #tpu.memory_space<semaphore_mem>>) src(%dma_wait3A_297 : memref<8xi32, #tpu.memory_space<hbm>>) dst(%arg19 : memref<8xi32, #tpu.memory_space<vmem>>)
        tpu.yield
      }) : () -> ()
    } else {
    }
    %lt3A_13 = arith.constant 8 : i32
    %lt3A_14 = arith.cmpi slt, %add3A, %lt3A_13 : i32
    %convert_element_type3A_15 = arith.extui %lt3A_14 : i1 to i32
    %cond3A_16 = arith.constant 0 : i32
    %cond3A_17 = arith.cmpi ne, %convert_element_type3A_15, %cond3A_16 : i32
    scf.if %cond3A_17 {
      %dma_start3A_292 = arith.constant 0 : i32
      %dma_start3A_293 = arith.constant 0 : i32
      %dma_start3A_294 = tpu.memref_slice %arg10[%dma_start3A_292, %dma_start3A_293] : memref<17x128xf32, #tpu.memory_space<hbm>> -> memref<17x128xf32, #tpu.memory_space<hbm>>
      tpu.enqueue_indirect_dma source(%dma_start3A_294 : memref<17x128xf32, #tpu.memory_space<hbm>>) target(%arg24 : memref<8x128xf32, #tpu.memory_space<vmem>>) offsets(%arg19 : memref<8xi32, #tpu.memory_space<vmem>>) semaphore(%arg36 : memref<!tpu.dma_semaphore, #tpu.memory_space<semaphore_mem>>)
      %dma_wait3A_295 = arith.constant 0 : i32
      %dma_wait3A_296 = arith.constant 0 : i32
      %dma_wait3A_297 = tpu.memref_slice %arg10[%dma_wait3A_295, %dma_wait3A_296] : memref<17x128xf32, #tpu.memory_space<hbm>> -> memref<17x128xf32, #tpu.memory_space<hbm>>
      tpu.wait_indirect_dma semaphore(%arg36 : memref<!tpu.dma_semaphore, #tpu.memory_space<semaphore_mem>>) src(%dma_wait3A_297 : memref<17x128xf32, #tpu.memory_space<hbm>>) dst(%arg24 : memref<8x128xf32, #tpu.memory_space<vmem>>)
      %mul3A_298 = arith.constant 8 : i32
      %mul3A_299 = arith.muli %add3A, %mul3A_298 : i32
      "tpu.region"() ({
        %run_scoped3A = tpu.sem_alloc : memref<!tpu.dma_semaphore, #tpu.memory_space<semaphore_mem>>
        %dma_start3A_300 = arith.constant 0 : i32
        %dma_start3A_301 = tpu.memref_slice %arg15[%mul3A_299, %dma_start3A_300] : memref<64x128xf32, #tpu.memory_space<hbm>> -> memref<8x128xf32, #tpu.memory_space<hbm>>
        %dma_start3A_302 = arith.constant 0 : i32
        %dma_start3A_303 = tpu.memref_slice %arg15[%mul3A_299, %dma_start3A_302] : memref<64x128xf32, #tpu.memory_space<hbm>> -> memref<8x128xf32, #tpu.memory_space<hbm>>
        tpu.enqueue_dma source(%arg24 : memref<8x128xf32, #tpu.memory_space<vmem>>) target(%dma_start3A_303 : memref<8x128xf32, #tpu.memory_space<hbm>>) target_semaphore(%run_scoped3A : memref<!tpu.dma_semaphore, #tpu.memory_space<semaphore_mem>>)
        %dma_wait3A_304 = arith.constant 0 : i32
        %dma_wait3A_305 = tpu.memref_slice %arg15[%mul3A_299, %dma_wait3A_304] : memref<64x128xf32, #tpu.memory_space<hbm>> -> memref<8x128xf32, #tpu.memory_space<hbm>>
        %dma_wait3A_306 = arith.constant 0 : i32
        %dma_wait3A_307 = tpu.memref_slice %arg15[%mul3A_299, %dma_wait3A_306] : memref<64x128xf32, #tpu.memory_space<hbm>> -> memref<8x128xf32, #tpu.memory_space<hbm>>
        tpu.wait_dma2 semaphore(%run_scoped3A : memref<!tpu.dma_semaphore, #tpu.memory_space<semaphore_mem>>) src(%arg24 : memref<8x128xf32, #tpu.memory_space<vmem>>) dst(%dma_wait3A_307 : memref<8x128xf32, #tpu.memory_space<hbm>>)
        tpu.yield
      }) : () -> ()
    } else {
    }
    %mul3A_18 = arith.constant 800 : i32
    %mul3A_19 = arith.muli %add3A, %mul3A_18 : i32
    %dma_start3A_20 = arith.constant 0 : i32
    %dma_start3A_21 = arith.constant 0 : i32
    %dma_start3A_22 = tpu.memref_slice %arg20[%dma_start3A_20, %dma_start3A_21] : memref<10x80xi32, #tpu.memory_space<vmem>> -> memref<1x80xi32, #tpu.memory_space<vmem>>
    %dma_start3A_23 = tpu.memref_squeeze %dma_start3A_22 : memref<1x80xi32, #tpu.memory_space<vmem>> -> memref<80xi32, #tpu.memory_space<vmem>>
    %dma_start3A_24 = arith.constant 0 : i32
    %dma_start3A_25 = arith.constant 0 : i32
    %dma_start3A_26 = tpu.memref_slice %arg9[%dma_start3A_24, %dma_start3A_25] : memref<5000x128xi32, #tpu.memory_space<hbm>> -> memref<5000x128xi32, #tpu.memory_space<hbm>>
    tpu.enqueue_indirect_dma source(%dma_start3A_26 : memref<5000x128xi32, #tpu.memory_space<hbm>>) target(%arg25 : memref<80x128xi32, #tpu.memory_space<vmem>>) offsets(%dma_start3A_23 : memref<80xi32, #tpu.memory_space<vmem>>) semaphore(%arg37 : memref<!tpu.dma_semaphore, #tpu.memory_space<semaphore_mem>>)
    %dma_start3A_27 = arith.constant 1 : i32
    %dma_start3A_28 = arith.constant 0 : i32
    %dma_start3A_29 = tpu.memref_slice %arg20[%dma_start3A_27, %dma_start3A_28] : memref<10x80xi32, #tpu.memory_space<vmem>> -> memref<1x80xi32, #tpu.memory_space<vmem>>
    %dma_start3A_30 = tpu.memref_squeeze %dma_start3A_29 : memref<1x80xi32, #tpu.memory_space<vmem>> -> memref<80xi32, #tpu.memory_space<vmem>>
    %dma_start3A_31 = arith.constant 0 : i32
    %dma_start3A_32 = arith.constant 0 : i32
    %dma_start3A_33 = tpu.memref_slice %arg9[%dma_start3A_31, %dma_start3A_32] : memref<5000x128xi32, #tpu.memory_space<hbm>> -> memref<5000x128xi32, #tpu.memory_space<hbm>>
    tpu.enqueue_indirect_dma source(%dma_start3A_33 : memref<5000x128xi32, #tpu.memory_space<hbm>>) target(%arg26 : memref<80x128xi32, #tpu.memory_space<vmem>>) offsets(%dma_start3A_30 : memref<80xi32, #tpu.memory_space<vmem>>) semaphore(%arg38 : memref<!tpu.dma_semaphore, #tpu.memory_space<semaphore_mem>>)
    %dma_start3A_34 = arith.constant 2 : i32
    %dma_start3A_35 = arith.constant 0 : i32
    %dma_start3A_36 = tpu.memref_slice %arg20[%dma_start3A_34, %dma_start3A_35] : memref<10x80xi32, #tpu.memory_space<vmem>> -> memref<1x80xi32, #tpu.memory_space<vmem>>
    %dma_start3A_37 = tpu.memref_squeeze %dma_start3A_36 : memref<1x80xi32, #tpu.memory_space<vmem>> -> memref<80xi32, #tpu.memory_space<vmem>>
    %dma_start3A_38 = arith.constant 0 : i32
    %dma_start3A_39 = arith.constant 0 : i32
    %dma_start3A_40 = tpu.memref_slice %arg9[%dma_start3A_38, %dma_start3A_39] : memref<5000x128xi32, #tpu.memory_space<hbm>> -> memref<5000x128xi32, #tpu.memory_space<hbm>>
    tpu.enqueue_indirect_dma source(%dma_start3A_40 : memref<5000x128xi32, #tpu.memory_space<hbm>>) target(%arg27 : memref<80x128xi32, #tpu.memory_space<vmem>>) offsets(%dma_start3A_37 : memref<80xi32, #tpu.memory_space<vmem>>) semaphore(%arg39 : memref<!tpu.dma_semaphore, #tpu.memory_space<semaphore_mem>>)
    %dma_start3A_41 = arith.constant 3 : i32
    %dma_start3A_42 = arith.constant 0 : i32
    %dma_start3A_43 = tpu.memref_slice %arg20[%dma_start3A_41, %dma_start3A_42] : memref<10x80xi32, #tpu.memory_space<vmem>> -> memref<1x80xi32, #tpu.memory_space<vmem>>
    %dma_start3A_44 = tpu.memref_squeeze %dma_start3A_43 : memref<1x80xi32, #tpu.memory_space<vmem>> -> memref<80xi32, #tpu.memory_space<vmem>>
    %dma_start3A_45 = arith.constant 0 : i32
    %dma_start3A_46 = arith.constant 0 : i32
    %dma_start3A_47 = tpu.memref_slice %arg9[%dma_start3A_45, %dma_start3A_46] : memref<5000x128xi32, #tpu.memory_space<hbm>> -> memref<5000x128xi32, #tpu.memory_space<hbm>>
    tpu.enqueue_indirect_dma source(%dma_start3A_47 : memref<5000x128xi32, #tpu.memory_space<hbm>>) target(%arg28 : memref<80x128xi32, #tpu.memory_space<vmem>>) offsets(%dma_start3A_44 : memref<80xi32, #tpu.memory_space<vmem>>) semaphore(%arg40 : memref<!tpu.dma_semaphore, #tpu.memory_space<semaphore_mem>>)
    %dma_start3A_48 = arith.constant 4 : i32
    %dma_start3A_49 = arith.constant 0 : i32
    %dma_start3A_50 = tpu.memref_slice %arg20[%dma_start3A_48, %dma_start3A_49] : memref<10x80xi32, #tpu.memory_space<vmem>> -> memref<1x80xi32, #tpu.memory_space<vmem>>
    %dma_start3A_51 = tpu.memref_squeeze %dma_start3A_50 : memref<1x80xi32, #tpu.memory_space<vmem>> -> memref<80xi32, #tpu.memory_space<vmem>>
    %dma_start3A_52 = arith.constant 0 : i32
    %dma_start3A_53 = arith.constant 0 : i32
    %dma_start3A_54 = tpu.memref_slice %arg9[%dma_start3A_52, %dma_start3A_53] : memref<5000x128xi32, #tpu.memory_space<hbm>> -> memref<5000x128xi32, #tpu.memory_space<hbm>>
    tpu.enqueue_indirect_dma source(%dma_start3A_54 : memref<5000x128xi32, #tpu.memory_space<hbm>>) target(%arg29 : memref<80x128xi32, #tpu.memory_space<vmem>>) offsets(%dma_start3A_51 : memref<80xi32, #tpu.memory_space<vmem>>) semaphore(%arg41 : memref<!tpu.dma_semaphore, #tpu.memory_space<semaphore_mem>>)
    %dma_wait3A = arith.constant 0 : i32
    %dma_wait3A_55 = arith.constant 0 : i32
    %dma_wait3A_56 = tpu.memref_slice %arg20[%dma_wait3A, %dma_wait3A_55] : memref<10x80xi32, #tpu.memory_space<vmem>> -> memref<1x80xi32, #tpu.memory_space<vmem>>
    %dma_wait3A_57 = tpu.memref_squeeze %dma_wait3A_56 : memref<1x80xi32, #tpu.memory_space<vmem>> -> memref<80xi32, #tpu.memory_space<vmem>>
    %dma_wait3A_58 = arith.constant 0 : i32
    %dma_wait3A_59 = arith.constant 0 : i32
    %dma_wait3A_60 = tpu.memref_slice %arg9[%dma_wait3A_58, %dma_wait3A_59] : memref<5000x128xi32, #tpu.memory_space<hbm>> -> memref<5000x128xi32, #tpu.memory_space<hbm>>
    tpu.wait_indirect_dma semaphore(%arg37 : memref<!tpu.dma_semaphore, #tpu.memory_space<semaphore_mem>>) src(%dma_wait3A_60 : memref<5000x128xi32, #tpu.memory_space<hbm>>) dst(%arg25 : memref<80x128xi32, #tpu.memory_space<vmem>>)
    %add3A_61 = arith.constant 0 : i32
    %add3A_62 = arith.addi %mul3A_19, %add3A_61 : i32
    %dma_start3A_63 = arith.constant 0 : i32
    %dma_start3A_64 = tpu.memref_slice %arg13[%add3A_62, %dma_start3A_63] : memref<25600x128xi32, #tpu.memory_space<hbm>> -> memref<80x128xi32, #tpu.memory_space<hbm>>
    %dma_start3A_65 = arith.constant 0 : i32
    %dma_start3A_66 = tpu.memref_slice %arg13[%add3A_62, %dma_start3A_65] : memref<25600x128xi32, #tpu.memory_space<hbm>> -> memref<80x128xi32, #tpu.memory_space<hbm>>
    tpu.enqueue_dma source(%arg25 : memref<80x128xi32, #tpu.memory_space<vmem>>) target(%dma_start3A_66 : memref<80x128xi32, #tpu.memory_space<hbm>>) target_semaphore(%arg45 : memref<!tpu.dma_semaphore, #tpu.memory_space<semaphore_mem>>)
    %dma_start3A_67 = arith.constant 5 : i32
    %dma_start3A_68 = arith.constant 0 : i32
    %dma_start3A_69 = tpu.memref_slice %arg20[%dma_start3A_67, %dma_start3A_68] : memref<10x80xi32, #tpu.memory_space<vmem>> -> memref<1x80xi32, #tpu.memory_space<vmem>>
    %dma_start3A_70 = tpu.memref_squeeze %dma_start3A_69 : memref<1x80xi32, #tpu.memory_space<vmem>> -> memref<80xi32, #tpu.memory_space<vmem>>
    %dma_start3A_71 = arith.constant 0 : i32
    %dma_start3A_72 = arith.constant 0 : i32
    %dma_start3A_73 = tpu.memref_slice %arg9[%dma_start3A_71, %dma_start3A_72] : memref<5000x128xi32, #tpu.memory_space<hbm>> -> memref<5000x128xi32, #tpu.memory_space<hbm>>
    tpu.enqueue_indirect_dma source(%dma_start3A_73 : memref<5000x128xi32, #tpu.memory_space<hbm>>) target(%arg30 : memref<80x128xi32, #tpu.memory_space<vmem>>) offsets(%dma_start3A_70 : memref<80xi32, #tpu.memory_space<vmem>>) semaphore(%arg42 : memref<!tpu.dma_semaphore, #tpu.memory_space<semaphore_mem>>)
    %dma_wait3A_74 = arith.constant 1 : i32
    %dma_wait3A_75 = arith.constant 0 : i32
    %dma_wait3A_76 = tpu.memref_slice %arg20[%dma_wait3A_74, %dma_wait3A_75] : memref<10x80xi32, #tpu.memory_space<vmem>> -> memref<1x80xi32, #tpu.memory_space<vmem>>
    %dma_wait3A_77 = tpu.memref_squeeze %dma_wait3A_76 : memref<1x80xi32, #tpu.memory_space<vmem>> -> memref<80xi32, #tpu.memory_space<vmem>>
    %dma_wait3A_78 = arith.constant 0 : i32
    %dma_wait3A_79 = arith.constant 0 : i32
    %dma_wait3A_80 = tpu.memref_slice %arg9[%dma_wait3A_78, %dma_wait3A_79] : memref<5000x128xi32, #tpu.memory_space<hbm>> -> memref<5000x128xi32, #tpu.memory_space<hbm>>
    tpu.wait_indirect_dma semaphore(%arg38 : memref<!tpu.dma_semaphore, #tpu.memory_space<semaphore_mem>>) src(%dma_wait3A_80 : memref<5000x128xi32, #tpu.memory_space<hbm>>) dst(%arg26 : memref<80x128xi32, #tpu.memory_space<vmem>>)
    %add3A_81 = arith.constant 80 : i32
    %add3A_82 = arith.addi %mul3A_19, %add3A_81 : i32
    %dma_start3A_83 = arith.constant 0 : i32
    %dma_start3A_84 = tpu.memref_slice %arg13[%add3A_82, %dma_start3A_83] : memref<25600x128xi32, #tpu.memory_space<hbm>> -> memref<80x128xi32, #tpu.memory_space<hbm>>
    %dma_start3A_85 = arith.constant 0 : i32
    %dma_start3A_86 = tpu.memref_slice %arg13[%add3A_82, %dma_start3A_85] : memref<25600x128xi32, #tpu.memory_space<hbm>> -> memref<80x128xi32, #tpu.memory_space<hbm>>
    tpu.enqueue_dma source(%arg26 : memref<80x128xi32, #tpu.memory_space<vmem>>) target(%dma_start3A_86 : memref<80x128xi32, #tpu.memory_space<hbm>>) target_semaphore(%arg46 : memref<!tpu.dma_semaphore, #tpu.memory_space<semaphore_mem>>)
    %dma_start3A_87 = arith.constant 6 : i32
    %dma_start3A_88 = arith.constant 0 : i32
    %dma_start3A_89 = tpu.memref_slice %arg20[%dma_start3A_87, %dma_start3A_88] : memref<10x80xi32, #tpu.memory_space<vmem>> -> memref<1x80xi32, #tpu.memory_space<vmem>>
    %dma_start3A_90 = tpu.memref_squeeze %dma_start3A_89 : memref<1x80xi32, #tpu.memory_space<vmem>> -> memref<80xi32, #tpu.memory_space<vmem>>
    %dma_start3A_91 = arith.constant 0 : i32
    %dma_start3A_92 = arith.constant 0 : i32
    %dma_start3A_93 = tpu.memref_slice %arg9[%dma_start3A_91, %dma_start3A_92] : memref<5000x128xi32, #tpu.memory_space<hbm>> -> memref<5000x128xi32, #tpu.memory_space<hbm>>
    tpu.enqueue_indirect_dma source(%dma_start3A_93 : memref<5000x128xi32, #tpu.memory_space<hbm>>) target(%arg31 : memref<80x128xi32, #tpu.memory_space<vmem>>) offsets(%dma_start3A_90 : memref<80xi32, #tpu.memory_space<vmem>>) semaphore(%arg43 : memref<!tpu.dma_semaphore, #tpu.memory_space<semaphore_mem>>)
    %dma_wait3A_94 = arith.constant 2 : i32
    %dma_wait3A_95 = arith.constant 0 : i32
    %dma_wait3A_96 = tpu.memref_slice %arg20[%dma_wait3A_94, %dma_wait3A_95] : memref<10x80xi32, #tpu.memory_space<vmem>> -> memref<1x80xi32, #tpu.memory_space<vmem>>
    %dma_wait3A_97 = tpu.memref_squeeze %dma_wait3A_96 : memref<1x80xi32, #tpu.memory_space<vmem>> -> memref<80xi32, #tpu.memory_space<vmem>>
    %dma_wait3A_98 = arith.constant 0 : i32
    %dma_wait3A_99 = arith.constant 0 : i32
    %dma_wait3A_100 = tpu.memref_slice %arg9[%dma_wait3A_98, %dma_wait3A_99] : memref<5000x128xi32, #tpu.memory_space<hbm>> -> memref<5000x128xi32, #tpu.memory_space<hbm>>
    tpu.wait_indirect_dma semaphore(%arg39 : memref<!tpu.dma_semaphore, #tpu.memory_space<semaphore_mem>>) src(%dma_wait3A_100 : memref<5000x128xi32, #tpu.memory_space<hbm>>) dst(%arg27 : memref<80x128xi32, #tpu.memory_space<vmem>>)
    %add3A_101 = arith.constant 160 : i32
    %add3A_102 = arith.addi %mul3A_19, %add3A_101 : i32
    %dma_start3A_103 = arith.constant 0 : i32
    %dma_start3A_104 = tpu.memref_slice %arg13[%add3A_102, %dma_start3A_103] : memref<25600x128xi32, #tpu.memory_space<hbm>> -> memref<80x128xi32, #tpu.memory_space<hbm>>
    %dma_start3A_105 = arith.constant 0 : i32
    %dma_start3A_106 = tpu.memref_slice %arg13[%add3A_102, %dma_start3A_105] : memref<25600x128xi32, #tpu.memory_space<hbm>> -> memref<80x128xi32, #tpu.memory_space<hbm>>
    tpu.enqueue_dma source(%arg27 : memref<80x128xi32, #tpu.memory_space<vmem>>) target(%dma_start3A_106 : memref<80x128xi32, #tpu.memory_space<hbm>>) target_semaphore(%arg47 : memref<!tpu.dma_semaphore, #tpu.memory_space<semaphore_mem>>)
    %dma_start3A_107 = arith.constant 7 : i32
    %dma_start3A_108 = arith.constant 0 : i32
    %dma_start3A_109 = tpu.memref_slice %arg20[%dma_start3A_107, %dma_start3A_108] : memref<10x80xi32, #tpu.memory_space<vmem>> -> memref<1x80xi32, #tpu.memory_space<vmem>>
    %dma_start3A_110 = tpu.memref_squeeze %dma_start3A_109 : memref<1x80xi32, #tpu.memory_space<vmem>> -> memref<80xi32, #tpu.memory_space<vmem>>
    %dma_start3A_111 = arith.constant 0 : i32
    %dma_start3A_112 = arith.constant 0 : i32
    %dma_start3A_113 = tpu.memref_slice %arg9[%dma_start3A_111, %dma_start3A_112] : memref<5000x128xi32, #tpu.memory_space<hbm>> -> memref<5000x128xi32, #tpu.memory_space<hbm>>
    tpu.enqueue_indirect_dma source(%dma_start3A_113 : memref<5000x128xi32, #tpu.memory_space<hbm>>) target(%arg32 : memref<80x128xi32, #tpu.memory_space<vmem>>) offsets(%dma_start3A_110 : memref<80xi32, #tpu.memory_space<vmem>>) semaphore(%arg44 : memref<!tpu.dma_semaphore, #tpu.memory_space<semaphore_mem>>)
    %dma_wait3A_114 = arith.constant 3 : i32
    %dma_wait3A_115 = arith.constant 0 : i32
    %dma_wait3A_116 = tpu.memref_slice %arg20[%dma_wait3A_114, %dma_wait3A_115] : memref<10x80xi32, #tpu.memory_space<vmem>> -> memref<1x80xi32, #tpu.memory_space<vmem>>
    %dma_wait3A_117 = tpu.memref_squeeze %dma_wait3A_116 : memref<1x80xi32, #tpu.memory_space<vmem>> -> memref<80xi32, #tpu.memory_space<vmem>>
    %dma_wait3A_118 = arith.constant 0 : i32
    %dma_wait3A_119 = arith.constant 0 : i32
    %dma_wait3A_120 = tpu.memref_slice %arg9[%dma_wait3A_118, %dma_wait3A_119] : memref<5000x128xi32, #tpu.memory_space<hbm>> -> memref<5000x128xi32, #tpu.memory_space<hbm>>
    tpu.wait_indirect_dma semaphore(%arg40 : memref<!tpu.dma_semaphore, #tpu.memory_space<semaphore_mem>>) src(%dma_wait3A_120 : memref<5000x128xi32, #tpu.memory_space<hbm>>) dst(%arg28 : memref<80x128xi32, #tpu.memory_space<vmem>>)
    %add3A_121 = arith.constant 240 : i32
    %add3A_122 = arith.addi %mul3A_19, %add3A_121 : i32
    %dma_start3A_123 = arith.constant 0 : i32
    %dma_start3A_124 = tpu.memref_slice %arg13[%add3A_122, %dma_start3A_123] : memref<25600x128xi32, #tpu.memory_space<hbm>> -> memref<80x128xi32, #tpu.memory_space<hbm>>
    %dma_start3A_125 = arith.constant 0 : i32
    %dma_start3A_126 = tpu.memref_slice %arg13[%add3A_122, %dma_start3A_125] : memref<25600x128xi32, #tpu.memory_space<hbm>> -> memref<80x128xi32, #tpu.memory_space<hbm>>
    tpu.enqueue_dma source(%arg28 : memref<80x128xi32, #tpu.memory_space<vmem>>) target(%dma_start3A_126 : memref<80x128xi32, #tpu.memory_space<hbm>>) target_semaphore(%arg48 : memref<!tpu.dma_semaphore, #tpu.memory_space<semaphore_mem>>)
    %dma_wait3A_127 = arith.constant 0 : i32
    %dma_wait3A_128 = tpu.memref_slice %arg13[%add3A_62, %dma_wait3A_127] : memref<25600x128xi32, #tpu.memory_space<hbm>> -> memref<80x128xi32, #tpu.memory_space<hbm>>
    %dma_wait3A_129 = arith.constant 0 : i32
    %dma_wait3A_130 = tpu.memref_slice %arg13[%add3A_62, %dma_wait3A_129] : memref<25600x128xi32, #tpu.memory_space<hbm>> -> memref<80x128xi32, #tpu.memory_space<hbm>>
    tpu.wait_dma2 semaphore(%arg45 : memref<!tpu.dma_semaphore, #tpu.memory_space<semaphore_mem>>) src(%arg25 : memref<80x128xi32, #tpu.memory_space<vmem>>) dst(%dma_wait3A_130 : memref<80x128xi32, #tpu.memory_space<hbm>>)
    %dma_start3A_131 = arith.constant 8 : i32
    %dma_start3A_132 = arith.constant 0 : i32
    %dma_start3A_133 = tpu.memref_slice %arg20[%dma_start3A_131, %dma_start3A_132] : memref<10x80xi32, #tpu.memory_space<vmem>> -> memref<1x80xi32, #tpu.memory_space<vmem>>
    %dma_start3A_134 = tpu.memref_squeeze %dma_start3A_133 : memref<1x80xi32, #tpu.memory_space<vmem>> -> memref<80xi32, #tpu.memory_space<vmem>>
    %dma_start3A_135 = arith.constant 0 : i32
    %dma_start3A_136 = arith.constant 0 : i32
    %dma_start3A_137 = tpu.memref_slice %arg9[%dma_start3A_135, %dma_start3A_136] : memref<5000x128xi32, #tpu.memory_space<hbm>> -> memref<5000x128xi32, #tpu.memory_space<hbm>>
    tpu.enqueue_indirect_dma source(%dma_start3A_137 : memref<5000x128xi32, #tpu.memory_space<hbm>>) target(%arg25 : memref<80x128xi32, #tpu.memory_space<vmem>>) offsets(%dma_start3A_134 : memref<80xi32, #tpu.memory_space<vmem>>) semaphore(%arg37 : memref<!tpu.dma_semaphore, #tpu.memory_space<semaphore_mem>>)
    %dma_wait3A_138 = arith.constant 4 : i32
    %dma_wait3A_139 = arith.constant 0 : i32
    %dma_wait3A_140 = tpu.memref_slice %arg20[%dma_wait3A_138, %dma_wait3A_139] : memref<10x80xi32, #tpu.memory_space<vmem>> -> memref<1x80xi32, #tpu.memory_space<vmem>>
    %dma_wait3A_141 = tpu.memref_squeeze %dma_wait3A_140 : memref<1x80xi32, #tpu.memory_space<vmem>> -> memref<80xi32, #tpu.memory_space<vmem>>
    %dma_wait3A_142 = arith.constant 0 : i32
    %dma_wait3A_143 = arith.constant 0 : i32
    %dma_wait3A_144 = tpu.memref_slice %arg9[%dma_wait3A_142, %dma_wait3A_143] : memref<5000x128xi32, #tpu.memory_space<hbm>> -> memref<5000x128xi32, #tpu.memory_space<hbm>>
    tpu.wait_indirect_dma semaphore(%arg41 : memref<!tpu.dma_semaphore, #tpu.memory_space<semaphore_mem>>) src(%dma_wait3A_144 : memref<5000x128xi32, #tpu.memory_space<hbm>>) dst(%arg29 : memref<80x128xi32, #tpu.memory_space<vmem>>)
    %add3A_145 = arith.constant 320 : i32
    %add3A_146 = arith.addi %mul3A_19, %add3A_145 : i32
    %dma_start3A_147 = arith.constant 0 : i32
    %dma_start3A_148 = tpu.memref_slice %arg13[%add3A_146, %dma_start3A_147] : memref<25600x128xi32, #tpu.memory_space<hbm>> -> memref<80x128xi32, #tpu.memory_space<hbm>>
    %dma_start3A_149 = arith.constant 0 : i32
    %dma_start3A_150 = tpu.memref_slice %arg13[%add3A_146, %dma_start3A_149] : memref<25600x128xi32, #tpu.memory_space<hbm>> -> memref<80x128xi32, #tpu.memory_space<hbm>>
    tpu.enqueue_dma source(%arg29 : memref<80x128xi32, #tpu.memory_space<vmem>>) target(%dma_start3A_150 : memref<80x128xi32, #tpu.memory_space<hbm>>) target_semaphore(%arg49 : memref<!tpu.dma_semaphore, #tpu.memory_space<semaphore_mem>>)
    %dma_wait3A_151 = arith.constant 0 : i32
    %dma_wait3A_152 = tpu.memref_slice %arg13[%add3A_82, %dma_wait3A_151] : memref<25600x128xi32, #tpu.memory_space<hbm>> -> memref<80x128xi32, #tpu.memory_space<hbm>>
    %dma_wait3A_153 = arith.constant 0 : i32
    %dma_wait3A_154 = tpu.memref_slice %arg13[%add3A_82, %dma_wait3A_153] : memref<25600x128xi32, #tpu.memory_space<hbm>> -> memref<80x128xi32, #tpu.memory_space<hbm>>
    tpu.wait_dma2 semaphore(%arg46 : memref<!tpu.dma_semaphore, #tpu.memory_space<semaphore_mem>>) src(%arg26 : memref<80x128xi32, #tpu.memory_space<vmem>>) dst(%dma_wait3A_154 : memref<80x128xi32, #tpu.memory_space<hbm>>)
    %dma_start3A_155 = arith.constant 9 : i32
    %dma_start3A_156 = arith.constant 0 : i32
    %dma_start3A_157 = tpu.memref_slice %arg20[%dma_start3A_155, %dma_start3A_156] : memref<10x80xi32, #tpu.memory_space<vmem>> -> memref<1x80xi32, #tpu.memory_space<vmem>>
    %dma_start3A_158 = tpu.memref_squeeze %dma_start3A_157 : memref<1x80xi32, #tpu.memory_space<vmem>> -> memref<80xi32, #tpu.memory_space<vmem>>
    %dma_start3A_159 = arith.constant 0 : i32
    %dma_start3A_160 = arith.constant 0 : i32
    %dma_start3A_161 = tpu.memref_slice %arg9[%dma_start3A_159, %dma_start3A_160] : memref<5000x128xi32, #tpu.memory_space<hbm>> -> memref<5000x128xi32, #tpu.memory_space<hbm>>
    tpu.enqueue_indirect_dma source(%dma_start3A_161 : memref<5000x128xi32, #tpu.memory_space<hbm>>) target(%arg26 : memref<80x128xi32, #tpu.memory_space<vmem>>) offsets(%dma_start3A_158 : memref<80xi32, #tpu.memory_space<vmem>>) semaphore(%arg38 : memref<!tpu.dma_semaphore, #tpu.memory_space<semaphore_mem>>)
    %dma_wait3A_162 = arith.constant 5 : i32
    %dma_wait3A_163 = arith.constant 0 : i32
    %dma_wait3A_164 = tpu.memref_slice %arg20[%dma_wait3A_162, %dma_wait3A_163] : memref<10x80xi32, #tpu.memory_space<vmem>> -> memref<1x80xi32, #tpu.memory_space<vmem>>
    %dma_wait3A_165 = tpu.memref_squeeze %dma_wait3A_164 : memref<1x80xi32, #tpu.memory_space<vmem>> -> memref<80xi32, #tpu.memory_space<vmem>>
    %dma_wait3A_166 = arith.constant 0 : i32
    %dma_wait3A_167 = arith.constant 0 : i32
    %dma_wait3A_168 = tpu.memref_slice %arg9[%dma_wait3A_166, %dma_wait3A_167] : memref<5000x128xi32, #tpu.memory_space<hbm>> -> memref<5000x128xi32, #tpu.memory_space<hbm>>
    tpu.wait_indirect_dma semaphore(%arg42 : memref<!tpu.dma_semaphore, #tpu.memory_space<semaphore_mem>>) src(%dma_wait3A_168 : memref<5000x128xi32, #tpu.memory_space<hbm>>) dst(%arg30 : memref<80x128xi32, #tpu.memory_space<vmem>>)
    %add3A_169 = arith.constant 400 : i32
    %add3A_170 = arith.addi %mul3A_19, %add3A_169 : i32
    %dma_start3A_171 = arith.constant 0 : i32
    %dma_start3A_172 = tpu.memref_slice %arg13[%add3A_170, %dma_start3A_171] : memref<25600x128xi32, #tpu.memory_space<hbm>> -> memref<80x128xi32, #tpu.memory_space<hbm>>
    %dma_start3A_173 = arith.constant 0 : i32
    %dma_start3A_174 = tpu.memref_slice %arg13[%add3A_170, %dma_start3A_173] : memref<25600x128xi32, #tpu.memory_space<hbm>> -> memref<80x128xi32, #tpu.memory_space<hbm>>
    tpu.enqueue_dma source(%arg30 : memref<80x128xi32, #tpu.memory_space<vmem>>) target(%dma_start3A_174 : memref<80x128xi32, #tpu.memory_space<hbm>>) target_semaphore(%arg50 : memref<!tpu.dma_semaphore, #tpu.memory_space<semaphore_mem>>)
    %dma_wait3A_175 = arith.constant 0 : i32
    %dma_wait3A_176 = tpu.memref_slice %arg13[%add3A_102, %dma_wait3A_175] : memref<25600x128xi32, #tpu.memory_space<hbm>> -> memref<80x128xi32, #tpu.memory_space<hbm>>
    %dma_wait3A_177 = arith.constant 0 : i32
    %dma_wait3A_178 = tpu.memref_slice %arg13[%add3A_102, %dma_wait3A_177] : memref<25600x128xi32, #tpu.memory_space<hbm>> -> memref<80x128xi32, #tpu.memory_space<hbm>>
    tpu.wait_dma2 semaphore(%arg47 : memref<!tpu.dma_semaphore, #tpu.memory_space<semaphore_mem>>) src(%arg27 : memref<80x128xi32, #tpu.memory_space<vmem>>) dst(%dma_wait3A_178 : memref<80x128xi32, #tpu.memory_space<hbm>>)
    %dma_wait3A_179 = arith.constant 6 : i32
    %dma_wait3A_180 = arith.constant 0 : i32
    %dma_wait3A_181 = tpu.memref_slice %arg20[%dma_wait3A_179, %dma_wait3A_180] : memref<10x80xi32, #tpu.memory_space<vmem>> -> memref<1x80xi32, #tpu.memory_space<vmem>>
    %dma_wait3A_182 = tpu.memref_squeeze %dma_wait3A_181 : memref<1x80xi32, #tpu.memory_space<vmem>> -> memref<80xi32, #tpu.memory_space<vmem>>
    %dma_wait3A_183 = arith.constant 0 : i32
    %dma_wait3A_184 = arith.constant 0 : i32
    %dma_wait3A_185 = tpu.memref_slice %arg9[%dma_wait3A_183, %dma_wait3A_184] : memref<5000x128xi32, #tpu.memory_space<hbm>> -> memref<5000x128xi32, #tpu.memory_space<hbm>>
    tpu.wait_indirect_dma semaphore(%arg43 : memref<!tpu.dma_semaphore, #tpu.memory_space<semaphore_mem>>) src(%dma_wait3A_185 : memref<5000x128xi32, #tpu.memory_space<hbm>>) dst(%arg31 : memref<80x128xi32, #tpu.memory_space<vmem>>)
    %add3A_186 = arith.constant 480 : i32
    %add3A_187 = arith.addi %mul3A_19, %add3A_186 : i32
    %dma_start3A_188 = arith.constant 0 : i32
    %dma_start3A_189 = tpu.memref_slice %arg13[%add3A_187, %dma_start3A_188] : memref<25600x128xi32, #tpu.memory_space<hbm>> -> memref<80x128xi32, #tpu.memory_space<hbm>>
    %dma_start3A_190 = arith.constant 0 : i32
    %dma_start3A_191 = tpu.memref_slice %arg13[%add3A_187, %dma_start3A_190] : memref<25600x128xi32, #tpu.memory_space<hbm>> -> memref<80x128xi32, #tpu.memory_space<hbm>>
    tpu.enqueue_dma source(%arg31 : memref<80x128xi32, #tpu.memory_space<vmem>>) target(%dma_start3A_191 : memref<80x128xi32, #tpu.memory_space<hbm>>) target_semaphore(%arg51 : memref<!tpu.dma_semaphore, #tpu.memory_space<semaphore_mem>>)
    %dma_wait3A_192 = arith.constant 0 : i32
    %dma_wait3A_193 = tpu.memref_slice %arg13[%add3A_122, %dma_wait3A_192] : memref<25600x128xi32, #tpu.memory_space<hbm>> -> memref<80x128xi32, #tpu.memory_space<hbm>>
    %dma_wait3A_194 = arith.constant 0 : i32
    %dma_wait3A_195 = tpu.memref_slice %arg13[%add3A_122, %dma_wait3A_194] : memref<25600x128xi32, #tpu.memory_space<hbm>> -> memref<80x128xi32, #tpu.memory_space<hbm>>
    tpu.wait_dma2 semaphore(%arg48 : memref<!tpu.dma_semaphore, #tpu.memory_space<semaphore_mem>>) src(%arg28 : memref<80x128xi32, #tpu.memory_space<vmem>>) dst(%dma_wait3A_195 : memref<80x128xi32, #tpu.memory_space<hbm>>)
    %dma_wait3A_196 = arith.constant 7 : i32
    %dma_wait3A_197 = arith.constant 0 : i32
    %dma_wait3A_198 = tpu.memref_slice %arg20[%dma_wait3A_196, %dma_wait3A_197] : memref<10x80xi32, #tpu.memory_space<vmem>> -> memref<1x80xi32, #tpu.memory_space<vmem>>
    %dma_wait3A_199 = tpu.memref_squeeze %dma_wait3A_198 : memref<1x80xi32, #tpu.memory_space<vmem>> -> memref<80xi32, #tpu.memory_space<vmem>>
    %dma_wait3A_200 = arith.constant 0 : i32
    %dma_wait3A_201 = arith.constant 0 : i32
    %dma_wait3A_202 = tpu.memref_slice %arg9[%dma_wait3A_200, %dma_wait3A_201] : memref<5000x128xi32, #tpu.memory_space<hbm>> -> memref<5000x128xi32, #tpu.memory_space<hbm>>
    tpu.wait_indirect_dma semaphore(%arg44 : memref<!tpu.dma_semaphore, #tpu.memory_space<semaphore_mem>>) src(%dma_wait3A_202 : memref<5000x128xi32, #tpu.memory_space<hbm>>) dst(%arg32 : memref<80x128xi32, #tpu.memory_space<vmem>>)
    %add3A_203 = arith.constant 560 : i32
    %add3A_204 = arith.addi %mul3A_19, %add3A_203 : i32
    %dma_start3A_205 = arith.constant 0 : i32
    %dma_start3A_206 = tpu.memref_slice %arg13[%add3A_204, %dma_start3A_205] : memref<25600x128xi32, #tpu.memory_space<hbm>> -> memref<80x128xi32, #tpu.memory_space<hbm>>
    %dma_start3A_207 = arith.constant 0 : i32
    %dma_start3A_208 = tpu.memref_slice %arg13[%add3A_204, %dma_start3A_207] : memref<25600x128xi32, #tpu.memory_space<hbm>> -> memref<80x128xi32, #tpu.memory_space<hbm>>
    tpu.enqueue_dma source(%arg32 : memref<80x128xi32, #tpu.memory_space<vmem>>) target(%dma_start3A_208 : memref<80x128xi32, #tpu.memory_space<hbm>>) target_semaphore(%arg52 : memref<!tpu.dma_semaphore, #tpu.memory_space<semaphore_mem>>)
    %dma_wait3A_209 = arith.constant 0 : i32
    %dma_wait3A_210 = tpu.memref_slice %arg13[%add3A_146, %dma_wait3A_209] : memref<25600x128xi32, #tpu.memory_space<hbm>> -> memref<80x128xi32, #tpu.memory_space<hbm>>
    %dma_wait3A_211 = arith.constant 0 : i32
    %dma_wait3A_212 = tpu.memref_slice %arg13[%add3A_146, %dma_wait3A_211] : memref<25600x128xi32, #tpu.memory_space<hbm>> -> memref<80x128xi32, #tpu.memory_space<hbm>>
    tpu.wait_dma2 semaphore(%arg49 : memref<!tpu.dma_semaphore, #tpu.memory_space<semaphore_mem>>) src(%arg29 : memref<80x128xi32, #tpu.memory_space<vmem>>) dst(%dma_wait3A_212 : memref<80x128xi32, #tpu.memory_space<hbm>>)
    %dma_wait3A_213 = arith.constant 8 : i32
    %dma_wait3A_214 = arith.constant 0 : i32
    %dma_wait3A_215 = tpu.memref_slice %arg20[%dma_wait3A_213, %dma_wait3A_214] : memref<10x80xi32, #tpu.memory_space<vmem>> -> memref<1x80xi32, #tpu.memory_space<vmem>>
    %dma_wait3A_216 = tpu.memref_squeeze %dma_wait3A_215 : memref<1x80xi32, #tpu.memory_space<vmem>> -> memref<80xi32, #tpu.memory_space<vmem>>
    %dma_wait3A_217 = arith.constant 0 : i32
    %dma_wait3A_218 = arith.constant 0 : i32
    %dma_wait3A_219 = tpu.memref_slice %arg9[%dma_wait3A_217, %dma_wait3A_218] : memref<5000x128xi32, #tpu.memory_space<hbm>> -> memref<5000x128xi32, #tpu.memory_space<hbm>>
    tpu.wait_indirect_dma semaphore(%arg37 : memref<!tpu.dma_semaphore, #tpu.memory_space<semaphore_mem>>) src(%dma_wait3A_219 : memref<5000x128xi32, #tpu.memory_space<hbm>>) dst(%arg25 : memref<80x128xi32, #tpu.memory_space<vmem>>)
    %add3A_220 = arith.constant 640 : i32
    %add3A_221 = arith.addi %mul3A_19, %add3A_220 : i32
    %dma_start3A_222 = arith.constant 0 : i32
    %dma_start3A_223 = tpu.memref_slice %arg13[%add3A_221, %dma_start3A_222] : memref<25600x128xi32, #tpu.memory_space<hbm>> -> memref<80x128xi32, #tpu.memory_space<hbm>>
    %dma_start3A_224 = arith.constant 0 : i32
    %dma_start3A_225 = tpu.memref_slice %arg13[%add3A_221, %dma_start3A_224] : memref<25600x128xi32, #tpu.memory_space<hbm>> -> memref<80x128xi32, #tpu.memory_space<hbm>>
    tpu.enqueue_dma source(%arg25 : memref<80x128xi32, #tpu.memory_space<vmem>>) target(%dma_start3A_225 : memref<80x128xi32, #tpu.memory_space<hbm>>) target_semaphore(%arg45 : memref<!tpu.dma_semaphore, #tpu.memory_space<semaphore_mem>>)
    %dma_wait3A_226 = arith.constant 0 : i32
    %dma_wait3A_227 = tpu.memref_slice %arg13[%add3A_170, %dma_wait3A_226] : memref<25600x128xi32, #tpu.memory_space<hbm>> -> memref<80x128xi32, #tpu.memory_space<hbm>>
    %dma_wait3A_228 = arith.constant 0 : i32
    %dma_wait3A_229 = tpu.memref_slice %arg13[%add3A_170, %dma_wait3A_228] : memref<25600x128xi32, #tpu.memory_space<hbm>> -> memref<80x128xi32, #tpu.memory_space<hbm>>
    tpu.wait_dma2 semaphore(%arg50 : memref<!tpu.dma_semaphore, #tpu.memory_space<semaphore_mem>>) src(%arg30 : memref<80x128xi32, #tpu.memory_space<vmem>>) dst(%dma_wait3A_229 : memref<80x128xi32, #tpu.memory_space<hbm>>)
    %dma_wait3A_230 = arith.constant 9 : i32
    %dma_wait3A_231 = arith.constant 0 : i32
    %dma_wait3A_232 = tpu.memref_slice %arg20[%dma_wait3A_230, %dma_wait3A_231] : memref<10x80xi32, #tpu.memory_space<vmem>> -> memref<1x80xi32, #tpu.memory_space<vmem>>
    %dma_wait3A_233 = tpu.memref_squeeze %dma_wait3A_232 : memref<1x80xi32, #tpu.memory_space<vmem>> -> memref<80xi32, #tpu.memory_space<vmem>>
    %dma_wait3A_234 = arith.constant 0 : i32
    %dma_wait3A_235 = arith.constant 0 : i32
    %dma_wait3A_236 = tpu.memref_slice %arg9[%dma_wait3A_234, %dma_wait3A_235] : memref<5000x128xi32, #tpu.memory_space<hbm>> -> memref<5000x128xi32, #tpu.memory_space<hbm>>
    tpu.wait_indirect_dma semaphore(%arg38 : memref<!tpu.dma_semaphore, #tpu.memory_space<semaphore_mem>>) src(%dma_wait3A_236 : memref<5000x128xi32, #tpu.memory_space<hbm>>) dst(%arg26 : memref<80x128xi32, #tpu.memory_space<vmem>>)
    %add3A_237 = arith.constant 720 : i32
    %add3A_238 = arith.addi %mul3A_19, %add3A_237 : i32
    %dma_start3A_239 = arith.constant 0 : i32
    %dma_start3A_240 = tpu.memref_slice %arg13[%add3A_238, %dma_start3A_239] : memref<25600x128xi32, #tpu.memory_space<hbm>> -> memref<80x128xi32, #tpu.memory_space<hbm>>
    %dma_start3A_241 = arith.constant 0 : i32
    %dma_start3A_242 = tpu.memref_slice %arg13[%add3A_238, %dma_start3A_241] : memref<25600x128xi32, #tpu.memory_space<hbm>> -> memref<80x128xi32, #tpu.memory_space<hbm>>
    tpu.enqueue_dma source(%arg26 : memref<80x128xi32, #tpu.memory_space<vmem>>) target(%dma_start3A_242 : memref<80x128xi32, #tpu.memory_space<hbm>>) target_semaphore(%arg46 : memref<!tpu.dma_semaphore, #tpu.memory_space<semaphore_mem>>)
    %dma_wait3A_243 = arith.constant 0 : i32
    %dma_wait3A_244 = arith.constant 0 : i32
    %dma_wait3A_245 = tpu.memref_slice %arg7[%dma_wait3A_243, %dma_wait3A_244] : memref<100000x128xf32, #tpu.memory_space<hbm>> -> memref<100000x128xf32, #tpu.memory_space<hbm>>
    tpu.wait_indirect_dma semaphore(%arg33 : memref<!tpu.dma_semaphore, #tpu.memory_space<semaphore_mem>>) src(%dma_wait3A_245 : memref<100000x128xf32, #tpu.memory_space<hbm>>) dst(%arg21 : memref<64x128xf32, #tpu.memory_space<vmem>>)
    %dma_start3A_246 = arith.constant 0 : i32
    %dma_start3A_247 = tpu.memref_slice %arg11[%mul3A_2, %dma_start3A_246] : memref<2048x128xf32, #tpu.memory_space<hbm>> -> memref<64x128xf32, #tpu.memory_space<hbm>>
    %dma_start3A_248 = arith.constant 0 : i32
    %dma_start3A_249 = tpu.memref_slice %arg11[%mul3A_2, %dma_start3A_248] : memref<2048x128xf32, #tpu.memory_space<hbm>> -> memref<64x128xf32, #tpu.memory_space<hbm>>
    tpu.enqueue_dma source(%arg21 : memref<64x128xf32, #tpu.memory_space<vmem>>) target(%dma_start3A_249 : memref<64x128xf32, #tpu.memory_space<hbm>>) target_semaphore(%arg33 : memref<!tpu.dma_semaphore, #tpu.memory_space<semaphore_mem>>)
    %dma_wait3A_250 = arith.constant 0 : i32
    %dma_wait3A_251 = arith.constant 0 : i32
    %dma_wait3A_252 = tpu.memref_slice %arg8[%dma_wait3A_250, %dma_wait3A_251] : memref<100000x128xf32, #tpu.memory_space<hbm>> -> memref<100000x128xf32, #tpu.memory_space<hbm>>
    tpu.wait_indirect_dma semaphore(%arg34 : memref<!tpu.dma_semaphore, #tpu.memory_space<semaphore_mem>>) src(%dma_wait3A_252 : memref<100000x128xf32, #tpu.memory_space<hbm>>) dst(%arg22 : memref<64x128xf32, #tpu.memory_space<vmem>>)
    %dma_start3A_253 = arith.constant 0 : i32
    %dma_start3A_254 = tpu.memref_slice %arg12[%mul3A_2, %dma_start3A_253] : memref<2048x128xf32, #tpu.memory_space<hbm>> -> memref<64x128xf32, #tpu.memory_space<hbm>>
    %dma_start3A_255 = arith.constant 0 : i32
    %dma_start3A_256 = tpu.memref_slice %arg12[%mul3A_2, %dma_start3A_255] : memref<2048x128xf32, #tpu.memory_space<hbm>> -> memref<64x128xf32, #tpu.memory_space<hbm>>
    tpu.enqueue_dma source(%arg22 : memref<64x128xf32, #tpu.memory_space<vmem>>) target(%dma_start3A_256 : memref<64x128xf32, #tpu.memory_space<hbm>>) target_semaphore(%arg34 : memref<!tpu.dma_semaphore, #tpu.memory_space<semaphore_mem>>)
    %dma_wait3A_257 = arith.constant 0 : i32
    %dma_wait3A_258 = arith.constant 0 : i32
    %dma_wait3A_259 = tpu.memref_slice %arg10[%dma_wait3A_257, %dma_wait3A_258] : memref<17x128xf32, #tpu.memory_space<hbm>> -> memref<17x128xf32, #tpu.memory_space<hbm>>
    tpu.wait_indirect_dma semaphore(%arg35 : memref<!tpu.dma_semaphore, #tpu.memory_space<semaphore_mem>>) src(%dma_wait3A_259 : memref<17x128xf32, #tpu.memory_space<hbm>>) dst(%arg23 : memref<64x128xf32, #tpu.memory_space<vmem>>)
    %dma_start3A_260 = arith.constant 0 : i32
    %dma_start3A_261 = tpu.memref_slice %arg14[%mul3A_2, %dma_start3A_260] : memref<2048x128xf32, #tpu.memory_space<hbm>> -> memref<64x128xf32, #tpu.memory_space<hbm>>
    %dma_start3A_262 = arith.constant 0 : i32
    %dma_start3A_263 = tpu.memref_slice %arg14[%mul3A_2, %dma_start3A_262] : memref<2048x128xf32, #tpu.memory_space<hbm>> -> memref<64x128xf32, #tpu.memory_space<hbm>>
    tpu.enqueue_dma source(%arg23 : memref<64x128xf32, #tpu.memory_space<vmem>>) target(%dma_start3A_263 : memref<64x128xf32, #tpu.memory_space<hbm>>) target_semaphore(%arg35 : memref<!tpu.dma_semaphore, #tpu.memory_space<semaphore_mem>>)
    %dma_wait3A_264 = arith.constant 0 : i32
    %dma_wait3A_265 = tpu.memref_slice %arg13[%add3A_187, %dma_wait3A_264] : memref<25600x128xi32, #tpu.memory_space<hbm>> -> memref<80x128xi32, #tpu.memory_space<hbm>>
    %dma_wait3A_266 = arith.constant 0 : i32
    %dma_wait3A_267 = tpu.memref_slice %arg13[%add3A_187, %dma_wait3A_266] : memref<25600x128xi32, #tpu.memory_space<hbm>> -> memref<80x128xi32, #tpu.memory_space<hbm>>
    tpu.wait_dma2 semaphore(%arg51 : memref<!tpu.dma_semaphore, #tpu.memory_space<semaphore_mem>>) src(%arg31 : memref<80x128xi32, #tpu.memory_space<vmem>>) dst(%dma_wait3A_267 : memref<80x128xi32, #tpu.memory_space<hbm>>)
    %dma_wait3A_268 = arith.constant 0 : i32
    %dma_wait3A_269 = tpu.memref_slice %arg13[%add3A_204, %dma_wait3A_268] : memref<25600x128xi32, #tpu.memory_space<hbm>> -> memref<80x128xi32, #tpu.memory_space<hbm>>
    %dma_wait3A_270 = arith.constant 0 : i32
    %dma_wait3A_271 = tpu.memref_slice %arg13[%add3A_204, %dma_wait3A_270] : memref<25600x128xi32, #tpu.memory_space<hbm>> -> memref<80x128xi32, #tpu.memory_space<hbm>>
    tpu.wait_dma2 semaphore(%arg52 : memref<!tpu.dma_semaphore, #tpu.memory_space<semaphore_mem>>) src(%arg32 : memref<80x128xi32, #tpu.memory_space<vmem>>) dst(%dma_wait3A_271 : memref<80x128xi32, #tpu.memory_space<hbm>>)
    %dma_wait3A_272 = arith.constant 0 : i32
    %dma_wait3A_273 = tpu.memref_slice %arg13[%add3A_221, %dma_wait3A_272] : memref<25600x128xi32, #tpu.memory_space<hbm>> -> memref<80x128xi32, #tpu.memory_space<hbm>>
    %dma_wait3A_274 = arith.constant 0 : i32
    %dma_wait3A_275 = tpu.memref_slice %arg13[%add3A_221, %dma_wait3A_274] : memref<25600x128xi32, #tpu.memory_space<hbm>> -> memref<80x128xi32, #tpu.memory_space<hbm>>
    tpu.wait_dma2 semaphore(%arg45 : memref<!tpu.dma_semaphore, #tpu.memory_space<semaphore_mem>>) src(%arg25 : memref<80x128xi32, #tpu.memory_space<vmem>>) dst(%dma_wait3A_275 : memref<80x128xi32, #tpu.memory_space<hbm>>)
    %dma_wait3A_276 = arith.constant 0 : i32
    %dma_wait3A_277 = tpu.memref_slice %arg13[%add3A_238, %dma_wait3A_276] : memref<25600x128xi32, #tpu.memory_space<hbm>> -> memref<80x128xi32, #tpu.memory_space<hbm>>
    %dma_wait3A_278 = arith.constant 0 : i32
    %dma_wait3A_279 = tpu.memref_slice %arg13[%add3A_238, %dma_wait3A_278] : memref<25600x128xi32, #tpu.memory_space<hbm>> -> memref<80x128xi32, #tpu.memory_space<hbm>>
    tpu.wait_dma2 semaphore(%arg46 : memref<!tpu.dma_semaphore, #tpu.memory_space<semaphore_mem>>) src(%arg26 : memref<80x128xi32, #tpu.memory_space<vmem>>) dst(%dma_wait3A_279 : memref<80x128xi32, #tpu.memory_space<hbm>>)
    %dma_wait3A_280 = arith.constant 0 : i32
    %dma_wait3A_281 = tpu.memref_slice %arg11[%mul3A_2, %dma_wait3A_280] : memref<2048x128xf32, #tpu.memory_space<hbm>> -> memref<64x128xf32, #tpu.memory_space<hbm>>
    %dma_wait3A_282 = arith.constant 0 : i32
    %dma_wait3A_283 = tpu.memref_slice %arg11[%mul3A_2, %dma_wait3A_282] : memref<2048x128xf32, #tpu.memory_space<hbm>> -> memref<64x128xf32, #tpu.memory_space<hbm>>
    tpu.wait_dma2 semaphore(%arg33 : memref<!tpu.dma_semaphore, #tpu.memory_space<semaphore_mem>>) src(%arg21 : memref<64x128xf32, #tpu.memory_space<vmem>>) dst(%dma_wait3A_283 : memref<64x128xf32, #tpu.memory_space<hbm>>)
    %dma_wait3A_284 = arith.constant 0 : i32
    %dma_wait3A_285 = tpu.memref_slice %arg12[%mul3A_2, %dma_wait3A_284] : memref<2048x128xf32, #tpu.memory_space<hbm>> -> memref<64x128xf32, #tpu.memory_space<hbm>>
    %dma_wait3A_286 = arith.constant 0 : i32
    %dma_wait3A_287 = tpu.memref_slice %arg12[%mul3A_2, %dma_wait3A_286] : memref<2048x128xf32, #tpu.memory_space<hbm>> -> memref<64x128xf32, #tpu.memory_space<hbm>>
    tpu.wait_dma2 semaphore(%arg34 : memref<!tpu.dma_semaphore, #tpu.memory_space<semaphore_mem>>) src(%arg22 : memref<64x128xf32, #tpu.memory_space<vmem>>) dst(%dma_wait3A_287 : memref<64x128xf32, #tpu.memory_space<hbm>>)
    %dma_wait3A_288 = arith.constant 0 : i32
    %dma_wait3A_289 = tpu.memref_slice %arg14[%mul3A_2, %dma_wait3A_288] : memref<2048x128xf32, #tpu.memory_space<hbm>> -> memref<64x128xf32, #tpu.memory_space<hbm>>
    %dma_wait3A_290 = arith.constant 0 : i32
    %dma_wait3A_291 = tpu.memref_slice %arg14[%mul3A_2, %dma_wait3A_290] : memref<2048x128xf32, #tpu.memory_space<hbm>> -> memref<64x128xf32, #tpu.memory_space<hbm>>
    tpu.wait_dma2 semaphore(%arg35 : memref<!tpu.dma_semaphore, #tpu.memory_space<semaphore_mem>>) src(%arg23 : memref<64x128xf32, #tpu.memory_space<vmem>>) dst(%dma_wait3A_291 : memref<64x128xf32, #tpu.memory_space<hbm>>)
    return
  }
}

module attributes {stable_mosaic.version = 14 : i64} {
  func.func @_pack_body(%arg0: i32, %arg1: memref<1000x200xf32, #tpu.memory_space<vmem>>, %arg2: memref<1000x128xi32, #tpu.memory_space<vmem>>) attributes {dimension_semantics = [#tpu.dimension_semantics<arbitrary>], iteration_bounds = array<i64: 5>, scalar_prefetch = 0 : i64, scratch_operands = 0 : i64, tpu.core_type = #tpu.core_type<tc>, window_params = [{transform_indices = @transform_0, window_bounds = array<i64: 1000, 200>}, {transform_indices = @transform_1, window_bounds = array<i64: 1000, 128>}]} {
    %get3A = arith.constant 0 : index
    %get3A_0 = arith.constant 0 : index
    %get3A_1 = vector.load %arg1[%get3A, %get3A_0] : memref<1000x200xf32, #tpu.memory_space<vmem>>, vector<1000x200xf32>
    %slice3A = vector.extract_strided_slice %get3A_1 {offsets = [0, 0], sizes = [1000, 128], strides = [1, 1]} : vector<1000x200xf32> to vector<1000x128xf32>
    %convert_element_type3A = arith.truncf %slice3A : vector<1000x128xf32> to vector<1000x128xbf16>
    %slice3A_2 = vector.extract_strided_slice %get3A_1 {offsets = [0, 128], sizes = [1000, 72], strides = [1, 1]} : vector<1000x200xf32> to vector<1000x72xf32>
    %broadcast_in_dim3A = arith.constant 0.000000e+00 : f32
    %broadcast_in_dim3A_3 = vector.broadcast %broadcast_in_dim3A : f32 to vector<1000x56xf32>
    %concatenate3A = tpu.concatenate %slice3A_2, %broadcast_in_dim3A_3 in 1 : vector<1000x72xf32>, vector<1000x56xf32> -> vector<1000x128xf32>
    %convert_element_type3A_4 = arith.truncf %concatenate3A : vector<1000x128xf32> to vector<1000x128xbf16>
    %bitcast_convert_type3A = tpu.bitcast %convert_element_type3A : vector<1000x128xbf16> -> vector<1000x128xi16>
    %convert_element_type3A_5 = arith.extui %bitcast_convert_type3A : vector<1000x128xi16> to vector<1000x128xi32>
    %bitcast_convert_type3A_6 = tpu.bitcast %convert_element_type3A_4 : vector<1000x128xbf16> -> vector<1000x128xi16>
    %convert_element_type3A_7 = arith.extui %bitcast_convert_type3A_6 : vector<1000x128xi16> to vector<1000x128xi32>
    %shift_left3A = arith.constant 16 : i32
    %shift_left3A_8 = vector.broadcast %shift_left3A : i32 to vector<1000x128xi32>
    %shift_left3A_9 = arith.shli %convert_element_type3A_7, %shift_left3A_8 : vector<1000x128xi32>
    %or3A = arith.ori %shift_left3A_9, %convert_element_type3A_5 : vector<1000x128xi32>
    %swap3A = arith.constant 0 : index
    %swap3A_10 = arith.constant 0 : index
    %swap3A_11 = vector.load %arg2[%swap3A, %swap3A_10] : memref<1000x128xi32, #tpu.memory_space<vmem>>, vector<1000x128xi32>
    tpu.vector_store %arg2[%swap3A, %swap3A_10], %or3A {strides = array<i32>} : memref<1000x128xi32, #tpu.memory_space<vmem>>, vector<1000x128xi32>,
    return
  }
  func.func @transform_0(%arg0: i32) -> (i32, i32) {
    %c0_i32 = arith.constant 0 : i32
    %c0_i32_0 = arith.constant 0 : i32
    return %arg0, %c0_i32 : i32, i32
  }
  func.func @transform_1(%arg0: i32) -> (i32, i32) {
    %c0_i32 = arith.constant 0 : i32
    %c0_i32_0 = arith.constant 0 : i32
    return %arg0, %c0_i32 : i32, i32
  }
}

module attributes {stable_mosaic.version = 14 : i64} {
  func.func @_lstm_body(%arg0: i32, %arg1: memref<16x320x128xi32, #tpu.memory_space<vmem>>, %arg2: memref<320x1xf32, #tpu.memory_space<vmem>>, %arg3: memref<320x128xf32, #tpu.memory_space<vmem>>, %arg4: memref<320x128xf32, #tpu.memory_space<vmem>>, %arg5: memref<320x128xf32, #tpu.memory_space<vmem>>, %arg6: memref<256x256xbf16, #tpu.memory_space<vmem>>, %arg7: memref<64x256xbf16, #tpu.memory_space<vmem>>, %arg8: memref<1x256xf32, #tpu.memory_space<vmem>>, %arg9: memref<256x256xbf16, #tpu.memory_space<vmem>>, %arg10: memref<64x256xbf16, #tpu.memory_space<vmem>>, %arg11: memref<1x256xf32, #tpu.memory_space<vmem>>, %arg12: memref<320x288xf32, #tpu.memory_space<vmem>>, %arg13: memref<16x320x256xf32, #tpu.memory_space<vmem>>, %arg14: memref<16x320x256xf32, #tpu.memory_space<vmem>>) attributes {dimension_semantics = [#tpu.dimension_semantics<arbitrary>], iteration_bounds = array<i64: 5>, scalar_prefetch = 0 : i64, scratch_operands = 2 : i64, tpu.core_type = #tpu.core_type<tc>, window_params = [{transform_indices = @transform_0, window_bounds = array<i64: 16, 320, 128>}, {transform_indices = @transform_1, window_bounds = array<i64: 320, 1>}, {transform_indices = @transform_2, window_bounds = array<i64: 320, 128>}, {transform_indices = @transform_3, window_bounds = array<i64: 320, 128>}, {transform_indices = @transform_4, window_bounds = array<i64: 320, 128>}, {pipeline_mode = #tpu.pipeline_mode<synchronous>, transform_indices = @transform_5, window_bounds = array<i64: 256, 256>}, {pipeline_mode = #tpu.pipeline_mode<synchronous>, transform_indices = @transform_6, window_bounds = array<i64: 64, 256>}, {pipeline_mode = #tpu.pipeline_mode<synchronous>, transform_indices = @transform_7, window_bounds = array<i64: 1, 256>}, {pipeline_mode = #tpu.pipeline_mode<synchronous>, transform_indices = @transform_8, window_bounds = array<i64: 256, 256>}, {pipeline_mode = #tpu.pipeline_mode<synchronous>, transform_indices = @transform_9, window_bounds = array<i64: 64, 256>}, {pipeline_mode = #tpu.pipeline_mode<synchronous>, transform_indices = @transform_10, window_bounds = array<i64: 1, 256>}, {transform_indices = @transform_11, window_bounds = array<i64: 320, 288>}]} {
    %get3A = arith.constant 0 : index
    %get3A_0 = arith.constant 0 : index
    %get3A_1 = arith.constant 0 : index
    %get3A_2 = vector.load %arg1[%get3A, %get3A_0, %get3A_1] : memref<16x320x128xi32, #tpu.memory_space<vmem>>, vector<16x320x128xi32>
    %reshape3A = vector.shape_cast %get3A_2 : vector<16x320x128xi32> to vector<5120x128xi32>
    %shift_left3A = arith.constant 16 : i32
    %shift_left3A_3 = vector.broadcast %shift_left3A : i32 to vector<5120x128xi32>
    %shift_left3A_4 = arith.shli %reshape3A, %shift_left3A_3 : vector<5120x128xi32>
    %bitcast_convert_type3A = tpu.bitcast %shift_left3A_4 : vector<5120x128xi32> -> vector<5120x128xf32>
    %convert_element_type3A = arith.truncf %bitcast_convert_type3A : vector<5120x128xf32> to vector<5120x128xbf16>
    %and3A = arith.constant -65536 : i32
    %and3A_5 = vector.broadcast %and3A : i32 to vector<5120x128xi32>
    %and3A_6 = arith.andi %reshape3A, %and3A_5 : vector<5120x128xi32>
    %bitcast_convert_type3A_7 = tpu.bitcast %and3A_6 : vector<5120x128xi32> -> vector<5120x128xf32>
    %convert_element_type3A_8 = arith.truncf %bitcast_convert_type3A_7 : vector<5120x128xf32> to vector<5120x128xbf16>
    %get3A_9 = arith.constant 0 : index
    %get3A_10 = arith.constant 0 : index
    %get3A_11 = vector.load %arg6[%get3A_9, %get3A_10] : memref<256x256xbf16, #tpu.memory_space<vmem>>, vector<128x256xbf16>
    %dot_general3A = arith.constant dense<0.000000e+00> : vector<5120x256xf32>
    %dot_general3A_12 = tpu.matmul %convert_element_type3A, %get3A_11, %dot_general3A {dimension_numbers = #tpu.dot_dimension_numbers<[1], [0], [0], [1], [0, 0, 1, 1], [], []>, transpose_lhs_hint = false} : vector<5120x128xbf16>, vector<128x256xbf16>, vector<5120x256xf32> -> vector<5120x256xf32>
    %get3A_13 = arith.constant 128 : index
    %get3A_14 = arith.constant 0 : index
    %get3A_15 = vector.load %arg6[%get3A_13, %get3A_14] : memref<256x256xbf16, #tpu.memory_space<vmem>>, vector<128x256xbf16>
    %dot_general3A_16 = arith.constant dense<0.000000e+00> : vector<5120x256xf32>
    %dot_general3A_17 = tpu.matmul %convert_element_type3A_8, %get3A_15, %dot_general3A_16 {dimension_numbers = #tpu.dot_dimension_numbers<[1], [0], [0], [1], [0, 0, 1, 1], [], []>, transpose_lhs_hint = false} : vector<5120x128xbf16>, vector<128x256xbf16>, vector<5120x256xf32> -> vector<5120x256xf32>
    %add3A = arith.addf %dot_general3A_12, %dot_general3A_17 : vector<5120x256xf32>
    %get3A_18 = arith.constant 0 : index
    %get3A_19 = arith.constant 0 : index
    %get3A_20 = vector.load %arg8[%get3A_18, %get3A_19] : memref<1x256xf32, #tpu.memory_space<vmem>>, vector<1x256xf32>
    %add3A_21 = vector.broadcast %get3A_20 : vector<1x256xf32> to vector<5120x256xf32>
    %add3A_22 = arith.addf %add3A, %add3A_21 : vector<5120x256xf32>
    %reshape3A_23 = vector.shape_cast %add3A_22 : vector<5120x256xf32> to vector<16x320x256xf32>
    %swap3A = arith.constant 0 : index
    %swap3A_24 = arith.constant 0 : index
    %swap3A_25 = arith.constant 0 : index
    %swap3A_26 = vector.load %arg13[%swap3A, %swap3A_24, %swap3A_25] : memref<16x320x256xf32, #tpu.memory_space<vmem>>, vector<16x320x256xf32>
    tpu.vector_store %arg13[%swap3A, %swap3A_24, %swap3A_25], %reshape3A_23 {strides = array<i32>} : memref<16x320x256xf32, #tpu.memory_space<vmem>>, vector<16x320x256xf32>,
    %get3A_27 = arith.constant 0 : index
    %get3A_28 = arith.constant 0 : index
    %get3A_29 = vector.load %arg9[%get3A_27, %get3A_28] : memref<256x256xbf16, #tpu.memory_space<vmem>>, vector<128x256xbf16>
    %dot_general3A_30 = arith.constant dense<0.000000e+00> : vector<5120x256xf32>
    %dot_general3A_31 = tpu.matmul %convert_element_type3A, %get3A_29, %dot_general3A_30 {dimension_numbers = #tpu.dot_dimension_numbers<[1], [0], [0], [1], [0, 0, 1, 1], [], []>, transpose_lhs_hint = false} : vector<5120x128xbf16>, vector<128x256xbf16>, vector<5120x256xf32> -> vector<5120x256xf32>
    %get3A_32 = arith.constant 128 : index
    %get3A_33 = arith.constant 0 : index
    %get3A_34 = vector.load %arg9[%get3A_32, %get3A_33] : memref<256x256xbf16, #tpu.memory_space<vmem>>, vector<128x256xbf16>
    %dot_general3A_35 = arith.constant dense<0.000000e+00> : vector<5120x256xf32>
    %dot_general3A_36 = tpu.matmul %convert_element_type3A_8, %get3A_34, %dot_general3A_35 {dimension_numbers = #tpu.dot_dimension_numbers<[1], [0], [0], [1], [0, 0, 1, 1], [], []>, transpose_lhs_hint = false} : vector<5120x128xbf16>, vector<128x256xbf16>, vector<5120x256xf32> -> vector<5120x256xf32>
    %add3A_37 = arith.addf %dot_general3A_31, %dot_general3A_36 : vector<5120x256xf32>
    %get3A_38 = arith.constant 0 : index
    %get3A_39 = arith.constant 0 : index
    %get3A_40 = vector.load %arg11[%get3A_38, %get3A_39] : memref<1x256xf32, #tpu.memory_space<vmem>>, vector<1x256xf32>
    %add3A_41 = vector.broadcast %get3A_40 : vector<1x256xf32> to vector<5120x256xf32>
    %add3A_42 = arith.addf %add3A_37, %add3A_41 : vector<5120x256xf32>
    %reshape3A_43 = vector.shape_cast %add3A_42 : vector<5120x256xf32> to vector<16x320x256xf32>
    %swap3A_44 = arith.constant 0 : index
    %swap3A_45 = arith.constant 0 : index
    %swap3A_46 = arith.constant 0 : index
    %swap3A_47 = vector.load %arg14[%swap3A_44, %swap3A_45, %swap3A_46] : memref<16x320x256xf32, #tpu.memory_space<vmem>>, vector<16x320x256xf32>
    tpu.vector_store %arg14[%swap3A_44, %swap3A_45, %swap3A_46], %reshape3A_43 {strides = array<i32>} : memref<16x320x256xf32, #tpu.memory_space<vmem>>, vector<16x320x256xf32>,
    %get3A_48 = arith.constant 0 : index
    %get3A_49 = arith.constant 0 : index
    %get3A_50 = vector.load %arg2[%get3A_48, %get3A_49] : memref<320x1xf32, #tpu.memory_space<vmem>>, vector<320x1xf32>
    %get3A_51 = arith.constant 0 : index
    %get3A_52 = arith.constant 0 : index
    %get3A_53 = vector.load %arg7[%get3A_51, %get3A_52] : memref<64x256xbf16, #tpu.memory_space<vmem>>, vector<64x256xbf16>
    %get3A_54 = arith.constant 0 : index
    %get3A_55 = arith.constant 0 : index
    %get3A_56 = vector.load %arg10[%get3A_54, %get3A_55] : memref<64x256xbf16, #tpu.memory_space<vmem>>, vector<64x256xbf16>
    %broadcast_in_dim3A = arith.constant 0.000000e+00 : f32
    %broadcast_in_dim3A_57 = vector.broadcast %broadcast_in_dim3A : f32 to vector<320x64xf32>
    %get3A_58 = arith.constant 0 : index
    %get3A_59 = arith.constant 0 : index
    %get3A_60 = arith.constant 0 : index
    %get3A_61 = vector.load %arg13[%get3A_58, %get3A_59, %get3A_60] : memref<16x320x256xf32, #tpu.memory_space<vmem>>, vector<1x320x256xf32>
    %get3A_62 = vector.shape_cast %get3A_61 : vector<1x320x256xf32> to vector<320x256xf32>
    %convert_element_type3A_63 = arith.truncf %broadcast_in_dim3A_57 : vector<320x64xf32> to vector<320x64xbf16>
    %dot_general3A_64 = arith.constant dense<0.000000e+00> : vector<320x256xf32>
    %dot_general3A_65 = tpu.matmul %convert_element_type3A_63, %get3A_53, %dot_general3A_64 {dimension_numbers = #tpu.dot_dimension_numbers<[1], [0], [0], [1], [0, 0, 1, 1], [], []>, transpose_lhs_hint = false} : vector<320x64xbf16>, vector<64x256xbf16>, vector<320x256xf32> -> vector<320x256xf32>
    %add3A_66 = arith.addf %get3A_62, %dot_general3A_65 : vector<320x256xf32>
    %slice3A = vector.extract_strided_slice %add3A_66 {offsets = [0, 0], sizes = [320, 192], strides = [1, 1]} : vector<320x256xf32> to vector<320x192xf32>
    %mul3A = arith.constant 5.000000e-01 : f32
    %mul3A_67 = vector.broadcast %mul3A : f32 to vector<320x192xf32>
    %mul3A_68 = arith.mulf %mul3A_67, %slice3A : vector<320x192xf32>
    %tanh3A = math.tanh %mul3A_68 : vector<320x192xf32>
    %mul3A_69 = arith.constant 5.000000e-01 : f32
    %mul3A_70 = vector.broadcast %mul3A_69 : f32 to vector<320x192xf32>
    %mul3A_71 = arith.mulf %mul3A_70, %tanh3A : vector<320x192xf32>
    %add3A_72 = arith.constant 5.000000e-01 : f32
    %add3A_73 = vector.broadcast %add3A_72 : f32 to vector<320x192xf32>
    %add3A_74 = arith.addf %add3A_73, %mul3A_71 : vector<320x192xf32>
    %slice3A_75 = vector.extract_strided_slice %add3A_66 {offsets = [0, 192], sizes = [320, 64], strides = [1, 1]} : vector<320x256xf32> to vector<320x64xf32>
    %tanh3A_76 = math.tanh %slice3A_75 : vector<320x64xf32>
    %slice3A_77 = vector.extract_strided_slice %add3A_74 {offsets = [0, 0], sizes = [320, 64], strides = [1, 1]} : vector<320x192xf32> to vector<320x64xf32>
    %slice3A_78 = vector.extract_strided_slice %add3A_74 {offsets = [0, 64], sizes = [320, 64], strides = [1, 1]} : vector<320x192xf32> to vector<320x64xf32>
    %slice3A_79 = vector.extract_strided_slice %add3A_74 {offsets = [0, 128], sizes = [320, 64], strides = [1, 1]} : vector<320x192xf32> to vector<320x64xf32>
    %mul3A_80 = arith.mulf %slice3A_78, %broadcast_in_dim3A_57 : vector<320x64xf32>
    %mul3A_81 = arith.mulf %slice3A_77, %tanh3A_76 : vector<320x64xf32>
    %add3A_82 = arith.addf %mul3A_80, %mul3A_81 : vector<320x64xf32>
    %tanh3A_83 = math.tanh %add3A_82 : vector<320x64xf32>
    %mul3A_84 = arith.mulf %slice3A_79, %tanh3A_83 : vector<320x64xf32>
    %gt3A = arith.constant 0.000000e+00 : f32
    %gt3A_85 = vector.broadcast %gt3A : f32 to vector<320x1xf32>
    %gt3A_86 = arith.cmpf ogt, %get3A_50, %gt3A_85 : vector<320x1xf32>
    %broadcast_in_dim3A_87 = vector.shape_cast %gt3A_86 : vector<320x1xi1> to vector<320x1xi1>
    %broadcast_in_dim3A_88 = vector.broadcast %broadcast_in_dim3A_87 : vector<320x1xi1> to vector<320x64xi1>
    %select_n3A = arith.select %broadcast_in_dim3A_88, %mul3A_84, %broadcast_in_dim3A_57 : vector<320x64xi1>, vector<320x64xf32>
    %broadcast_in_dim3A_89 = vector.shape_cast %gt3A_86 : vector<320x1xi1> to vector<320x1xi1>
    %broadcast_in_dim3A_90 = vector.broadcast %broadcast_in_dim3A_89 : vector<320x1xi1> to vector<320x64xi1>
    %select_n3A_91 = arith.select %broadcast_in_dim3A_90, %add3A_82, %broadcast_in_dim3A_57 : vector<320x64xi1>, vector<320x64xf32>
    %get3A_92 = arith.constant 15 : index
    %get3A_93 = arith.constant 0 : index
    %get3A_94 = arith.constant 0 : index
    %get3A_95 = vector.load %arg14[%get3A_92, %get3A_93, %get3A_94] : memref<16x320x256xf32, #tpu.memory_space<vmem>>, vector<1x320x256xf32>
    %get3A_96 = vector.shape_cast %get3A_95 : vector<1x320x256xf32> to vector<320x256xf32>
    %convert_element_type3A_97 = arith.truncf %broadcast_in_dim3A_57 : vector<320x64xf32> to vector<320x64xbf16>
    %dot_general3A_98 = arith.constant dense<0.000000e+00> : vector<320x256xf32>
    %dot_general3A_99 = tpu.matmul %convert_element_type3A_97, %get3A_56, %dot_general3A_98 {dimension_numbers = #tpu.dot_dimension_numbers<[1], [0], [0], [1], [0, 0, 1, 1], [], []>, transpose_lhs_hint = false} : vector<320x64xbf16>, vector<64x256xbf16>, vector<320x256xf32> -> vector<320x256xf32>
    %add3A_100 = arith.addf %get3A_96, %dot_general3A_99 : vector<320x256xf32>
    %slice3A_101 = vector.extract_strided_slice %add3A_100 {offsets = [0, 0], sizes = [320, 192], strides = [1, 1]} : vector<320x256xf32> to vector<320x192xf32>
    %mul3A_102 = arith.constant 5.000000e-01 : f32
    %mul3A_103 = vector.broadcast %mul3A_102 : f32 to vector<320x192xf32>
    %mul3A_104 = arith.mulf %mul3A_103, %slice3A_101 : vector<320x192xf32>
    %tanh3A_105 = math.tanh %mul3A_104 : vector<320x192xf32>
    %mul3A_106 = arith.constant 5.000000e-01 : f32
    %mul3A_107 = vector.broadcast %mul3A_106 : f32 to vector<320x192xf32>
    %mul3A_108 = arith.mulf %mul3A_107, %tanh3A_105 : vector<320x192xf32>
    %add3A_109 = arith.constant 5.000000e-01 : f32
    %add3A_110 = vector.broadcast %add3A_109 : f32 to vector<320x192xf32>
    %add3A_111 = arith.addf %add3A_110, %mul3A_108 : vector<320x192xf32>
    %slice3A_112 = vector.extract_strided_slice %add3A_100 {offsets = [0, 192], sizes = [320, 64], strides = [1, 1]} : vector<320x256xf32> to vector<320x64xf32>
    %tanh3A_113 = math.tanh %slice3A_112 : vector<320x64xf32>
    %slice3A_114 = vector.extract_strided_slice %add3A_111 {offsets = [0, 0], sizes = [320, 64], strides = [1, 1]} : vector<320x192xf32> to vector<320x64xf32>
    %slice3A_115 = vector.extract_strided_slice %add3A_111 {offsets = [0, 64], sizes = [320, 64], strides = [1, 1]} : vector<320x192xf32> to vector<320x64xf32>
    %slice3A_116 = vector.extract_strided_slice %add3A_111 {offsets = [0, 128], sizes = [320, 64], strides = [1, 1]} : vector<320x192xf32> to vector<320x64xf32>
    %mul3A_117 = arith.mulf %slice3A_115, %broadcast_in_dim3A_57 : vector<320x64xf32>
    %mul3A_118 = arith.mulf %slice3A_114, %tanh3A_113 : vector<320x64xf32>
    %add3A_119 = arith.addf %mul3A_117, %mul3A_118 : vector<320x64xf32>
    %tanh3A_120 = math.tanh %add3A_119 : vector<320x64xf32>
    %mul3A_121 = arith.mulf %slice3A_116, %tanh3A_120 : vector<320x64xf32>
    %gt3A_122 = arith.constant 1.500000e+01 : f32
    %gt3A_123 = vector.broadcast %gt3A_122 : f32 to vector<320x1xf32>
    %gt3A_124 = arith.cmpf ogt, %get3A_50, %gt3A_123 : vector<320x1xf32>
    %broadcast_in_dim3A_125 = vector.shape_cast %gt3A_124 : vector<320x1xi1> to vector<320x1xi1>
    %broadcast_in_dim3A_126 = vector.broadcast %broadcast_in_dim3A_125 : vector<320x1xi1> to vector<320x64xi1>
    %select_n3A_127 = arith.select %broadcast_in_dim3A_126, %mul3A_121, %broadcast_in_dim3A_57 : vector<320x64xi1>, vector<320x64xf32>
    %broadcast_in_dim3A_128 = vector.shape_cast %gt3A_124 : vector<320x1xi1> to vector<320x1xi1>
    %broadcast_in_dim3A_129 = vector.broadcast %broadcast_in_dim3A_128 : vector<320x1xi1> to vector<320x64xi1>
    %select_n3A_130 = arith.select %broadcast_in_dim3A_129, %add3A_119, %broadcast_in_dim3A_57 : vector<320x64xi1>, vector<320x64xf32>
    %get3A_131 = arith.constant 1 : index
    %get3A_132 = arith.constant 0 : index
    %get3A_133 = arith.constant 0 : index
    %get3A_134 = vector.load %arg13[%get3A_131, %get3A_132, %get3A_133] : memref<16x320x256xf32, #tpu.memory_space<vmem>>, vector<1x320x256xf32>
    %get3A_135 = vector.shape_cast %get3A_134 : vector<1x320x256xf32> to vector<320x256xf32>
    %convert_element_type3A_136 = arith.truncf %select_n3A : vector<320x64xf32> to vector<320x64xbf16>
    %dot_general3A_137 = arith.constant dense<0.000000e+00> : vector<320x256xf32>
    %dot_general3A_138 = tpu.matmul %convert_element_type3A_136, %get3A_53, %dot_general3A_137 {dimension_numbers = #tpu.dot_dimension_numbers<[1], [0], [0], [1], [0, 0, 1, 1], [], []>, transpose_lhs_hint = false} : vector<320x64xbf16>, vector<64x256xbf16>, vector<320x256xf32> -> vector<320x256xf32>
    %add3A_139 = arith.addf %get3A_135, %dot_general3A_138 : vector<320x256xf32>
    %slice3A_140 = vector.extract_strided_slice %add3A_139 {offsets = [0, 0], sizes = [320, 192], strides = [1, 1]} : vector<320x256xf32> to vector<320x192xf32>
    %mul3A_141 = arith.constant 5.000000e-01 : f32
    %mul3A_142 = vector.broadcast %mul3A_141 : f32 to vector<320x192xf32>
    %mul3A_143 = arith.mulf %mul3A_142, %slice3A_140 : vector<320x192xf32>
    %tanh3A_144 = math.tanh %mul3A_143 : vector<320x192xf32>
    %mul3A_145 = arith.constant 5.000000e-01 : f32
    %mul3A_146 = vector.broadcast %mul3A_145 : f32 to vector<320x192xf32>
    %mul3A_147 = arith.mulf %mul3A_146, %tanh3A_144 : vector<320x192xf32>
    %add3A_148 = arith.constant 5.000000e-01 : f32
    %add3A_149 = vector.broadcast %add3A_148 : f32 to vector<320x192xf32>
    %add3A_150 = arith.addf %add3A_149, %mul3A_147 : vector<320x192xf32>
    %slice3A_151 = vector.extract_strided_slice %add3A_139 {offsets = [0, 192], sizes = [320, 64], strides = [1, 1]} : vector<320x256xf32> to vector<320x64xf32>
    %tanh3A_152 = math.tanh %slice3A_151 : vector<320x64xf32>
    %slice3A_153 = vector.extract_strided_slice %add3A_150 {offsets = [0, 0], sizes = [320, 64], strides = [1, 1]} : vector<320x192xf32> to vector<320x64xf32>
    %slice3A_154 = vector.extract_strided_slice %add3A_150 {offsets = [0, 64], sizes = [320, 64], strides = [1, 1]} : vector<320x192xf32> to vector<320x64xf32>
    %slice3A_155 = vector.extract_strided_slice %add3A_150 {offsets = [0, 128], sizes = [320, 64], strides = [1, 1]} : vector<320x192xf32> to vector<320x64xf32>
    %mul3A_156 = arith.mulf %slice3A_154, %select_n3A_91 : vector<320x64xf32>
    %mul3A_157 = arith.mulf %slice3A_153, %tanh3A_152 : vector<320x64xf32>
    %add3A_158 = arith.addf %mul3A_156, %mul3A_157 : vector<320x64xf32>
    %tanh3A_159 = math.tanh %add3A_158 : vector<320x64xf32>
    %mul3A_160 = arith.mulf %slice3A_155, %tanh3A_159 : vector<320x64xf32>
    %gt3A_161 = arith.constant 1.000000e+00 : f32
    %gt3A_162 = vector.broadcast %gt3A_161 : f32 to vector<320x1xf32>
    %gt3A_163 = arith.cmpf ogt, %get3A_50, %gt3A_162 : vector<320x1xf32>
    %broadcast_in_dim3A_164 = vector.shape_cast %gt3A_163 : vector<320x1xi1> to vector<320x1xi1>
    %broadcast_in_dim3A_165 = vector.broadcast %broadcast_in_dim3A_164 : vector<320x1xi1> to vector<320x64xi1>
    %select_n3A_166 = arith.select %broadcast_in_dim3A_165, %mul3A_160, %select_n3A : vector<320x64xi1>, vector<320x64xf32>
    %broadcast_in_dim3A_167 = vector.shape_cast %gt3A_163 : vector<320x1xi1> to vector<320x1xi1>
    %broadcast_in_dim3A_168 = vector.broadcast %broadcast_in_dim3A_167 : vector<320x1xi1> to vector<320x64xi1>
    %select_n3A_169 = arith.select %broadcast_in_dim3A_168, %add3A_158, %select_n3A_91 : vector<320x64xi1>, vector<320x64xf32>
    %get3A_170 = arith.constant 14 : index
    %get3A_171 = arith.constant 0 : index
    %get3A_172 = arith.constant 0 : index
    %get3A_173 = vector.load %arg14[%get3A_170, %get3A_171, %get3A_172] : memref<16x320x256xf32, #tpu.memory_space<vmem>>, vector<1x320x256xf32>
    %get3A_174 = vector.shape_cast %get3A_173 : vector<1x320x256xf32> to vector<320x256xf32>
    %convert_element_type3A_175 = arith.truncf %select_n3A_127 : vector<320x64xf32> to vector<320x64xbf16>
    %dot_general3A_176 = arith.constant dense<0.000000e+00> : vector<320x256xf32>
    %dot_general3A_177 = tpu.matmul %convert_element_type3A_175, %get3A_56, %dot_general3A_176 {dimension_numbers = #tpu.dot_dimension_numbers<[1], [0], [0], [1], [0, 0, 1, 1], [], []>, transpose_lhs_hint = false} : vector<320x64xbf16>, vector<64x256xbf16>, vector<320x256xf32> -> vector<320x256xf32>
    %add3A_178 = arith.addf %get3A_174, %dot_general3A_177 : vector<320x256xf32>
    %slice3A_179 = vector.extract_strided_slice %add3A_178 {offsets = [0, 0], sizes = [320, 192], strides = [1, 1]} : vector<320x256xf32> to vector<320x192xf32>
    %mul3A_180 = arith.constant 5.000000e-01 : f32
    %mul3A_181 = vector.broadcast %mul3A_180 : f32 to vector<320x192xf32>
    %mul3A_182 = arith.mulf %mul3A_181, %slice3A_179 : vector<320x192xf32>
    %tanh3A_183 = math.tanh %mul3A_182 : vector<320x192xf32>
    %mul3A_184 = arith.constant 5.000000e-01 : f32
    %mul3A_185 = vector.broadcast %mul3A_184 : f32 to vector<320x192xf32>
    %mul3A_186 = arith.mulf %mul3A_185, %tanh3A_183 : vector<320x192xf32>
    %add3A_187 = arith.constant 5.000000e-01 : f32
    %add3A_188 = vector.broadcast %add3A_187 : f32 to vector<320x192xf32>
    %add3A_189 = arith.addf %add3A_188, %mul3A_186 : vector<320x192xf32>
    %slice3A_190 = vector.extract_strided_slice %add3A_178 {offsets = [0, 192], sizes = [320, 64], strides = [1, 1]} : vector<320x256xf32> to vector<320x64xf32>
    %tanh3A_191 = math.tanh %slice3A_190 : vector<320x64xf32>
    %slice3A_192 = vector.extract_strided_slice %add3A_189 {offsets = [0, 0], sizes = [320, 64], strides = [1, 1]} : vector<320x192xf32> to vector<320x64xf32>
    %slice3A_193 = vector.extract_strided_slice %add3A_189 {offsets = [0, 64], sizes = [320, 64], strides = [1, 1]} : vector<320x192xf32> to vector<320x64xf32>
    %slice3A_194 = vector.extract_strided_slice %add3A_189 {offsets = [0, 128], sizes = [320, 64], strides = [1, 1]} : vector<320x192xf32> to vector<320x64xf32>
    %mul3A_195 = arith.mulf %slice3A_193, %select_n3A_130 : vector<320x64xf32>
    %mul3A_196 = arith.mulf %slice3A_192, %tanh3A_191 : vector<320x64xf32>
    %add3A_197 = arith.addf %mul3A_195, %mul3A_196 : vector<320x64xf32>
    %tanh3A_198 = math.tanh %add3A_197 : vector<320x64xf32>
    %mul3A_199 = arith.mulf %slice3A_194, %tanh3A_198 : vector<320x64xf32>
    %gt3A_200 = arith.constant 1.400000e+01 : f32
    %gt3A_201 = vector.broadcast %gt3A_200 : f32 to vector<320x1xf32>
    %gt3A_202 = arith.cmpf ogt, %get3A_50, %gt3A_201 : vector<320x1xf32>
    %broadcast_in_dim3A_203 = vector.shape_cast %gt3A_202 : vector<320x1xi1> to vector<320x1xi1>
    %broadcast_in_dim3A_204 = vector.broadcast %broadcast_in_dim3A_203 : vector<320x1xi1> to vector<320x64xi1>
    %select_n3A_205 = arith.select %broadcast_in_dim3A_204, %mul3A_199, %select_n3A_127 : vector<320x64xi1>, vector<320x64xf32>
    %broadcast_in_dim3A_206 = vector.shape_cast %gt3A_202 : vector<320x1xi1> to vector<320x1xi1>
    %broadcast_in_dim3A_207 = vector.broadcast %broadcast_in_dim3A_206 : vector<320x1xi1> to vector<320x64xi1>
    %select_n3A_208 = arith.select %broadcast_in_dim3A_207, %add3A_197, %select_n3A_130 : vector<320x64xi1>, vector<320x64xf32>
    %get3A_209 = arith.constant 2 : index
    %get3A_210 = arith.constant 0 : index
    %get3A_211 = arith.constant 0 : index
    %get3A_212 = vector.load %arg13[%get3A_209, %get3A_210, %get3A_211] : memref<16x320x256xf32, #tpu.memory_space<vmem>>, vector<1x320x256xf32>
    %get3A_213 = vector.shape_cast %get3A_212 : vector<1x320x256xf32> to vector<320x256xf32>
    %convert_element_type3A_214 = arith.truncf %select_n3A_166 : vector<320x64xf32> to vector<320x64xbf16>
    %dot_general3A_215 = arith.constant dense<0.000000e+00> : vector<320x256xf32>
    %dot_general3A_216 = tpu.matmul %convert_element_type3A_214, %get3A_53, %dot_general3A_215 {dimension_numbers = #tpu.dot_dimension_numbers<[1], [0], [0], [1], [0, 0, 1, 1], [], []>, transpose_lhs_hint = false} : vector<320x64xbf16>, vector<64x256xbf16>, vector<320x256xf32> -> vector<320x256xf32>
    %add3A_217 = arith.addf %get3A_213, %dot_general3A_216 : vector<320x256xf32>
    %slice3A_218 = vector.extract_strided_slice %add3A_217 {offsets = [0, 0], sizes = [320, 192], strides = [1, 1]} : vector<320x256xf32> to vector<320x192xf32>
    %mul3A_219 = arith.constant 5.000000e-01 : f32
    %mul3A_220 = vector.broadcast %mul3A_219 : f32 to vector<320x192xf32>
    %mul3A_221 = arith.mulf %mul3A_220, %slice3A_218 : vector<320x192xf32>
    %tanh3A_222 = math.tanh %mul3A_221 : vector<320x192xf32>
    %mul3A_223 = arith.constant 5.000000e-01 : f32
    %mul3A_224 = vector.broadcast %mul3A_223 : f32 to vector<320x192xf32>
    %mul3A_225 = arith.mulf %mul3A_224, %tanh3A_222 : vector<320x192xf32>
    %add3A_226 = arith.constant 5.000000e-01 : f32
    %add3A_227 = vector.broadcast %add3A_226 : f32 to vector<320x192xf32>
    %add3A_228 = arith.addf %add3A_227, %mul3A_225 : vector<320x192xf32>
    %slice3A_229 = vector.extract_strided_slice %add3A_217 {offsets = [0, 192], sizes = [320, 64], strides = [1, 1]} : vector<320x256xf32> to vector<320x64xf32>
    %tanh3A_230 = math.tanh %slice3A_229 : vector<320x64xf32>
    %slice3A_231 = vector.extract_strided_slice %add3A_228 {offsets = [0, 0], sizes = [320, 64], strides = [1, 1]} : vector<320x192xf32> to vector<320x64xf32>
    %slice3A_232 = vector.extract_strided_slice %add3A_228 {offsets = [0, 64], sizes = [320, 64], strides = [1, 1]} : vector<320x192xf32> to vector<320x64xf32>
    %slice3A_233 = vector.extract_strided_slice %add3A_228 {offsets = [0, 128], sizes = [320, 64], strides = [1, 1]} : vector<320x192xf32> to vector<320x64xf32>
    %mul3A_234 = arith.mulf %slice3A_232, %select_n3A_169 : vector<320x64xf32>
    %mul3A_235 = arith.mulf %slice3A_231, %tanh3A_230 : vector<320x64xf32>
    %add3A_236 = arith.addf %mul3A_234, %mul3A_235 : vector<320x64xf32>
    %tanh3A_237 = math.tanh %add3A_236 : vector<320x64xf32>
    %mul3A_238 = arith.mulf %slice3A_233, %tanh3A_237 : vector<320x64xf32>
    %gt3A_239 = arith.constant 2.000000e+00 : f32
    %gt3A_240 = vector.broadcast %gt3A_239 : f32 to vector<320x1xf32>
    %gt3A_241 = arith.cmpf ogt, %get3A_50, %gt3A_240 : vector<320x1xf32>
    %broadcast_in_dim3A_242 = vector.shape_cast %gt3A_241 : vector<320x1xi1> to vector<320x1xi1>
    %broadcast_in_dim3A_243 = vector.broadcast %broadcast_in_dim3A_242 : vector<320x1xi1> to vector<320x64xi1>
    %select_n3A_244 = arith.select %broadcast_in_dim3A_243, %mul3A_238, %select_n3A_166 : vector<320x64xi1>, vector<320x64xf32>
    %broadcast_in_dim3A_245 = vector.shape_cast %gt3A_241 : vector<320x1xi1> to vector<320x1xi1>
    %broadcast_in_dim3A_246 = vector.broadcast %broadcast_in_dim3A_245 : vector<320x1xi1> to vector<320x64xi1>
    %select_n3A_247 = arith.select %broadcast_in_dim3A_246, %add3A_236, %select_n3A_169 : vector<320x64xi1>, vector<320x64xf32>
    %get3A_248 = arith.constant 13 : index
    %get3A_249 = arith.constant 0 : index
    %get3A_250 = arith.constant 0 : index
    %get3A_251 = vector.load %arg14[%get3A_248, %get3A_249, %get3A_250] : memref<16x320x256xf32, #tpu.memory_space<vmem>>, vector<1x320x256xf32>
    %get3A_252 = vector.shape_cast %get3A_251 : vector<1x320x256xf32> to vector<320x256xf32>
    %convert_element_type3A_253 = arith.truncf %select_n3A_205 : vector<320x64xf32> to vector<320x64xbf16>
    %dot_general3A_254 = arith.constant dense<0.000000e+00> : vector<320x256xf32>
    %dot_general3A_255 = tpu.matmul %convert_element_type3A_253, %get3A_56, %dot_general3A_254 {dimension_numbers = #tpu.dot_dimension_numbers<[1], [0], [0], [1], [0, 0, 1, 1], [], []>, transpose_lhs_hint = false} : vector<320x64xbf16>, vector<64x256xbf16>, vector<320x256xf32> -> vector<320x256xf32>
    %add3A_256 = arith.addf %get3A_252, %dot_general3A_255 : vector<320x256xf32>
    %slice3A_257 = vector.extract_strided_slice %add3A_256 {offsets = [0, 0], sizes = [320, 192], strides = [1, 1]} : vector<320x256xf32> to vector<320x192xf32>
    %mul3A_258 = arith.constant 5.000000e-01 : f32
    %mul3A_259 = vector.broadcast %mul3A_258 : f32 to vector<320x192xf32>
    %mul3A_260 = arith.mulf %mul3A_259, %slice3A_257 : vector<320x192xf32>
    %tanh3A_261 = math.tanh %mul3A_260 : vector<320x192xf32>
    %mul3A_262 = arith.constant 5.000000e-01 : f32
    %mul3A_263 = vector.broadcast %mul3A_262 : f32 to vector<320x192xf32>
    %mul3A_264 = arith.mulf %mul3A_263, %tanh3A_261 : vector<320x192xf32>
    %add3A_265 = arith.constant 5.000000e-01 : f32
    %add3A_266 = vector.broadcast %add3A_265 : f32 to vector<320x192xf32>
    %add3A_267 = arith.addf %add3A_266, %mul3A_264 : vector<320x192xf32>
    %slice3A_268 = vector.extract_strided_slice %add3A_256 {offsets = [0, 192], sizes = [320, 64], strides = [1, 1]} : vector<320x256xf32> to vector<320x64xf32>
    %tanh3A_269 = math.tanh %slice3A_268 : vector<320x64xf32>
    %slice3A_270 = vector.extract_strided_slice %add3A_267 {offsets = [0, 0], sizes = [320, 64], strides = [1, 1]} : vector<320x192xf32> to vector<320x64xf32>
    %slice3A_271 = vector.extract_strided_slice %add3A_267 {offsets = [0, 64], sizes = [320, 64], strides = [1, 1]} : vector<320x192xf32> to vector<320x64xf32>
    %slice3A_272 = vector.extract_strided_slice %add3A_267 {offsets = [0, 128], sizes = [320, 64], strides = [1, 1]} : vector<320x192xf32> to vector<320x64xf32>
    %mul3A_273 = arith.mulf %slice3A_271, %select_n3A_208 : vector<320x64xf32>
    %mul3A_274 = arith.mulf %slice3A_270, %tanh3A_269 : vector<320x64xf32>
    %add3A_275 = arith.addf %mul3A_273, %mul3A_274 : vector<320x64xf32>
    %tanh3A_276 = math.tanh %add3A_275 : vector<320x64xf32>
    %mul3A_277 = arith.mulf %slice3A_272, %tanh3A_276 : vector<320x64xf32>
    %gt3A_278 = arith.constant 1.300000e+01 : f32
    %gt3A_279 = vector.broadcast %gt3A_278 : f32 to vector<320x1xf32>
    %gt3A_280 = arith.cmpf ogt, %get3A_50, %gt3A_279 : vector<320x1xf32>
    %broadcast_in_dim3A_281 = vector.shape_cast %gt3A_280 : vector<320x1xi1> to vector<320x1xi1>
    %broadcast_in_dim3A_282 = vector.broadcast %broadcast_in_dim3A_281 : vector<320x1xi1> to vector<320x64xi1>
    %select_n3A_283 = arith.select %broadcast_in_dim3A_282, %mul3A_277, %select_n3A_205 : vector<320x64xi1>, vector<320x64xf32>
    %broadcast_in_dim3A_284 = vector.shape_cast %gt3A_280 : vector<320x1xi1> to vector<320x1xi1>
    %broadcast_in_dim3A_285 = vector.broadcast %broadcast_in_dim3A_284 : vector<320x1xi1> to vector<320x64xi1>
    %select_n3A_286 = arith.select %broadcast_in_dim3A_285, %add3A_275, %select_n3A_208 : vector<320x64xi1>, vector<320x64xf32>
    %get3A_287 = arith.constant 3 : index
    %get3A_288 = arith.constant 0 : index
    %get3A_289 = arith.constant 0 : index
    %get3A_290 = vector.load %arg13[%get3A_287, %get3A_288, %get3A_289] : memref<16x320x256xf32, #tpu.memory_space<vmem>>, vector<1x320x256xf32>
    %get3A_291 = vector.shape_cast %get3A_290 : vector<1x320x256xf32> to vector<320x256xf32>
    %convert_element_type3A_292 = arith.truncf %select_n3A_244 : vector<320x64xf32> to vector<320x64xbf16>
    %dot_general3A_293 = arith.constant dense<0.000000e+00> : vector<320x256xf32>
    %dot_general3A_294 = tpu.matmul %convert_element_type3A_292, %get3A_53, %dot_general3A_293 {dimension_numbers = #tpu.dot_dimension_numbers<[1], [0], [0], [1], [0, 0, 1, 1], [], []>, transpose_lhs_hint = false} : vector<320x64xbf16>, vector<64x256xbf16>, vector<320x256xf32> -> vector<320x256xf32>
    %add3A_295 = arith.addf %get3A_291, %dot_general3A_294 : vector<320x256xf32>
    %slice3A_296 = vector.extract_strided_slice %add3A_295 {offsets = [0, 0], sizes = [320, 192], strides = [1, 1]} : vector<320x256xf32> to vector<320x192xf32>
    %mul3A_297 = arith.constant 5.000000e-01 : f32
    %mul3A_298 = vector.broadcast %mul3A_297 : f32 to vector<320x192xf32>
    %mul3A_299 = arith.mulf %mul3A_298, %slice3A_296 : vector<320x192xf32>
    %tanh3A_300 = math.tanh %mul3A_299 : vector<320x192xf32>
    %mul3A_301 = arith.constant 5.000000e-01 : f32
    %mul3A_302 = vector.broadcast %mul3A_301 : f32 to vector<320x192xf32>
    %mul3A_303 = arith.mulf %mul3A_302, %tanh3A_300 : vector<320x192xf32>
    %add3A_304 = arith.constant 5.000000e-01 : f32
    %add3A_305 = vector.broadcast %add3A_304 : f32 to vector<320x192xf32>
    %add3A_306 = arith.addf %add3A_305, %mul3A_303 : vector<320x192xf32>
    %slice3A_307 = vector.extract_strided_slice %add3A_295 {offsets = [0, 192], sizes = [320, 64], strides = [1, 1]} : vector<320x256xf32> to vector<320x64xf32>
    %tanh3A_308 = math.tanh %slice3A_307 : vector<320x64xf32>
    %slice3A_309 = vector.extract_strided_slice %add3A_306 {offsets = [0, 0], sizes = [320, 64], strides = [1, 1]} : vector<320x192xf32> to vector<320x64xf32>
    %slice3A_310 = vector.extract_strided_slice %add3A_306 {offsets = [0, 64], sizes = [320, 64], strides = [1, 1]} : vector<320x192xf32> to vector<320x64xf32>
    %slice3A_311 = vector.extract_strided_slice %add3A_306 {offsets = [0, 128], sizes = [320, 64], strides = [1, 1]} : vector<320x192xf32> to vector<320x64xf32>
    %mul3A_312 = arith.mulf %slice3A_310, %select_n3A_247 : vector<320x64xf32>
    %mul3A_313 = arith.mulf %slice3A_309, %tanh3A_308 : vector<320x64xf32>
    %add3A_314 = arith.addf %mul3A_312, %mul3A_313 : vector<320x64xf32>
    %tanh3A_315 = math.tanh %add3A_314 : vector<320x64xf32>
    %mul3A_316 = arith.mulf %slice3A_311, %tanh3A_315 : vector<320x64xf32>
    %gt3A_317 = arith.constant 3.000000e+00 : f32
    %gt3A_318 = vector.broadcast %gt3A_317 : f32 to vector<320x1xf32>
    %gt3A_319 = arith.cmpf ogt, %get3A_50, %gt3A_318 : vector<320x1xf32>
    %broadcast_in_dim3A_320 = vector.shape_cast %gt3A_319 : vector<320x1xi1> to vector<320x1xi1>
    %broadcast_in_dim3A_321 = vector.broadcast %broadcast_in_dim3A_320 : vector<320x1xi1> to vector<320x64xi1>
    %select_n3A_322 = arith.select %broadcast_in_dim3A_321, %mul3A_316, %select_n3A_244 : vector<320x64xi1>, vector<320x64xf32>
    %broadcast_in_dim3A_323 = vector.shape_cast %gt3A_319 : vector<320x1xi1> to vector<320x1xi1>
    %broadcast_in_dim3A_324 = vector.broadcast %broadcast_in_dim3A_323 : vector<320x1xi1> to vector<320x64xi1>
    %select_n3A_325 = arith.select %broadcast_in_dim3A_324, %add3A_314, %select_n3A_247 : vector<320x64xi1>, vector<320x64xf32>
    %get3A_326 = arith.constant 12 : index
    %get3A_327 = arith.constant 0 : index
    %get3A_328 = arith.constant 0 : index
    %get3A_329 = vector.load %arg14[%get3A_326, %get3A_327, %get3A_328] : memref<16x320x256xf32, #tpu.memory_space<vmem>>, vector<1x320x256xf32>
    %get3A_330 = vector.shape_cast %get3A_329 : vector<1x320x256xf32> to vector<320x256xf32>
    %convert_element_type3A_331 = arith.truncf %select_n3A_283 : vector<320x64xf32> to vector<320x64xbf16>
    %dot_general3A_332 = arith.constant dense<0.000000e+00> : vector<320x256xf32>
    %dot_general3A_333 = tpu.matmul %convert_element_type3A_331, %get3A_56, %dot_general3A_332 {dimension_numbers = #tpu.dot_dimension_numbers<[1], [0], [0], [1], [0, 0, 1, 1], [], []>, transpose_lhs_hint = false} : vector<320x64xbf16>, vector<64x256xbf16>, vector<320x256xf32> -> vector<320x256xf32>
    %add3A_334 = arith.addf %get3A_330, %dot_general3A_333 : vector<320x256xf32>
    %slice3A_335 = vector.extract_strided_slice %add3A_334 {offsets = [0, 0], sizes = [320, 192], strides = [1, 1]} : vector<320x256xf32> to vector<320x192xf32>
    %mul3A_336 = arith.constant 5.000000e-01 : f32
    %mul3A_337 = vector.broadcast %mul3A_336 : f32 to vector<320x192xf32>
    %mul3A_338 = arith.mulf %mul3A_337, %slice3A_335 : vector<320x192xf32>
    %tanh3A_339 = math.tanh %mul3A_338 : vector<320x192xf32>
    %mul3A_340 = arith.constant 5.000000e-01 : f32
    %mul3A_341 = vector.broadcast %mul3A_340 : f32 to vector<320x192xf32>
    %mul3A_342 = arith.mulf %mul3A_341, %tanh3A_339 : vector<320x192xf32>
    %add3A_343 = arith.constant 5.000000e-01 : f32
    %add3A_344 = vector.broadcast %add3A_343 : f32 to vector<320x192xf32>
    %add3A_345 = arith.addf %add3A_344, %mul3A_342 : vector<320x192xf32>
    %slice3A_346 = vector.extract_strided_slice %add3A_334 {offsets = [0, 192], sizes = [320, 64], strides = [1, 1]} : vector<320x256xf32> to vector<320x64xf32>
    %tanh3A_347 = math.tanh %slice3A_346 : vector<320x64xf32>
    %slice3A_348 = vector.extract_strided_slice %add3A_345 {offsets = [0, 0], sizes = [320, 64], strides = [1, 1]} : vector<320x192xf32> to vector<320x64xf32>
    %slice3A_349 = vector.extract_strided_slice %add3A_345 {offsets = [0, 64], sizes = [320, 64], strides = [1, 1]} : vector<320x192xf32> to vector<320x64xf32>
    %slice3A_350 = vector.extract_strided_slice %add3A_345 {offsets = [0, 128], sizes = [320, 64], strides = [1, 1]} : vector<320x192xf32> to vector<320x64xf32>
    %mul3A_351 = arith.mulf %slice3A_349, %select_n3A_286 : vector<320x64xf32>
    %mul3A_352 = arith.mulf %slice3A_348, %tanh3A_347 : vector<320x64xf32>
    %add3A_353 = arith.addf %mul3A_351, %mul3A_352 : vector<320x64xf32>
    %tanh3A_354 = math.tanh %add3A_353 : vector<320x64xf32>
    %mul3A_355 = arith.mulf %slice3A_350, %tanh3A_354 : vector<320x64xf32>
    %gt3A_356 = arith.constant 1.200000e+01 : f32
    %gt3A_357 = vector.broadcast %gt3A_356 : f32 to vector<320x1xf32>
    %gt3A_358 = arith.cmpf ogt, %get3A_50, %gt3A_357 : vector<320x1xf32>
    %broadcast_in_dim3A_359 = vector.shape_cast %gt3A_358 : vector<320x1xi1> to vector<320x1xi1>
    %broadcast_in_dim3A_360 = vector.broadcast %broadcast_in_dim3A_359 : vector<320x1xi1> to vector<320x64xi1>
    %select_n3A_361 = arith.select %broadcast_in_dim3A_360, %mul3A_355, %select_n3A_283 : vector<320x64xi1>, vector<320x64xf32>
    %broadcast_in_dim3A_362 = vector.shape_cast %gt3A_358 : vector<320x1xi1> to vector<320x1xi1>
    %broadcast_in_dim3A_363 = vector.broadcast %broadcast_in_dim3A_362 : vector<320x1xi1> to vector<320x64xi1>
    %select_n3A_364 = arith.select %broadcast_in_dim3A_363, %add3A_353, %select_n3A_286 : vector<320x64xi1>, vector<320x64xf32>
    %get3A_365 = arith.constant 4 : index
    %get3A_366 = arith.constant 0 : index
    %get3A_367 = arith.constant 0 : index
    %get3A_368 = vector.load %arg13[%get3A_365, %get3A_366, %get3A_367] : memref<16x320x256xf32, #tpu.memory_space<vmem>>, vector<1x320x256xf32>
    %get3A_369 = vector.shape_cast %get3A_368 : vector<1x320x256xf32> to vector<320x256xf32>
    %convert_element_type3A_370 = arith.truncf %select_n3A_322 : vector<320x64xf32> to vector<320x64xbf16>
    %dot_general3A_371 = arith.constant dense<0.000000e+00> : vector<320x256xf32>
    %dot_general3A_372 = tpu.matmul %convert_element_type3A_370, %get3A_53, %dot_general3A_371 {dimension_numbers = #tpu.dot_dimension_numbers<[1], [0], [0], [1], [0, 0, 1, 1], [], []>, transpose_lhs_hint = false} : vector<320x64xbf16>, vector<64x256xbf16>, vector<320x256xf32> -> vector<320x256xf32>
    %add3A_373 = arith.addf %get3A_369, %dot_general3A_372 : vector<320x256xf32>
    %slice3A_374 = vector.extract_strided_slice %add3A_373 {offsets = [0, 0], sizes = [320, 192], strides = [1, 1]} : vector<320x256xf32> to vector<320x192xf32>
    %mul3A_375 = arith.constant 5.000000e-01 : f32
    %mul3A_376 = vector.broadcast %mul3A_375 : f32 to vector<320x192xf32>
    %mul3A_377 = arith.mulf %mul3A_376, %slice3A_374 : vector<320x192xf32>
    %tanh3A_378 = math.tanh %mul3A_377 : vector<320x192xf32>
    %mul3A_379 = arith.constant 5.000000e-01 : f32
    %mul3A_380 = vector.broadcast %mul3A_379 : f32 to vector<320x192xf32>
    %mul3A_381 = arith.mulf %mul3A_380, %tanh3A_378 : vector<320x192xf32>
    %add3A_382 = arith.constant 5.000000e-01 : f32
    %add3A_383 = vector.broadcast %add3A_382 : f32 to vector<320x192xf32>
    %add3A_384 = arith.addf %add3A_383, %mul3A_381 : vector<320x192xf32>
    %slice3A_385 = vector.extract_strided_slice %add3A_373 {offsets = [0, 192], sizes = [320, 64], strides = [1, 1]} : vector<320x256xf32> to vector<320x64xf32>
    %tanh3A_386 = math.tanh %slice3A_385 : vector<320x64xf32>
    %slice3A_387 = vector.extract_strided_slice %add3A_384 {offsets = [0, 0], sizes = [320, 64], strides = [1, 1]} : vector<320x192xf32> to vector<320x64xf32>
    %slice3A_388 = vector.extract_strided_slice %add3A_384 {offsets = [0, 64], sizes = [320, 64], strides = [1, 1]} : vector<320x192xf32> to vector<320x64xf32>
    %slice3A_389 = vector.extract_strided_slice %add3A_384 {offsets = [0, 128], sizes = [320, 64], strides = [1, 1]} : vector<320x192xf32> to vector<320x64xf32>
    %mul3A_390 = arith.mulf %slice3A_388, %select_n3A_325 : vector<320x64xf32>
    %mul3A_391 = arith.mulf %slice3A_387, %tanh3A_386 : vector<320x64xf32>
    %add3A_392 = arith.addf %mul3A_390, %mul3A_391 : vector<320x64xf32>
    %tanh3A_393 = math.tanh %add3A_392 : vector<320x64xf32>
    %mul3A_394 = arith.mulf %slice3A_389, %tanh3A_393 : vector<320x64xf32>
    %gt3A_395 = arith.constant 4.000000e+00 : f32
    %gt3A_396 = vector.broadcast %gt3A_395 : f32 to vector<320x1xf32>
    %gt3A_397 = arith.cmpf ogt, %get3A_50, %gt3A_396 : vector<320x1xf32>
    %broadcast_in_dim3A_398 = vector.shape_cast %gt3A_397 : vector<320x1xi1> to vector<320x1xi1>
    %broadcast_in_dim3A_399 = vector.broadcast %broadcast_in_dim3A_398 : vector<320x1xi1> to vector<320x64xi1>
    %select_n3A_400 = arith.select %broadcast_in_dim3A_399, %mul3A_394, %select_n3A_322 : vector<320x64xi1>, vector<320x64xf32>
    %broadcast_in_dim3A_401 = vector.shape_cast %gt3A_397 : vector<320x1xi1> to vector<320x1xi1>
    %broadcast_in_dim3A_402 = vector.broadcast %broadcast_in_dim3A_401 : vector<320x1xi1> to vector<320x64xi1>
    %select_n3A_403 = arith.select %broadcast_in_dim3A_402, %add3A_392, %select_n3A_325 : vector<320x64xi1>, vector<320x64xf32>
    %get3A_404 = arith.constant 11 : index
    %get3A_405 = arith.constant 0 : index
    %get3A_406 = arith.constant 0 : index
    %get3A_407 = vector.load %arg14[%get3A_404, %get3A_405, %get3A_406] : memref<16x320x256xf32, #tpu.memory_space<vmem>>, vector<1x320x256xf32>
    %get3A_408 = vector.shape_cast %get3A_407 : vector<1x320x256xf32> to vector<320x256xf32>
    %convert_element_type3A_409 = arith.truncf %select_n3A_361 : vector<320x64xf32> to vector<320x64xbf16>
    %dot_general3A_410 = arith.constant dense<0.000000e+00> : vector<320x256xf32>
    %dot_general3A_411 = tpu.matmul %convert_element_type3A_409, %get3A_56, %dot_general3A_410 {dimension_numbers = #tpu.dot_dimension_numbers<[1], [0], [0], [1], [0, 0, 1, 1], [], []>, transpose_lhs_hint = false} : vector<320x64xbf16>, vector<64x256xbf16>, vector<320x256xf32> -> vector<320x256xf32>
    %add3A_412 = arith.addf %get3A_408, %dot_general3A_411 : vector<320x256xf32>
    %slice3A_413 = vector.extract_strided_slice %add3A_412 {offsets = [0, 0], sizes = [320, 192], strides = [1, 1]} : vector<320x256xf32> to vector<320x192xf32>
    %mul3A_414 = arith.constant 5.000000e-01 : f32
    %mul3A_415 = vector.broadcast %mul3A_414 : f32 to vector<320x192xf32>
    %mul3A_416 = arith.mulf %mul3A_415, %slice3A_413 : vector<320x192xf32>
    %tanh3A_417 = math.tanh %mul3A_416 : vector<320x192xf32>
    %mul3A_418 = arith.constant 5.000000e-01 : f32
    %mul3A_419 = vector.broadcast %mul3A_418 : f32 to vector<320x192xf32>
    %mul3A_420 = arith.mulf %mul3A_419, %tanh3A_417 : vector<320x192xf32>
    %add3A_421 = arith.constant 5.000000e-01 : f32
    %add3A_422 = vector.broadcast %add3A_421 : f32 to vector<320x192xf32>
    %add3A_423 = arith.addf %add3A_422, %mul3A_420 : vector<320x192xf32>
    %slice3A_424 = vector.extract_strided_slice %add3A_412 {offsets = [0, 192], sizes = [320, 64], strides = [1, 1]} : vector<320x256xf32> to vector<320x64xf32>
    %tanh3A_425 = math.tanh %slice3A_424 : vector<320x64xf32>
    %slice3A_426 = vector.extract_strided_slice %add3A_423 {offsets = [0, 0], sizes = [320, 64], strides = [1, 1]} : vector<320x192xf32> to vector<320x64xf32>
    %slice3A_427 = vector.extract_strided_slice %add3A_423 {offsets = [0, 64], sizes = [320, 64], strides = [1, 1]} : vector<320x192xf32> to vector<320x64xf32>
    %slice3A_428 = vector.extract_strided_slice %add3A_423 {offsets = [0, 128], sizes = [320, 64], strides = [1, 1]} : vector<320x192xf32> to vector<320x64xf32>
    %mul3A_429 = arith.mulf %slice3A_427, %select_n3A_364 : vector<320x64xf32>
    %mul3A_430 = arith.mulf %slice3A_426, %tanh3A_425 : vector<320x64xf32>
    %add3A_431 = arith.addf %mul3A_429, %mul3A_430 : vector<320x64xf32>
    %tanh3A_432 = math.tanh %add3A_431 : vector<320x64xf32>
    %mul3A_433 = arith.mulf %slice3A_428, %tanh3A_432 : vector<320x64xf32>
    %gt3A_434 = arith.constant 1.100000e+01 : f32
    %gt3A_435 = vector.broadcast %gt3A_434 : f32 to vector<320x1xf32>
    %gt3A_436 = arith.cmpf ogt, %get3A_50, %gt3A_435 : vector<320x1xf32>
    %broadcast_in_dim3A_437 = vector.shape_cast %gt3A_436 : vector<320x1xi1> to vector<320x1xi1>
    %broadcast_in_dim3A_438 = vector.broadcast %broadcast_in_dim3A_437 : vector<320x1xi1> to vector<320x64xi1>
    %select_n3A_439 = arith.select %broadcast_in_dim3A_438, %mul3A_433, %select_n3A_361 : vector<320x64xi1>, vector<320x64xf32>
    %broadcast_in_dim3A_440 = vector.shape_cast %gt3A_436 : vector<320x1xi1> to vector<320x1xi1>
    %broadcast_in_dim3A_441 = vector.broadcast %broadcast_in_dim3A_440 : vector<320x1xi1> to vector<320x64xi1>
    %select_n3A_442 = arith.select %broadcast_in_dim3A_441, %add3A_431, %select_n3A_364 : vector<320x64xi1>, vector<320x64xf32>
    %get3A_443 = arith.constant 5 : index
    %get3A_444 = arith.constant 0 : index
    %get3A_445 = arith.constant 0 : index
    %get3A_446 = vector.load %arg13[%get3A_443, %get3A_444, %get3A_445] : memref<16x320x256xf32, #tpu.memory_space<vmem>>, vector<1x320x256xf32>
    %get3A_447 = vector.shape_cast %get3A_446 : vector<1x320x256xf32> to vector<320x256xf32>
    %convert_element_type3A_448 = arith.truncf %select_n3A_400 : vector<320x64xf32> to vector<320x64xbf16>
    %dot_general3A_449 = arith.constant dense<0.000000e+00> : vector<320x256xf32>
    %dot_general3A_450 = tpu.matmul %convert_element_type3A_448, %get3A_53, %dot_general3A_449 {dimension_numbers = #tpu.dot_dimension_numbers<[1], [0], [0], [1], [0, 0, 1, 1], [], []>, transpose_lhs_hint = false} : vector<320x64xbf16>, vector<64x256xbf16>, vector<320x256xf32> -> vector<320x256xf32>
    %add3A_451 = arith.addf %get3A_447, %dot_general3A_450 : vector<320x256xf32>
    %slice3A_452 = vector.extract_strided_slice %add3A_451 {offsets = [0, 0], sizes = [320, 192], strides = [1, 1]} : vector<320x256xf32> to vector<320x192xf32>
    %mul3A_453 = arith.constant 5.000000e-01 : f32
    %mul3A_454 = vector.broadcast %mul3A_453 : f32 to vector<320x192xf32>
    %mul3A_455 = arith.mulf %mul3A_454, %slice3A_452 : vector<320x192xf32>
    %tanh3A_456 = math.tanh %mul3A_455 : vector<320x192xf32>
    %mul3A_457 = arith.constant 5.000000e-01 : f32
    %mul3A_458 = vector.broadcast %mul3A_457 : f32 to vector<320x192xf32>
    %mul3A_459 = arith.mulf %mul3A_458, %tanh3A_456 : vector<320x192xf32>
    %add3A_460 = arith.constant 5.000000e-01 : f32
    %add3A_461 = vector.broadcast %add3A_460 : f32 to vector<320x192xf32>
    %add3A_462 = arith.addf %add3A_461, %mul3A_459 : vector<320x192xf32>
    %slice3A_463 = vector.extract_strided_slice %add3A_451 {offsets = [0, 192], sizes = [320, 64], strides = [1, 1]} : vector<320x256xf32> to vector<320x64xf32>
    %tanh3A_464 = math.tanh %slice3A_463 : vector<320x64xf32>
    %slice3A_465 = vector.extract_strided_slice %add3A_462 {offsets = [0, 0], sizes = [320, 64], strides = [1, 1]} : vector<320x192xf32> to vector<320x64xf32>
    %slice3A_466 = vector.extract_strided_slice %add3A_462 {offsets = [0, 64], sizes = [320, 64], strides = [1, 1]} : vector<320x192xf32> to vector<320x64xf32>
    %slice3A_467 = vector.extract_strided_slice %add3A_462 {offsets = [0, 128], sizes = [320, 64], strides = [1, 1]} : vector<320x192xf32> to vector<320x64xf32>
    %mul3A_468 = arith.mulf %slice3A_466, %select_n3A_403 : vector<320x64xf32>
    %mul3A_469 = arith.mulf %slice3A_465, %tanh3A_464 : vector<320x64xf32>
    %add3A_470 = arith.addf %mul3A_468, %mul3A_469 : vector<320x64xf32>
    %tanh3A_471 = math.tanh %add3A_470 : vector<320x64xf32>
    %mul3A_472 = arith.mulf %slice3A_467, %tanh3A_471 : vector<320x64xf32>
    %gt3A_473 = arith.constant 5.000000e+00 : f32
    %gt3A_474 = vector.broadcast %gt3A_473 : f32 to vector<320x1xf32>
    %gt3A_475 = arith.cmpf ogt, %get3A_50, %gt3A_474 : vector<320x1xf32>
    %broadcast_in_dim3A_476 = vector.shape_cast %gt3A_475 : vector<320x1xi1> to vector<320x1xi1>
    %broadcast_in_dim3A_477 = vector.broadcast %broadcast_in_dim3A_476 : vector<320x1xi1> to vector<320x64xi1>
    %select_n3A_478 = arith.select %broadcast_in_dim3A_477, %mul3A_472, %select_n3A_400 : vector<320x64xi1>, vector<320x64xf32>
    %broadcast_in_dim3A_479 = vector.shape_cast %gt3A_475 : vector<320x1xi1> to vector<320x1xi1>
    %broadcast_in_dim3A_480 = vector.broadcast %broadcast_in_dim3A_479 : vector<320x1xi1> to vector<320x64xi1>
    %select_n3A_481 = arith.select %broadcast_in_dim3A_480, %add3A_470, %select_n3A_403 : vector<320x64xi1>, vector<320x64xf32>
    %get3A_482 = arith.constant 10 : index
    %get3A_483 = arith.constant 0 : index
    %get3A_484 = arith.constant 0 : index
    %get3A_485 = vector.load %arg14[%get3A_482, %get3A_483, %get3A_484] : memref<16x320x256xf32, #tpu.memory_space<vmem>>, vector<1x320x256xf32>
    %get3A_486 = vector.shape_cast %get3A_485 : vector<1x320x256xf32> to vector<320x256xf32>
    %convert_element_type3A_487 = arith.truncf %select_n3A_439 : vector<320x64xf32> to vector<320x64xbf16>
    %dot_general3A_488 = arith.constant dense<0.000000e+00> : vector<320x256xf32>
    %dot_general3A_489 = tpu.matmul %convert_element_type3A_487, %get3A_56, %dot_general3A_488 {dimension_numbers = #tpu.dot_dimension_numbers<[1], [0], [0], [1], [0, 0, 1, 1], [], []>, transpose_lhs_hint = false} : vector<320x64xbf16>, vector<64x256xbf16>, vector<320x256xf32> -> vector<320x256xf32>
    %add3A_490 = arith.addf %get3A_486, %dot_general3A_489 : vector<320x256xf32>
    %slice3A_491 = vector.extract_strided_slice %add3A_490 {offsets = [0, 0], sizes = [320, 192], strides = [1, 1]} : vector<320x256xf32> to vector<320x192xf32>
    %mul3A_492 = arith.constant 5.000000e-01 : f32
    %mul3A_493 = vector.broadcast %mul3A_492 : f32 to vector<320x192xf32>
    %mul3A_494 = arith.mulf %mul3A_493, %slice3A_491 : vector<320x192xf32>
    %tanh3A_495 = math.tanh %mul3A_494 : vector<320x192xf32>
    %mul3A_496 = arith.constant 5.000000e-01 : f32
    %mul3A_497 = vector.broadcast %mul3A_496 : f32 to vector<320x192xf32>
    %mul3A_498 = arith.mulf %mul3A_497, %tanh3A_495 : vector<320x192xf32>
    %add3A_499 = arith.constant 5.000000e-01 : f32
    %add3A_500 = vector.broadcast %add3A_499 : f32 to vector<320x192xf32>
    %add3A_501 = arith.addf %add3A_500, %mul3A_498 : vector<320x192xf32>
    %slice3A_502 = vector.extract_strided_slice %add3A_490 {offsets = [0, 192], sizes = [320, 64], strides = [1, 1]} : vector<320x256xf32> to vector<320x64xf32>
    %tanh3A_503 = math.tanh %slice3A_502 : vector<320x64xf32>
    %slice3A_504 = vector.extract_strided_slice %add3A_501 {offsets = [0, 0], sizes = [320, 64], strides = [1, 1]} : vector<320x192xf32> to vector<320x64xf32>
    %slice3A_505 = vector.extract_strided_slice %add3A_501 {offsets = [0, 64], sizes = [320, 64], strides = [1, 1]} : vector<320x192xf32> to vector<320x64xf32>
    %slice3A_506 = vector.extract_strided_slice %add3A_501 {offsets = [0, 128], sizes = [320, 64], strides = [1, 1]} : vector<320x192xf32> to vector<320x64xf32>
    %mul3A_507 = arith.mulf %slice3A_505, %select_n3A_442 : vector<320x64xf32>
    %mul3A_508 = arith.mulf %slice3A_504, %tanh3A_503 : vector<320x64xf32>
    %add3A_509 = arith.addf %mul3A_507, %mul3A_508 : vector<320x64xf32>
    %tanh3A_510 = math.tanh %add3A_509 : vector<320x64xf32>
    %mul3A_511 = arith.mulf %slice3A_506, %tanh3A_510 : vector<320x64xf32>
    %gt3A_512 = arith.constant 1.000000e+01 : f32
    %gt3A_513 = vector.broadcast %gt3A_512 : f32 to vector<320x1xf32>
    %gt3A_514 = arith.cmpf ogt, %get3A_50, %gt3A_513 : vector<320x1xf32>
    %broadcast_in_dim3A_515 = vector.shape_cast %gt3A_514 : vector<320x1xi1> to vector<320x1xi1>
    %broadcast_in_dim3A_516 = vector.broadcast %broadcast_in_dim3A_515 : vector<320x1xi1> to vector<320x64xi1>
    %select_n3A_517 = arith.select %broadcast_in_dim3A_516, %mul3A_511, %select_n3A_439 : vector<320x64xi1>, vector<320x64xf32>
    %broadcast_in_dim3A_518 = vector.shape_cast %gt3A_514 : vector<320x1xi1> to vector<320x1xi1>
    %broadcast_in_dim3A_519 = vector.broadcast %broadcast_in_dim3A_518 : vector<320x1xi1> to vector<320x64xi1>
    %select_n3A_520 = arith.select %broadcast_in_dim3A_519, %add3A_509, %select_n3A_442 : vector<320x64xi1>, vector<320x64xf32>
    %get3A_521 = arith.constant 6 : index
    %get3A_522 = arith.constant 0 : index
    %get3A_523 = arith.constant 0 : index
    %get3A_524 = vector.load %arg13[%get3A_521, %get3A_522, %get3A_523] : memref<16x320x256xf32, #tpu.memory_space<vmem>>, vector<1x320x256xf32>
    %get3A_525 = vector.shape_cast %get3A_524 : vector<1x320x256xf32> to vector<320x256xf32>
    %convert_element_type3A_526 = arith.truncf %select_n3A_478 : vector<320x64xf32> to vector<320x64xbf16>
    %dot_general3A_527 = arith.constant dense<0.000000e+00> : vector<320x256xf32>
    %dot_general3A_528 = tpu.matmul %convert_element_type3A_526, %get3A_53, %dot_general3A_527 {dimension_numbers = #tpu.dot_dimension_numbers<[1], [0], [0], [1], [0, 0, 1, 1], [], []>, transpose_lhs_hint = false} : vector<320x64xbf16>, vector<64x256xbf16>, vector<320x256xf32> -> vector<320x256xf32>
    %add3A_529 = arith.addf %get3A_525, %dot_general3A_528 : vector<320x256xf32>
    %slice3A_530 = vector.extract_strided_slice %add3A_529 {offsets = [0, 0], sizes = [320, 192], strides = [1, 1]} : vector<320x256xf32> to vector<320x192xf32>
    %mul3A_531 = arith.constant 5.000000e-01 : f32
    %mul3A_532 = vector.broadcast %mul3A_531 : f32 to vector<320x192xf32>
    %mul3A_533 = arith.mulf %mul3A_532, %slice3A_530 : vector<320x192xf32>
    %tanh3A_534 = math.tanh %mul3A_533 : vector<320x192xf32>
    %mul3A_535 = arith.constant 5.000000e-01 : f32
    %mul3A_536 = vector.broadcast %mul3A_535 : f32 to vector<320x192xf32>
    %mul3A_537 = arith.mulf %mul3A_536, %tanh3A_534 : vector<320x192xf32>
    %add3A_538 = arith.constant 5.000000e-01 : f32
    %add3A_539 = vector.broadcast %add3A_538 : f32 to vector<320x192xf32>
    %add3A_540 = arith.addf %add3A_539, %mul3A_537 : vector<320x192xf32>
    %slice3A_541 = vector.extract_strided_slice %add3A_529 {offsets = [0, 192], sizes = [320, 64], strides = [1, 1]} : vector<320x256xf32> to vector<320x64xf32>
    %tanh3A_542 = math.tanh %slice3A_541 : vector<320x64xf32>
    %slice3A_543 = vector.extract_strided_slice %add3A_540 {offsets = [0, 0], sizes = [320, 64], strides = [1, 1]} : vector<320x192xf32> to vector<320x64xf32>
    %slice3A_544 = vector.extract_strided_slice %add3A_540 {offsets = [0, 64], sizes = [320, 64], strides = [1, 1]} : vector<320x192xf32> to vector<320x64xf32>
    %slice3A_545 = vector.extract_strided_slice %add3A_540 {offsets = [0, 128], sizes = [320, 64], strides = [1, 1]} : vector<320x192xf32> to vector<320x64xf32>
    %mul3A_546 = arith.mulf %slice3A_544, %select_n3A_481 : vector<320x64xf32>
    %mul3A_547 = arith.mulf %slice3A_543, %tanh3A_542 : vector<320x64xf32>
    %add3A_548 = arith.addf %mul3A_546, %mul3A_547 : vector<320x64xf32>
    %tanh3A_549 = math.tanh %add3A_548 : vector<320x64xf32>
    %mul3A_550 = arith.mulf %slice3A_545, %tanh3A_549 : vector<320x64xf32>
    %gt3A_551 = arith.constant 6.000000e+00 : f32
    %gt3A_552 = vector.broadcast %gt3A_551 : f32 to vector<320x1xf32>
    %gt3A_553 = arith.cmpf ogt, %get3A_50, %gt3A_552 : vector<320x1xf32>
    %broadcast_in_dim3A_554 = vector.shape_cast %gt3A_553 : vector<320x1xi1> to vector<320x1xi1>
    %broadcast_in_dim3A_555 = vector.broadcast %broadcast_in_dim3A_554 : vector<320x1xi1> to vector<320x64xi1>
    %select_n3A_556 = arith.select %broadcast_in_dim3A_555, %mul3A_550, %select_n3A_478 : vector<320x64xi1>, vector<320x64xf32>
    %broadcast_in_dim3A_557 = vector.shape_cast %gt3A_553 : vector<320x1xi1> to vector<320x1xi1>
    %broadcast_in_dim3A_558 = vector.broadcast %broadcast_in_dim3A_557 : vector<320x1xi1> to vector<320x64xi1>
    %select_n3A_559 = arith.select %broadcast_in_dim3A_558, %add3A_548, %select_n3A_481 : vector<320x64xi1>, vector<320x64xf32>
    %get3A_560 = arith.constant 9 : index
    %get3A_561 = arith.constant 0 : index
    %get3A_562 = arith.constant 0 : index
    %get3A_563 = vector.load %arg14[%get3A_560, %get3A_561, %get3A_562] : memref<16x320x256xf32, #tpu.memory_space<vmem>>, vector<1x320x256xf32>
    %get3A_564 = vector.shape_cast %get3A_563 : vector<1x320x256xf32> to vector<320x256xf32>
    %convert_element_type3A_565 = arith.truncf %select_n3A_517 : vector<320x64xf32> to vector<320x64xbf16>
    %dot_general3A_566 = arith.constant dense<0.000000e+00> : vector<320x256xf32>
    %dot_general3A_567 = tpu.matmul %convert_element_type3A_565, %get3A_56, %dot_general3A_566 {dimension_numbers = #tpu.dot_dimension_numbers<[1], [0], [0], [1], [0, 0, 1, 1], [], []>, transpose_lhs_hint = false} : vector<320x64xbf16>, vector<64x256xbf16>, vector<320x256xf32> -> vector<320x256xf32>
    %add3A_568 = arith.addf %get3A_564, %dot_general3A_567 : vector<320x256xf32>
    %slice3A_569 = vector.extract_strided_slice %add3A_568 {offsets = [0, 0], sizes = [320, 192], strides = [1, 1]} : vector<320x256xf32> to vector<320x192xf32>
    %mul3A_570 = arith.constant 5.000000e-01 : f32
    %mul3A_571 = vector.broadcast %mul3A_570 : f32 to vector<320x192xf32>
    %mul3A_572 = arith.mulf %mul3A_571, %slice3A_569 : vector<320x192xf32>
    %tanh3A_573 = math.tanh %mul3A_572 : vector<320x192xf32>
    %mul3A_574 = arith.constant 5.000000e-01 : f32
    %mul3A_575 = vector.broadcast %mul3A_574 : f32 to vector<320x192xf32>
    %mul3A_576 = arith.mulf %mul3A_575, %tanh3A_573 : vector<320x192xf32>
    %add3A_577 = arith.constant 5.000000e-01 : f32
    %add3A_578 = vector.broadcast %add3A_577 : f32 to vector<320x192xf32>
    %add3A_579 = arith.addf %add3A_578, %mul3A_576 : vector<320x192xf32>
    %slice3A_580 = vector.extract_strided_slice %add3A_568 {offsets = [0, 192], sizes = [320, 64], strides = [1, 1]} : vector<320x256xf32> to vector<320x64xf32>
    %tanh3A_581 = math.tanh %slice3A_580 : vector<320x64xf32>
    %slice3A_582 = vector.extract_strided_slice %add3A_579 {offsets = [0, 0], sizes = [320, 64], strides = [1, 1]} : vector<320x192xf32> to vector<320x64xf32>
    %slice3A_583 = vector.extract_strided_slice %add3A_579 {offsets = [0, 64], sizes = [320, 64], strides = [1, 1]} : vector<320x192xf32> to vector<320x64xf32>
    %slice3A_584 = vector.extract_strided_slice %add3A_579 {offsets = [0, 128], sizes = [320, 64], strides = [1, 1]} : vector<320x192xf32> to vector<320x64xf32>
    %mul3A_585 = arith.mulf %slice3A_583, %select_n3A_520 : vector<320x64xf32>
    %mul3A_586 = arith.mulf %slice3A_582, %tanh3A_581 : vector<320x64xf32>
    %add3A_587 = arith.addf %mul3A_585, %mul3A_586 : vector<320x64xf32>
    %tanh3A_588 = math.tanh %add3A_587 : vector<320x64xf32>
    %mul3A_589 = arith.mulf %slice3A_584, %tanh3A_588 : vector<320x64xf32>
    %gt3A_590 = arith.constant 9.000000e+00 : f32
    %gt3A_591 = vector.broadcast %gt3A_590 : f32 to vector<320x1xf32>
    %gt3A_592 = arith.cmpf ogt, %get3A_50, %gt3A_591 : vector<320x1xf32>
    %broadcast_in_dim3A_593 = vector.shape_cast %gt3A_592 : vector<320x1xi1> to vector<320x1xi1>
    %broadcast_in_dim3A_594 = vector.broadcast %broadcast_in_dim3A_593 : vector<320x1xi1> to vector<320x64xi1>
    %select_n3A_595 = arith.select %broadcast_in_dim3A_594, %mul3A_589, %select_n3A_517 : vector<320x64xi1>, vector<320x64xf32>
    %broadcast_in_dim3A_596 = vector.shape_cast %gt3A_592 : vector<320x1xi1> to vector<320x1xi1>
    %broadcast_in_dim3A_597 = vector.broadcast %broadcast_in_dim3A_596 : vector<320x1xi1> to vector<320x64xi1>
    %select_n3A_598 = arith.select %broadcast_in_dim3A_597, %add3A_587, %select_n3A_520 : vector<320x64xi1>, vector<320x64xf32>
    %get3A_599 = arith.constant 7 : index
    %get3A_600 = arith.constant 0 : index
    %get3A_601 = arith.constant 0 : index
    %get3A_602 = vector.load %arg13[%get3A_599, %get3A_600, %get3A_601] : memref<16x320x256xf32, #tpu.memory_space<vmem>>, vector<1x320x256xf32>
    %get3A_603 = vector.shape_cast %get3A_602 : vector<1x320x256xf32> to vector<320x256xf32>
    %convert_element_type3A_604 = arith.truncf %select_n3A_556 : vector<320x64xf32> to vector<320x64xbf16>
    %dot_general3A_605 = arith.constant dense<0.000000e+00> : vector<320x256xf32>
    %dot_general3A_606 = tpu.matmul %convert_element_type3A_604, %get3A_53, %dot_general3A_605 {dimension_numbers = #tpu.dot_dimension_numbers<[1], [0], [0], [1], [0, 0, 1, 1], [], []>, transpose_lhs_hint = false} : vector<320x64xbf16>, vector<64x256xbf16>, vector<320x256xf32> -> vector<320x256xf32>
    %add3A_607 = arith.addf %get3A_603, %dot_general3A_606 : vector<320x256xf32>
    %slice3A_608 = vector.extract_strided_slice %add3A_607 {offsets = [0, 0], sizes = [320, 192], strides = [1, 1]} : vector<320x256xf32> to vector<320x192xf32>
    %mul3A_609 = arith.constant 5.000000e-01 : f32
    %mul3A_610 = vector.broadcast %mul3A_609 : f32 to vector<320x192xf32>
    %mul3A_611 = arith.mulf %mul3A_610, %slice3A_608 : vector<320x192xf32>
    %tanh3A_612 = math.tanh %mul3A_611 : vector<320x192xf32>
    %mul3A_613 = arith.constant 5.000000e-01 : f32
    %mul3A_614 = vector.broadcast %mul3A_613 : f32 to vector<320x192xf32>
    %mul3A_615 = arith.mulf %mul3A_614, %tanh3A_612 : vector<320x192xf32>
    %add3A_616 = arith.constant 5.000000e-01 : f32
    %add3A_617 = vector.broadcast %add3A_616 : f32 to vector<320x192xf32>
    %add3A_618 = arith.addf %add3A_617, %mul3A_615 : vector<320x192xf32>
    %slice3A_619 = vector.extract_strided_slice %add3A_607 {offsets = [0, 192], sizes = [320, 64], strides = [1, 1]} : vector<320x256xf32> to vector<320x64xf32>
    %tanh3A_620 = math.tanh %slice3A_619 : vector<320x64xf32>
    %slice3A_621 = vector.extract_strided_slice %add3A_618 {offsets = [0, 0], sizes = [320, 64], strides = [1, 1]} : vector<320x192xf32> to vector<320x64xf32>
    %slice3A_622 = vector.extract_strided_slice %add3A_618 {offsets = [0, 64], sizes = [320, 64], strides = [1, 1]} : vector<320x192xf32> to vector<320x64xf32>
    %slice3A_623 = vector.extract_strided_slice %add3A_618 {offsets = [0, 128], sizes = [320, 64], strides = [1, 1]} : vector<320x192xf32> to vector<320x64xf32>
    %mul3A_624 = arith.mulf %slice3A_622, %select_n3A_559 : vector<320x64xf32>
    %mul3A_625 = arith.mulf %slice3A_621, %tanh3A_620 : vector<320x64xf32>
    %add3A_626 = arith.addf %mul3A_624, %mul3A_625 : vector<320x64xf32>
    %tanh3A_627 = math.tanh %add3A_626 : vector<320x64xf32>
    %mul3A_628 = arith.mulf %slice3A_623, %tanh3A_627 : vector<320x64xf32>
    %gt3A_629 = arith.constant 7.000000e+00 : f32
    %gt3A_630 = vector.broadcast %gt3A_629 : f32 to vector<320x1xf32>
    %gt3A_631 = arith.cmpf ogt, %get3A_50, %gt3A_630 : vector<320x1xf32>
    %broadcast_in_dim3A_632 = vector.shape_cast %gt3A_631 : vector<320x1xi1> to vector<320x1xi1>
    %broadcast_in_dim3A_633 = vector.broadcast %broadcast_in_dim3A_632 : vector<320x1xi1> to vector<320x64xi1>
    %select_n3A_634 = arith.select %broadcast_in_dim3A_633, %mul3A_628, %select_n3A_556 : vector<320x64xi1>, vector<320x64xf32>
    %broadcast_in_dim3A_635 = vector.shape_cast %gt3A_631 : vector<320x1xi1> to vector<320x1xi1>
    %broadcast_in_dim3A_636 = vector.broadcast %broadcast_in_dim3A_635 : vector<320x1xi1> to vector<320x64xi1>
    %select_n3A_637 = arith.select %broadcast_in_dim3A_636, %add3A_626, %select_n3A_559 : vector<320x64xi1>, vector<320x64xf32>
    %get3A_638 = arith.constant 8 : index
    %get3A_639 = arith.constant 0 : index
    %get3A_640 = arith.constant 0 : index
    %get3A_641 = vector.load %arg14[%get3A_638, %get3A_639, %get3A_640] : memref<16x320x256xf32, #tpu.memory_space<vmem>>, vector<1x320x256xf32>
    %get3A_642 = vector.shape_cast %get3A_641 : vector<1x320x256xf32> to vector<320x256xf32>
    %convert_element_type3A_643 = arith.truncf %select_n3A_595 : vector<320x64xf32> to vector<320x64xbf16>
    %dot_general3A_644 = arith.constant dense<0.000000e+00> : vector<320x256xf32>
    %dot_general3A_645 = tpu.matmul %convert_element_type3A_643, %get3A_56, %dot_general3A_644 {dimension_numbers = #tpu.dot_dimension_numbers<[1], [0], [0], [1], [0, 0, 1, 1], [], []>, transpose_lhs_hint = false} : vector<320x64xbf16>, vector<64x256xbf16>, vector<320x256xf32> -> vector<320x256xf32>
    %add3A_646 = arith.addf %get3A_642, %dot_general3A_645 : vector<320x256xf32>
    %slice3A_647 = vector.extract_strided_slice %add3A_646 {offsets = [0, 0], sizes = [320, 192], strides = [1, 1]} : vector<320x256xf32> to vector<320x192xf32>
    %mul3A_648 = arith.constant 5.000000e-01 : f32
    %mul3A_649 = vector.broadcast %mul3A_648 : f32 to vector<320x192xf32>
    %mul3A_650 = arith.mulf %mul3A_649, %slice3A_647 : vector<320x192xf32>
    %tanh3A_651 = math.tanh %mul3A_650 : vector<320x192xf32>
    %mul3A_652 = arith.constant 5.000000e-01 : f32
    %mul3A_653 = vector.broadcast %mul3A_652 : f32 to vector<320x192xf32>
    %mul3A_654 = arith.mulf %mul3A_653, %tanh3A_651 : vector<320x192xf32>
    %add3A_655 = arith.constant 5.000000e-01 : f32
    %add3A_656 = vector.broadcast %add3A_655 : f32 to vector<320x192xf32>
    %add3A_657 = arith.addf %add3A_656, %mul3A_654 : vector<320x192xf32>
    %slice3A_658 = vector.extract_strided_slice %add3A_646 {offsets = [0, 192], sizes = [320, 64], strides = [1, 1]} : vector<320x256xf32> to vector<320x64xf32>
    %tanh3A_659 = math.tanh %slice3A_658 : vector<320x64xf32>
    %slice3A_660 = vector.extract_strided_slice %add3A_657 {offsets = [0, 0], sizes = [320, 64], strides = [1, 1]} : vector<320x192xf32> to vector<320x64xf32>
    %slice3A_661 = vector.extract_strided_slice %add3A_657 {offsets = [0, 64], sizes = [320, 64], strides = [1, 1]} : vector<320x192xf32> to vector<320x64xf32>
    %slice3A_662 = vector.extract_strided_slice %add3A_657 {offsets = [0, 128], sizes = [320, 64], strides = [1, 1]} : vector<320x192xf32> to vector<320x64xf32>
    %mul3A_663 = arith.mulf %slice3A_661, %select_n3A_598 : vector<320x64xf32>
    %mul3A_664 = arith.mulf %slice3A_660, %tanh3A_659 : vector<320x64xf32>
    %add3A_665 = arith.addf %mul3A_663, %mul3A_664 : vector<320x64xf32>
    %tanh3A_666 = math.tanh %add3A_665 : vector<320x64xf32>
    %mul3A_667 = arith.mulf %slice3A_662, %tanh3A_666 : vector<320x64xf32>
    %gt3A_668 = arith.constant 8.000000e+00 : f32
    %gt3A_669 = vector.broadcast %gt3A_668 : f32 to vector<320x1xf32>
    %gt3A_670 = arith.cmpf ogt, %get3A_50, %gt3A_669 : vector<320x1xf32>
    %broadcast_in_dim3A_671 = vector.shape_cast %gt3A_670 : vector<320x1xi1> to vector<320x1xi1>
    %broadcast_in_dim3A_672 = vector.broadcast %broadcast_in_dim3A_671 : vector<320x1xi1> to vector<320x64xi1>
    %select_n3A_673 = arith.select %broadcast_in_dim3A_672, %mul3A_667, %select_n3A_595 : vector<320x64xi1>, vector<320x64xf32>
    %broadcast_in_dim3A_674 = vector.shape_cast %gt3A_670 : vector<320x1xi1> to vector<320x1xi1>
    %broadcast_in_dim3A_675 = vector.broadcast %broadcast_in_dim3A_674 : vector<320x1xi1> to vector<320x64xi1>
    %select_n3A_676 = arith.select %broadcast_in_dim3A_675, %add3A_665, %select_n3A_598 : vector<320x64xi1>, vector<320x64xf32>
    %get3A_677 = arith.constant 8 : index
    %get3A_678 = arith.constant 0 : index
    %get3A_679 = arith.constant 0 : index
    %get3A_680 = vector.load %arg13[%get3A_677, %get3A_678, %get3A_679] : memref<16x320x256xf32, #tpu.memory_space<vmem>>, vector<1x320x256xf32>
    %get3A_681 = vector.shape_cast %get3A_680 : vector<1x320x256xf32> to vector<320x256xf32>
    %convert_element_type3A_682 = arith.truncf %select_n3A_634 : vector<320x64xf32> to vector<320x64xbf16>
    %dot_general3A_683 = arith.constant dense<0.000000e+00> : vector<320x256xf32>
    %dot_general3A_684 = tpu.matmul %convert_element_type3A_682, %get3A_53, %dot_general3A_683 {dimension_numbers = #tpu.dot_dimension_numbers<[1], [0], [0], [1], [0, 0, 1, 1], [], []>, transpose_lhs_hint = false} : vector<320x64xbf16>, vector<64x256xbf16>, vector<320x256xf32> -> vector<320x256xf32>
    %add3A_685 = arith.addf %get3A_681, %dot_general3A_684 : vector<320x256xf32>
    %slice3A_686 = vector.extract_strided_slice %add3A_685 {offsets = [0, 0], sizes = [320, 192], strides = [1, 1]} : vector<320x256xf32> to vector<320x192xf32>
    %mul3A_687 = arith.constant 5.000000e-01 : f32
    %mul3A_688 = vector.broadcast %mul3A_687 : f32 to vector<320x192xf32>
    %mul3A_689 = arith.mulf %mul3A_688, %slice3A_686 : vector<320x192xf32>
    %tanh3A_690 = math.tanh %mul3A_689 : vector<320x192xf32>
    %mul3A_691 = arith.constant 5.000000e-01 : f32
    %mul3A_692 = vector.broadcast %mul3A_691 : f32 to vector<320x192xf32>
    %mul3A_693 = arith.mulf %mul3A_692, %tanh3A_690 : vector<320x192xf32>
    %add3A_694 = arith.constant 5.000000e-01 : f32
    %add3A_695 = vector.broadcast %add3A_694 : f32 to vector<320x192xf32>
    %add3A_696 = arith.addf %add3A_695, %mul3A_693 : vector<320x192xf32>
    %slice3A_697 = vector.extract_strided_slice %add3A_685 {offsets = [0, 192], sizes = [320, 64], strides = [1, 1]} : vector<320x256xf32> to vector<320x64xf32>
    %tanh3A_698 = math.tanh %slice3A_697 : vector<320x64xf32>
    %slice3A_699 = vector.extract_strided_slice %add3A_696 {offsets = [0, 0], sizes = [320, 64], strides = [1, 1]} : vector<320x192xf32> to vector<320x64xf32>
    %slice3A_700 = vector.extract_strided_slice %add3A_696 {offsets = [0, 64], sizes = [320, 64], strides = [1, 1]} : vector<320x192xf32> to vector<320x64xf32>
    %slice3A_701 = vector.extract_strided_slice %add3A_696 {offsets = [0, 128], sizes = [320, 64], strides = [1, 1]} : vector<320x192xf32> to vector<320x64xf32>
    %mul3A_702 = arith.mulf %slice3A_700, %select_n3A_637 : vector<320x64xf32>
    %mul3A_703 = arith.mulf %slice3A_699, %tanh3A_698 : vector<320x64xf32>
    %add3A_704 = arith.addf %mul3A_702, %mul3A_703 : vector<320x64xf32>
    %tanh3A_705 = math.tanh %add3A_704 : vector<320x64xf32>
    %mul3A_706 = arith.mulf %slice3A_701, %tanh3A_705 : vector<320x64xf32>
    %gt3A_707 = arith.constant 8.000000e+00 : f32
    %gt3A_708 = vector.broadcast %gt3A_707 : f32 to vector<320x1xf32>
    %gt3A_709 = arith.cmpf ogt, %get3A_50, %gt3A_708 : vector<320x1xf32>
    %broadcast_in_dim3A_710 = vector.shape_cast %gt3A_709 : vector<320x1xi1> to vector<320x1xi1>
    %broadcast_in_dim3A_711 = vector.broadcast %broadcast_in_dim3A_710 : vector<320x1xi1> to vector<320x64xi1>
    %select_n3A_712 = arith.select %broadcast_in_dim3A_711, %mul3A_706, %select_n3A_634 : vector<320x64xi1>, vector<320x64xf32>
    %broadcast_in_dim3A_713 = vector.shape_cast %gt3A_709 : vector<320x1xi1> to vector<320x1xi1>
    %broadcast_in_dim3A_714 = vector.broadcast %broadcast_in_dim3A_713 : vector<320x1xi1> to vector<320x64xi1>
    %select_n3A_715 = arith.select %broadcast_in_dim3A_714, %add3A_704, %select_n3A_637 : vector<320x64xi1>, vector<320x64xf32>
    %get3A_716 = arith.constant 7 : index
    %get3A_717 = arith.constant 0 : index
    %get3A_718 = arith.constant 0 : index
    %get3A_719 = vector.load %arg14[%get3A_716, %get3A_717, %get3A_718] : memref<16x320x256xf32, #tpu.memory_space<vmem>>, vector<1x320x256xf32>
    %get3A_720 = vector.shape_cast %get3A_719 : vector<1x320x256xf32> to vector<320x256xf32>
    %convert_element_type3A_721 = arith.truncf %select_n3A_673 : vector<320x64xf32> to vector<320x64xbf16>
    %dot_general3A_722 = arith.constant dense<0.000000e+00> : vector<320x256xf32>
    %dot_general3A_723 = tpu.matmul %convert_element_type3A_721, %get3A_56, %dot_general3A_722 {dimension_numbers = #tpu.dot_dimension_numbers<[1], [0], [0], [1], [0, 0, 1, 1], [], []>, transpose_lhs_hint = false} : vector<320x64xbf16>, vector<64x256xbf16>, vector<320x256xf32> -> vector<320x256xf32>
    %add3A_724 = arith.addf %get3A_720, %dot_general3A_723 : vector<320x256xf32>
    %slice3A_725 = vector.extract_strided_slice %add3A_724 {offsets = [0, 0], sizes = [320, 192], strides = [1, 1]} : vector<320x256xf32> to vector<320x192xf32>
    %mul3A_726 = arith.constant 5.000000e-01 : f32
    %mul3A_727 = vector.broadcast %mul3A_726 : f32 to vector<320x192xf32>
    %mul3A_728 = arith.mulf %mul3A_727, %slice3A_725 : vector<320x192xf32>
    %tanh3A_729 = math.tanh %mul3A_728 : vector<320x192xf32>
    %mul3A_730 = arith.constant 5.000000e-01 : f32
    %mul3A_731 = vector.broadcast %mul3A_730 : f32 to vector<320x192xf32>
    %mul3A_732 = arith.mulf %mul3A_731, %tanh3A_729 : vector<320x192xf32>
    %add3A_733 = arith.constant 5.000000e-01 : f32
    %add3A_734 = vector.broadcast %add3A_733 : f32 to vector<320x192xf32>
    %add3A_735 = arith.addf %add3A_734, %mul3A_732 : vector<320x192xf32>
    %slice3A_736 = vector.extract_strided_slice %add3A_724 {offsets = [0, 192], sizes = [320, 64], strides = [1, 1]} : vector<320x256xf32> to vector<320x64xf32>
    %tanh3A_737 = math.tanh %slice3A_736 : vector<320x64xf32>
    %slice3A_738 = vector.extract_strided_slice %add3A_735 {offsets = [0, 0], sizes = [320, 64], strides = [1, 1]} : vector<320x192xf32> to vector<320x64xf32>
    %slice3A_739 = vector.extract_strided_slice %add3A_735 {offsets = [0, 64], sizes = [320, 64], strides = [1, 1]} : vector<320x192xf32> to vector<320x64xf32>
    %slice3A_740 = vector.extract_strided_slice %add3A_735 {offsets = [0, 128], sizes = [320, 64], strides = [1, 1]} : vector<320x192xf32> to vector<320x64xf32>
    %mul3A_741 = arith.mulf %slice3A_739, %select_n3A_676 : vector<320x64xf32>
    %mul3A_742 = arith.mulf %slice3A_738, %tanh3A_737 : vector<320x64xf32>
    %add3A_743 = arith.addf %mul3A_741, %mul3A_742 : vector<320x64xf32>
    %tanh3A_744 = math.tanh %add3A_743 : vector<320x64xf32>
    %mul3A_745 = arith.mulf %slice3A_740, %tanh3A_744 : vector<320x64xf32>
    %gt3A_746 = arith.constant 7.000000e+00 : f32
    %gt3A_747 = vector.broadcast %gt3A_746 : f32 to vector<320x1xf32>
    %gt3A_748 = arith.cmpf ogt, %get3A_50, %gt3A_747 : vector<320x1xf32>
    %broadcast_in_dim3A_749 = vector.shape_cast %gt3A_748 : vector<320x1xi1> to vector<320x1xi1>
    %broadcast_in_dim3A_750 = vector.broadcast %broadcast_in_dim3A_749 : vector<320x1xi1> to vector<320x64xi1>
    %select_n3A_751 = arith.select %broadcast_in_dim3A_750, %mul3A_745, %select_n3A_673 : vector<320x64xi1>, vector<320x64xf32>
    %broadcast_in_dim3A_752 = vector.shape_cast %gt3A_748 : vector<320x1xi1> to vector<320x1xi1>
    %broadcast_in_dim3A_753 = vector.broadcast %broadcast_in_dim3A_752 : vector<320x1xi1> to vector<320x64xi1>
    %select_n3A_754 = arith.select %broadcast_in_dim3A_753, %add3A_743, %select_n3A_676 : vector<320x64xi1>, vector<320x64xf32>
    %get3A_755 = arith.constant 9 : index
    %get3A_756 = arith.constant 0 : index
    %get3A_757 = arith.constant 0 : index
    %get3A_758 = vector.load %arg13[%get3A_755, %get3A_756, %get3A_757] : memref<16x320x256xf32, #tpu.memory_space<vmem>>, vector<1x320x256xf32>
    %get3A_759 = vector.shape_cast %get3A_758 : vector<1x320x256xf32> to vector<320x256xf32>
    %convert_element_type3A_760 = arith.truncf %select_n3A_712 : vector<320x64xf32> to vector<320x64xbf16>
    %dot_general3A_761 = arith.constant dense<0.000000e+00> : vector<320x256xf32>
    %dot_general3A_762 = tpu.matmul %convert_element_type3A_760, %get3A_53, %dot_general3A_761 {dimension_numbers = #tpu.dot_dimension_numbers<[1], [0], [0], [1], [0, 0, 1, 1], [], []>, transpose_lhs_hint = false} : vector<320x64xbf16>, vector<64x256xbf16>, vector<320x256xf32> -> vector<320x256xf32>
    %add3A_763 = arith.addf %get3A_759, %dot_general3A_762 : vector<320x256xf32>
    %slice3A_764 = vector.extract_strided_slice %add3A_763 {offsets = [0, 0], sizes = [320, 192], strides = [1, 1]} : vector<320x256xf32> to vector<320x192xf32>
    %mul3A_765 = arith.constant 5.000000e-01 : f32
    %mul3A_766 = vector.broadcast %mul3A_765 : f32 to vector<320x192xf32>
    %mul3A_767 = arith.mulf %mul3A_766, %slice3A_764 : vector<320x192xf32>
    %tanh3A_768 = math.tanh %mul3A_767 : vector<320x192xf32>
    %mul3A_769 = arith.constant 5.000000e-01 : f32
    %mul3A_770 = vector.broadcast %mul3A_769 : f32 to vector<320x192xf32>
    %mul3A_771 = arith.mulf %mul3A_770, %tanh3A_768 : vector<320x192xf32>
    %add3A_772 = arith.constant 5.000000e-01 : f32
    %add3A_773 = vector.broadcast %add3A_772 : f32 to vector<320x192xf32>
    %add3A_774 = arith.addf %add3A_773, %mul3A_771 : vector<320x192xf32>
    %slice3A_775 = vector.extract_strided_slice %add3A_763 {offsets = [0, 192], sizes = [320, 64], strides = [1, 1]} : vector<320x256xf32> to vector<320x64xf32>
    %tanh3A_776 = math.tanh %slice3A_775 : vector<320x64xf32>
    %slice3A_777 = vector.extract_strided_slice %add3A_774 {offsets = [0, 0], sizes = [320, 64], strides = [1, 1]} : vector<320x192xf32> to vector<320x64xf32>
    %slice3A_778 = vector.extract_strided_slice %add3A_774 {offsets = [0, 64], sizes = [320, 64], strides = [1, 1]} : vector<320x192xf32> to vector<320x64xf32>
    %slice3A_779 = vector.extract_strided_slice %add3A_774 {offsets = [0, 128], sizes = [320, 64], strides = [1, 1]} : vector<320x192xf32> to vector<320x64xf32>
    %mul3A_780 = arith.mulf %slice3A_778, %select_n3A_715 : vector<320x64xf32>
    %mul3A_781 = arith.mulf %slice3A_777, %tanh3A_776 : vector<320x64xf32>
    %add3A_782 = arith.addf %mul3A_780, %mul3A_781 : vector<320x64xf32>
    %tanh3A_783 = math.tanh %add3A_782 : vector<320x64xf32>
    %mul3A_784 = arith.mulf %slice3A_779, %tanh3A_783 : vector<320x64xf32>
    %gt3A_785 = arith.constant 9.000000e+00 : f32
    %gt3A_786 = vector.broadcast %gt3A_785 : f32 to vector<320x1xf32>
    %gt3A_787 = arith.cmpf ogt, %get3A_50, %gt3A_786 : vector<320x1xf32>
    %broadcast_in_dim3A_788 = vector.shape_cast %gt3A_787 : vector<320x1xi1> to vector<320x1xi1>
    %broadcast_in_dim3A_789 = vector.broadcast %broadcast_in_dim3A_788 : vector<320x1xi1> to vector<320x64xi1>
    %select_n3A_790 = arith.select %broadcast_in_dim3A_789, %mul3A_784, %select_n3A_712 : vector<320x64xi1>, vector<320x64xf32>
    %broadcast_in_dim3A_791 = vector.shape_cast %gt3A_787 : vector<320x1xi1> to vector<320x1xi1>
    %broadcast_in_dim3A_792 = vector.broadcast %broadcast_in_dim3A_791 : vector<320x1xi1> to vector<320x64xi1>
    %select_n3A_793 = arith.select %broadcast_in_dim3A_792, %add3A_782, %select_n3A_715 : vector<320x64xi1>, vector<320x64xf32>
    %get3A_794 = arith.constant 6 : index
    %get3A_795 = arith.constant 0 : index
    %get3A_796 = arith.constant 0 : index
    %get3A_797 = vector.load %arg14[%get3A_794, %get3A_795, %get3A_796] : memref<16x320x256xf32, #tpu.memory_space<vmem>>, vector<1x320x256xf32>
    %get3A_798 = vector.shape_cast %get3A_797 : vector<1x320x256xf32> to vector<320x256xf32>
    %convert_element_type3A_799 = arith.truncf %select_n3A_751 : vector<320x64xf32> to vector<320x64xbf16>
    %dot_general3A_800 = arith.constant dense<0.000000e+00> : vector<320x256xf32>
    %dot_general3A_801 = tpu.matmul %convert_element_type3A_799, %get3A_56, %dot_general3A_800 {dimension_numbers = #tpu.dot_dimension_numbers<[1], [0], [0], [1], [0, 0, 1, 1], [], []>, transpose_lhs_hint = false} : vector<320x64xbf16>, vector<64x256xbf16>, vector<320x256xf32> -> vector<320x256xf32>
    %add3A_802 = arith.addf %get3A_798, %dot_general3A_801 : vector<320x256xf32>
    %slice3A_803 = vector.extract_strided_slice %add3A_802 {offsets = [0, 0], sizes = [320, 192], strides = [1, 1]} : vector<320x256xf32> to vector<320x192xf32>
    %mul3A_804 = arith.constant 5.000000e-01 : f32
    %mul3A_805 = vector.broadcast %mul3A_804 : f32 to vector<320x192xf32>
    %mul3A_806 = arith.mulf %mul3A_805, %slice3A_803 : vector<320x192xf32>
    %tanh3A_807 = math.tanh %mul3A_806 : vector<320x192xf32>
    %mul3A_808 = arith.constant 5.000000e-01 : f32
    %mul3A_809 = vector.broadcast %mul3A_808 : f32 to vector<320x192xf32>
    %mul3A_810 = arith.mulf %mul3A_809, %tanh3A_807 : vector<320x192xf32>
    %add3A_811 = arith.constant 5.000000e-01 : f32
    %add3A_812 = vector.broadcast %add3A_811 : f32 to vector<320x192xf32>
    %add3A_813 = arith.addf %add3A_812, %mul3A_810 : vector<320x192xf32>
    %slice3A_814 = vector.extract_strided_slice %add3A_802 {offsets = [0, 192], sizes = [320, 64], strides = [1, 1]} : vector<320x256xf32> to vector<320x64xf32>
    %tanh3A_815 = math.tanh %slice3A_814 : vector<320x64xf32>
    %slice3A_816 = vector.extract_strided_slice %add3A_813 {offsets = [0, 0], sizes = [320, 64], strides = [1, 1]} : vector<320x192xf32> to vector<320x64xf32>
    %slice3A_817 = vector.extract_strided_slice %add3A_813 {offsets = [0, 64], sizes = [320, 64], strides = [1, 1]} : vector<320x192xf32> to vector<320x64xf32>
    %slice3A_818 = vector.extract_strided_slice %add3A_813 {offsets = [0, 128], sizes = [320, 64], strides = [1, 1]} : vector<320x192xf32> to vector<320x64xf32>
    %mul3A_819 = arith.mulf %slice3A_817, %select_n3A_754 : vector<320x64xf32>
    %mul3A_820 = arith.mulf %slice3A_816, %tanh3A_815 : vector<320x64xf32>
    %add3A_821 = arith.addf %mul3A_819, %mul3A_820 : vector<320x64xf32>
    %tanh3A_822 = math.tanh %add3A_821 : vector<320x64xf32>
    %mul3A_823 = arith.mulf %slice3A_818, %tanh3A_822 : vector<320x64xf32>
    %gt3A_824 = arith.constant 6.000000e+00 : f32
    %gt3A_825 = vector.broadcast %gt3A_824 : f32 to vector<320x1xf32>
    %gt3A_826 = arith.cmpf ogt, %get3A_50, %gt3A_825 : vector<320x1xf32>
    %broadcast_in_dim3A_827 = vector.shape_cast %gt3A_826 : vector<320x1xi1> to vector<320x1xi1>
    %broadcast_in_dim3A_828 = vector.broadcast %broadcast_in_dim3A_827 : vector<320x1xi1> to vector<320x64xi1>
    %select_n3A_829 = arith.select %broadcast_in_dim3A_828, %mul3A_823, %select_n3A_751 : vector<320x64xi1>, vector<320x64xf32>
    %broadcast_in_dim3A_830 = vector.shape_cast %gt3A_826 : vector<320x1xi1> to vector<320x1xi1>
    %broadcast_in_dim3A_831 = vector.broadcast %broadcast_in_dim3A_830 : vector<320x1xi1> to vector<320x64xi1>
    %select_n3A_832 = arith.select %broadcast_in_dim3A_831, %add3A_821, %select_n3A_754 : vector<320x64xi1>, vector<320x64xf32>
    %get3A_833 = arith.constant 10 : index
    %get3A_834 = arith.constant 0 : index
    %get3A_835 = arith.constant 0 : index
    %get3A_836 = vector.load %arg13[%get3A_833, %get3A_834, %get3A_835] : memref<16x320x256xf32, #tpu.memory_space<vmem>>, vector<1x320x256xf32>
    %get3A_837 = vector.shape_cast %get3A_836 : vector<1x320x256xf32> to vector<320x256xf32>
    %convert_element_type3A_838 = arith.truncf %select_n3A_790 : vector<320x64xf32> to vector<320x64xbf16>
    %dot_general3A_839 = arith.constant dense<0.000000e+00> : vector<320x256xf32>
    %dot_general3A_840 = tpu.matmul %convert_element_type3A_838, %get3A_53, %dot_general3A_839 {dimension_numbers = #tpu.dot_dimension_numbers<[1], [0], [0], [1], [0, 0, 1, 1], [], []>, transpose_lhs_hint = false} : vector<320x64xbf16>, vector<64x256xbf16>, vector<320x256xf32> -> vector<320x256xf32>
    %add3A_841 = arith.addf %get3A_837, %dot_general3A_840 : vector<320x256xf32>
    %slice3A_842 = vector.extract_strided_slice %add3A_841 {offsets = [0, 0], sizes = [320, 192], strides = [1, 1]} : vector<320x256xf32> to vector<320x192xf32>
    %mul3A_843 = arith.constant 5.000000e-01 : f32
    %mul3A_844 = vector.broadcast %mul3A_843 : f32 to vector<320x192xf32>
    %mul3A_845 = arith.mulf %mul3A_844, %slice3A_842 : vector<320x192xf32>
    %tanh3A_846 = math.tanh %mul3A_845 : vector<320x192xf32>
    %mul3A_847 = arith.constant 5.000000e-01 : f32
    %mul3A_848 = vector.broadcast %mul3A_847 : f32 to vector<320x192xf32>
    %mul3A_849 = arith.mulf %mul3A_848, %tanh3A_846 : vector<320x192xf32>
    %add3A_850 = arith.constant 5.000000e-01 : f32
    %add3A_851 = vector.broadcast %add3A_850 : f32 to vector<320x192xf32>
    %add3A_852 = arith.addf %add3A_851, %mul3A_849 : vector<320x192xf32>
    %slice3A_853 = vector.extract_strided_slice %add3A_841 {offsets = [0, 192], sizes = [320, 64], strides = [1, 1]} : vector<320x256xf32> to vector<320x64xf32>
    %tanh3A_854 = math.tanh %slice3A_853 : vector<320x64xf32>
    %slice3A_855 = vector.extract_strided_slice %add3A_852 {offsets = [0, 0], sizes = [320, 64], strides = [1, 1]} : vector<320x192xf32> to vector<320x64xf32>
    %slice3A_856 = vector.extract_strided_slice %add3A_852 {offsets = [0, 64], sizes = [320, 64], strides = [1, 1]} : vector<320x192xf32> to vector<320x64xf32>
    %slice3A_857 = vector.extract_strided_slice %add3A_852 {offsets = [0, 128], sizes = [320, 64], strides = [1, 1]} : vector<320x192xf32> to vector<320x64xf32>
    %mul3A_858 = arith.mulf %slice3A_856, %select_n3A_793 : vector<320x64xf32>
    %mul3A_859 = arith.mulf %slice3A_855, %tanh3A_854 : vector<320x64xf32>
    %add3A_860 = arith.addf %mul3A_858, %mul3A_859 : vector<320x64xf32>
    %tanh3A_861 = math.tanh %add3A_860 : vector<320x64xf32>
    %mul3A_862 = arith.mulf %slice3A_857, %tanh3A_861 : vector<320x64xf32>
    %gt3A_863 = arith.constant 1.000000e+01 : f32
    %gt3A_864 = vector.broadcast %gt3A_863 : f32 to vector<320x1xf32>
    %gt3A_865 = arith.cmpf ogt, %get3A_50, %gt3A_864 : vector<320x1xf32>
    %broadcast_in_dim3A_866 = vector.shape_cast %gt3A_865 : vector<320x1xi1> to vector<320x1xi1>
    %broadcast_in_dim3A_867 = vector.broadcast %broadcast_in_dim3A_866 : vector<320x1xi1> to vector<320x64xi1>
    %select_n3A_868 = arith.select %broadcast_in_dim3A_867, %mul3A_862, %select_n3A_790 : vector<320x64xi1>, vector<320x64xf32>
    %broadcast_in_dim3A_869 = vector.shape_cast %gt3A_865 : vector<320x1xi1> to vector<320x1xi1>
    %broadcast_in_dim3A_870 = vector.broadcast %broadcast_in_dim3A_869 : vector<320x1xi1> to vector<320x64xi1>
    %select_n3A_871 = arith.select %broadcast_in_dim3A_870, %add3A_860, %select_n3A_793 : vector<320x64xi1>, vector<320x64xf32>
    %get3A_872 = arith.constant 5 : index
    %get3A_873 = arith.constant 0 : index
    %get3A_874 = arith.constant 0 : index
    %get3A_875 = vector.load %arg14[%get3A_872, %get3A_873, %get3A_874] : memref<16x320x256xf32, #tpu.memory_space<vmem>>, vector<1x320x256xf32>
    %get3A_876 = vector.shape_cast %get3A_875 : vector<1x320x256xf32> to vector<320x256xf32>
    %convert_element_type3A_877 = arith.truncf %select_n3A_829 : vector<320x64xf32> to vector<320x64xbf16>
    %dot_general3A_878 = arith.constant dense<0.000000e+00> : vector<320x256xf32>
    %dot_general3A_879 = tpu.matmul %convert_element_type3A_877, %get3A_56, %dot_general3A_878 {dimension_numbers = #tpu.dot_dimension_numbers<[1], [0], [0], [1], [0, 0, 1, 1], [], []>, transpose_lhs_hint = false} : vector<320x64xbf16>, vector<64x256xbf16>, vector<320x256xf32> -> vector<320x256xf32>
    %add3A_880 = arith.addf %get3A_876, %dot_general3A_879 : vector<320x256xf32>
    %slice3A_881 = vector.extract_strided_slice %add3A_880 {offsets = [0, 0], sizes = [320, 192], strides = [1, 1]} : vector<320x256xf32> to vector<320x192xf32>
    %mul3A_882 = arith.constant 5.000000e-01 : f32
    %mul3A_883 = vector.broadcast %mul3A_882 : f32 to vector<320x192xf32>
    %mul3A_884 = arith.mulf %mul3A_883, %slice3A_881 : vector<320x192xf32>
    %tanh3A_885 = math.tanh %mul3A_884 : vector<320x192xf32>
    %mul3A_886 = arith.constant 5.000000e-01 : f32
    %mul3A_887 = vector.broadcast %mul3A_886 : f32 to vector<320x192xf32>
    %mul3A_888 = arith.mulf %mul3A_887, %tanh3A_885 : vector<320x192xf32>
    %add3A_889 = arith.constant 5.000000e-01 : f32
    %add3A_890 = vector.broadcast %add3A_889 : f32 to vector<320x192xf32>
    %add3A_891 = arith.addf %add3A_890, %mul3A_888 : vector<320x192xf32>
    %slice3A_892 = vector.extract_strided_slice %add3A_880 {offsets = [0, 192], sizes = [320, 64], strides = [1, 1]} : vector<320x256xf32> to vector<320x64xf32>
    %tanh3A_893 = math.tanh %slice3A_892 : vector<320x64xf32>
    %slice3A_894 = vector.extract_strided_slice %add3A_891 {offsets = [0, 0], sizes = [320, 64], strides = [1, 1]} : vector<320x192xf32> to vector<320x64xf32>
    %slice3A_895 = vector.extract_strided_slice %add3A_891 {offsets = [0, 64], sizes = [320, 64], strides = [1, 1]} : vector<320x192xf32> to vector<320x64xf32>
    %slice3A_896 = vector.extract_strided_slice %add3A_891 {offsets = [0, 128], sizes = [320, 64], strides = [1, 1]} : vector<320x192xf32> to vector<320x64xf32>
    %mul3A_897 = arith.mulf %slice3A_895, %select_n3A_832 : vector<320x64xf32>
    %mul3A_898 = arith.mulf %slice3A_894, %tanh3A_893 : vector<320x64xf32>
    %add3A_899 = arith.addf %mul3A_897, %mul3A_898 : vector<320x64xf32>
    %tanh3A_900 = math.tanh %add3A_899 : vector<320x64xf32>
    %mul3A_901 = arith.mulf %slice3A_896, %tanh3A_900 : vector<320x64xf32>
    %gt3A_902 = arith.constant 5.000000e+00 : f32
    %gt3A_903 = vector.broadcast %gt3A_902 : f32 to vector<320x1xf32>
    %gt3A_904 = arith.cmpf ogt, %get3A_50, %gt3A_903 : vector<320x1xf32>
    %broadcast_in_dim3A_905 = vector.shape_cast %gt3A_904 : vector<320x1xi1> to vector<320x1xi1>
    %broadcast_in_dim3A_906 = vector.broadcast %broadcast_in_dim3A_905 : vector<320x1xi1> to vector<320x64xi1>
    %select_n3A_907 = arith.select %broadcast_in_dim3A_906, %mul3A_901, %select_n3A_829 : vector<320x64xi1>, vector<320x64xf32>
    %broadcast_in_dim3A_908 = vector.shape_cast %gt3A_904 : vector<320x1xi1> to vector<320x1xi1>
    %broadcast_in_dim3A_909 = vector.broadcast %broadcast_in_dim3A_908 : vector<320x1xi1> to vector<320x64xi1>
    %select_n3A_910 = arith.select %broadcast_in_dim3A_909, %add3A_899, %select_n3A_832 : vector<320x64xi1>, vector<320x64xf32>
    %get3A_911 = arith.constant 11 : index
    %get3A_912 = arith.constant 0 : index
    %get3A_913 = arith.constant 0 : index
    %get3A_914 = vector.load %arg13[%get3A_911, %get3A_912, %get3A_913] : memref<16x320x256xf32, #tpu.memory_space<vmem>>, vector<1x320x256xf32>
    %get3A_915 = vector.shape_cast %get3A_914 : vector<1x320x256xf32> to vector<320x256xf32>
    %convert_element_type3A_916 = arith.truncf %select_n3A_868 : vector<320x64xf32> to vector<320x64xbf16>
    %dot_general3A_917 = arith.constant dense<0.000000e+00> : vector<320x256xf32>
    %dot_general3A_918 = tpu.matmul %convert_element_type3A_916, %get3A_53, %dot_general3A_917 {dimension_numbers = #tpu.dot_dimension_numbers<[1], [0], [0], [1], [0, 0, 1, 1], [], []>, transpose_lhs_hint = false} : vector<320x64xbf16>, vector<64x256xbf16>, vector<320x256xf32> -> vector<320x256xf32>
    %add3A_919 = arith.addf %get3A_915, %dot_general3A_918 : vector<320x256xf32>
    %slice3A_920 = vector.extract_strided_slice %add3A_919 {offsets = [0, 0], sizes = [320, 192], strides = [1, 1]} : vector<320x256xf32> to vector<320x192xf32>
    %mul3A_921 = arith.constant 5.000000e-01 : f32
    %mul3A_922 = vector.broadcast %mul3A_921 : f32 to vector<320x192xf32>
    %mul3A_923 = arith.mulf %mul3A_922, %slice3A_920 : vector<320x192xf32>
    %tanh3A_924 = math.tanh %mul3A_923 : vector<320x192xf32>
    %mul3A_925 = arith.constant 5.000000e-01 : f32
    %mul3A_926 = vector.broadcast %mul3A_925 : f32 to vector<320x192xf32>
    %mul3A_927 = arith.mulf %mul3A_926, %tanh3A_924 : vector<320x192xf32>
    %add3A_928 = arith.constant 5.000000e-01 : f32
    %add3A_929 = vector.broadcast %add3A_928 : f32 to vector<320x192xf32>
    %add3A_930 = arith.addf %add3A_929, %mul3A_927 : vector<320x192xf32>
    %slice3A_931 = vector.extract_strided_slice %add3A_919 {offsets = [0, 192], sizes = [320, 64], strides = [1, 1]} : vector<320x256xf32> to vector<320x64xf32>
    %tanh3A_932 = math.tanh %slice3A_931 : vector<320x64xf32>
    %slice3A_933 = vector.extract_strided_slice %add3A_930 {offsets = [0, 0], sizes = [320, 64], strides = [1, 1]} : vector<320x192xf32> to vector<320x64xf32>
    %slice3A_934 = vector.extract_strided_slice %add3A_930 {offsets = [0, 64], sizes = [320, 64], strides = [1, 1]} : vector<320x192xf32> to vector<320x64xf32>
    %slice3A_935 = vector.extract_strided_slice %add3A_930 {offsets = [0, 128], sizes = [320, 64], strides = [1, 1]} : vector<320x192xf32> to vector<320x64xf32>
    %mul3A_936 = arith.mulf %slice3A_934, %select_n3A_871 : vector<320x64xf32>
    %mul3A_937 = arith.mulf %slice3A_933, %tanh3A_932 : vector<320x64xf32>
    %add3A_938 = arith.addf %mul3A_936, %mul3A_937 : vector<320x64xf32>
    %tanh3A_939 = math.tanh %add3A_938 : vector<320x64xf32>
    %mul3A_940 = arith.mulf %slice3A_935, %tanh3A_939 : vector<320x64xf32>
    %gt3A_941 = arith.constant 1.100000e+01 : f32
    %gt3A_942 = vector.broadcast %gt3A_941 : f32 to vector<320x1xf32>
    %gt3A_943 = arith.cmpf ogt, %get3A_50, %gt3A_942 : vector<320x1xf32>
    %broadcast_in_dim3A_944 = vector.shape_cast %gt3A_943 : vector<320x1xi1> to vector<320x1xi1>
    %broadcast_in_dim3A_945 = vector.broadcast %broadcast_in_dim3A_944 : vector<320x1xi1> to vector<320x64xi1>
    %select_n3A_946 = arith.select %broadcast_in_dim3A_945, %mul3A_940, %select_n3A_868 : vector<320x64xi1>, vector<320x64xf32>
    %broadcast_in_dim3A_947 = vector.shape_cast %gt3A_943 : vector<320x1xi1> to vector<320x1xi1>
    %broadcast_in_dim3A_948 = vector.broadcast %broadcast_in_dim3A_947 : vector<320x1xi1> to vector<320x64xi1>
    %select_n3A_949 = arith.select %broadcast_in_dim3A_948, %add3A_938, %select_n3A_871 : vector<320x64xi1>, vector<320x64xf32>
    %get3A_950 = arith.constant 4 : index
    %get3A_951 = arith.constant 0 : index
    %get3A_952 = arith.constant 0 : index
    %get3A_953 = vector.load %arg14[%get3A_950, %get3A_951, %get3A_952] : memref<16x320x256xf32, #tpu.memory_space<vmem>>, vector<1x320x256xf32>
    %get3A_954 = vector.shape_cast %get3A_953 : vector<1x320x256xf32> to vector<320x256xf32>
    %convert_element_type3A_955 = arith.truncf %select_n3A_907 : vector<320x64xf32> to vector<320x64xbf16>
    %dot_general3A_956 = arith.constant dense<0.000000e+00> : vector<320x256xf32>
    %dot_general3A_957 = tpu.matmul %convert_element_type3A_955, %get3A_56, %dot_general3A_956 {dimension_numbers = #tpu.dot_dimension_numbers<[1], [0], [0], [1], [0, 0, 1, 1], [], []>, transpose_lhs_hint = false} : vector<320x64xbf16>, vector<64x256xbf16>, vector<320x256xf32> -> vector<320x256xf32>
    %add3A_958 = arith.addf %get3A_954, %dot_general3A_957 : vector<320x256xf32>
    %slice3A_959 = vector.extract_strided_slice %add3A_958 {offsets = [0, 0], sizes = [320, 192], strides = [1, 1]} : vector<320x256xf32> to vector<320x192xf32>
    %mul3A_960 = arith.constant 5.000000e-01 : f32
    %mul3A_961 = vector.broadcast %mul3A_960 : f32 to vector<320x192xf32>
    %mul3A_962 = arith.mulf %mul3A_961, %slice3A_959 : vector<320x192xf32>
    %tanh3A_963 = math.tanh %mul3A_962 : vector<320x192xf32>
    %mul3A_964 = arith.constant 5.000000e-01 : f32
    %mul3A_965 = vector.broadcast %mul3A_964 : f32 to vector<320x192xf32>
    %mul3A_966 = arith.mulf %mul3A_965, %tanh3A_963 : vector<320x192xf32>
    %add3A_967 = arith.constant 5.000000e-01 : f32
    %add3A_968 = vector.broadcast %add3A_967 : f32 to vector<320x192xf32>
    %add3A_969 = arith.addf %add3A_968, %mul3A_966 : vector<320x192xf32>
    %slice3A_970 = vector.extract_strided_slice %add3A_958 {offsets = [0, 192], sizes = [320, 64], strides = [1, 1]} : vector<320x256xf32> to vector<320x64xf32>
    %tanh3A_971 = math.tanh %slice3A_970 : vector<320x64xf32>
    %slice3A_972 = vector.extract_strided_slice %add3A_969 {offsets = [0, 0], sizes = [320, 64], strides = [1, 1]} : vector<320x192xf32> to vector<320x64xf32>
    %slice3A_973 = vector.extract_strided_slice %add3A_969 {offsets = [0, 64], sizes = [320, 64], strides = [1, 1]} : vector<320x192xf32> to vector<320x64xf32>
    %slice3A_974 = vector.extract_strided_slice %add3A_969 {offsets = [0, 128], sizes = [320, 64], strides = [1, 1]} : vector<320x192xf32> to vector<320x64xf32>
    %mul3A_975 = arith.mulf %slice3A_973, %select_n3A_910 : vector<320x64xf32>
    %mul3A_976 = arith.mulf %slice3A_972, %tanh3A_971 : vector<320x64xf32>
    %add3A_977 = arith.addf %mul3A_975, %mul3A_976 : vector<320x64xf32>
    %tanh3A_978 = math.tanh %add3A_977 : vector<320x64xf32>
    %mul3A_979 = arith.mulf %slice3A_974, %tanh3A_978 : vector<320x64xf32>
    %gt3A_980 = arith.constant 4.000000e+00 : f32
    %gt3A_981 = vector.broadcast %gt3A_980 : f32 to vector<320x1xf32>
    %gt3A_982 = arith.cmpf ogt, %get3A_50, %gt3A_981 : vector<320x1xf32>
    %broadcast_in_dim3A_983 = vector.shape_cast %gt3A_982 : vector<320x1xi1> to vector<320x1xi1>
    %broadcast_in_dim3A_984 = vector.broadcast %broadcast_in_dim3A_983 : vector<320x1xi1> to vector<320x64xi1>
    %select_n3A_985 = arith.select %broadcast_in_dim3A_984, %mul3A_979, %select_n3A_907 : vector<320x64xi1>, vector<320x64xf32>
    %broadcast_in_dim3A_986 = vector.shape_cast %gt3A_982 : vector<320x1xi1> to vector<320x1xi1>
    %broadcast_in_dim3A_987 = vector.broadcast %broadcast_in_dim3A_986 : vector<320x1xi1> to vector<320x64xi1>
    %select_n3A_988 = arith.select %broadcast_in_dim3A_987, %add3A_977, %select_n3A_910 : vector<320x64xi1>, vector<320x64xf32>
    %get3A_989 = arith.constant 12 : index
    %get3A_990 = arith.constant 0 : index
    %get3A_991 = arith.constant 0 : index
    %get3A_992 = vector.load %arg13[%get3A_989, %get3A_990, %get3A_991] : memref<16x320x256xf32, #tpu.memory_space<vmem>>, vector<1x320x256xf32>
    %get3A_993 = vector.shape_cast %get3A_992 : vector<1x320x256xf32> to vector<320x256xf32>
    %convert_element_type3A_994 = arith.truncf %select_n3A_946 : vector<320x64xf32> to vector<320x64xbf16>
    %dot_general3A_995 = arith.constant dense<0.000000e+00> : vector<320x256xf32>
    %dot_general3A_996 = tpu.matmul %convert_element_type3A_994, %get3A_53, %dot_general3A_995 {dimension_numbers = #tpu.dot_dimension_numbers<[1], [0], [0], [1], [0, 0, 1, 1], [], []>, transpose_lhs_hint = false} : vector<320x64xbf16>, vector<64x256xbf16>, vector<320x256xf32> -> vector<320x256xf32>
    %add3A_997 = arith.addf %get3A_993, %dot_general3A_996 : vector<320x256xf32>
    %slice3A_998 = vector.extract_strided_slice %add3A_997 {offsets = [0, 0], sizes = [320, 192], strides = [1, 1]} : vector<320x256xf32> to vector<320x192xf32>
    %mul3A_999 = arith.constant 5.000000e-01 : f32
    %mul3A_1000 = vector.broadcast %mul3A_999 : f32 to vector<320x192xf32>
    %mul3A_1001 = arith.mulf %mul3A_1000, %slice3A_998 : vector<320x192xf32>
    %tanh3A_1002 = math.tanh %mul3A_1001 : vector<320x192xf32>
    %mul3A_1003 = arith.constant 5.000000e-01 : f32
    %mul3A_1004 = vector.broadcast %mul3A_1003 : f32 to vector<320x192xf32>
    %mul3A_1005 = arith.mulf %mul3A_1004, %tanh3A_1002 : vector<320x192xf32>
    %add3A_1006 = arith.constant 5.000000e-01 : f32
    %add3A_1007 = vector.broadcast %add3A_1006 : f32 to vector<320x192xf32>
    %add3A_1008 = arith.addf %add3A_1007, %mul3A_1005 : vector<320x192xf32>
    %slice3A_1009 = vector.extract_strided_slice %add3A_997 {offsets = [0, 192], sizes = [320, 64], strides = [1, 1]} : vector<320x256xf32> to vector<320x64xf32>
    %tanh3A_1010 = math.tanh %slice3A_1009 : vector<320x64xf32>
    %slice3A_1011 = vector.extract_strided_slice %add3A_1008 {offsets = [0, 0], sizes = [320, 64], strides = [1, 1]} : vector<320x192xf32> to vector<320x64xf32>
    %slice3A_1012 = vector.extract_strided_slice %add3A_1008 {offsets = [0, 64], sizes = [320, 64], strides = [1, 1]} : vector<320x192xf32> to vector<320x64xf32>
    %slice3A_1013 = vector.extract_strided_slice %add3A_1008 {offsets = [0, 128], sizes = [320, 64], strides = [1, 1]} : vector<320x192xf32> to vector<320x64xf32>
    %mul3A_1014 = arith.mulf %slice3A_1012, %select_n3A_949 : vector<320x64xf32>
    %mul3A_1015 = arith.mulf %slice3A_1011, %tanh3A_1010 : vector<320x64xf32>
    %add3A_1016 = arith.addf %mul3A_1014, %mul3A_1015 : vector<320x64xf32>
    %tanh3A_1017 = math.tanh %add3A_1016 : vector<320x64xf32>
    %mul3A_1018 = arith.mulf %slice3A_1013, %tanh3A_1017 : vector<320x64xf32>
    %gt3A_1019 = arith.constant 1.200000e+01 : f32
    %gt3A_1020 = vector.broadcast %gt3A_1019 : f32 to vector<320x1xf32>
    %gt3A_1021 = arith.cmpf ogt, %get3A_50, %gt3A_1020 : vector<320x1xf32>
    %broadcast_in_dim3A_1022 = vector.shape_cast %gt3A_1021 : vector<320x1xi1> to vector<320x1xi1>
    %broadcast_in_dim3A_1023 = vector.broadcast %broadcast_in_dim3A_1022 : vector<320x1xi1> to vector<320x64xi1>
    %select_n3A_1024 = arith.select %broadcast_in_dim3A_1023, %mul3A_1018, %select_n3A_946 : vector<320x64xi1>, vector<320x64xf32>
    %broadcast_in_dim3A_1025 = vector.shape_cast %gt3A_1021 : vector<320x1xi1> to vector<320x1xi1>
    %broadcast_in_dim3A_1026 = vector.broadcast %broadcast_in_dim3A_1025 : vector<320x1xi1> to vector<320x64xi1>
    %select_n3A_1027 = arith.select %broadcast_in_dim3A_1026, %add3A_1016, %select_n3A_949 : vector<320x64xi1>, vector<320x64xf32>
    %get3A_1028 = arith.constant 3 : index
    %get3A_1029 = arith.constant 0 : index
    %get3A_1030 = arith.constant 0 : index
    %get3A_1031 = vector.load %arg14[%get3A_1028, %get3A_1029, %get3A_1030] : memref<16x320x256xf32, #tpu.memory_space<vmem>>, vector<1x320x256xf32>
    %get3A_1032 = vector.shape_cast %get3A_1031 : vector<1x320x256xf32> to vector<320x256xf32>
    %convert_element_type3A_1033 = arith.truncf %select_n3A_985 : vector<320x64xf32> to vector<320x64xbf16>
    %dot_general3A_1034 = arith.constant dense<0.000000e+00> : vector<320x256xf32>
    %dot_general3A_1035 = tpu.matmul %convert_element_type3A_1033, %get3A_56, %dot_general3A_1034 {dimension_numbers = #tpu.dot_dimension_numbers<[1], [0], [0], [1], [0, 0, 1, 1], [], []>, transpose_lhs_hint = false} : vector<320x64xbf16>, vector<64x256xbf16>, vector<320x256xf32> -> vector<320x256xf32>
    %add3A_1036 = arith.addf %get3A_1032, %dot_general3A_1035 : vector<320x256xf32>
    %slice3A_1037 = vector.extract_strided_slice %add3A_1036 {offsets = [0, 0], sizes = [320, 192], strides = [1, 1]} : vector<320x256xf32> to vector<320x192xf32>
    %mul3A_1038 = arith.constant 5.000000e-01 : f32
    %mul3A_1039 = vector.broadcast %mul3A_1038 : f32 to vector<320x192xf32>
    %mul3A_1040 = arith.mulf %mul3A_1039, %slice3A_1037 : vector<320x192xf32>
    %tanh3A_1041 = math.tanh %mul3A_1040 : vector<320x192xf32>
    %mul3A_1042 = arith.constant 5.000000e-01 : f32
    %mul3A_1043 = vector.broadcast %mul3A_1042 : f32 to vector<320x192xf32>
    %mul3A_1044 = arith.mulf %mul3A_1043, %tanh3A_1041 : vector<320x192xf32>
    %add3A_1045 = arith.constant 5.000000e-01 : f32
    %add3A_1046 = vector.broadcast %add3A_1045 : f32 to vector<320x192xf32>
    %add3A_1047 = arith.addf %add3A_1046, %mul3A_1044 : vector<320x192xf32>
    %slice3A_1048 = vector.extract_strided_slice %add3A_1036 {offsets = [0, 192], sizes = [320, 64], strides = [1, 1]} : vector<320x256xf32> to vector<320x64xf32>
    %tanh3A_1049 = math.tanh %slice3A_1048 : vector<320x64xf32>
    %slice3A_1050 = vector.extract_strided_slice %add3A_1047 {offsets = [0, 0], sizes = [320, 64], strides = [1, 1]} : vector<320x192xf32> to vector<320x64xf32>
    %slice3A_1051 = vector.extract_strided_slice %add3A_1047 {offsets = [0, 64], sizes = [320, 64], strides = [1, 1]} : vector<320x192xf32> to vector<320x64xf32>
    %slice3A_1052 = vector.extract_strided_slice %add3A_1047 {offsets = [0, 128], sizes = [320, 64], strides = [1, 1]} : vector<320x192xf32> to vector<320x64xf32>
    %mul3A_1053 = arith.mulf %slice3A_1051, %select_n3A_988 : vector<320x64xf32>
    %mul3A_1054 = arith.mulf %slice3A_1050, %tanh3A_1049 : vector<320x64xf32>
    %add3A_1055 = arith.addf %mul3A_1053, %mul3A_1054 : vector<320x64xf32>
    %tanh3A_1056 = math.tanh %add3A_1055 : vector<320x64xf32>
    %mul3A_1057 = arith.mulf %slice3A_1052, %tanh3A_1056 : vector<320x64xf32>
    %gt3A_1058 = arith.constant 3.000000e+00 : f32
    %gt3A_1059 = vector.broadcast %gt3A_1058 : f32 to vector<320x1xf32>
    %gt3A_1060 = arith.cmpf ogt, %get3A_50, %gt3A_1059 : vector<320x1xf32>
    %broadcast_in_dim3A_1061 = vector.shape_cast %gt3A_1060 : vector<320x1xi1> to vector<320x1xi1>
    %broadcast_in_dim3A_1062 = vector.broadcast %broadcast_in_dim3A_1061 : vector<320x1xi1> to vector<320x64xi1>
    %select_n3A_1063 = arith.select %broadcast_in_dim3A_1062, %mul3A_1057, %select_n3A_985 : vector<320x64xi1>, vector<320x64xf32>
    %broadcast_in_dim3A_1064 = vector.shape_cast %gt3A_1060 : vector<320x1xi1> to vector<320x1xi1>
    %broadcast_in_dim3A_1065 = vector.broadcast %broadcast_in_dim3A_1064 : vector<320x1xi1> to vector<320x64xi1>
    %select_n3A_1066 = arith.select %broadcast_in_dim3A_1065, %add3A_1055, %select_n3A_988 : vector<320x64xi1>, vector<320x64xf32>
    %get3A_1067 = arith.constant 13 : index
    %get3A_1068 = arith.constant 0 : index
    %get3A_1069 = arith.constant 0 : index
    %get3A_1070 = vector.load %arg13[%get3A_1067, %get3A_1068, %get3A_1069] : memref<16x320x256xf32, #tpu.memory_space<vmem>>, vector<1x320x256xf32>
    %get3A_1071 = vector.shape_cast %get3A_1070 : vector<1x320x256xf32> to vector<320x256xf32>
    %convert_element_type3A_1072 = arith.truncf %select_n3A_1024 : vector<320x64xf32> to vector<320x64xbf16>
    %dot_general3A_1073 = arith.constant dense<0.000000e+00> : vector<320x256xf32>
    %dot_general3A_1074 = tpu.matmul %convert_element_type3A_1072, %get3A_53, %dot_general3A_1073 {dimension_numbers = #tpu.dot_dimension_numbers<[1], [0], [0], [1], [0, 0, 1, 1], [], []>, transpose_lhs_hint = false} : vector<320x64xbf16>, vector<64x256xbf16>, vector<320x256xf32> -> vector<320x256xf32>
    %add3A_1075 = arith.addf %get3A_1071, %dot_general3A_1074 : vector<320x256xf32>
    %slice3A_1076 = vector.extract_strided_slice %add3A_1075 {offsets = [0, 0], sizes = [320, 192], strides = [1, 1]} : vector<320x256xf32> to vector<320x192xf32>
    %mul3A_1077 = arith.constant 5.000000e-01 : f32
    %mul3A_1078 = vector.broadcast %mul3A_1077 : f32 to vector<320x192xf32>
    %mul3A_1079 = arith.mulf %mul3A_1078, %slice3A_1076 : vector<320x192xf32>
    %tanh3A_1080 = math.tanh %mul3A_1079 : vector<320x192xf32>
    %mul3A_1081 = arith.constant 5.000000e-01 : f32
    %mul3A_1082 = vector.broadcast %mul3A_1081 : f32 to vector<320x192xf32>
    %mul3A_1083 = arith.mulf %mul3A_1082, %tanh3A_1080 : vector<320x192xf32>
    %add3A_1084 = arith.constant 5.000000e-01 : f32
    %add3A_1085 = vector.broadcast %add3A_1084 : f32 to vector<320x192xf32>
    %add3A_1086 = arith.addf %add3A_1085, %mul3A_1083 : vector<320x192xf32>
    %slice3A_1087 = vector.extract_strided_slice %add3A_1075 {offsets = [0, 192], sizes = [320, 64], strides = [1, 1]} : vector<320x256xf32> to vector<320x64xf32>
    %tanh3A_1088 = math.tanh %slice3A_1087 : vector<320x64xf32>
    %slice3A_1089 = vector.extract_strided_slice %add3A_1086 {offsets = [0, 0], sizes = [320, 64], strides = [1, 1]} : vector<320x192xf32> to vector<320x64xf32>
    %slice3A_1090 = vector.extract_strided_slice %add3A_1086 {offsets = [0, 64], sizes = [320, 64], strides = [1, 1]} : vector<320x192xf32> to vector<320x64xf32>
    %slice3A_1091 = vector.extract_strided_slice %add3A_1086 {offsets = [0, 128], sizes = [320, 64], strides = [1, 1]} : vector<320x192xf32> to vector<320x64xf32>
    %mul3A_1092 = arith.mulf %slice3A_1090, %select_n3A_1027 : vector<320x64xf32>
    %mul3A_1093 = arith.mulf %slice3A_1089, %tanh3A_1088 : vector<320x64xf32>
    %add3A_1094 = arith.addf %mul3A_1092, %mul3A_1093 : vector<320x64xf32>
    %tanh3A_1095 = math.tanh %add3A_1094 : vector<320x64xf32>
    %mul3A_1096 = arith.mulf %slice3A_1091, %tanh3A_1095 : vector<320x64xf32>
    %gt3A_1097 = arith.constant 1.300000e+01 : f32
    %gt3A_1098 = vector.broadcast %gt3A_1097 : f32 to vector<320x1xf32>
    %gt3A_1099 = arith.cmpf ogt, %get3A_50, %gt3A_1098 : vector<320x1xf32>
    %broadcast_in_dim3A_1100 = vector.shape_cast %gt3A_1099 : vector<320x1xi1> to vector<320x1xi1>
    %broadcast_in_dim3A_1101 = vector.broadcast %broadcast_in_dim3A_1100 : vector<320x1xi1> to vector<320x64xi1>
    %select_n3A_1102 = arith.select %broadcast_in_dim3A_1101, %mul3A_1096, %select_n3A_1024 : vector<320x64xi1>, vector<320x64xf32>
    %broadcast_in_dim3A_1103 = vector.shape_cast %gt3A_1099 : vector<320x1xi1> to vector<320x1xi1>
    %broadcast_in_dim3A_1104 = vector.broadcast %broadcast_in_dim3A_1103 : vector<320x1xi1> to vector<320x64xi1>
    %select_n3A_1105 = arith.select %broadcast_in_dim3A_1104, %add3A_1094, %select_n3A_1027 : vector<320x64xi1>, vector<320x64xf32>
    %get3A_1106 = arith.constant 2 : index
    %get3A_1107 = arith.constant 0 : index
    %get3A_1108 = arith.constant 0 : index
    %get3A_1109 = vector.load %arg14[%get3A_1106, %get3A_1107, %get3A_1108] : memref<16x320x256xf32, #tpu.memory_space<vmem>>, vector<1x320x256xf32>
    %get3A_1110 = vector.shape_cast %get3A_1109 : vector<1x320x256xf32> to vector<320x256xf32>
    %convert_element_type3A_1111 = arith.truncf %select_n3A_1063 : vector<320x64xf32> to vector<320x64xbf16>
    %dot_general3A_1112 = arith.constant dense<0.000000e+00> : vector<320x256xf32>
    %dot_general3A_1113 = tpu.matmul %convert_element_type3A_1111, %get3A_56, %dot_general3A_1112 {dimension_numbers = #tpu.dot_dimension_numbers<[1], [0], [0], [1], [0, 0, 1, 1], [], []>, transpose_lhs_hint = false} : vector<320x64xbf16>, vector<64x256xbf16>, vector<320x256xf32> -> vector<320x256xf32>
    %add3A_1114 = arith.addf %get3A_1110, %dot_general3A_1113 : vector<320x256xf32>
    %slice3A_1115 = vector.extract_strided_slice %add3A_1114 {offsets = [0, 0], sizes = [320, 192], strides = [1, 1]} : vector<320x256xf32> to vector<320x192xf32>
    %mul3A_1116 = arith.constant 5.000000e-01 : f32
    %mul3A_1117 = vector.broadcast %mul3A_1116 : f32 to vector<320x192xf32>
    %mul3A_1118 = arith.mulf %mul3A_1117, %slice3A_1115 : vector<320x192xf32>
    %tanh3A_1119 = math.tanh %mul3A_1118 : vector<320x192xf32>
    %mul3A_1120 = arith.constant 5.000000e-01 : f32
    %mul3A_1121 = vector.broadcast %mul3A_1120 : f32 to vector<320x192xf32>
    %mul3A_1122 = arith.mulf %mul3A_1121, %tanh3A_1119 : vector<320x192xf32>
    %add3A_1123 = arith.constant 5.000000e-01 : f32
    %add3A_1124 = vector.broadcast %add3A_1123 : f32 to vector<320x192xf32>
    %add3A_1125 = arith.addf %add3A_1124, %mul3A_1122 : vector<320x192xf32>
    %slice3A_1126 = vector.extract_strided_slice %add3A_1114 {offsets = [0, 192], sizes = [320, 64], strides = [1, 1]} : vector<320x256xf32> to vector<320x64xf32>
    %tanh3A_1127 = math.tanh %slice3A_1126 : vector<320x64xf32>
    %slice3A_1128 = vector.extract_strided_slice %add3A_1125 {offsets = [0, 0], sizes = [320, 64], strides = [1, 1]} : vector<320x192xf32> to vector<320x64xf32>
    %slice3A_1129 = vector.extract_strided_slice %add3A_1125 {offsets = [0, 64], sizes = [320, 64], strides = [1, 1]} : vector<320x192xf32> to vector<320x64xf32>
    %slice3A_1130 = vector.extract_strided_slice %add3A_1125 {offsets = [0, 128], sizes = [320, 64], strides = [1, 1]} : vector<320x192xf32> to vector<320x64xf32>
    %mul3A_1131 = arith.mulf %slice3A_1129, %select_n3A_1066 : vector<320x64xf32>
    %mul3A_1132 = arith.mulf %slice3A_1128, %tanh3A_1127 : vector<320x64xf32>
    %add3A_1133 = arith.addf %mul3A_1131, %mul3A_1132 : vector<320x64xf32>
    %tanh3A_1134 = math.tanh %add3A_1133 : vector<320x64xf32>
    %mul3A_1135 = arith.mulf %slice3A_1130, %tanh3A_1134 : vector<320x64xf32>
    %gt3A_1136 = arith.constant 2.000000e+00 : f32
    %gt3A_1137 = vector.broadcast %gt3A_1136 : f32 to vector<320x1xf32>
    %gt3A_1138 = arith.cmpf ogt, %get3A_50, %gt3A_1137 : vector<320x1xf32>
    %broadcast_in_dim3A_1139 = vector.shape_cast %gt3A_1138 : vector<320x1xi1> to vector<320x1xi1>
    %broadcast_in_dim3A_1140 = vector.broadcast %broadcast_in_dim3A_1139 : vector<320x1xi1> to vector<320x64xi1>
    %select_n3A_1141 = arith.select %broadcast_in_dim3A_1140, %mul3A_1135, %select_n3A_1063 : vector<320x64xi1>, vector<320x64xf32>
    %broadcast_in_dim3A_1142 = vector.shape_cast %gt3A_1138 : vector<320x1xi1> to vector<320x1xi1>
    %broadcast_in_dim3A_1143 = vector.broadcast %broadcast_in_dim3A_1142 : vector<320x1xi1> to vector<320x64xi1>
    %select_n3A_1144 = arith.select %broadcast_in_dim3A_1143, %add3A_1133, %select_n3A_1066 : vector<320x64xi1>, vector<320x64xf32>
    %get3A_1145 = arith.constant 14 : index
    %get3A_1146 = arith.constant 0 : index
    %get3A_1147 = arith.constant 0 : index
    %get3A_1148 = vector.load %arg13[%get3A_1145, %get3A_1146, %get3A_1147] : memref<16x320x256xf32, #tpu.memory_space<vmem>>, vector<1x320x256xf32>
    %get3A_1149 = vector.shape_cast %get3A_1148 : vector<1x320x256xf32> to vector<320x256xf32>
    %convert_element_type3A_1150 = arith.truncf %select_n3A_1102 : vector<320x64xf32> to vector<320x64xbf16>
    %dot_general3A_1151 = arith.constant dense<0.000000e+00> : vector<320x256xf32>
    %dot_general3A_1152 = tpu.matmul %convert_element_type3A_1150, %get3A_53, %dot_general3A_1151 {dimension_numbers = #tpu.dot_dimension_numbers<[1], [0], [0], [1], [0, 0, 1, 1], [], []>, transpose_lhs_hint = false} : vector<320x64xbf16>, vector<64x256xbf16>, vector<320x256xf32> -> vector<320x256xf32>
    %add3A_1153 = arith.addf %get3A_1149, %dot_general3A_1152 : vector<320x256xf32>
    %slice3A_1154 = vector.extract_strided_slice %add3A_1153 {offsets = [0, 0], sizes = [320, 192], strides = [1, 1]} : vector<320x256xf32> to vector<320x192xf32>
    %mul3A_1155 = arith.constant 5.000000e-01 : f32
    %mul3A_1156 = vector.broadcast %mul3A_1155 : f32 to vector<320x192xf32>
    %mul3A_1157 = arith.mulf %mul3A_1156, %slice3A_1154 : vector<320x192xf32>
    %tanh3A_1158 = math.tanh %mul3A_1157 : vector<320x192xf32>
    %mul3A_1159 = arith.constant 5.000000e-01 : f32
    %mul3A_1160 = vector.broadcast %mul3A_1159 : f32 to vector<320x192xf32>
    %mul3A_1161 = arith.mulf %mul3A_1160, %tanh3A_1158 : vector<320x192xf32>
    %add3A_1162 = arith.constant 5.000000e-01 : f32
    %add3A_1163 = vector.broadcast %add3A_1162 : f32 to vector<320x192xf32>
    %add3A_1164 = arith.addf %add3A_1163, %mul3A_1161 : vector<320x192xf32>
    %slice3A_1165 = vector.extract_strided_slice %add3A_1153 {offsets = [0, 192], sizes = [320, 64], strides = [1, 1]} : vector<320x256xf32> to vector<320x64xf32>
    %tanh3A_1166 = math.tanh %slice3A_1165 : vector<320x64xf32>
    %slice3A_1167 = vector.extract_strided_slice %add3A_1164 {offsets = [0, 0], sizes = [320, 64], strides = [1, 1]} : vector<320x192xf32> to vector<320x64xf32>
    %slice3A_1168 = vector.extract_strided_slice %add3A_1164 {offsets = [0, 64], sizes = [320, 64], strides = [1, 1]} : vector<320x192xf32> to vector<320x64xf32>
    %slice3A_1169 = vector.extract_strided_slice %add3A_1164 {offsets = [0, 128], sizes = [320, 64], strides = [1, 1]} : vector<320x192xf32> to vector<320x64xf32>
    %mul3A_1170 = arith.mulf %slice3A_1168, %select_n3A_1105 : vector<320x64xf32>
    %mul3A_1171 = arith.mulf %slice3A_1167, %tanh3A_1166 : vector<320x64xf32>
    %add3A_1172 = arith.addf %mul3A_1170, %mul3A_1171 : vector<320x64xf32>
    %tanh3A_1173 = math.tanh %add3A_1172 : vector<320x64xf32>
    %mul3A_1174 = arith.mulf %slice3A_1169, %tanh3A_1173 : vector<320x64xf32>
    %gt3A_1175 = arith.constant 1.400000e+01 : f32
    %gt3A_1176 = vector.broadcast %gt3A_1175 : f32 to vector<320x1xf32>
    %gt3A_1177 = arith.cmpf ogt, %get3A_50, %gt3A_1176 : vector<320x1xf32>
    %broadcast_in_dim3A_1178 = vector.shape_cast %gt3A_1177 : vector<320x1xi1> to vector<320x1xi1>
    %broadcast_in_dim3A_1179 = vector.broadcast %broadcast_in_dim3A_1178 : vector<320x1xi1> to vector<320x64xi1>
    %select_n3A_1180 = arith.select %broadcast_in_dim3A_1179, %mul3A_1174, %select_n3A_1102 : vector<320x64xi1>, vector<320x64xf32>
    %broadcast_in_dim3A_1181 = vector.shape_cast %gt3A_1177 : vector<320x1xi1> to vector<320x1xi1>
    %broadcast_in_dim3A_1182 = vector.broadcast %broadcast_in_dim3A_1181 : vector<320x1xi1> to vector<320x64xi1>
    %select_n3A_1183 = arith.select %broadcast_in_dim3A_1182, %add3A_1172, %select_n3A_1105 : vector<320x64xi1>, vector<320x64xf32>
    %get3A_1184 = arith.constant 1 : index
    %get3A_1185 = arith.constant 0 : index
    %get3A_1186 = arith.constant 0 : index
    %get3A_1187 = vector.load %arg14[%get3A_1184, %get3A_1185, %get3A_1186] : memref<16x320x256xf32, #tpu.memory_space<vmem>>, vector<1x320x256xf32>
    %get3A_1188 = vector.shape_cast %get3A_1187 : vector<1x320x256xf32> to vector<320x256xf32>
    %convert_element_type3A_1189 = arith.truncf %select_n3A_1141 : vector<320x64xf32> to vector<320x64xbf16>
    %dot_general3A_1190 = arith.constant dense<0.000000e+00> : vector<320x256xf32>
    %dot_general3A_1191 = tpu.matmul %convert_element_type3A_1189, %get3A_56, %dot_general3A_1190 {dimension_numbers = #tpu.dot_dimension_numbers<[1], [0], [0], [1], [0, 0, 1, 1], [], []>, transpose_lhs_hint = false} : vector<320x64xbf16>, vector<64x256xbf16>, vector<320x256xf32> -> vector<320x256xf32>
    %add3A_1192 = arith.addf %get3A_1188, %dot_general3A_1191 : vector<320x256xf32>
    %slice3A_1193 = vector.extract_strided_slice %add3A_1192 {offsets = [0, 0], sizes = [320, 192], strides = [1, 1]} : vector<320x256xf32> to vector<320x192xf32>
    %mul3A_1194 = arith.constant 5.000000e-01 : f32
    %mul3A_1195 = vector.broadcast %mul3A_1194 : f32 to vector<320x192xf32>
    %mul3A_1196 = arith.mulf %mul3A_1195, %slice3A_1193 : vector<320x192xf32>
    %tanh3A_1197 = math.tanh %mul3A_1196 : vector<320x192xf32>
    %mul3A_1198 = arith.constant 5.000000e-01 : f32
    %mul3A_1199 = vector.broadcast %mul3A_1198 : f32 to vector<320x192xf32>
    %mul3A_1200 = arith.mulf %mul3A_1199, %tanh3A_1197 : vector<320x192xf32>
    %add3A_1201 = arith.constant 5.000000e-01 : f32
    %add3A_1202 = vector.broadcast %add3A_1201 : f32 to vector<320x192xf32>
    %add3A_1203 = arith.addf %add3A_1202, %mul3A_1200 : vector<320x192xf32>
    %slice3A_1204 = vector.extract_strided_slice %add3A_1192 {offsets = [0, 192], sizes = [320, 64], strides = [1, 1]} : vector<320x256xf32> to vector<320x64xf32>
    %tanh3A_1205 = math.tanh %slice3A_1204 : vector<320x64xf32>
    %slice3A_1206 = vector.extract_strided_slice %add3A_1203 {offsets = [0, 0], sizes = [320, 64], strides = [1, 1]} : vector<320x192xf32> to vector<320x64xf32>
    %slice3A_1207 = vector.extract_strided_slice %add3A_1203 {offsets = [0, 64], sizes = [320, 64], strides = [1, 1]} : vector<320x192xf32> to vector<320x64xf32>
    %slice3A_1208 = vector.extract_strided_slice %add3A_1203 {offsets = [0, 128], sizes = [320, 64], strides = [1, 1]} : vector<320x192xf32> to vector<320x64xf32>
    %mul3A_1209 = arith.mulf %slice3A_1207, %select_n3A_1144 : vector<320x64xf32>
    %mul3A_1210 = arith.mulf %slice3A_1206, %tanh3A_1205 : vector<320x64xf32>
    %add3A_1211 = arith.addf %mul3A_1209, %mul3A_1210 : vector<320x64xf32>
    %tanh3A_1212 = math.tanh %add3A_1211 : vector<320x64xf32>
    %mul3A_1213 = arith.mulf %slice3A_1208, %tanh3A_1212 : vector<320x64xf32>
    %gt3A_1214 = arith.constant 1.000000e+00 : f32
    %gt3A_1215 = vector.broadcast %gt3A_1214 : f32 to vector<320x1xf32>
    %gt3A_1216 = arith.cmpf ogt, %get3A_50, %gt3A_1215 : vector<320x1xf32>
    %broadcast_in_dim3A_1217 = vector.shape_cast %gt3A_1216 : vector<320x1xi1> to vector<320x1xi1>
    %broadcast_in_dim3A_1218 = vector.broadcast %broadcast_in_dim3A_1217 : vector<320x1xi1> to vector<320x64xi1>
    %select_n3A_1219 = arith.select %broadcast_in_dim3A_1218, %mul3A_1213, %select_n3A_1141 : vector<320x64xi1>, vector<320x64xf32>
    %broadcast_in_dim3A_1220 = vector.shape_cast %gt3A_1216 : vector<320x1xi1> to vector<320x1xi1>
    %broadcast_in_dim3A_1221 = vector.broadcast %broadcast_in_dim3A_1220 : vector<320x1xi1> to vector<320x64xi1>
    %select_n3A_1222 = arith.select %broadcast_in_dim3A_1221, %add3A_1211, %select_n3A_1144 : vector<320x64xi1>, vector<320x64xf32>
    %get3A_1223 = arith.constant 15 : index
    %get3A_1224 = arith.constant 0 : index
    %get3A_1225 = arith.constant 0 : index
    %get3A_1226 = vector.load %arg13[%get3A_1223, %get3A_1224, %get3A_1225] : memref<16x320x256xf32, #tpu.memory_space<vmem>>, vector<1x320x256xf32>
    %get3A_1227 = vector.shape_cast %get3A_1226 : vector<1x320x256xf32> to vector<320x256xf32>
    %convert_element_type3A_1228 = arith.truncf %select_n3A_1180 : vector<320x64xf32> to vector<320x64xbf16>
    %dot_general3A_1229 = arith.constant dense<0.000000e+00> : vector<320x256xf32>
    %dot_general3A_1230 = tpu.matmul %convert_element_type3A_1228, %get3A_53, %dot_general3A_1229 {dimension_numbers = #tpu.dot_dimension_numbers<[1], [0], [0], [1], [0, 0, 1, 1], [], []>, transpose_lhs_hint = false} : vector<320x64xbf16>, vector<64x256xbf16>, vector<320x256xf32> -> vector<320x256xf32>
    %add3A_1231 = arith.addf %get3A_1227, %dot_general3A_1230 : vector<320x256xf32>
    %slice3A_1232 = vector.extract_strided_slice %add3A_1231 {offsets = [0, 0], sizes = [320, 192], strides = [1, 1]} : vector<320x256xf32> to vector<320x192xf32>
    %mul3A_1233 = arith.constant 5.000000e-01 : f32
    %mul3A_1234 = vector.broadcast %mul3A_1233 : f32 to vector<320x192xf32>
    %mul3A_1235 = arith.mulf %mul3A_1234, %slice3A_1232 : vector<320x192xf32>
    %tanh3A_1236 = math.tanh %mul3A_1235 : vector<320x192xf32>
    %mul3A_1237 = arith.constant 5.000000e-01 : f32
    %mul3A_1238 = vector.broadcast %mul3A_1237 : f32 to vector<320x192xf32>
    %mul3A_1239 = arith.mulf %mul3A_1238, %tanh3A_1236 : vector<320x192xf32>
    %add3A_1240 = arith.constant 5.000000e-01 : f32
    %add3A_1241 = vector.broadcast %add3A_1240 : f32 to vector<320x192xf32>
    %add3A_1242 = arith.addf %add3A_1241, %mul3A_1239 : vector<320x192xf32>
    %slice3A_1243 = vector.extract_strided_slice %add3A_1231 {offsets = [0, 192], sizes = [320, 64], strides = [1, 1]} : vector<320x256xf32> to vector<320x64xf32>
    %tanh3A_1244 = math.tanh %slice3A_1243 : vector<320x64xf32>
    %slice3A_1245 = vector.extract_strided_slice %add3A_1242 {offsets = [0, 0], sizes = [320, 64], strides = [1, 1]} : vector<320x192xf32> to vector<320x64xf32>
    %slice3A_1246 = vector.extract_strided_slice %add3A_1242 {offsets = [0, 64], sizes = [320, 64], strides = [1, 1]} : vector<320x192xf32> to vector<320x64xf32>
    %slice3A_1247 = vector.extract_strided_slice %add3A_1242 {offsets = [0, 128], sizes = [320, 64], strides = [1, 1]} : vector<320x192xf32> to vector<320x64xf32>
    %mul3A_1248 = arith.mulf %slice3A_1246, %select_n3A_1183 : vector<320x64xf32>
    %mul3A_1249 = arith.mulf %slice3A_1245, %tanh3A_1244 : vector<320x64xf32>
    %add3A_1250 = arith.addf %mul3A_1248, %mul3A_1249 : vector<320x64xf32>
    %tanh3A_1251 = math.tanh %add3A_1250 : vector<320x64xf32>
    %mul3A_1252 = arith.mulf %slice3A_1247, %tanh3A_1251 : vector<320x64xf32>
    %gt3A_1253 = arith.constant 1.500000e+01 : f32
    %gt3A_1254 = vector.broadcast %gt3A_1253 : f32 to vector<320x1xf32>
    %gt3A_1255 = arith.cmpf ogt, %get3A_50, %gt3A_1254 : vector<320x1xf32>
    %broadcast_in_dim3A_1256 = vector.shape_cast %gt3A_1255 : vector<320x1xi1> to vector<320x1xi1>
    %broadcast_in_dim3A_1257 = vector.broadcast %broadcast_in_dim3A_1256 : vector<320x1xi1> to vector<320x64xi1>
    %select_n3A_1258 = arith.select %broadcast_in_dim3A_1257, %mul3A_1252, %select_n3A_1180 : vector<320x64xi1>, vector<320x64xf32>
    %get3A_1259 = arith.constant 0 : index
    %get3A_1260 = arith.constant 0 : index
    %get3A_1261 = arith.constant 0 : index
    %get3A_1262 = vector.load %arg14[%get3A_1259, %get3A_1260, %get3A_1261] : memref<16x320x256xf32, #tpu.memory_space<vmem>>, vector<1x320x256xf32>
    %get3A_1263 = vector.shape_cast %get3A_1262 : vector<1x320x256xf32> to vector<320x256xf32>
    %convert_element_type3A_1264 = arith.truncf %select_n3A_1219 : vector<320x64xf32> to vector<320x64xbf16>
    %dot_general3A_1265 = arith.constant dense<0.000000e+00> : vector<320x256xf32>
    %dot_general3A_1266 = tpu.matmul %convert_element_type3A_1264, %get3A_56, %dot_general3A_1265 {dimension_numbers = #tpu.dot_dimension_numbers<[1], [0], [0], [1], [0, 0, 1, 1], [], []>, transpose_lhs_hint = false} : vector<320x64xbf16>, vector<64x256xbf16>, vector<320x256xf32> -> vector<320x256xf32>
    %add3A_1267 = arith.addf %get3A_1263, %dot_general3A_1266 : vector<320x256xf32>
    %slice3A_1268 = vector.extract_strided_slice %add3A_1267 {offsets = [0, 0], sizes = [320, 192], strides = [1, 1]} : vector<320x256xf32> to vector<320x192xf32>
    %mul3A_1269 = arith.constant 5.000000e-01 : f32
    %mul3A_1270 = vector.broadcast %mul3A_1269 : f32 to vector<320x192xf32>
    %mul3A_1271 = arith.mulf %mul3A_1270, %slice3A_1268 : vector<320x192xf32>
    %tanh3A_1272 = math.tanh %mul3A_1271 : vector<320x192xf32>
    %mul3A_1273 = arith.constant 5.000000e-01 : f32
    %mul3A_1274 = vector.broadcast %mul3A_1273 : f32 to vector<320x192xf32>
    %mul3A_1275 = arith.mulf %mul3A_1274, %tanh3A_1272 : vector<320x192xf32>
    %add3A_1276 = arith.constant 5.000000e-01 : f32
    %add3A_1277 = vector.broadcast %add3A_1276 : f32 to vector<320x192xf32>
    %add3A_1278 = arith.addf %add3A_1277, %mul3A_1275 : vector<320x192xf32>
    %slice3A_1279 = vector.extract_strided_slice %add3A_1267 {offsets = [0, 192], sizes = [320, 64], strides = [1, 1]} : vector<320x256xf32> to vector<320x64xf32>
    %tanh3A_1280 = math.tanh %slice3A_1279 : vector<320x64xf32>
    %slice3A_1281 = vector.extract_strided_slice %add3A_1278 {offsets = [0, 0], sizes = [320, 64], strides = [1, 1]} : vector<320x192xf32> to vector<320x64xf32>
    %slice3A_1282 = vector.extract_strided_slice %add3A_1278 {offsets = [0, 64], sizes = [320, 64], strides = [1, 1]} : vector<320x192xf32> to vector<320x64xf32>
    %slice3A_1283 = vector.extract_strided_slice %add3A_1278 {offsets = [0, 128], sizes = [320, 64], strides = [1, 1]} : vector<320x192xf32> to vector<320x64xf32>
    %mul3A_1284 = arith.mulf %slice3A_1282, %select_n3A_1222 : vector<320x64xf32>
    %mul3A_1285 = arith.mulf %slice3A_1281, %tanh3A_1280 : vector<320x64xf32>
    %add3A_1286 = arith.addf %mul3A_1284, %mul3A_1285 : vector<320x64xf32>
    %tanh3A_1287 = math.tanh %add3A_1286 : vector<320x64xf32>
    %mul3A_1288 = arith.mulf %slice3A_1283, %tanh3A_1287 : vector<320x64xf32>
    %gt3A_1289 = arith.constant 0.000000e+00 : f32
    %gt3A_1290 = vector.broadcast %gt3A_1289 : f32 to vector<320x1xf32>
    %gt3A_1291 = arith.cmpf ogt, %get3A_50, %gt3A_1290 : vector<320x1xf32>
    %broadcast_in_dim3A_1292 = vector.shape_cast %gt3A_1291 : vector<320x1xi1> to vector<320x1xi1>
    %broadcast_in_dim3A_1293 = vector.broadcast %broadcast_in_dim3A_1292 : vector<320x1xi1> to vector<320x64xi1>
    %select_n3A_1294 = arith.select %broadcast_in_dim3A_1293, %mul3A_1288, %select_n3A_1219 : vector<320x64xi1>, vector<320x64xf32>
    %get3A_1295 = arith.constant 0 : index
    %get3A_1296 = arith.constant 0 : index
    %get3A_1297 = vector.load %arg3[%get3A_1295, %get3A_1296] : memref<320x128xf32, #tpu.memory_space<vmem>>, vector<320x128xf32>
    %get3A_1298 = arith.constant 0 : index
    %get3A_1299 = arith.constant 0 : index
    %get3A_1300 = vector.load %arg4[%get3A_1298, %get3A_1299] : memref<320x128xf32, #tpu.memory_space<vmem>>, vector<320x128xf32>
    %add3A_1301 = arith.addf %get3A_1297, %get3A_1300 : vector<320x128xf32>
    %get3A_1302 = arith.constant 0 : index
    %get3A_1303 = arith.constant 0 : index
    %get3A_1304 = vector.load %arg5[%get3A_1302, %get3A_1303] : memref<320x128xf32, #tpu.memory_space<vmem>>, vector<320x32xf32>
    %concatenate3A = tpu.concatenate %add3A_1301, %select_n3A_1258, %select_n3A_1294, %get3A_1304 in 1 : vector<320x128xf32>, vector<320x64xf32>, vector<320x64xf32>, vector<320x32xf32> -> vector<320x288xf32>
    %swap3A_1305 = arith.constant 0 : index
    %swap3A_1306 = arith.constant 0 : index
    %swap3A_1307 = vector.load %arg12[%swap3A_1305, %swap3A_1306] : memref<320x288xf32, #tpu.memory_space<vmem>>, vector<320x288xf32>
    tpu.vector_store %arg12[%swap3A_1305, %swap3A_1306], %concatenate3A {strides = array<i32>} : memref<320x288xf32, #tpu.memory_space<vmem>>, vector<320x288xf32>,
    return
  }
  func.func @transform_0(%arg0: i32) -> (i32, i32, i32) {
    %c0_i32 = arith.constant 0 : i32
    %c0_i32_0 = arith.constant 0 : i32
    %c0_i32_1 = arith.constant 0 : i32
    return %c0_i32, %arg0, %c0_i32_0 : i32, i32, i32
  }
  func.func @transform_1(%arg0: i32) -> (i32, i32) {
    %c0_i32 = arith.constant 0 : i32
    %c0_i32_0 = arith.constant 0 : i32
    return %arg0, %c0_i32 : i32, i32
  }
  func.func @transform_2(%arg0: i32) -> (i32, i32) {
    %c0_i32 = arith.constant 0 : i32
    %c0_i32_0 = arith.constant 0 : i32
    return %arg0, %c0_i32 : i32, i32
  }
  func.func @transform_3(%arg0: i32) -> (i32, i32) {
    %c0_i32 = arith.constant 0 : i32
    %c0_i32_0 = arith.constant 0 : i32
    return %arg0, %c0_i32 : i32, i32
  }
  func.func @transform_4(%arg0: i32) -> (i32, i32) {
    %c0_i32 = arith.constant 0 : i32
    %c0_i32_0 = arith.constant 0 : i32
    return %arg0, %c0_i32 : i32, i32
  }
  func.func @transform_5(%arg0: i32) -> (i32, i32) {
    %c0_i32 = arith.constant 0 : i32
    %c0_i32_0 = arith.constant 0 : i32
    %c0_i32_1 = arith.constant 0 : i32
    return %c0_i32, %c0_i32_0 : i32, i32
  }
  func.func @transform_6(%arg0: i32) -> (i32, i32) {
    %c0_i32 = arith.constant 0 : i32
    %c0_i32_0 = arith.constant 0 : i32
    %c0_i32_1 = arith.constant 0 : i32
    return %c0_i32, %c0_i32_0 : i32, i32
  }
  func.func @transform_7(%arg0: i32) -> (i32, i32) {
    %c0_i32 = arith.constant 0 : i32
    %c0_i32_0 = arith.constant 0 : i32
    %c0_i32_1 = arith.constant 0 : i32
    return %c0_i32, %c0_i32_0 : i32, i32
  }
  func.func @transform_8(%arg0: i32) -> (i32, i32) {
    %c0_i32 = arith.constant 0 : i32
    %c0_i32_0 = arith.constant 0 : i32
    %c0_i32_1 = arith.constant 0 : i32
    return %c0_i32, %c0_i32_0 : i32, i32
  }
  func.func @transform_9(%arg0: i32) -> (i32, i32) {
    %c0_i32 = arith.constant 0 : i32
    %c0_i32_0 = arith.constant 0 : i32
    %c0_i32_1 = arith.constant 0 : i32
    return %c0_i32, %c0_i32_0 : i32, i32
  }
  func.func @transform_10(%arg0: i32) -> (i32, i32) {
    %c0_i32 = arith.constant 0 : i32
    %c0_i32_0 = arith.constant 0 : i32
    %c0_i32_1 = arith.constant 0 : i32
    return %c0_i32, %c0_i32_0 : i32, i32
  }
  func.func @transform_11(%arg0: i32) -> (i32, i32) {
    %c0_i32 = arith.constant 0 : i32
    %c0_i32_0 = arith.constant 0 : i32
    return %arg0, %c0_i32 : i32, i32
  }
}

</mosaic_0001>

<sc_bundles>
// kernel: kernel.10.cloned.1.call-start
scs
__scs_entry_jumppad:
0x0: {  	(pc) =	sbr.rel $0x88, $3  }
0x1: {  	(tag) =	ssettag $0x0;
	lr =	simm.s32 $0x1  }
0x2: {  	[smem:$0x3F8F] =	sst lr;
	_ =	strace $0xD0000000  }
0x3: {  	_ = 	snop  }
0x4: {  	_ = 	snop  }
0x5: {  	_ = 	snop  }
0x6: {  	_ = 	snop  }
0x7: {  	_ = 	snop  }
__scs_overlays_trampoline_lowered:
0x8: {  	[smem:$0x3F9E] =	sst s0  }
0x9: {  	[smem:$0x3F9F] =	sst s1  }
0xa: {  	[smem:$0x3FA0] =	sst s2  }
0xb: {  	[smem:$0x3FA1] =	sst s3  }
0xc: {  	[smem:$0x3FA2] =	sst s4  }
0xd: {  	[smem:$0x3FA3] =	sst s5  }
0xe: {  	[smem:$0x3FA4] =	sst s6  }
0xf: {  	[smem:$0x3FA5] =	sst s7  }
0x10: {  	[smem:$0x3FA6] =	sst s8  }
0x11: {  	[smem:$0x3FA7] =	sst s9;
	s0 =	simm.s32 @!p0 $0x0  }
0x12: {  	s1 =	sld [smem:$0x3F8D];
	s0 =	simm.s32 @p0 $0x1  }
0x13: {  	[smem:$0x3FA8] =	sst s0;
	s0 =	simm.s32 @!p1 $0x0  }
0x14: {  	s2 =	sld [smem:$0x3F8C];
	s0 =	simm.s32 @p1 $0x1  }
0x15: {  	[smem:$0x3FA9] =	sst s0;
	s0 =	simm.s32 @!p2 $0x0  }
0x16: {  	s3 =	sld [smem:$0x3FDB];
	s0 =	simm.s32 @p2 $0x1  }
0x17: {  	s4 =	simm.s32 $0x1BF5;
	[smem:$0x3FAB] =	sst s0  }
0x18: {  	s0 =	sld [smem:$0x3F8E];
	_ =	swait.ge [sflag:s4], $0x0  }
0x19: {  	s7 =	sld [smem:$0x3F8F]  }
0x1a: {  	s8 =	sadd.s32 $0xFFFFE003, lr  }
0x1b: {  	s9 =	sadd.s32 $0xFFFFFEF7, lr;
	s5 =	simm.s32 $0xFFFFFFFF;
	p2 =	slt.u32 s8, $0xFFFFF086  }
0x1c: {  	p1 =	slt.u32 s9, $0xF7A;
	s5 =	simm.s32 @!p2 $0x0  }
0x1d: {  	s5 =	simm.s32 @p1 $0x1;
	p0 =	seq.s32 s7, s2  }
0x1e: {  	s7 =	smul.u32 @!p0 $0xF7A, s2;
	p2 =	seq.s32 @!p0 s5, $0x0  }
0x1f: {  	s9 =	smul.u32 $0xF7A, s1;
	s8 =	simm.s32 @!p0 $0x1BF5;
	p2 =	por !p2, p0  }
0x20: {  	[sflag:s8] =	ssyncset.s32 @!p0 $0xFFFFF086;
	s6 =	sadd.s32 @!p0 s3, s7;
	s7 =	simm.s32 @!p0 $0x108  }
0x21: {  	s3 =	sadd.s32 s3, s9;
	s6 =	sadd.s32 @!p0 $0x88, s6;
	s7 =	simm.s32 @p2 $0x1082  }
0x22: {  	[simem:s7], [sflag:s8] =	dma.local @!p0 [hbm:s6], $0xF7A  }
0x23: {  	s9 =	sor.u32 $0xD0000000, s2;
	s6 =	simm.s32 $0x108;
	_ =	swait.ge @!p0 [sflag:s8], $0x0  }
0x24: {  	s3 =	sadd.s32 $0x88, s3;
	s6 =	simm.s32 @!p1 $0x1082;
	[sflag:s4] =	ssyncset.s32 $0xFFFFF086  }
0x25: {  	[simem:s6], [sflag:s4] =	dma.local [hbm:s3], $0xF7A  }
0x26: {  	[smem:$0x3F8F] =	sst s1;
	(tag) =	ssettag s2;
	_ =	strace s9  }
0x27: {  	s1 =	sld [smem:$0x3F9F]  }
0x28: {  	s2 =	sld [smem:$0x3FA0]  }
0x29: {  	s4 =	sld [smem:$0x3FA2]  }
0x2a: {  	p0 =	seq.s32 s5, $0x0;
	s5 =	sld [smem:$0x3FA3]  }
0x2b: {  	s6 =	sld [smem:$0x3FA4]  }
0x2c: {  	s7 =	sld [smem:$0x3FA5]  }
0x2d: {  	s3 =	simm.s32 $0x108;
	s8 =	sld [smem:$0x3FA6]  }
0x2e: {  	s3 =	simm.s32 @!p0 $0x1082;
	s9 =	sld [smem:$0x3FA7]  }
0x2f: {  	lr =	sadd.s32 s0, s3;
	s0 =	sld [smem:$0x3F9E]  }
0x30: {  	s3 =	sld [smem:$0x3FA1]  }
0x31: {  	[smem:$0x3FAA] =	sst s10  }
0x32: {  	s10 =	sld [smem:$0x3FA8];
	_ =	sdelay $0x3  }
0x33: {  	p0 =	seq.s32 s10, $0x1;
	s10 =	sld [smem:$0x3FAA];
	_ =	sdelay $0x3  }
0x34: {  	[smem:$0x3FAA] =	sst s10  }
0x35: {  	s10 =	sld [smem:$0x3FA9];
	_ =	sdelay $0x3  }
0x36: {  	p1 =	seq.s32 s10, $0x1;
	s10 =	sld [smem:$0x3FAA];
	_ =	sdelay $0x3  }
0x37: {  	[smem:$0x3FAA] =	sst s10  }
0x38: {  	s10 =	sld [smem:$0x3FAB]  }
0x39: {  	_ = 	snop;
	(pc) =	sbr.ind lr, $3  }
0x3a: {  	_ = 	snop  }
0x3b: {  	_ = 	snop  }
0x3c: {  	p2 =	seq.s32 s10, $0x1;
	s10 =	sld [smem:$0x3FAA]  }
0x3d: {  	_ =	shalt  }
0x3e: {  	_ =	shalt  }
0x3f: {  	_ =	shalt  }
0x40: {  	_ =	shalt  }
0x41: {  	_ =	shalt  }
0x42: {  	_ =	shalt  }
0x43: {  	_ =	shalt  }
0x44: {  	_ =	shalt  }
0x45: {  	_ =	shalt  }
0x46: {  	_ =	shalt  }
0x47: {  	_ =	shalt  }
0x48: {  	_ =	shalt  }
0x49: {  	_ =	shalt  }
0x4a: {  	_ =	shalt  }
0x4b: {  	_ =	shalt  }
0x4c: {  	_ =	shalt  }
0x4d: {  	_ =	shalt  }
0x4e: {  	_ =	shalt  }
0x4f: {  	_ =	shalt  }
0x50: {  	_ =	shalt  }
0x51: {  	_ =	shalt  }
0x52: {  	_ =	shalt  }
0x53: {  	_ =	shalt  }
0x54: {  	_ =	shalt  }
0x55: {  	_ =	shalt  }
0x56: {  	_ =	shalt  }
0x57: {  	_ =	shalt  }
0x58: {  	_ =	shalt  }
0x59: {  	_ =	shalt  }
0x5a: {  	_ =	shalt  }
0x5b: {  	_ =	shalt  }
0x5c: {  	_ =	shalt  }
0x5d: {  	_ =	shalt  }
0x5e: {  	_ =	shalt  }
0x5f: {  	_ =	shalt  }
0x60: {  	_ =	shalt  }
0x61: {  	_ =	shalt  }
0x62: {  	_ =	shalt  }
0x63: {  	_ =	shalt  }
0x64: {  	_ =	shalt  }
0x65: {  	_ =	shalt  }
0x66: {  	_ =	shalt  }
0x67: {  	_ =	shalt  }
0x68: {  	_ =	shalt  }
0x69: {  	_ =	shalt  }
0x6a: {  	_ =	shalt  }
0x6b: {  	_ =	shalt  }
0x6c: {  	_ =	shalt  }
0x6d: {  	_ =	shalt  }
0x6e: {  	_ =	shalt  }
0x6f: {  	_ =	shalt  }
0x70: {  	_ =	shalt  }
0x71: {  	_ =	shalt  }
0x72: {  	_ =	shalt  }
0x73: {  	_ =	shalt  }
0x74: {  	_ =	shalt  }
0x75: {  	_ =	shalt  }
0x76: {  	_ =	shalt  }
0x77: {  	_ =	shalt  }
0x78: {  	_ =	shalt  }
0x79: {  	_ =	shalt  }
0x7a: {  	_ =	shalt  }
0x7b: {  	_ =	shalt  }
0x7c: {  	_ =	shalt  }
0x7d: {  	_ =	shalt  }
0x7e: {  	_ =	shalt  }
0x7f: {  	_ =	shalt  }
0x80: {  	_ =	shalt  }
0x81: {  	_ =	shalt  }
0x82: {  	_ =	shalt  }
0x83: {  	_ =	shalt  }
0x84: {  	_ =	shalt  }
0x85: {  	_ =	shalt  }
0x86: {  	_ =	shalt  }
0x87: {  	_ =	shalt  }
.Lfunc_end0:
.L_simem_size_0:
called_computation.1_lowered:
.L_overlay_start_0:
0x88: {  	s2 =	sld [smem:$0x3FD9]  }
0x89: {  	s3 =	sld [smem:$0x3FFE];
	_ =	sdelay $0x1  }
0x8a: {  	s1 =	srdreg.scid  }
0x8b: {  	s0 =	sand.u32 $0x1, s1  }
0x8c: {  	s14 =	sshll.u32 s0, $0xA;
	s2 =	sadd.s32 s3, s2  }
0x8d: {  	s2 =	sadd.s32 s2, s14  }
0x8e: {  	[smem:$0x3FB6] =	sst s2  }
0x8f: {  	_ = 	snop  }
0x90: {  	s2 =	sld [smem:$0x3FD0]  }
0x91: {  	s15 =	sld [smem:$0x3FC9]  }
0x92: {  	s4 =	sld [smem:$0x3FC3]  }
0x93: {  	s6 =	simm.s32 $0xB;
	s7 =	simm.s32 $0x10;
	s5 =	sld [smem:$0x3FC2]  }
0x94: {  	[smem:s7], [sflag:s6] =	dma.local [hbm:s2], $0x1  }
0x95: {  	_ =	swait.eq [sflag:s6], $0x1  }
0x96: {  	[sflag:s6] =	ssyncset.done $0x0  }
0x97: {  	s16 =	sld [smem:$0x10];
	[sflag:s6] =	ssyncadd.s32 $0xFFFFFFFF  }
0x98: {  	s17 =	sld [smem:$0x11];
	(tm) =	ssettm $0x1  }
0x99: {  	s18 =	sld [smem:$0x3FFB];
	_ =	sdelay $0x3  }
0x9a: {  	_ =	strace s18  }
0x9b: {  	s7 =	sld [smem:$0x3FFC];
	_ =	sdelay $0x3  }
0x9c: {  	_ =	strace s7  }
0x9d: {  	s7 =	sld [smem:$0x3FFD];
	_ =	sdelay $0x3  }
0x9e: {  	_ =	strace s7  }
0x9f: {  	_ =	strace $0x8FFFFFFF  }
0xa0: {  	s19 =	sld [smem:$0x3FDB];
	_ =	sdelay $0x1  }
0xa1: {  	s8 =	simm.s32 $_scs_section_size  }
0xa2: {  	s9 =	simm.s32 $_size__tile_overlayer_lowered;
	s10 =	simm.s32 $_tile_overlayer_lowered  }
0xa3: {  	s22 =	simm.s32 $0x1BFF;
	s21 =	sshll.u32 s10, $0x1;
	s7 =	sadd.s32 s8, s19  }
0xa4: {  	s11 =	simm.s32 $0x0;
	s20 =	sshll.u32 s9, $0x1;
	s9 =	sadd.s32 s21, s7  }
0xa5: {  	[timem:s11], [sflag:s22] =	dma.local [hbm:s9], s20  }
0xa6: {  	_ =	swait.ge [sflag:s22], s20  }
0xa7: {  	s8 =	ssub.s32 $0x0, s20;
	[sflag:s22] =	ssyncset.done $0x0  }
0xa8: {  	[sflag:s22] =	ssyncadd.s32 s8;
	_ =	sdelay $0x1  }
0xa9: {  	s23 =	simm.s32 $0x1B8B  }
0xaa: {  	_ =	swait.ge [sflag:s23], $0x1  }
0xab: {  	[sflag:s23] =	ssyncset.done $0x0  }
0xac: {  	s25 =	simm.s32 $0x1B8E;
	s24 =	sld [smem:$0x3FFE];
	[sflag:s23] =	ssyncadd.s32 $0xFFFFFFFF  }
0xad: {  	s26 =	simm.s32 $execute0_lowered;
	[smem:$0x3FD2] =	sst s25  }
0xae: {  	s9 =	sshll.u32 s26, $0x1;
	_ =	strace $0x80000046;
	[dreg:$0x1] =	wrdreg $0xFFFFFFFF  }
0xaf: {  	s28 =	simm.s32 $_size_execute0_lowered;
	s7 =	sadd.s32 s7, s9;
	[dreg:$0x0] =	wrdreg $0x0  }
0xb0: {  	s9 =	sshll.u32 s28, $0x1;
	[dreg:$0x2] =	wrdreg s7  }
0xb1: {  	[dreg:$0x3] =	wrdreg s9  }
0xb2: {  	[dreg:$0x4] =	wrdreg $0xC0  }
0xb3: {  	_ =	task [dreg:s11], $0x5FFFF  }
0xb4: {  	[dreg:$0x1] =	wrdreg $0xFFFFFFFF  }
0xb5: {  	[dreg:$0x0] =	wrdreg $0x60  }
0xb6: {  	[dreg:$0x2] =	wrdreg s24  }
0xb7: {  	[dreg:$0x3] =	wrdreg s15  }
0xb8: {  	[dreg:$0x4] =	wrdreg s4  }
0xb9: {  	[dreg:$0x5] =	wrdreg s5  }
0xba: {  	[dreg:$0x6] =	wrdreg s16  }
0xbb: {  	[dreg:$0x7] =	wrdreg s17  }
0xbc: {  	[dreg:$0x8] =	wrdreg $0xA  }
0xbd: {  	_ =	task.clear_ibuf [dreg:s11], $0x9FFFF;
	_ =	strace $0x90000046  }
0xbe: {  	s29 =	simm.s32 $0xA;
	_ =	strace $0x80000048  }
0xbf: {  	_ =	swait.ge [sflag:s29], $0x1  }
0xc0: {  	[sflag:s29] =	ssyncadd.s32 $0xFFFFFFFF  }
0xc1: {  	_ =	strace $0x90000048  }
0xc2: {  	_ =	sfence  }
0xc3: {  	s30 =	sld [smem:$0x0];
	_ =	sdelay $0x2  }
0xc4: {  	s31 =	sshll.u32 s1, $0xD;
	s1 =	sshrl.u32 s1, $0x2  }
0xc5: {  	s3 =	sand.u32 $0x4000, s31;
	s1 =	sadd.s32 s1, s30  }
0xc6: {  	s0 =	sor.u32 s3, s0;
	s1 =	sshll.u32 s1, $0x11  }
0xc7: {  	s0 =	sor.u32 s1, s0  }
0xc8: {  	s0 =	sadd.s32 $0x8F2B, s0  }
0xc9: {  	[sflag:s0] =	ssyncadd.remote.s32 $0x1  }
0xca: {  	_ =	sfence.sel $0xFFFF  }
0xcb: {  	[dreg:$0x0] =	wrdreg $0xFFFFFFFF;
	(pc) =	sbr.abs _section_cstart, $3  }
0xcc: {  	[dreg:$0x1] =	wrdreg $0xFFFFFFFF  }
0xcd: {  	_ =	task.clear_ibuf [dreg:s11], $0x2FFFF;
	_ =	strace $0x9FFFFFFF  }
0xce: {  	(tm) =	ssettm $0x7FFFFFFF  }
0xcf: {  	_ =	shalt  }
tec
execute0_lowered:
.L_overlay_start_1:
0x0: {  	(tag) =	ssettag $0x1  }
0x1: {  	s0 =	rddreg [dreg:$0x0]  }
0x2: {  	s1 =	rddreg [dreg:$0x1]  }
0x3: {  	s2 =	rddreg [dreg:$0x2]  }
0x4: {  	s10 =	rddreg [dreg:$0x3]  }
0x5: {  	s3 =	rddreg [dreg:$0x4]  }
0x6: {  	s11 =	srdreg.scid;
	s18 =	rddreg [dreg:$0x5]  }
0x7: {  	s29 =	stileid.u32;
	s28 =	simm.s32 $0x15E00;
	[dreg:$0x7] =	wrdreg s2  }
0x8: {  	p1 =	por $0x0, $0x0;
	[dreg:$0x8] =	wrdreg s10;
	s4 =	sand.u32 $0x1, s11  }
0x9: {  	s5 =	sshll.u32 s29, $0x1;
	s2 =	simm.s32 $0x0;
	s8 =	sadd.s32 $0x7A00, s0  }
0xa: {  	p0 =	sgt.u32 s29, $0x3;
	s5 =	sor.u32 s4, s5;
	[smem:$0x7FF] =	sst s2  }
0xb: {  	s4 =	ssub.s32 $0x2, s4;
	s6 =	sshll.u32 s5, $0x3;
	_ =	strace $0x80000047  }
0xc: {  	s7 =	sshll.u32 s5, $0x8;
	s1 =	sadd.s32 s1, s5;
	s6 =	sadd.s32 s6, s0  }
0xd: {  	s10 =	sshll.u32 s5, $0x7;
	[dreg:$0xd] =	wrdreg s1;
	s9 =	sadd.s32 $0x7800, s6  }
0xe: {  	s15 =	smul.u32 $0x3200, s5;
	s12 =	sadd.s32 $0x7400, s6;
	[dreg:$0x9] =	wrdreg s9  }
0xf: {  	s7 =	sadd.s32 s7, s0;
	s6 =	sadd.s32 $0x7600, s6;
	[dreg:$0xa] =	wrdreg s12  }
0x10: {  	s10 =	sadd.s32 s10, s0;
	s13 =	sadd.s32 $0x5400, s7;
	[dreg:$0xb] =	wrdreg s6  }
0x11: {  	s14 =	smul.u32 $0x19000, s5;
	s16 =	sadd.s32 $0x83A00, s10;
	[dreg:$0xc] =	wrdreg s13  }
0x12: {  	s5 =	sshll.u32 s5, $0xA;
	s17 =	sadd.s32 s8, s15;
	[dreg:$0xe] =	wrdreg s16  }
0x13: {  	s7 =	sshrl.u32 s14, $0x3;
	s14 =	simm.s32 $0x300;
	[dreg:$0xf] =	wrdreg s17  }
0x14: {  	s0 =	sadd.s32 s5, s0;
	s15 =	simm.s32 $0x380;
	[dreg:$0x1d] =	wrdreg s14  }
0x15: {  	s19 =	sadd.s32 s8, s7;
	s8 =	sadd.s32 $0x6BA00, s0;
	[dreg:$0x1e] =	wrdreg s15  }
0x16: {  	s10 =	sshrl.u32 s4, $0x1;
	s9 =	sadd.s32 $0x73A00, s0;
	[dreg:$0x19] =	wrdreg s8  }
0x17: {  	s0 =	sadd.s32 $0x7BA00, s0;
	s11 =	ssub.s32 s4, s10;
	[dreg:$0x1a] =	wrdreg s9  }
0x18: {  	s6 =	simm.s32 $0x2A00;
	s13 =	simm.s32 $0x280;
	[dreg:$0x1b] =	wrdreg s0  }
0x19: {  	s16 =	simm.s32 $0x400;
	s17 =	simm.s32 $0x480;
	[dreg:$0x1c] =	wrdreg s13  }
0x1a: {  	s4 =	simm.s32 $0x10E00;
	s14 =	simm.s32 $0x6;
	[dreg:$0x1f] =	wrdreg s16  }
0x1b: {  	s10 =	simm.s32 $0xD;
	s15 =	simm.s32 $0x10;
	[smem:$0x7F9] =	sst s17  }
0x1c: {  	s20 =	sadd.s32 $0x500, s19;
	s21 =	sadd.s32 $0xA00, s19;
	s31 =	rddreg [dreg:$0x9]  }
0x1d: {  	s22 =	sadd.s32 $0xF00, s19;
	s23 =	sadd.s32 $0x1400, s19;
	[dreg:$0x10] =	wrdreg s20  }
0x1e: {  	s24 =	sadd.s32 $0x1900, s19;
	s25 =	sadd.s32 $0x1E00, s19;
	[dreg:$0x11] =	wrdreg s21  }
0x1f: {  	s26 =	sadd.s32 $0x2300, s19;
	s30 =	sadd.s32 $0x2800, s19;
	[dreg:$0x12] =	wrdreg s22  }
0x20: {  	s7 =	sadd.s32 $0x2D00, s19;
	s12 =	smax.u32 s11, $0x1;
	[dreg:$0x13] =	wrdreg s23  }
0x21: {  	s19 =	simm.s32 $0x50;
	s9 =	simm.s32 $0x6E00;
	[dreg:$0x14] =	wrdreg s24  }
0x22: {  	s16 =	simm.s32 $0x5;
	s8 =	simm.s32 $0xE;
	[dreg:$0x15] =	wrdreg s25  }
0x23: {  	s17 =	simm.s32 $0x12;
	s13 =	simm.s32 $0x1;
	[dreg:$0x16] =	wrdreg s26  }
0x24: {  	s11 =	simm.s32 $0x3;
	[dreg:$0x17] =	wrdreg s30;
	s0 =	sadd.s32 $0xFFFFFFFF, s12  }
0x25: {  	[dreg:$0x18] =	wrdreg s7;
	s25 =	simm.s32 $0x15;
	p2 =	sne.s32 s0, $0x0  }
.Ltmp0:
0x26: {  	s20 =	simm.s32 $0x200;
	s22 =	simm.s32 $0x500;
	(pc) =	sbr.rel @!p2 .LBB2_5-.Ltmp0, $4  }
0x27: {  	s23 =	simm.s32 $0xA00;
	s24 =	simm.s32 $0x580;
	[smem:$0x7FA] =	sst s22  }
0x28: {  	s21 =	simm.s32 $0x4A00;
	s26 =	simm.s32 $0x600;
	[smem:$0x7FB] =	sst s24  }
0x29: {  	s30 =	simm.s32 $0x680;
	s12 =	simm.s32 $0x2;
	[smem:$0x7FC] =	sst s26  }
0x2a: {  	[smem:$0x7FD] =	sst s30;
	s22 =	simm.s32 $0x18600;
	s26 =	simm.s32 $0x13  }
0x2b: {  	[tilespmem:s2], [sflag:$0x15] =	stream.linear.gather [hbm4b:s31+s2], $0x40, $0x38;
	[tilespmem:$0x1AE00] =	vst v63  }
0x2c: {  	_ =	swait.ge [sflag:s25], $0x40  }
0x2d: {  	[sflag:s25] =	ssyncset.done $0x0  }
0x2e: {  	s7 =	simm.s32 $0x80;
	s5 =	rddreg [dreg:$0xa];
	[sflag:s25] =	ssyncadd.s32 $0xFFFFFFC0  }
0x2f: {  	[tilespmem:s7], [sflag:$0x15] =	stream.linear.gather [hbm4b:s5+s2], $0x40, $0x38;
	[tilespmem:$0x1AE00] =	vst v63  }
0x30: {  	_ =	swait.ge [sflag:s25], $0x40  }
0x31: {  	[sflag:s25] =	ssyncset.done $0x0  }
0x32: {  	s29 =	simm.s32 $0x100;
	s30 =	rddreg [dreg:$0xb];
	[sflag:s25] =	ssyncadd.s32 $0xFFFFFFC0  }
0x33: {  	[tilespmem:s29], [sflag:$0x15] =	stream.linear.gather [hbm4b:s30+s2], $0x40, $0x38;
	[tilespmem:$0x1AE00] =	vst v63  }
0x34: {  	_ =	swait.ge [sflag:s25], $0x40  }
0x35: {  	[sflag:s25] =	ssyncset.done $0x0  }
0x36: {  	s1 =	rddreg [dreg:$0xc];
	[sflag:s25] =	ssyncadd.s32 $0xFFFFFFC0  }
0x37: {  	[tilespmem:s20], [sflag:$0x15] =	stream.linear.gather [hbm4b:s1+s2], $0x500, $0x38;
	[tilespmem:$0x1AE00] =	vst v63  }
0x38: {  	_ =	swait.ge [sflag:s25], $0x500  }
0x39: {  	[sflag:s25] =	ssyncset.done $0x0  }
0x3a: {  	s30 =	simm.s32 $0x40;
	s20 =	rddreg [dreg:$0x7];
	[sflag:s25] =	ssyncadd.s32 $0xFFFFFB00  }
0x3b: {  	[tilespmem:s23], [sflag:$0x1] =	stream.indirect.gather [hbm4b:s20+s30], $0x80, s2, s30, $0xb8;
	[tilespmem:$0x1AE00] =	vst v63  }
0x3c: {  	s1 =	rddreg [dreg:$0x8]  }
0x3d: {  	[tilespmem:s6], [sflag:$0x2] =	stream.indirect.gather [hbm4b:s1+s30], $0x80, s7, s30, $0xb8;
	[tilespmem:$0x1AE00] =	vst v63  }
0x3e: {  	s31 =	smov.u32 s18;
	s18 =	simm.s32 @!p0 $0x180  }
0x3f: {  	[tilespmem:s21], [sflag:$0x3] =	stream.indirect.gather [hbm4b:s31+s30], $0x80, s29, s30, $0xb8;
	[tilespmem:$0x1AE00] =	vst v63  }
0x40: {  	s5 =	simm.s32 @!p0 $0x15;
	s20 =	rddreg [dreg:$0xd];
	s7 =	simm.s32 @!p0 $0x0  }
0x41: {  	[tilespmem:s18], [sflag:$0x15] =	stream.linear.gather @!p0 [hbm4b:s20+s7], $0x8, $0x38;
	[tilespmem:$0x1AE00] =	vst v63  }
0x42: {  	_ =	swait.ge @!p0 [sflag:s5], $0x8  }
0x43: {  	s1 =	simm.s32 @!p0 $0x8;
	s29 =	simm.s32 @!p0 $0x6A00;
	[sflag:s5] =	ssyncset.done @!p0 $0x0  }
0x44: {  	s20 =	simm.s32 @!p0 $0x4;
	[smem:$0x7F8] =	sst s0;
	[sflag:s5] =	ssyncadd.s32 @!p0 $0xFFFFFFF8  }
0x45: {  	[tilespmem:s29], [sflag:$0x4] =	stream.indirect.gather @!p0 [hbm4b:s31+s1], $0x80, s18, s1, $0xb8;
	[tilespmem:$0x1AE00] =	vst v63  }
0x46: {  	_ =	swait.ge @!p0 [sflag:s20], $0x400  }
0x47: {  	[sflag:s20] =	ssyncset.done @!p0 $0x0  }
0x48: {  	s31 =	rddreg [dreg:$0xe];
	[sflag:s20] =	ssyncadd.s32 @!p0 $0xFFFFFC00  }
0x49: {  	[hbm4b:s31+s7] =	stream.linear.scatter @!p0 [tilespmem:s29], [sflag:$0x15], $0x400, $0x38;
	[tilespmem:$0x1AE00] =	vst v63  }
0x4a: {  	_ =	swait.ge @!p0 [sflag:s5], $0x400  }
0x4b: {  	[sflag:s5] =	ssyncset.done @!p0 $0x0  }
0x4c: {  	s24 =	simm.s32 $0x200;
	[sflag:s5] =	ssyncadd.s32 @!p0 $0xFFFFFC00  }
0x4d: {  	[tilespmem:s9], [sflag:$0x5] =	stream.indirect.gather [hbm4b:s3+s19], $0x80, s24, s19, $0xb8;
	[tilespmem:$0x1AE00] =	vst v63  }
0x4e: {  	s20 =	simm.s32 $0x9600;
	s31 =	rddreg [dreg:$0x1c]  }
0x4f: {  	[tilespmem:s20], [sflag:$0x6] =	stream.indirect.gather [hbm4b:s3+s19], $0x80, s31, s19, $0xb8;
	[tilespmem:$0x1AE00] =	vst v63  }
0x50: {  	s7 =	simm.s32 $0xBE00;
	s29 =	rddreg [dreg:$0x1d]  }
0x51: {  	[tilespmem:s7], [sflag:$0x7] =	stream.indirect.gather [hbm4b:s3+s19], $0x80, s29, s19, $0xb8;
	[tilespmem:$0x1AE00] =	vst v63  }
0x52: {  	s0 =	simm.s32 $0xE600;
	s31 =	rddreg [dreg:$0x1e]  }
0x53: {  	[tilespmem:s0], [sflag:$0x8] =	stream.indirect.gather [hbm4b:s3+s19], $0x80, s31, s19, $0xb8;
	[tilespmem:$0x1AE00] =	vst v63  }
0x54: {  	s29 =	rddreg [dreg:$0x1f]  }
0x55: {  	[tilespmem:s4], [sflag:$0x9] =	stream.indirect.gather [hbm4b:s3+s19], $0x80, s29, s19, $0xb8;
	[tilespmem:$0x1AE00] =	vst v63  }
0x56: {  	_ =	swait.ge [sflag:s16], $0x2800  }
0x57: {  	s29 =	rddreg [dreg:$0xf];
	[sflag:s16] =	ssyncset.done $0x0  }
0x58: {  	s31 =	sld [smem:$0x7F9];
	[sflag:s16] =	ssyncadd.s32 $0xFFFFD800  }
0x59: {  	[hbm4b:s29+s2] =	stream.linear.scatter [tilespmem:s9], [sflag:$0xD], $0x2800, $0x38;
	[tilespmem:$0x1AE00] =	vst v63  }
0x5a: {  	s18 =	simm.s32 $0x13600  }
0x5b: {  	[tilespmem:s18], [sflag:$0xA] =	stream.indirect.gather [hbm4b:s3+s19], $0x80, s31, s19, $0xb8;
	[tilespmem:$0x1AE00] =	vst v63  }
0x5c: {  	_ =	swait.ge [sflag:s14], $0x2800  }
0x5d: {  	s29 =	rddreg [dreg:$0x10];
	[sflag:s14] =	ssyncset.done $0x0  }
0x5e: {  	s31 =	sld [smem:$0x7FA];
	[sflag:s14] =	ssyncadd.s32 $0xFFFFD800  }
0x5f: {  	[hbm4b:s29+s2] =	stream.linear.scatter [tilespmem:s20], [sflag:$0xE], $0x2800, $0x38;
	[tilespmem:$0x1AE00] =	vst v63  }
0x60: {  	s1 =	simm.s32 $0x7  }
0x61: {  	[tilespmem:s28], [sflag:$0xB] =	stream.indirect.gather [hbm4b:s3+s19], $0x80, s31, s19, $0xb8;
	[tilespmem:$0x1AE00] =	vst v63  }
0x62: {  	_ =	swait.ge [sflag:s1], $0x2800  }
0x63: {  	s29 =	rddreg [dreg:$0x11];
	[sflag:s1] =	ssyncset.done $0x0  }
0x64: {  	s31 =	sld [smem:$0x7FB];
	[sflag:s1] =	ssyncadd.s32 $0xFFFFD800  }
0x65: {  	[hbm4b:s29+s2] =	stream.linear.scatter [tilespmem:s7], [sflag:$0xF], $0x2800, $0x38;
	[tilespmem:$0x1AE00] =	vst v63  }
0x66: {  	s24 =	simm.s32 $0x8  }
0x67: {  	[tilespmem:s22], [sflag:$0xC] =	stream.indirect.gather [hbm4b:s3+s19], $0x80, s31, s19, $0xb8;
	[tilespmem:$0x1AE00] =	vst v63  }
0x68: {  	_ =	swait.ge [sflag:s24], $0x2800  }
0x69: {  	[sflag:s24] =	ssyncset.done $0x0  }
0x6a: {  	s29 =	rddreg [dreg:$0x12];
	[sflag:s24] =	ssyncadd.s32 $0xFFFFD800  }
0x6b: {  	[hbm4b:s29+s2] =	stream.linear.scatter [tilespmem:s0], [sflag:$0x10], $0x2800, $0x38;
	[tilespmem:$0x1AE00] =	vst v63  }
0x6c: {  	_ =	swait.ge [sflag:s10], $0x2800  }
0x6d: {  	s29 =	sld [smem:$0x7FC]  }
0x6e: {  	[sflag:s10] =	ssyncset.done $0x0  }
0x6f: {  	s0 =	simm.s32 $0x9;
	[sflag:s10] =	ssyncadd.s32 $0xFFFFD800  }
0x70: {  	[tilespmem:s9], [sflag:$0x5] =	stream.indirect.gather [hbm4b:s3+s19], $0x80, s29, s19, $0xb8;
	[tilespmem:$0x1AE00] =	vst v63  }
0x71: {  	_ =	swait.ge [sflag:s0], $0x2800  }
0x72: {  	[sflag:s0] =	ssyncset.done $0x0  }
0x73: {  	s29 =	rddreg [dreg:$0x13];
	[sflag:s0] =	ssyncadd.s32 $0xFFFFD800  }
0x74: {  	[hbm4b:s29+s2] =	stream.linear.scatter [tilespmem:s4], [sflag:$0x11], $0x2800, $0x38;
	[tilespmem:$0x1AE00] =	vst v63  }
0x75: {  	_ =	swait.ge [sflag:s8], $0x2800  }
0x76: {  	s29 =	sld [smem:$0x7FD]  }
0x77: {  	[sflag:s8] =	ssyncset.done $0x0  }
0x78: {  	s1 =	simm.s32 $0xA;
	[sflag:s8] =	ssyncadd.s32 $0xFFFFD800  }
0x79: {  	[tilespmem:s20], [sflag:$0x6] =	stream.indirect.gather [hbm4b:s3+s19], $0x80, s29, s19, $0xb8;
	[tilespmem:$0x1AE00] =	vst v63  }
0x7a: {  	_ =	swait.ge [sflag:s1], $0x2800  }
0x7b: {  	[sflag:s1] =	ssyncset.done $0x0  }
0x7c: {  	s7 =	simm.s32 $0xF;
	s29 =	rddreg [dreg:$0x14];
	[sflag:s1] =	ssyncadd.s32 $0xFFFFD800  }
0x7d: {  	[hbm4b:s29+s2] =	stream.linear.scatter [tilespmem:s18], [sflag:$0x12], $0x2800, $0x38;
	[tilespmem:$0x1AE00] =	vst v63  }
0x7e: {  	_ =	swait.ge [sflag:s7], $0x2800  }
0x7f: {  	[sflag:s7] =	ssyncset.done $0x0  }
0x80: {  	s18 =	simm.s32 $0xB;
	[sflag:s7] =	ssyncadd.s32 $0xFFFFD800  }
0x81: {  	_ =	swait.ge [sflag:s18], $0x2800  }
0x82: {  	[sflag:s18] =	ssyncset.done $0x0  }
0x83: {  	s29 =	rddreg [dreg:$0x15];
	[sflag:s18] =	ssyncadd.s32 $0xFFFFD800  }
0x84: {  	[hbm4b:s29+s2] =	stream.linear.scatter [tilespmem:s28], [sflag:$0x13], $0x2800, $0x38;
	[tilespmem:$0x1AE00] =	vst v63  }
0x85: {  	_ =	swait.ge [sflag:s15], $0x2800  }
0x86: {  	[sflag:s15] =	ssyncset.done $0x0  }
0x87: {  	s30 =	simm.s32 $0xC;
	[sflag:s15] =	ssyncadd.s32 $0xFFFFD800  }
0x88: {  	_ =	swait.ge [sflag:s30], $0x2800  }
0x89: {  	[sflag:s30] =	ssyncset.done $0x0  }
0x8a: {  	s24 =	simm.s32 $0x11;
	s29 =	rddreg [dreg:$0x16];
	[sflag:s30] =	ssyncadd.s32 $0xFFFFD800  }
0x8b: {  	[hbm4b:s29+s2] =	stream.linear.scatter [tilespmem:s22], [sflag:$0x14], $0x2800, $0x38;
	[tilespmem:$0x1AE00] =	vst v63  }
0x8c: {  	_ =	swait.ge [sflag:s24], $0x2800  }
0x8d: {  	[sflag:s24] =	ssyncset.done $0x0  }
0x8e: {  	[sflag:s24] =	ssyncadd.s32 $0xFFFFD800  }
0x8f: {  	_ =	swait.ge [sflag:s16], $0x2800  }
0x90: {  	[sflag:s16] =	ssyncset.done $0x0  }
0x91: {  	s29 =	rddreg [dreg:$0x17];
	[sflag:s16] =	ssyncadd.s32 $0xFFFFD800  }
0x92: {  	[hbm4b:s29+s2] =	stream.linear.scatter [tilespmem:s9], [sflag:$0xD], $0x2800, $0x38;
	[tilespmem:$0x1AE00] =	vst v63  }
0x93: {  	_ =	swait.ge [sflag:s17], $0x2800  }
0x94: {  	[sflag:s17] =	ssyncset.done $0x0  }
0x95: {  	[sflag:s17] =	ssyncadd.s32 $0xFFFFD800  }
0x96: {  	_ =	swait.ge [sflag:s14], $0x2800  }
0x97: {  	[sflag:s14] =	ssyncset.done $0x0  }
0x98: {  	s29 =	rddreg [dreg:$0x18];
	[sflag:s14] =	ssyncadd.s32 $0xFFFFD800  }
0x99: {  	[hbm4b:s29+s2] =	stream.linear.scatter [tilespmem:s20], [sflag:$0xE], $0x2800, $0x38;
	[tilespmem:$0x1AE00] =	vst v63  }
0x9a: {  	_ =	swait.ge [sflag:s13], $0x2000  }
0x9b: {  	[sflag:s13] =	ssyncset.done $0x0  }
0x9c: {  	s29 =	rddreg [dreg:$0x19];
	[sflag:s13] =	ssyncadd.s32 $0xFFFFE000  }
0x9d: {  	[hbm4b:s29+s2] =	stream.linear.scatter [tilespmem:s23], [sflag:$0x1], $0x2000, $0x38;
	[tilespmem:$0x1AE00] =	vst v63  }
0x9e: {  	_ =	swait.ge [sflag:s12], $0x2000  }
0x9f: {  	[sflag:s12] =	ssyncset.done $0x0  }
0xa0: {  	s29 =	rddreg [dreg:$0x1a];
	[sflag:s12] =	ssyncadd.s32 $0xFFFFE000  }
0xa1: {  	[hbm4b:s29+s2] =	stream.linear.scatter [tilespmem:s6], [sflag:$0x2], $0x2000, $0x38;
	[tilespmem:$0x1AE00] =	vst v63  }
0xa2: {  	_ =	swait.ge [sflag:s11], $0x2000  }
0xa3: {  	[sflag:s11] =	ssyncset.done $0x0  }
0xa4: {  	s29 =	rddreg [dreg:$0x1b];
	[sflag:s11] =	ssyncadd.s32 $0xFFFFE000  }
0xa5: {  	[hbm4b:s29+s2] =	stream.linear.scatter [tilespmem:s21], [sflag:$0x3], $0x2000, $0x38;
	[tilespmem:$0x1AE00] =	vst v63  }
0xa6: {  	_ =	swait.ge [sflag:s26], $0x2800  }
0xa7: {  	[sflag:s26] =	ssyncset.done $0x0  }
0xa8: {  	s28 =	simm.s32 $0x14;
	[sflag:s26] =	ssyncadd.s32 $0xFFFFD800  }
0xa9: {  	_ =	swait.ge [sflag:s28], $0x2800  }
0xaa: {  	[sflag:s28] =	ssyncset.done $0x0  }
0xab: {  	[sflag:s28] =	ssyncadd.s32 $0xFFFFD800  }
0xac: {  	_ =	swait.ge [sflag:s10], $0x2800  }
0xad: {  	[sflag:s10] =	ssyncset.done $0x0  }
0xae: {  	[sflag:s10] =	ssyncadd.s32 $0xFFFFD800  }
0xaf: {  	_ =	swait.ge [sflag:s8], $0x2800  }
0xb0: {  	[sflag:s8] =	ssyncset.done $0x0  }
0xb1: {  	[sflag:s8] =	ssyncadd.s32 $0xFFFFD800  }
0xb2: {  	_ =	swait.ge [sflag:s13], $0x2000  }
0xb3: {  	[sflag:s13] =	ssyncset.done $0x0  }
0xb4: {  	[sflag:s13] =	ssyncadd.s32 $0xFFFFE000  }
0xb5: {  	_ =	swait.ge [sflag:s12], $0x2000  }
0xb6: {  	s30 =	sld [smem:$0x7F8];
	_ =	sdelay $0x2  }
0xb7: {  	s29 =	sadd.s32 $0xFFFFFFFF, s30  }
0xb8: {  	p2 =	sne.s32 s29, $0x0  }
.Ltmp1:
0xb9: {  	_ = 	snop;
	(pc) =	sbr.rel @!p2 .LBB2_6-.Ltmp1, $4  }
0xba: {  	p1 =	por $0x1, $0x1;
	[sflag:s12] =	ssyncset.done $0x0  }
0xbb: {  	s0 =	simm.s32 $0x12;
	s4 =	simm.s32 $0x11;
	[sflag:s12] =	ssyncadd.s32 $0xFFFFE000  }
0xbc: {  	s15 =	simm.s32 $0xC;
	s23 =	simm.s32 $0x10;
	_ =	swait.ge [sflag:s11], $0x2000  }
0xbd: {  	s6 =	simm.s32 $0x6E00;
	s31 =	rddreg [dreg:$0x9];
	[sflag:s11] =	ssyncset.done $0x0  }
0xbe: {  	s17 =	simm.s32 $0x4A00  }
0xbf: {  	s9 =	simm.s32 $0xA00;
	s22 =	simm.s32 $0x2A00;
	s26 =	simm.s32 $0x9600  }
0xc0: {  	s30 =	simm.s32 $0xE600;
	s28 =	simm.s32 $0x10E00;
	s20 =	simm.s32 $0x15E00  }
.LBB2_3:
0xc1: {  	[sflag:s11] =	ssyncadd.s32 $0xFFFFE000  }
0xc2: {  	[tilespmem:s2], [sflag:$0x15] =	stream.linear.gather [hbm4b:s31+s2], $0x40, $0x38;
	[tilespmem:$0x1AE00] =	vst v63  }
0xc3: {  	_ =	swait.ge [sflag:s25], $0x40  }
0xc4: {  	[sflag:s25] =	ssyncset.done $0x0  }
0xc5: {  	s18 =	simm.s32 $0x80;
	s31 =	rddreg [dreg:$0xa];
	[sflag:s25] =	ssyncadd.s32 $0xFFFFFFC0  }
0xc6: {  	[tilespmem:s18], [sflag:$0x15] =	stream.linear.gather [hbm4b:s31+s2], $0x40, $0x38;
	[tilespmem:$0x1AE00] =	vst v63  }
0xc7: {  	_ =	swait.ge [sflag:s25], $0x40  }
0xc8: {  	[sflag:s25] =	ssyncset.done $0x0  }
0xc9: {  	s7 =	simm.s32 $0x100;
	s31 =	rddreg [dreg:$0xb];
	[sflag:s25] =	ssyncadd.s32 $0xFFFFFFC0  }
0xca: {  	[tilespmem:s7], [sflag:$0x15] =	stream.linear.gather [hbm4b:s31+s2], $0x40, $0x38;
	[tilespmem:$0x1AE00] =	vst v63  }
0xcb: {  	_ =	swait.ge [sflag:s25], $0x40  }
0xcc: {  	[sflag:s25] =	ssyncset.done $0x0  }
0xcd: {  	s1 =	simm.s32 $0x200;
	s31 =	rddreg [dreg:$0xc];
	[sflag:s25] =	ssyncadd.s32 $0xFFFFFFC0  }
0xce: {  	[tilespmem:s1], [sflag:$0x15] =	stream.linear.gather [hbm4b:s31+s2], $0x500, $0x38;
	[tilespmem:$0x1AE00] =	vst v63  }
0xcf: {  	_ =	swait.ge [sflag:s25], $0x500  }
0xd0: {  	[sflag:s25] =	ssyncset.done $0x0  }
0xd1: {  	s24 =	simm.s32 $0x40;
	s31 =	rddreg [dreg:$0x7];
	[sflag:s25] =	ssyncadd.s32 $0xFFFFFB00  }
0xd2: {  	[tilespmem:s9], [sflag:$0x1] =	stream.indirect.gather [hbm4b:s31+s24], $0x80, s2, s24, $0xb8;
	[tilespmem:$0x1AE00] =	vst v63  }
0xd3: {  	s21 =	rddreg [dreg:$0x8]  }
0xd4: {  	[tilespmem:s22], [sflag:$0x2] =	stream.indirect.gather [hbm4b:s21+s24], $0x80, s18, s24, $0xb8;
	[tilespmem:$0x1AE00] =	vst v63  }
0xd5: {  	s31 =	rddreg [dreg:$0x5]  }
0xd6: {  	[tilespmem:s17], [sflag:$0x3] =	stream.indirect.gather [hbm4b:s31+s24], $0x80, s7, s24, $0xb8;
	[tilespmem:$0x1AE00] =	vst v63  }
0xd7: {  	s21 =	rddreg [dreg:$0xd];
	s18 =	simm.s32 @!p0 $0x180;
	s7 =	simm.s32 @!p0 $0x0  }
0xd8: {  	[tilespmem:s18], [sflag:$0x15] =	stream.linear.gather @!p0 [hbm4b:s21+s7], $0x8, $0x38;
	[tilespmem:$0x1AE00] =	vst v63  }
0xd9: {  	_ =	swait.ge @!p0 [sflag:s5], $0x8  }
0xda: {  	[sflag:s5] =	ssyncset.done @!p0 $0x0  }
0xdb: {  	s24 =	simm.s32 @!p0 $0x6A00;
	s21 =	simm.s32 @!p0 $0x8;
	[sflag:s5] =	ssyncadd.s32 @!p0 $0xFFFFFFF8  }
0xdc: {  	[tilespmem:s24], [sflag:$0x4] =	stream.indirect.gather @!p0 [hbm4b:s31+s21], $0x80, s18, s21, $0xb8;
	[tilespmem:$0x1AE00] =	vst v63  }
0xdd: {  	s18 =	simm.s32 @!p0 $0x4  }
0xde: {  	_ =	swait.ge @!p0 [sflag:s18], $0x400  }
0xdf: {  	[sflag:s18] =	ssyncset.done @!p0 $0x0  }
0xe0: {  	s21 =	rddreg [dreg:$0xe];
	[sflag:s18] =	ssyncadd.s32 @!p0 $0xFFFFFC00  }
0xe1: {  	[hbm4b:s21+s7] =	stream.linear.scatter @!p0 [tilespmem:s24], [sflag:$0x15], $0x400, $0x38;
	[tilespmem:$0x1AE00] =	vst v63  }
0xe2: {  	_ =	swait.ge @!p0 [sflag:s5], $0x400  }
0xe3: {  	[sflag:s5] =	ssyncset.done @!p0 $0x0  }
0xe4: {  	[sflag:s5] =	ssyncadd.s32 @!p0 $0xFFFFFC00  }
0xe5: {  	[tilespmem:s6], [sflag:$0x5] =	stream.indirect.gather [hbm4b:s3+s19], $0x80, s1, s19, $0xb8;
	[tilespmem:$0x1AE00] =	vst v63  }
0xe6: {  	s7 =	rddreg [dreg:$0x1c]  }
0xe7: {  	[tilespmem:s26], [sflag:$0x6] =	stream.indirect.gather [hbm4b:s3+s19], $0x80, s7, s19, $0xb8;
	[tilespmem:$0x1AE00] =	vst v63  }
0xe8: {  	s31 =	rddreg [dreg:$0x1d];
	s7 =	simm.s32 $0xBE00  }
0xe9: {  	[tilespmem:s7], [sflag:$0x7] =	stream.indirect.gather [hbm4b:s3+s19], $0x80, s31, s19, $0xb8;
	[tilespmem:$0x1AE00] =	vst v63  }
0xea: {  	s18 =	rddreg [dreg:$0x1e]  }
0xeb: {  	[tilespmem:s30], [sflag:$0x8] =	stream.indirect.gather [hbm4b:s3+s19], $0x80, s18, s19, $0xb8;
	[tilespmem:$0x1AE00] =	vst v63  }
0xec: {  	s31 =	rddreg [dreg:$0x1f]  }
0xed: {  	[tilespmem:s28], [sflag:$0x9] =	stream.indirect.gather [hbm4b:s3+s19], $0x80, s31, s19, $0xb8;
	[tilespmem:$0x1AE00] =	vst v63  }
0xee: {  	_ =	swait.ge [sflag:s16], $0x2800  }
0xef: {  	s24 =	rddreg [dreg:$0xf];
	[sflag:s16] =	ssyncset.done $0x0  }
0xf0: {  	s31 =	sld [smem:$0x7F9];
	[sflag:s16] =	ssyncadd.s32 $0xFFFFD800  }
0xf1: {  	[hbm4b:s24+s2] =	stream.linear.scatter [tilespmem:s6], [sflag:$0xD], $0x2800, $0x38;
	[tilespmem:$0x1AE00] =	vst v63  }
0xf2: {  	s18 =	simm.s32 $0x13600  }
0xf3: {  	[tilespmem:s18], [sflag:$0xA] =	stream.indirect.gather [hbm4b:s3+s19], $0x80, s31, s19, $0xb8;
	[tilespmem:$0x1AE00] =	vst v63  }
0xf4: {  	_ =	swait.ge [sflag:s14], $0x2800  }
0xf5: {  	s1 =	rddreg [dreg:$0x10];
	[sflag:s14] =	ssyncset.done $0x0  }
0xf6: {  	s31 =	sld [smem:$0x7FA];
	[sflag:s14] =	ssyncadd.s32 $0xFFFFD800  }
0xf7: {  	[hbm4b:s1+s2] =	stream.linear.scatter [tilespmem:s26], [sflag:$0xE], $0x2800, $0x38;
	[tilespmem:$0x1AE00] =	vst v63  }
0xf8: {  	s21 =	simm.s32 $0x7  }
0xf9: {  	[tilespmem:s20], [sflag:$0xB] =	stream.indirect.gather [hbm4b:s3+s19], $0x80, s31, s19, $0xb8;
	[tilespmem:$0x1AE00] =	vst v63  }
0xfa: {  	_ =	swait.ge [sflag:s21], $0x2800  }
0xfb: {  	s1 =	rddreg [dreg:$0x11];
	[sflag:s21] =	ssyncset.done $0x0  }
0xfc: {  	s31 =	sld [smem:$0x7FB];
	[sflag:s21] =	ssyncadd.s32 $0xFFFFD800  }
0xfd: {  	[hbm4b:s1+s2] =	stream.linear.scatter [tilespmem:s7], [sflag:$0xF], $0x2800, $0x38;
	[tilespmem:$0x1AE00] =	vst v63  }
0xfe: {  	s24 =	simm.s32 $0x18600;
	s21 =	simm.s32 $0x8  }
0xff: {  	[tilespmem:s24], [sflag:$0xC] =	stream.indirect.gather [hbm4b:s3+s19], $0x80, s31, s19, $0xb8;
	[tilespmem:$0x1AE00] =	vst v63  }
0x100: {  	_ =	swait.ge [sflag:s21], $0x2800  }
0x101: {  	[sflag:s21] =	ssyncset.done $0x0  }
0x102: {  	s7 =	rddreg [dreg:$0x12];
	[sflag:s21] =	ssyncadd.s32 $0xFFFFD800  }
0x103: {  	[hbm4b:s7+s2] =	stream.linear.scatter [tilespmem:s30], [sflag:$0x10], $0x2800, $0x38;
	[tilespmem:$0x1AE00] =	vst v63  }
0x104: {  	_ =	swait.ge [sflag:s10], $0x2800  }
0x105: {  	s7 =	sld [smem:$0x7FC]  }
0x106: {  	[sflag:s10] =	ssyncset.done $0x0  }
0x107: {  	s21 =	simm.s32 $0x9;
	[sflag:s10] =	ssyncadd.s32 $0xFFFFD800  }
0x108: {  	[tilespmem:s6], [sflag:$0x5] =	stream.indirect.gather [hbm4b:s3+s19], $0x80, s7, s19, $0xb8;
	[tilespmem:$0x1AE00] =	vst v63  }
0x109: {  	_ =	swait.ge [sflag:s21], $0x2800  }
0x10a: {  	[sflag:s21] =	ssyncset.done $0x0  }
0x10b: {  	s1 =	rddreg [dreg:$0x13];
	[sflag:s21] =	ssyncadd.s32 $0xFFFFD800  }
0x10c: {  	[hbm4b:s1+s2] =	stream.linear.scatter [tilespmem:s28], [sflag:$0x11], $0x2800, $0x38;
	[tilespmem:$0x1AE00] =	vst v63  }
0x10d: {  	_ =	swait.ge [sflag:s8], $0x2800  }
0x10e: {  	s7 =	sld [smem:$0x7FD]  }
0x10f: {  	[sflag:s8] =	ssyncset.done $0x0  }
0x110: {  	s21 =	simm.s32 $0xA;
	[sflag:s8] =	ssyncadd.s32 $0xFFFFD800  }
0x111: {  	[tilespmem:s26], [sflag:$0x6] =	stream.indirect.gather [hbm4b:s3+s19], $0x80, s7, s19, $0xb8;
	[tilespmem:$0x1AE00] =	vst v63  }
0x112: {  	_ =	swait.ge [sflag:s21], $0x2800  }
0x113: {  	[sflag:s21] =	ssyncset.done $0x0  }
0x114: {  	s1 =	rddreg [dreg:$0x14];
	[sflag:s21] =	ssyncadd.s32 $0xFFFFD800;
	s21 =	simm.s32 $0xF  }
0x115: {  	[hbm4b:s1+s2] =	stream.linear.scatter [tilespmem:s18], [sflag:$0x12], $0x2800, $0x38;
	[tilespmem:$0x1AE00] =	vst v63  }
0x116: {  	_ =	swait.ge [sflag:s21], $0x2800  }
0x117: {  	[sflag:s21] =	ssyncset.done $0x0  }
0x118: {  	s1 =	simm.s32 $0xB;
	[sflag:s21] =	ssyncadd.s32 $0xFFFFD800  }
0x119: {  	_ =	swait.ge [sflag:s1], $0x2800  }
0x11a: {  	[sflag:s1] =	ssyncset.done $0x0  }
0x11b: {  	s18 =	rddreg [dreg:$0x15];
	[sflag:s1] =	ssyncadd.s32 $0xFFFFD800  }
0x11c: {  	[hbm4b:s18+s2] =	stream.linear.scatter [tilespmem:s20], [sflag:$0x13], $0x2800, $0x38;
	[tilespmem:$0x1AE00] =	vst v63  }
0x11d: {  	_ =	swait.ge [sflag:s23], $0x2800  }
0x11e: {  	[sflag:s23] =	ssyncset.done $0x0  }
0x11f: {  	[sflag:s23] =	ssyncadd.s32 $0xFFFFD800  }
0x120: {  	_ =	swait.ge [sflag:s15], $0x2800  }
0x121: {  	[sflag:s15] =	ssyncset.done $0x0  }
0x122: {  	s1 =	rddreg [dreg:$0x16];
	[sflag:s15] =	ssyncadd.s32 $0xFFFFD800  }
0x123: {  	[hbm4b:s1+s2] =	stream.linear.scatter [tilespmem:s24], [sflag:$0x14], $0x2800, $0x38;
	[tilespmem:$0x1AE00] =	vst v63  }
0x124: {  	_ =	swait.ge [sflag:s4], $0x2800  }
0x125: {  	[sflag:s4] =	ssyncset.done $0x0  }
0x126: {  	[sflag:s4] =	ssyncadd.s32 $0xFFFFD800  }
0x127: {  	_ =	swait.ge [sflag:s16], $0x2800  }
0x128: {  	[sflag:s16] =	ssyncset.done $0x0  }
0x129: {  	s7 =	rddreg [dreg:$0x17];
	[sflag:s16] =	ssyncadd.s32 $0xFFFFD800  }
0x12a: {  	[hbm4b:s7+s2] =	stream.linear.scatter [tilespmem:s6], [sflag:$0xD], $0x2800, $0x38;
	[tilespmem:$0x1AE00] =	vst v63  }
0x12b: {  	_ =	swait.ge [sflag:s0], $0x2800  }
0x12c: {  	[sflag:s0] =	ssyncset.done $0x0  }
0x12d: {  	[sflag:s0] =	ssyncadd.s32 $0xFFFFD800  }
0x12e: {  	_ =	swait.ge [sflag:s14], $0x2800  }
0x12f: {  	[sflag:s14] =	ssyncset.done $0x0  }
0x130: {  	s18 =	rddreg [dreg:$0x18];
	[sflag:s14] =	ssyncadd.s32 $0xFFFFD800  }
0x131: {  	[hbm4b:s18+s2] =	stream.linear.scatter [tilespmem:s26], [sflag:$0xE], $0x2800, $0x38;
	[tilespmem:$0x1AE00] =	vst v63  }
0x132: {  	_ =	swait.ge [sflag:s13], $0x2000  }
0x133: {  	[sflag:s13] =	ssyncset.done $0x0  }
0x134: {  	s24 =	rddreg [dreg:$0x19];
	[sflag:s13] =	ssyncadd.s32 $0xFFFFE000  }
0x135: {  	[hbm4b:s24+s2] =	stream.linear.scatter [tilespmem:s9], [sflag:$0x1], $0x2000, $0x38;
	[tilespmem:$0x1AE00] =	vst v63  }
0x136: {  	_ =	swait.ge [sflag:s12], $0x2000  }
0x137: {  	[sflag:s12] =	ssyncset.done $0x0  }
0x138: {  	s1 =	rddreg [dreg:$0x1a];
	[sflag:s12] =	ssyncadd.s32 $0xFFFFE000  }
0x139: {  	[hbm4b:s1+s2] =	stream.linear.scatter [tilespmem:s22], [sflag:$0x2], $0x2000, $0x38;
	[tilespmem:$0x1AE00] =	vst v63  }
0x13a: {  	_ =	swait.ge [sflag:s11], $0x2000  }
0x13b: {  	[sflag:s11] =	ssyncset.done $0x0  }
0x13c: {  	s18 =	simm.s32 $0x13;
	s7 =	rddreg [dreg:$0x1b];
	[sflag:s11] =	ssyncadd.s32 $0xFFFFE000  }
0x13d: {  	[hbm4b:s7+s2] =	stream.linear.scatter [tilespmem:s17], [sflag:$0x3], $0x2000, $0x38;
	[tilespmem:$0x1AE00] =	vst v63  }
0x13e: {  	_ =	swait.ge [sflag:s18], $0x2800  }
0x13f: {  	[sflag:s18] =	ssyncset.done $0x0  }
0x140: {  	s24 =	simm.s32 $0x14;
	[sflag:s18] =	ssyncadd.s32 $0xFFFFD800  }
0x141: {  	_ =	swait.ge [sflag:s24], $0x2800  }
0x142: {  	[sflag:s24] =	ssyncset.done $0x0  }
0x143: {  	[sflag:s24] =	ssyncadd.s32 $0xFFFFD800  }
0x144: {  	_ =	swait.ge [sflag:s10], $0x2800  }
0x145: {  	[sflag:s10] =	ssyncset.done $0x0  }
0x146: {  	[sflag:s10] =	ssyncadd.s32 $0xFFFFD800  }
0x147: {  	_ =	swait.ge [sflag:s8], $0x2800  }
0x148: {  	[sflag:s8] =	ssyncset.done $0x0  }
0x149: {  	[sflag:s8] =	ssyncadd.s32 $0xFFFFD800  }
0x14a: {  	_ =	swait.ge [sflag:s13], $0x2000  }
0x14b: {  	s29 =	sadd.s32 $0xFFFFFFFF, s29;
	[sflag:s13] =	ssyncset.done $0x0  }
0x14c: {  	p2 =	sne.s32 s29, $0x0;
	[sflag:s13] =	ssyncadd.s32 $0xFFFFE000  }
.Ltmp2:
0x14d: {  	_ =	swait.ge [sflag:s12], $0x2000;
	(pc) =	sbr.rel @p2 .LBB2_3-.Ltmp2, $4  }
0x14e: {  	[sflag:s12] =	ssyncset.done $0x0  }
0x14f: {  	[sflag:s12] =	ssyncadd.s32 $0xFFFFE000  }
0x150: {  	_ =	swait.ge [sflag:s11], $0x2000  }
0x151: {  	s21 =	simm.s32 $0x4A00;
	s31 =	rddreg [dreg:$0x9];
	[sflag:s11] =	ssyncset.done $0x0  }
0x152: {  	s29 =	stileid.u32;
	s6 =	simm.s32 $0x2A00;
	s23 =	simm.s32 $0xA00  }
0x153: {  	s18 =	rddreg [dreg:$0x5];
	s26 =	simm.s32 $0x13;
	s28 =	simm.s32 $0x15E00  }
0x154: {  	s22 =	simm.s32 $0x18600;
	s17 =	simm.s32 $0x12;
	s4 =	simm.s32 $0x10E00  }
0x155: {  	s15 =	simm.s32 $0x10;
	s20 =	simm.s32 $0x200;
	s9 =	simm.s32 $0x6E00  }
.LBB2_5:
0x156: {  	[sflag:s11] =	ssyncadd.s32 @p1 $0xFFFFE000  }
0x157: {  	[tilespmem:s2], [sflag:$0x15] =	stream.linear.gather [hbm4b:s31+s2], $0x40, $0x38;
	[tilespmem:$0x1AE00] =	vst v63  }
0x158: {  	_ =	swait.ge [sflag:s25], $0x40  }
0x159: {  	[sflag:s25] =	ssyncset.done $0x0  }
0x15a: {  	s1 =	simm.s32 $0x80;
	s5 =	rddreg [dreg:$0xa];
	[sflag:s25] =	ssyncadd.s32 $0xFFFFFFC0  }
0x15b: {  	[tilespmem:s1], [sflag:$0x15] =	stream.linear.gather [hbm4b:s5+s2], $0x40, $0x38;
	[tilespmem:$0x1AE00] =	vst v63  }
0x15c: {  	_ =	swait.ge [sflag:s25], $0x40  }
0x15d: {  	[sflag:s25] =	ssyncset.done $0x0  }
0x15e: {  	s0 =	simm.s32 $0x100;
	s31 =	rddreg [dreg:$0xb];
	[sflag:s25] =	ssyncadd.s32 $0xFFFFFFC0  }
0x15f: {  	[tilespmem:s0], [sflag:$0x15] =	stream.linear.gather [hbm4b:s31+s2], $0x40, $0x38;
	[tilespmem:$0x1AE00] =	vst v63  }
0x160: {  	_ =	swait.ge [sflag:s25], $0x40  }
0x161: {  	[sflag:s25] =	ssyncset.done $0x0  }
0x162: {  	s7 =	rddreg [dreg:$0xc];
	[sflag:s25] =	ssyncadd.s32 $0xFFFFFFC0  }
0x163: {  	[tilespmem:s20], [sflag:$0x15] =	stream.linear.gather [hbm4b:s7+s2], $0x500, $0x38;
	[tilespmem:$0x1AE00] =	vst v63  }
0x164: {  	_ =	swait.ge [sflag:s25], $0x500  }
0x165: {  	[sflag:s25] =	ssyncset.done $0x0  }
0x166: {  	s7 =	simm.s32 $0x40;
	s20 =	rddreg [dreg:$0x7];
	[sflag:s25] =	ssyncadd.s32 $0xFFFFFB00  }
0x167: {  	[tilespmem:s23], [sflag:$0x1] =	stream.indirect.gather [hbm4b:s20+s7], $0x80, s2, s7, $0xb8;
	[tilespmem:$0x1AE00] =	vst v63  }
0x168: {  	s25 =	rddreg [dreg:$0x8]  }
0x169: {  	[tilespmem:s6], [sflag:$0x2] =	stream.indirect.gather [hbm4b:s25+s7], $0x80, s1, s7, $0xb8;
	[tilespmem:$0x1AE00] =	vst v63  }
0x16a: {  	_ = 	snop  }
0x16b: {  	[tilespmem:s21], [sflag:$0x3] =	stream.indirect.gather [hbm4b:s18+s7], $0x80, s0, s7, $0xb8;
	[tilespmem:$0x1AE00] =	vst v63  }
0x16c: {  	s5 =	rddreg [dreg:$0xd];
	s20 =	simm.s32 @!p0 $0x0;
	s21 =	simm.s32 @!p0 $0x180  }
0x16d: {  	[tilespmem:s21], [sflag:$0x15] =	stream.linear.gather @!p0 [hbm4b:s5+s20], $0x8, $0x38;
	[tilespmem:$0x1AE00] =	vst v63  }
0x16e: {  	s5 =	simm.s32 @!p0 $0x15  }
0x16f: {  	_ =	swait.ge @!p0 [sflag:s5], $0x8  }
0x170: {  	s23 =	simm.s32 @!p0 $0x8;
	[sflag:s5] =	ssyncset.done @!p0 $0x0  }
0x171: {  	s25 =	simm.s32 @!p0 $0x6A00;
	s0 =	smov.u32 s18;
	[sflag:s5] =	ssyncadd.s32 @!p0 $0xFFFFFFF8  }
0x172: {  	[tilespmem:s25], [sflag:$0x4] =	stream.indirect.gather @!p0 [hbm4b:s0+s23], $0x80, s21, s23, $0xb8;
	[tilespmem:$0x1AE00] =	vst v63  }
0x173: {  	s21 =	simm.s32 @!p0 $0x4  }
0x174: {  	_ =	swait.ge @!p0 [sflag:s21], $0x400  }
0x175: {  	[sflag:s21] =	ssyncset.done @!p0 $0x0  }
0x176: {  	s23 =	rddreg [dreg:$0xe];
	[sflag:s21] =	ssyncadd.s32 @!p0 $0xFFFFFC00  }
0x177: {  	[hbm4b:s23+s20] =	stream.linear.scatter @!p0 [tilespmem:s25], [sflag:$0x15], $0x400, $0x38;
	[tilespmem:$0x1AE00] =	vst v63  }
0x178: {  	_ =	swait.ge @!p0 [sflag:s5], $0x400  }
0x179: {  	[sflag:s5] =	ssyncset.done @!p0 $0x0  }
0x17a: {  	s24 =	simm.s32 $0x200;
	[sflag:s5] =	ssyncadd.s32 @!p0 $0xFFFFFC00  }
0x17b: {  	[tilespmem:s9], [sflag:$0x5] =	stream.indirect.gather [hbm4b:s3+s19], $0x80, s24, s19, $0xb8;
	[tilespmem:$0x1AE00] =	vst v63  }
0x17c: {  	s30 =	rddreg [dreg:$0x1c];
	s24 =	simm.s32 $0x9600  }
0x17d: {  	[tilespmem:s24], [sflag:$0x6] =	stream.indirect.gather [hbm4b:s3+s19], $0x80, s30, s19, $0xb8;
	[tilespmem:$0x1AE00] =	vst v63  }
0x17e: {  	s23 =	simm.s32 $0xBE00;
	s31 =	rddreg [dreg:$0x1d]  }
0x17f: {  	[tilespmem:s23], [sflag:$0x7] =	stream.indirect.gather [hbm4b:s3+s19], $0x80, s31, s19, $0xb8;
	[tilespmem:$0x1AE00] =	vst v63  }
0x180: {  	s21 =	simm.s32 $0xE600;
	s0 =	rddreg [dreg:$0x1e]  }
0x181: {  	[tilespmem:s21], [sflag:$0x8] =	stream.indirect.gather [hbm4b:s3+s19], $0x80, s0, s19, $0xb8;
	[tilespmem:$0x1AE00] =	vst v63  }
0x182: {  	s6 =	rddreg [dreg:$0x1f]  }
0x183: {  	[tilespmem:s4], [sflag:$0x9] =	stream.indirect.gather [hbm4b:s3+s19], $0x80, s6, s19, $0xb8;
	[tilespmem:$0x1AE00] =	vst v63  }
0x184: {  	_ =	swait.ge [sflag:s16], $0x2800  }
0x185: {  	s20 =	rddreg [dreg:$0xf];
	[sflag:s16] =	ssyncset.done $0x0  }
0x186: {  	s25 =	sld [smem:$0x7F9];
	[sflag:s16] =	ssyncadd.s32 $0xFFFFD800  }
0x187: {  	[hbm4b:s20+s2] =	stream.linear.scatter [tilespmem:s9], [sflag:$0xD], $0x2800, $0x38;
	[tilespmem:$0x1AE00] =	vst v63  }
0x188: {  	s0 =	simm.s32 $0x13600  }
0x189: {  	[tilespmem:s0], [sflag:$0xA] =	stream.indirect.gather [hbm4b:s3+s19], $0x80, s25, s19, $0xb8;
	[tilespmem:$0x1AE00] =	vst v63  }
0x18a: {  	_ =	swait.ge [sflag:s14], $0x2800  }
0x18b: {  	s30 =	rddreg [dreg:$0x10];
	[sflag:s14] =	ssyncset.done $0x0  }
0x18c: {  	s31 =	sld [smem:$0x7FA];
	[sflag:s14] =	ssyncadd.s32 $0xFFFFD800  }
0x18d: {  	[hbm4b:s30+s2] =	stream.linear.scatter [tilespmem:s24], [sflag:$0xE], $0x2800, $0x38;
	[tilespmem:$0x1AE00] =	vst v63  }
0x18e: {  	s5 =	simm.s32 $0x7  }
0x18f: {  	[tilespmem:s28], [sflag:$0xB] =	stream.indirect.gather [hbm4b:s3+s19], $0x80, s31, s19, $0xb8;
	[tilespmem:$0x1AE00] =	vst v63  }
0x190: {  	_ =	swait.ge [sflag:s5], $0x2800  }
0x191: {  	s20 =	rddreg [dreg:$0x11];
	[sflag:s5] =	ssyncset.done $0x0  }
0x192: {  	s25 =	sld [smem:$0x7FB];
	[sflag:s5] =	ssyncadd.s32 $0xFFFFD800  }
0x193: {  	[hbm4b:s20+s2] =	stream.linear.scatter [tilespmem:s23], [sflag:$0xF], $0x2800, $0x38;
	[tilespmem:$0x1AE00] =	vst v63  }
0x194: {  	s30 =	simm.s32 $0x8  }
0x195: {  	[tilespmem:s22], [sflag:$0xC] =	stream.indirect.gather [hbm4b:s3+s19], $0x80, s25, s19, $0xb8;
	[tilespmem:$0x1AE00] =	vst v63  }
0x196: {  	_ =	swait.ge [sflag:s30], $0x2800  }
0x197: {  	[sflag:s30] =	ssyncset.done $0x0  }
0x198: {  	s31 =	rddreg [dreg:$0x12];
	[sflag:s30] =	ssyncadd.s32 $0xFFFFD800  }
0x199: {  	[hbm4b:s31+s2] =	stream.linear.scatter [tilespmem:s21], [sflag:$0x10], $0x2800, $0x38;
	[tilespmem:$0x1AE00] =	vst v63  }
0x19a: {  	_ =	swait.ge [sflag:s10], $0x2800  }
0x19b: {  	s20 =	sld [smem:$0x7FC]  }
0x19c: {  	[sflag:s10] =	ssyncset.done $0x0  }
0x19d: {  	s21 =	simm.s32 $0x9;
	[sflag:s10] =	ssyncadd.s32 $0xFFFFD800  }
0x19e: {  	[tilespmem:s9], [sflag:$0x5] =	stream.indirect.gather [hbm4b:s3+s19], $0x80, s20, s19, $0xb8;
	[tilespmem:$0x1AE00] =	vst v63  }
0x19f: {  	_ =	swait.ge [sflag:s21], $0x2800  }
0x1a0: {  	[sflag:s21] =	ssyncset.done $0x0  }
0x1a1: {  	s23 =	rddreg [dreg:$0x13];
	[sflag:s21] =	ssyncadd.s32 $0xFFFFD800  }
0x1a2: {  	[hbm4b:s23+s2] =	stream.linear.scatter [tilespmem:s4], [sflag:$0x11], $0x2800, $0x38;
	[tilespmem:$0x1AE00] =	vst v63  }
0x1a3: {  	_ =	swait.ge [sflag:s8], $0x2800  }
0x1a4: {  	s25 =	sld [smem:$0x7FD]  }
0x1a5: {  	[sflag:s8] =	ssyncset.done $0x0  }
0x1a6: {  	s30 =	simm.s32 $0xA;
	[sflag:s8] =	ssyncadd.s32 $0xFFFFD800  }
0x1a7: {  	[tilespmem:s24], [sflag:$0x6] =	stream.indirect.gather [hbm4b:s3+s19], $0x80, s25, s19, $0xb8;
	[tilespmem:$0x1AE00] =	vst v63  }
0x1a8: {  	_ =	swait.ge [sflag:s30], $0x2800  }
0x1a9: {  	[sflag:s30] =	ssyncset.done $0x0  }
0x1aa: {  	s4 =	simm.s32 $0xF;
	s31 =	rddreg [dreg:$0x14];
	[sflag:s30] =	ssyncadd.s32 $0xFFFFD800  }
0x1ab: {  	[hbm4b:s31+s2] =	stream.linear.scatter [tilespmem:s0], [sflag:$0x12], $0x2800, $0x38;
	[tilespmem:$0x1AE00] =	vst v63  }
0x1ac: {  	_ =	swait.ge [sflag:s4], $0x2800  }
0x1ad: {  	[sflag:s4] =	ssyncset.done $0x0  }
0x1ae: {  	s5 =	simm.s32 $0xB;
	[sflag:s4] =	ssyncadd.s32 $0xFFFFD800  }
0x1af: {  	_ =	swait.ge [sflag:s5], $0x2800  }
0x1b0: {  	[sflag:s5] =	ssyncset.done $0x0  }
0x1b1: {  	s6 =	rddreg [dreg:$0x15];
	[sflag:s5] =	ssyncadd.s32 $0xFFFFD800  }
0x1b2: {  	[hbm4b:s6+s2] =	stream.linear.scatter [tilespmem:s28], [sflag:$0x13], $0x2800, $0x38;
	[tilespmem:$0x1AE00] =	vst v63  }
0x1b3: {  	_ =	swait.ge [sflag:s15], $0x2800  }
0x1b4: {  	[sflag:s15] =	ssyncset.done $0x0  }
0x1b5: {  	s19 =	simm.s32 $0xC;
	[sflag:s15] =	ssyncadd.s32 $0xFFFFD800  }
0x1b6: {  	_ =	swait.ge [sflag:s19], $0x2800  }
0x1b7: {  	[sflag:s19] =	ssyncset.done $0x0  }
0x1b8: {  	s21 =	simm.s32 $0x11;
	s20 =	rddreg [dreg:$0x16];
	[sflag:s19] =	ssyncadd.s32 $0xFFFFD800  }
0x1b9: {  	[hbm4b:s20+s2] =	stream.linear.scatter [tilespmem:s22], [sflag:$0x14], $0x2800, $0x38;
	[tilespmem:$0x1AE00] =	vst v63  }
0x1ba: {  	_ =	swait.ge [sflag:s21], $0x2800  }
0x1bb: {  	[sflag:s21] =	ssyncset.done $0x0  }
0x1bc: {  	[sflag:s21] =	ssyncadd.s32 $0xFFFFD800  }
0x1bd: {  	_ =	swait.ge [sflag:s16], $0x2800  }
0x1be: {  	[sflag:s16] =	ssyncset.done $0x0  }
0x1bf: {  	s22 =	rddreg [dreg:$0x17];
	[sflag:s16] =	ssyncadd.s32 $0xFFFFD800  }
0x1c0: {  	[hbm4b:s22+s2] =	stream.linear.scatter [tilespmem:s9], [sflag:$0xD], $0x2800, $0x38;
	[tilespmem:$0x1AE00] =	vst v63  }
0x1c1: {  	_ =	swait.ge [sflag:s17], $0x2800  }
0x1c2: {  	[sflag:s17] =	ssyncset.done $0x0  }
0x1c3: {  	[sflag:s17] =	ssyncadd.s32 $0xFFFFD800  }
0x1c4: {  	_ =	swait.ge [sflag:s14], $0x2800  }
0x1c5: {  	[sflag:s14] =	ssyncset.done $0x0  }
0x1c6: {  	s23 =	rddreg [dreg:$0x18];
	[sflag:s14] =	ssyncadd.s32 $0xFFFFD800  }
0x1c7: {  	[hbm4b:s23+s2] =	stream.linear.scatter [tilespmem:s24], [sflag:$0xE], $0x2800, $0x38;
	[tilespmem:$0x1AE00] =	vst v63  }
0x1c8: {  	_ =	swait.ge [sflag:s13], $0x2000  }
0x1c9: {  	[sflag:s13] =	ssyncset.done $0x0  }
0x1ca: {  	s1 =	simm.s32 $0xA00;
	s25 =	rddreg [dreg:$0x19];
	[sflag:s13] =	ssyncadd.s32 $0xFFFFE000  }
0x1cb: {  	[hbm4b:s25+s2] =	stream.linear.scatter [tilespmem:s1], [sflag:$0x1], $0x2000, $0x38;
	[tilespmem:$0x1AE00] =	vst v63  }
0x1cc: {  	_ =	swait.ge [sflag:s12], $0x2000  }
0x1cd: {  	[sflag:s12] =	ssyncset.done $0x0  }
0x1ce: {  	s18 =	simm.s32 $0x2A00;
	s28 =	rddreg [dreg:$0x1a];
	[sflag:s12] =	ssyncadd.s32 $0xFFFFE000  }
0x1cf: {  	[hbm4b:s28+s2] =	stream.linear.scatter [tilespmem:s18], [sflag:$0x2], $0x2000, $0x38;
	[tilespmem:$0x1AE00] =	vst v63  }
0x1d0: {  	_ =	swait.ge [sflag:s11], $0x2000  }
0x1d1: {  	[sflag:s11] =	ssyncset.done $0x0  }
0x1d2: {  	s7 =	simm.s32 $0x4A00;
	s30 =	rddreg [dreg:$0x1b];
	[sflag:s11] =	ssyncadd.s32 $0xFFFFE000  }
0x1d3: {  	[hbm4b:s30+s2] =	stream.linear.scatter [tilespmem:s7], [sflag:$0x3], $0x2000, $0x38;
	[tilespmem:$0x1AE00] =	vst v63  }
0x1d4: {  	_ =	swait.ge [sflag:s26], $0x2800  }
0x1d5: {  	[sflag:s26] =	ssyncset.done $0x0  }
0x1d6: {  	s31 =	simm.s32 $0x14;
	[sflag:s26] =	ssyncadd.s32 $0xFFFFD800  }
0x1d7: {  	_ =	swait.ge [sflag:s31], $0x2800  }
0x1d8: {  	[sflag:s31] =	ssyncset.done $0x0  }
0x1d9: {  	[sflag:s31] =	ssyncadd.s32 $0xFFFFD800  }
0x1da: {  	_ =	swait.ge [sflag:s10], $0x2800  }
0x1db: {  	[sflag:s10] =	ssyncset.done $0x0  }
0x1dc: {  	[sflag:s10] =	ssyncadd.s32 $0xFFFFD800  }
0x1dd: {  	_ =	swait.ge [sflag:s8], $0x2800  }
0x1de: {  	[sflag:s8] =	ssyncset.done $0x0  }
0x1df: {  	[sflag:s8] =	ssyncadd.s32 $0xFFFFD800  }
0x1e0: {  	_ =	swait.ge [sflag:s13], $0x2000  }
0x1e1: {  	[sflag:s13] =	ssyncset.done $0x0  }
0x1e2: {  	[sflag:s13] =	ssyncadd.s32 $0xFFFFE000  }
0x1e3: {  	_ =	swait.ge [sflag:s12], $0x2000  }
0x1e4: {  	[sflag:s12] =	ssyncset.done $0x0  }
0x1e5: {  	[sflag:s12] =	ssyncadd.s32 $0xFFFFE000  }
0x1e6: {  	_ =	swait.ge [sflag:s11], $0x2000  }
0x1e7: {  	[sflag:s11] =	ssyncset.done $0x0  }
0x1e8: {  	[sflag:s11] =	ssyncadd.s32 $0xFFFFE000  }
0x1e9: {  	_ =	sfence.sel $0x180000  }
0x1ea: {  	[bflag:$0x0] =	sbarrier.arrive $0xFFFF  }
0x1eb: {  	_ =	strace $0x90000047  }
0x1ec: {  	[bflag:$0x2] =	sbarrier.arrive $0xFFFF  }
0x1ed: {  	p0 =	sne.s32 s29, $0x0;
	s0 =	rddreg [dreg:$0x6]  }
0x1ee: {  	s0 =	sadd.s32 @!p0 $0x100000, s0  }
0x1ef: {  	[sflag:s0] =	ssyncadd.tile.s32 @!p0 $0x1;
	_ =	shalt  }
.LBB2_6:
.Ltmp3:
0x1f0: {  	(pc) =	sbr.rel .LBB2_5-.Ltmp3, $4  }
0x1f1: {  	s29 =	stileid.u32;
	s6 =	simm.s32 $0x2A00;
	s23 =	simm.s32 $0xA00  }
0x1f2: {  	s18 =	rddreg [dreg:$0x5];
	s26 =	simm.s32 $0x13;
	s28 =	simm.s32 $0x15E00  }
0x1f3: {  	s22 =	simm.s32 $0x18600;
	s17 =	simm.s32 $0x12;
	s4 =	simm.s32 $0x10E00  }
0x1f4: {  	s15 =	simm.s32 $0x10;
	s20 =	simm.s32 $0x200;
	s9 =	simm.s32 $0x6E00  }
.Lfunc_end2:
_tile_overlayer_lowered:
.L_overlay_start_2:
0x1f5: {  	(tag) =	ssettag $0x2  }
0x1f6: {  	s0 =	rddreg [dreg:$0x0];
	s2 =	stileid.u32  }
0x1f7: {  	s1 =	rddreg [dreg:$0x1];
	p0 =	sne.s32 s2, $0x0  }
0x1f8: {  	s3 =	rddreg [dreg:$0x2];
	[bflag:$0x3] =	sbarrier.arrive $0xFFFF;
	s2 =	simm.s32 @!p0 $0x1C15  }
0x1f9: {  	[timem:s3], [sflag:s2] =	dma.local @!p0 [hbm:s0], s1  }
0x1fa: {  	s0 =	simm.s32 @!p0 $0x15  }
0x1fb: {  	_ =	swait.ge @!p0 [sflag:s0], s1  }
0x1fc: {  	s1 =	ssub.s32 @!p0 $0x0, s1;
	[sflag:s0] =	ssyncset.done @!p0 $0x0  }
0x1fd: {  	[sflag:s0] =	ssyncadd.s32 @!p0 s1  }
0x1fe: {  	[bflag:$0x3] =	sbarrier.arrive $0xFFFF  }
0x1ff: {  	_ =	shalt  }

// kernel: kernel.7.cloned.1.call-start
scs
__scs_entry_jumppad:
0x0: {  	(pc) =	sbr.rel $0x88, $3  }
0x1: {  	(tag) =	ssettag $0x0;
	lr =	simm.s32 $0x1  }
0x2: {  	[smem:$0x3F8F] =	sst lr;
	_ =	strace $0xD0000000  }
0x3: {  	_ = 	snop  }
0x4: {  	_ = 	snop  }
0x5: {  	_ = 	snop  }
0x6: {  	_ = 	snop  }
0x7: {  	_ = 	snop  }
__scs_overlays_trampoline_lowered:
0x8: {  	[smem:$0x3F9E] =	sst s0  }
0x9: {  	[smem:$0x3F9F] =	sst s1  }
0xa: {  	[smem:$0x3FA0] =	sst s2  }
0xb: {  	[smem:$0x3FA1] =	sst s3  }
0xc: {  	[smem:$0x3FA2] =	sst s4  }
0xd: {  	[smem:$0x3FA3] =	sst s5  }
0xe: {  	[smem:$0x3FA4] =	sst s6  }
0xf: {  	[smem:$0x3FA5] =	sst s7  }
0x10: {  	[smem:$0x3FA6] =	sst s8  }
0x11: {  	[smem:$0x3FA7] =	sst s9;
	s0 =	simm.s32 @!p0 $0x0  }
0x12: {  	s1 =	sld [smem:$0x3F8D];
	s0 =	simm.s32 @p0 $0x1  }
0x13: {  	[smem:$0x3FA8] =	sst s0;
	s0 =	simm.s32 @!p1 $0x0  }
0x14: {  	s2 =	sld [smem:$0x3F8C];
	s0 =	simm.s32 @p1 $0x1  }
0x15: {  	[smem:$0x3FA9] =	sst s0;
	s0 =	simm.s32 @!p2 $0x0  }
0x16: {  	s3 =	sld [smem:$0x3FDB];
	s0 =	simm.s32 @p2 $0x1  }
0x17: {  	s4 =	simm.s32 $0x1BF5;
	[smem:$0x3FAB] =	sst s0  }
0x18: {  	s0 =	sld [smem:$0x3F8E];
	_ =	swait.ge [sflag:s4], $0x0  }
0x19: {  	s7 =	sld [smem:$0x3F8F]  }
0x1a: {  	s8 =	sadd.s32 $0xFFFFE003, lr  }
0x1b: {  	s9 =	sadd.s32 $0xFFFFFEF7, lr;
	s5 =	simm.s32 $0xFFFFFFFF;
	p2 =	slt.u32 s8, $0xFFFFF086  }
0x1c: {  	p1 =	slt.u32 s9, $0xF7A;
	s5 =	simm.s32 @!p2 $0x0  }
0x1d: {  	s5 =	simm.s32 @p1 $0x1;
	p0 =	seq.s32 s7, s2  }
0x1e: {  	s7 =	smul.u32 @!p0 $0xF7A, s2;
	p2 =	seq.s32 @!p0 s5, $0x0  }
0x1f: {  	s9 =	smul.u32 $0xF7A, s1;
	s8 =	simm.s32 @!p0 $0x1BF5;
	p2 =	por !p2, p0  }
0x20: {  	[sflag:s8] =	ssyncset.s32 @!p0 $0xFFFFF086;
	s6 =	sadd.s32 @!p0 s3, s7;
	s7 =	simm.s32 @!p0 $0x108  }
0x21: {  	s3 =	sadd.s32 s3, s9;
	s6 =	sadd.s32 @!p0 $0x88, s6;
	s7 =	simm.s32 @p2 $0x1082  }
0x22: {  	[simem:s7], [sflag:s8] =	dma.local @!p0 [hbm:s6], $0xF7A  }
0x23: {  	s9 =	sor.u32 $0xD0000000, s2;
	s6 =	simm.s32 $0x108;
	_ =	swait.ge @!p0 [sflag:s8], $0x0  }
0x24: {  	s3 =	sadd.s32 $0x88, s3;
	s6 =	simm.s32 @!p1 $0x1082;
	[sflag:s4] =	ssyncset.s32 $0xFFFFF086  }
0x25: {  	[simem:s6], [sflag:s4] =	dma.local [hbm:s3], $0xF7A  }
0x26: {  	[smem:$0x3F8F] =	sst s1;
	(tag) =	ssettag s2;
	_ =	strace s9  }
0x27: {  	s1 =	sld [smem:$0x3F9F]  }
0x28: {  	s2 =	sld [smem:$0x3FA0]  }
0x29: {  	s4 =	sld [smem:$0x3FA2]  }
0x2a: {  	p0 =	seq.s32 s5, $0x0;
	s5 =	sld [smem:$0x3FA3]  }
0x2b: {  	s6 =	sld [smem:$0x3FA4]  }
0x2c: {  	s7 =	sld [smem:$0x3FA5]  }
0x2d: {  	s3 =	simm.s32 $0x108;
	s8 =	sld [smem:$0x3FA6]  }
0x2e: {  	s3 =	simm.s32 @!p0 $0x1082;
	s9 =	sld [smem:$0x3FA7]  }
0x2f: {  	lr =	sadd.s32 s0, s3;
	s0 =	sld [smem:$0x3F9E]  }
0x30: {  	s3 =	sld [smem:$0x3FA1]  }
0x31: {  	[smem:$0x3FAA] =	sst s10  }
0x32: {  	s10 =	sld [smem:$0x3FA8];
	_ =	sdelay $0x3  }
0x33: {  	p0 =	seq.s32 s10, $0x1;
	s10 =	sld [smem:$0x3FAA];
	_ =	sdelay $0x3  }
0x34: {  	[smem:$0x3FAA] =	sst s10  }
0x35: {  	s10 =	sld [smem:$0x3FA9];
	_ =	sdelay $0x3  }
0x36: {  	p1 =	seq.s32 s10, $0x1;
	s10 =	sld [smem:$0x3FAA];
	_ =	sdelay $0x3  }
0x37: {  	[smem:$0x3FAA] =	sst s10  }
0x38: {  	s10 =	sld [smem:$0x3FAB]  }
0x39: {  	_ = 	snop;
	(pc) =	sbr.ind lr, $3  }
0x3a: {  	_ = 	snop  }
0x3b: {  	_ = 	snop  }
0x3c: {  	p2 =	seq.s32 s10, $0x1;
	s10 =	sld [smem:$0x3FAA]  }
0x3d: {  	_ =	shalt  }
0x3e: {  	_ =	shalt  }
0x3f: {  	_ =	shalt  }
0x40: {  	_ =	shalt  }
0x41: {  	_ =	shalt  }
0x42: {  	_ =	shalt  }
0x43: {  	_ =	shalt  }
0x44: {  	_ =	shalt  }
0x45: {  	_ =	shalt  }
0x46: {  	_ =	shalt  }
0x47: {  	_ =	shalt  }
0x48: {  	_ =	shalt  }
0x49: {  	_ =	shalt  }
0x4a: {  	_ =	shalt  }
0x4b: {  	_ =	shalt  }
0x4c: {  	_ =	shalt  }
0x4d: {  	_ =	shalt  }
0x4e: {  	_ =	shalt  }
0x4f: {  	_ =	shalt  }
0x50: {  	_ =	shalt  }
0x51: {  	_ =	shalt  }
0x52: {  	_ =	shalt  }
0x53: {  	_ =	shalt  }
0x54: {  	_ =	shalt  }
0x55: {  	_ =	shalt  }
0x56: {  	_ =	shalt  }
0x57: {  	_ =	shalt  }
0x58: {  	_ =	shalt  }
0x59: {  	_ =	shalt  }
0x5a: {  	_ =	shalt  }
0x5b: {  	_ =	shalt  }
0x5c: {  	_ =	shalt  }
0x5d: {  	_ =	shalt  }
0x5e: {  	_ =	shalt  }
0x5f: {  	_ =	shalt  }
0x60: {  	_ =	shalt  }
0x61: {  	_ =	shalt  }
0x62: {  	_ =	shalt  }
0x63: {  	_ =	shalt  }
0x64: {  	_ =	shalt  }
0x65: {  	_ =	shalt  }
0x66: {  	_ =	shalt  }
0x67: {  	_ =	shalt  }
0x68: {  	_ =	shalt  }
0x69: {  	_ =	shalt  }
0x6a: {  	_ =	shalt  }
0x6b: {  	_ =	shalt  }
0x6c: {  	_ =	shalt  }
0x6d: {  	_ =	shalt  }
0x6e: {  	_ =	shalt  }
0x6f: {  	_ =	shalt  }
0x70: {  	_ =	shalt  }
0x71: {  	_ =	shalt  }
0x72: {  	_ =	shalt  }
0x73: {  	_ =	shalt  }
0x74: {  	_ =	shalt  }
0x75: {  	_ =	shalt  }
0x76: {  	_ =	shalt  }
0x77: {  	_ =	shalt  }
0x78: {  	_ =	shalt  }
0x79: {  	_ =	shalt  }
0x7a: {  	_ =	shalt  }
0x7b: {  	_ =	shalt  }
0x7c: {  	_ =	shalt  }
0x7d: {  	_ =	shalt  }
0x7e: {  	_ =	shalt  }
0x7f: {  	_ =	shalt  }
0x80: {  	_ =	shalt  }
0x81: {  	_ =	shalt  }
0x82: {  	_ =	shalt  }
0x83: {  	_ =	shalt  }
0x84: {  	_ =	shalt  }
0x85: {  	_ =	shalt  }
0x86: {  	_ =	shalt  }
0x87: {  	_ =	shalt  }
.Lfunc_end0:
.L_simem_size_0:
called_computation_lowered:
.L_overlay_start_0:
0x88: {  	s2 =	sld [smem:$0x3FD9]  }
0x89: {  	s3 =	sld [smem:$0x3FFE];
	_ =	sdelay $0x1  }
0x8a: {  	s1 =	srdreg.scid  }
0x8b: {  	s0 =	sand.u32 $0x1, s1  }
0x8c: {  	s15 =	sshll.u32 s0, $0xA;
	s2 =	sadd.s32 s3, s2  }
0x8d: {  	s2 =	sadd.s32 s2, s15  }
0x8e: {  	[smem:$0x3FB6] =	sst s2  }
0x8f: {  	_ = 	snop  }
0x90: {  	s4 =	sld [smem:$0x3FD0];
	_ =	sdelay $0x1  }
0x91: {  	s2 =	sld [smem:$0x3FC3]  }
0x92: {  	s6 =	simm.s32 $0xB;
	s5 =	simm.s32 $0x10;
	s16 =	sld [smem:$0x3FC2]  }
0x93: {  	[smem:s5], [sflag:s6] =	dma.local [hbm:s4], $0x1  }
0x94: {  	_ =	swait.eq [sflag:s6], $0x1  }
0x95: {  	[sflag:s6] =	ssyncset.done $0x0  }
0x96: {  	s17 =	sld [smem:$0x10];
	[sflag:s6] =	ssyncadd.s32 $0xFFFFFFFF  }
0x97: {  	s18 =	sld [smem:$0x11];
	(tm) =	ssettm $0x1  }
0x98: {  	s19 =	sld [smem:$0x3FFB];
	_ =	sdelay $0x3  }
0x99: {  	_ =	strace s19  }
0x9a: {  	s4 =	sld [smem:$0x3FFC];
	_ =	sdelay $0x3  }
0x9b: {  	_ =	strace s4  }
0x9c: {  	s4 =	sld [smem:$0x3FFD];
	_ =	sdelay $0x3  }
0x9d: {  	_ =	strace s4  }
0x9e: {  	_ =	strace $0x8FFFFFFF  }
0x9f: {  	s20 =	sld [smem:$0x3FDB];
	_ =	sdelay $0x1  }
0xa0: {  	s7 =	simm.s32 $_scs_section_size  }
0xa1: {  	s8 =	simm.s32 $_size__tile_overlayer_lowered;
	s9 =	simm.s32 $_tile_overlayer_lowered  }
0xa2: {  	s10 =	simm.s32 $0x1BFF;
	s21 =	sshll.u32 s9, $0x1;
	s7 =	sadd.s32 s7, s20  }
0xa3: {  	s22 =	simm.s32 $0x0;
	s8 =	sshll.u32 s8, $0x1;
	s9 =	sadd.s32 s21, s7  }
0xa4: {  	[timem:s22], [sflag:s10] =	dma.local [hbm:s9], s8  }
0xa5: {  	_ =	swait.ge [sflag:s10], s8  }
0xa6: {  	s8 =	ssub.s32 $0x0, s8;
	[sflag:s10] =	ssyncset.done $0x0  }
0xa7: {  	[sflag:s10] =	ssyncadd.s32 s8;
	_ =	sdelay $0x1  }
0xa8: {  	s23 =	simm.s32 $0x1B8B  }
0xa9: {  	_ =	swait.ge [sflag:s23], $0x1  }
0xaa: {  	[sflag:s23] =	ssyncset.done $0x0  }
0xab: {  	[sflag:s23] =	ssyncadd.s32 $0xFFFFFFFF  }
0xac: {  	s8 =	sld [smem:$0x0]  }
0xad: {  	s9 =	sand.u32 $0xFFFFFFFE, s1  }
0xae: {  	p0 =	sne.s32 s1, s9  }
0xaf: {  	s9 =	sshll.u32 @p0 s9, $0xE  }
0xb0: {  	s9 =	sadd.s32 @p0 $0x11B8D, s9;
	s10 =	sshll.u32 @p0 s8, $0x11  }
0xb1: {  	s9 =	sor.u32 @p0 s10, s9  }
0xb2: {  	[sflag:s9] =	ssyncadd.remote.s32 @p0 $0x1;
	_ =	sdelay $0x1  }
0xb3: {  	s9 =	simm.s32 @p0 $0x1B8D  }
0xb4: {  	_ =	swait.eq @p0 [sflag:s9], $0x1  }
0xb5: {  	[sflag:s9] =	ssyncadd.s32 @p0 $0xFFFFFFFF  }
0xb6: {  	s10 =	sshll.u32 @!p0 s1, $0xE  }
0xb7: {  	s10 =	sor.u32 @!p0 $0x4000, s10;
	s9 =	simm.s32 @!p0 $0x1B8D  }
0xb8: {  	s8 =	sshll.u32 @!p0 s8, $0x11;
	s10 =	sadd.s32 @!p0 $0x11B8D, s10;
	_ =	swait.eq @!p0 [sflag:s9], $0x1  }
0xb9: {  	s8 =	sor.u32 @!p0 s8, s10;
	[sflag:s9] =	ssyncadd.s32 @!p0 $0xFFFFFFFF  }
0xba: {  	s25 =	simm.s32 $0x1B8E;
	s24 =	sld [smem:$0x3FFE];
	[sflag:s8] =	ssyncadd.remote.s32 @!p0 $0x1  }
0xbb: {  	s26 =	simm.s32 $execute0_lowered;
	[smem:$0x3FD2] =	sst s25  }
0xbc: {  	s9 =	sshll.u32 s26, $0x1;
	_ =	strace $0x80000049;
	[dreg:$0x1] =	wrdreg $0xFFFFFFFF  }
0xbd: {  	s28 =	simm.s32 $_size_execute0_lowered;
	s7 =	sadd.s32 s7, s9;
	[dreg:$0x0] =	wrdreg $0x0  }
0xbe: {  	s9 =	sshll.u32 s28, $0x1;
	[dreg:$0x2] =	wrdreg s7  }
0xbf: {  	[dreg:$0x3] =	wrdreg s9  }
0xc0: {  	[dreg:$0x4] =	wrdreg $0xC0  }
0xc1: {  	_ =	task [dreg:s22], $0x5FFFF  }
0xc2: {  	[dreg:$0x1] =	wrdreg $0xFFFFFFFF  }
0xc3: {  	[dreg:$0x0] =	wrdreg $0x60  }
0xc4: {  	[dreg:$0x2] =	wrdreg s24  }
0xc5: {  	[dreg:$0x3] =	wrdreg s2  }
0xc6: {  	[dreg:$0x4] =	wrdreg s16  }
0xc7: {  	[dreg:$0x5] =	wrdreg s17  }
0xc8: {  	[dreg:$0x6] =	wrdreg s18  }
0xc9: {  	[dreg:$0x7] =	wrdreg $0x9  }
0xca: {  	_ =	task.clear_ibuf [dreg:s22], $0x8FFFF;
	_ =	strace $0x90000049  }
0xcb: {  	s29 =	simm.s32 $0x9;
	_ =	strace $0x8000004B  }
0xcc: {  	_ =	swait.ge [sflag:s29], $0x1  }
0xcd: {  	[sflag:s29] =	ssyncadd.s32 $0xFFFFFFFF  }
0xce: {  	_ =	strace $0x9000004B  }
0xcf: {  	_ =	sfence  }
0xd0: {  	s30 =	sld [smem:$0x0];
	_ =	sdelay $0x2  }
0xd1: {  	s31 =	sshll.u32 s1, $0xD;
	s1 =	sshrl.u32 s1, $0x2  }
0xd2: {  	s3 =	sand.u32 $0x4000, s31;
	s1 =	sadd.s32 s1, s30  }
0xd3: {  	s0 =	sor.u32 s3, s0;
	s1 =	sshll.u32 s1, $0x11  }
0xd4: {  	s0 =	sor.u32 s1, s0  }
0xd5: {  	s0 =	sadd.s32 $0x8F2B, s0  }
0xd6: {  	[sflag:s0] =	ssyncadd.remote.s32 $0x1  }
0xd7: {  	_ =	sfence.sel $0xFFFF  }
0xd8: {  	[dreg:$0x0] =	wrdreg $0xFFFFFFFF;
	(pc) =	sbr.abs _section_cstart, $3  }
0xd9: {  	[dreg:$0x1] =	wrdreg $0xFFFFFFFF  }
0xda: {  	_ =	task.clear_ibuf [dreg:s22], $0x2FFFF;
	_ =	strace $0x9FFFFFFF  }
0xdb: {  	(tm) =	ssettm $0x7FFFFFFF  }
tec
execute0_lowered:
.L_overlay_start_1:
0x0: {  	(tag) =	ssettag $0x1  }
0x1: {  	s0 =	rddreg [dreg:$0x0]  }
0x2: {  	s1 =	rddreg [dreg:$0x1]  }
0x3: {  	s15 =	rddreg [dreg:$0x2]  }
0x4: {  	s3 =	rddreg [dreg:$0x3]  }
0x5: {  	s16 =	rddreg [dreg:$0x4]  }
0x6: {  	s2 =	srdreg.scid;
	[dreg:$0x6] =	wrdreg s1  }
0x7: {  	s4 =	stileid.u32;
	s31 =	simm.s32 $0x10980;
	[dreg:$0x7] =	wrdreg s15  }
0x8: {  	s14 =	simm.s32 $0x5;
	p0 =	por $0x0, $0x0;
	[dreg:$0x8] =	wrdreg s16  }
0x9: {  	s17 =	sand.u32 $0x1, s2;
	s4 =	sshll.u32 s4, $0x1;
	s2 =	simm.s32 $0x0  }
0xa: {  	s7 =	sadd.s32 $0x86800, s0;
	s16 =	simm.s32 $0x200;
	s15 =	simm.s32 $0x4  }
0xb: {  	s4 =	sor.u32 s17, s4;
	[smem:$0x7FF] =	sst s2;
	s1 =	ssub.s32 $0x2, s17  }
0xc: {  	s17 =	simm.s32 $0x280;
	s5 =	sshll.u32 s4, $0x3;
	_ =	strace $0x8000004A  }
0xd: {  	s6 =	sshll.u32 s4, $0x8;
	[dreg:$0x1a] =	wrdreg s16;
	s5 =	sadd.s32 s5, s0  }
0xe: {  	s9 =	smul.u32 $0x19000, s4;
	[dreg:$0x1b] =	wrdreg s17;
	s8 =	sadd.s32 $0x85E00, s5  }
0xf: {  	s19 =	smul.u32 $0x3200, s4;
	s18 =	sadd.s32 $0x86000, s5;
	[dreg:$0x9] =	wrdreg s8  }
0x10: {  	s6 =	sadd.s32 s6, s0;
	s5 =	sadd.s32 $0x86200, s5;
	[dreg:$0xa] =	wrdreg s18  }
0x11: {  	s4 =	sshll.u32 s4, $0xA;
	s20 =	sadd.s32 $0x83E00, s6;
	[dreg:$0xb] =	wrdreg s5  }
0x12: {  	s0 =	sadd.s32 s4, s0;
	s22 =	sadd.s32 s7, s19;
	[dreg:$0xc] =	wrdreg s20  }
0x13: {  	s11 =	sshrl.u32 s1, $0x1;
	s10 =	sadd.s32 $0xEA800, s0;
	[dreg:$0xd] =	wrdreg s22  }
0x14: {  	s16 =	simm.s32 $0x10;
	s12 =	sadd.s32 $0xF2800, s0;
	[dreg:$0x17] =	wrdreg s10  }
0x15: {  	s17 =	simm.s32 $0x12;
	s0 =	sadd.s32 $0xFA800, s0;
	[dreg:$0x18] =	wrdreg s12  }
0x16: {  	s1 =	ssub.s32 s1, s11;
	s19 =	simm.s32 $0x300;
	[dreg:$0x19] =	wrdreg s0  }
0x17: {  	s21 =	sshrl.u32 s9, $0x3;
	[dreg:$0x1c] =	wrdreg s19;
	s20 =	simm.s32 $0x380  }
0x18: {  	s6 =	sadd.s32 s7, s21;
	s21 =	simm.s32 $0x400;
	[dreg:$0x1d] =	wrdreg s20  }
0x19: {  	s11 =	simm.s32 $0x3;
	s13 =	smax.u32 s1, $0x1;
	[dreg:$0x1e] =	wrdreg s21  }
0x1a: {  	s1 =	simm.s32 $0xB;
	s23 =	sadd.s32 $0x500, s6;
	s30 =	rddreg [dreg:$0x9]  }
0x1b: {  	s5 =	simm.s32 $0x980;
	s24 =	sadd.s32 $0xA00, s6;
	[dreg:$0xe] =	wrdreg s23  }
0x1c: {  	s18 =	simm.s32 $0x50;
	s25 =	sadd.s32 $0xF00, s6;
	[dreg:$0xf] =	wrdreg s24  }
0x1d: {  	s22 =	simm.s32 $0xB980;
	s26 =	sadd.s32 $0x1400, s6;
	[dreg:$0x10] =	wrdreg s25  }
0x1e: {  	s19 =	simm.s32 $0xE180;
	s28 =	sadd.s32 $0x1900, s6;
	[dreg:$0x11] =	wrdreg s26  }
0x1f: {  	p1 =	sne.s32 s13, $0x1;
	s29 =	sadd.s32 $0x1E00, s6;
	[dreg:$0x12] =	wrdreg s28  }
0x20: {  	s10 =	simm.s32 $0xC;
	s7 =	sadd.s32 $0x2300, s6;
	[dreg:$0x13] =	wrdreg s29  }
0x21: {  	s12 =	simm.s32 $0x2;
	s8 =	sadd.s32 $0x2800, s6;
	[dreg:$0x14] =	wrdreg s7  }
0x22: {  	s9 =	sadd.s32 $0x2D00, s6;
	s20 =	simm.s32 $0xA;
	[dreg:$0x15] =	wrdreg s8  }
0x23: {  	s21 =	simm.s32 $0x11;
	[dreg:$0x16] =	wrdreg s9;
	s24 =	simm.s32 $0x14  }
.Ltmp0:
0x24: {  	s9 =	simm.s32 $0x6980;
	s23 =	simm.s32 $0x480;
	(pc) =	sbr.rel @!p1 .LBB2_1-.Ltmp0, $4  }
0x25: {  	s7 =	simm.s32 $0x9180;
	s25 =	simm.s32 $0x500;
	[dreg:$0x1f] =	wrdreg s23  }
0x26: {  	s26 =	simm.s32 $0x13180;
	s28 =	simm.s32 $0x580;
	[smem:$0x7FB] =	sst s25  }
0x27: {  	s29 =	simm.s32 $0x600;
	s8 =	simm.s32 $0xD;
	[smem:$0x7FC] =	sst s28  }
0x28: {  	[smem:$0x7FD] =	sst s29;
	s23 =	sadd.s32 $0xFFFFFFFF, s13;
	s13 =	simm.s32 $0x1  }
0x29: {  	[tilespmem:s2], [sflag:$0x14] =	stream.linear.gather [hbm4b:s30+s2], $0x40, $0x38;
	[tilespmem:$0x1A980] =	vst v63  }
0x2a: {  	_ =	swait.ge [sflag:s24], $0x40  }
0x2b: {  	[sflag:s24] =	ssyncset.done $0x0  }
0x2c: {  	s4 =	simm.s32 $0x80;
	s30 =	rddreg [dreg:$0xa];
	[sflag:s24] =	ssyncadd.s32 $0xFFFFFFC0  }
0x2d: {  	[tilespmem:s4], [sflag:$0x14] =	stream.linear.gather [hbm4b:s30+s2], $0x40, $0x38;
	[tilespmem:$0x1A980] =	vst v63  }
0x2e: {  	_ =	swait.ge [sflag:s24], $0x40  }
0x2f: {  	[sflag:s24] =	ssyncset.done $0x0  }
0x30: {  	s25 =	simm.s32 $0x100;
	s30 =	rddreg [dreg:$0xb];
	[sflag:s24] =	ssyncadd.s32 $0xFFFFFFC0  }
0x31: {  	[tilespmem:s25], [sflag:$0x14] =	stream.linear.gather [hbm4b:s30+s2], $0x40, $0x38;
	[tilespmem:$0x1A980] =	vst v63  }
0x32: {  	_ =	swait.ge [sflag:s24], $0x40  }
0x33: {  	s30 =	rddreg [dreg:$0xc];
	[sflag:s24] =	ssyncset.done $0x0  }
0x34: {  	s0 =	simm.s32 $0x180;
	[smem:$0x7FA] =	sst s23;
	[sflag:s24] =	ssyncadd.s32 $0xFFFFFFC0  }
0x35: {  	[tilespmem:s0], [sflag:$0x14] =	stream.linear.gather [hbm4b:s30+s2], $0x500, $0x38;
	[tilespmem:$0x1A980] =	vst v63  }
0x36: {  	_ =	swait.ge [sflag:s24], $0x500  }
0x37: {  	s5 =	simm.s32 $0x980;
	[sflag:s24] =	ssyncset.done $0x0  }
0x38: {  	s6 =	simm.s32 $0x40;
	s30 =	rddreg [dreg:$0x6];
	[sflag:s24] =	ssyncadd.s32 $0xFFFFFB00  }
0x39: {  	[tilespmem:s5], [sflag:$0x1] =	stream.indirect.gather [hbm4b:s30+s6], $0x80, s2, s6, $0xb8;
	[tilespmem:$0x1A980] =	vst v63  }
0x3a: {  	s29 =	simm.s32 $0x2980;
	s28 =	rddreg [dreg:$0x7]  }
0x3b: {  	[tilespmem:s29], [sflag:$0x2] =	stream.indirect.gather [hbm4b:s28+s6], $0x80, s4, s6, $0xb8;
	[tilespmem:$0x1A980] =	vst v63  }
0x3c: {  	s30 =	rddreg [dreg:$0x8];
	s29 =	simm.s32 $0x4980  }
0x3d: {  	[tilespmem:s29], [sflag:$0x3] =	stream.indirect.gather [hbm4b:s30+s6], $0x80, s25, s6, $0xb8;
	[tilespmem:$0x1A980] =	vst v63  }
0x3e: {  	_ = 	snop  }
0x3f: {  	[tilespmem:s9], [sflag:$0x4] =	stream.indirect.gather [hbm4b:s3+s18], $0x80, s0, s18, $0xb8;
	[tilespmem:$0x1A980] =	vst v63  }
0x40: {  	s28 =	rddreg [dreg:$0x1a]  }
0x41: {  	[tilespmem:s7], [sflag:$0x5] =	stream.indirect.gather [hbm4b:s3+s18], $0x80, s28, s18, $0xb8;
	[tilespmem:$0x1A980] =	vst v63  }
0x42: {  	s30 =	rddreg [dreg:$0x1b]  }
0x43: {  	[tilespmem:s22], [sflag:$0x6] =	stream.indirect.gather [hbm4b:s3+s18], $0x80, s30, s18, $0xb8;
	[tilespmem:$0x1A980] =	vst v63  }
0x44: {  	s28 =	rddreg [dreg:$0x1c]  }
0x45: {  	[tilespmem:s19], [sflag:$0x7] =	stream.indirect.gather [hbm4b:s3+s18], $0x80, s28, s18, $0xb8;
	[tilespmem:$0x1A980] =	vst v63  }
0x46: {  	s30 =	rddreg [dreg:$0x1d]  }
0x47: {  	[tilespmem:s31], [sflag:$0x8] =	stream.indirect.gather [hbm4b:s3+s18], $0x80, s30, s18, $0xb8;
	[tilespmem:$0x1A980] =	vst v63  }
0x48: {  	_ =	swait.ge [sflag:s15], $0x2800  }
0x49: {  	[sflag:s15] =	ssyncset.done $0x0  }
0x4a: {  	s28 =	rddreg [dreg:$0xd];
	[sflag:s15] =	ssyncadd.s32 $0xFFFFD800  }
0x4b: {  	[hbm4b:s28+s2] =	stream.linear.scatter [tilespmem:s9], [sflag:$0xC], $0x2800, $0x38;
	[tilespmem:$0x1A980] =	vst v63  }
0x4c: {  	s30 =	rddreg [dreg:$0x1e]  }
0x4d: {  	[tilespmem:s26], [sflag:$0x9] =	stream.indirect.gather [hbm4b:s3+s18], $0x80, s30, s18, $0xb8;
	[tilespmem:$0x1A980] =	vst v63  }
0x4e: {  	_ =	swait.ge [sflag:s14], $0x2800  }
0x4f: {  	[sflag:s14] =	ssyncset.done $0x0  }
0x50: {  	s28 =	rddreg [dreg:$0xe];
	[sflag:s14] =	ssyncadd.s32 $0xFFFFD800  }
0x51: {  	[hbm4b:s28+s2] =	stream.linear.scatter [tilespmem:s7], [sflag:$0xD], $0x2800, $0x38;
	[tilespmem:$0x1A980] =	vst v63  }
0x52: {  	s25 =	simm.s32 $0x15980;
	s6 =	simm.s32 $0x6;
	s30 =	rddreg [dreg:$0x1f]  }
0x53: {  	[tilespmem:s25], [sflag:$0xA] =	stream.indirect.gather [hbm4b:s3+s18], $0x80, s30, s18, $0xb8;
	[tilespmem:$0x1A980] =	vst v63  }
0x54: {  	_ =	swait.ge [sflag:s6], $0x2800  }
0x55: {  	s28 =	rddreg [dreg:$0xf];
	[sflag:s6] =	ssyncset.done $0x0  }
0x56: {  	s30 =	sld [smem:$0x7FB];
	[sflag:s6] =	ssyncadd.s32 $0xFFFFD800  }
0x57: {  	[hbm4b:s28+s2] =	stream.linear.scatter [tilespmem:s22], [sflag:$0xE], $0x2800, $0x38;
	[tilespmem:$0x1A980] =	vst v63  }
0x58: {  	s6 =	simm.s32 $0x18180;
	s22 =	simm.s32 $0x7  }
0x59: {  	[tilespmem:s6], [sflag:$0xB] =	stream.indirect.gather [hbm4b:s3+s18], $0x80, s30, s18, $0xb8;
	[tilespmem:$0x1A980] =	vst v63  }
0x5a: {  	_ =	swait.ge [sflag:s22], $0x2800  }
0x5b: {  	[sflag:s22] =	ssyncset.done $0x0  }
0x5c: {  	s28 =	rddreg [dreg:$0x10];
	[sflag:s22] =	ssyncadd.s32 $0xFFFFD800  }
0x5d: {  	[hbm4b:s28+s2] =	stream.linear.scatter [tilespmem:s19], [sflag:$0xF], $0x2800, $0x38;
	[tilespmem:$0x1A980] =	vst v63  }
0x5e: {  	_ =	swait.ge [sflag:s10], $0x2800  }
0x5f: {  	s28 =	sld [smem:$0x7FC]  }
0x60: {  	[sflag:s10] =	ssyncset.done $0x0  }
0x61: {  	s29 =	simm.s32 $0x8;
	[sflag:s10] =	ssyncadd.s32 $0xFFFFD800  }
0x62: {  	[tilespmem:s9], [sflag:$0x4] =	stream.indirect.gather [hbm4b:s3+s18], $0x80, s28, s18, $0xb8;
	[tilespmem:$0x1A980] =	vst v63  }
0x63: {  	_ =	swait.ge [sflag:s29], $0x2800  }
0x64: {  	[sflag:s29] =	ssyncset.done $0x0  }
0x65: {  	s28 =	rddreg [dreg:$0x11];
	[sflag:s29] =	ssyncadd.s32 $0xFFFFD800  }
0x66: {  	[hbm4b:s28+s2] =	stream.linear.scatter [tilespmem:s31], [sflag:$0x10], $0x2800, $0x38;
	[tilespmem:$0x1A980] =	vst v63  }
0x67: {  	_ =	swait.ge [sflag:s8], $0x2800  }
0x68: {  	s28 =	sld [smem:$0x7FD]  }
0x69: {  	[sflag:s8] =	ssyncset.done $0x0  }
0x6a: {  	s19 =	simm.s32 $0x9;
	[sflag:s8] =	ssyncadd.s32 $0xFFFFD800  }
0x6b: {  	[tilespmem:s7], [sflag:$0x5] =	stream.indirect.gather [hbm4b:s3+s18], $0x80, s28, s18, $0xb8;
	[tilespmem:$0x1A980] =	vst v63  }
0x6c: {  	_ =	swait.ge [sflag:s19], $0x2800  }
0x6d: {  	[sflag:s19] =	ssyncset.done $0x0  }
0x6e: {  	s22 =	simm.s32 $0xE;
	s28 =	rddreg [dreg:$0x12];
	[sflag:s19] =	ssyncadd.s32 $0xFFFFD800  }
0x6f: {  	[hbm4b:s28+s2] =	stream.linear.scatter [tilespmem:s26], [sflag:$0x11], $0x2800, $0x38;
	[tilespmem:$0x1A980] =	vst v63  }
0x70: {  	_ =	swait.ge [sflag:s22], $0x2800  }
0x71: {  	[sflag:s22] =	ssyncset.done $0x0  }
0x72: {  	[sflag:s22] =	ssyncadd.s32 $0xFFFFD800  }
0x73: {  	_ =	swait.ge [sflag:s20], $0x2800  }
0x74: {  	[sflag:s20] =	ssyncset.done $0x0  }
0x75: {  	s23 =	simm.s32 $0xF;
	s28 =	rddreg [dreg:$0x13];
	[sflag:s20] =	ssyncadd.s32 $0xFFFFD800  }
0x76: {  	[hbm4b:s28+s2] =	stream.linear.scatter [tilespmem:s25], [sflag:$0x12], $0x2800, $0x38;
	[tilespmem:$0x1A980] =	vst v63  }
0x77: {  	_ =	swait.ge [sflag:s23], $0x2800  }
0x78: {  	[sflag:s23] =	ssyncset.done $0x0  }
0x79: {  	[sflag:s23] =	ssyncadd.s32 $0xFFFFD800  }
0x7a: {  	_ =	swait.ge [sflag:s1], $0x2800  }
0x7b: {  	[sflag:s1] =	ssyncset.done $0x0  }
0x7c: {  	s28 =	rddreg [dreg:$0x14];
	[sflag:s1] =	ssyncadd.s32 $0xFFFFD800  }
0x7d: {  	[hbm4b:s28+s2] =	stream.linear.scatter [tilespmem:s6], [sflag:$0x13], $0x2800, $0x38;
	[tilespmem:$0x1A980] =	vst v63  }
0x7e: {  	_ =	swait.ge [sflag:s16], $0x2800  }
0x7f: {  	[sflag:s16] =	ssyncset.done $0x0  }
0x80: {  	[sflag:s16] =	ssyncadd.s32 $0xFFFFD800  }
0x81: {  	_ =	swait.ge [sflag:s15], $0x2800  }
0x82: {  	[sflag:s15] =	ssyncset.done $0x0  }
0x83: {  	s28 =	rddreg [dreg:$0x15];
	[sflag:s15] =	ssyncadd.s32 $0xFFFFD800  }
0x84: {  	[hbm4b:s28+s2] =	stream.linear.scatter [tilespmem:s9], [sflag:$0xC], $0x2800, $0x38;
	[tilespmem:$0x1A980] =	vst v63  }
0x85: {  	_ =	swait.ge [sflag:s21], $0x2800  }
0x86: {  	[sflag:s21] =	ssyncset.done $0x0  }
0x87: {  	[sflag:s21] =	ssyncadd.s32 $0xFFFFD800  }
0x88: {  	_ =	swait.ge [sflag:s14], $0x2800  }
0x89: {  	[sflag:s14] =	ssyncset.done $0x0  }
0x8a: {  	s28 =	rddreg [dreg:$0x16];
	[sflag:s14] =	ssyncadd.s32 $0xFFFFD800  }
0x8b: {  	[hbm4b:s28+s2] =	stream.linear.scatter [tilespmem:s7], [sflag:$0xD], $0x2800, $0x38;
	[tilespmem:$0x1A980] =	vst v63  }
0x8c: {  	_ =	swait.ge [sflag:s13], $0x2000  }
0x8d: {  	[sflag:s13] =	ssyncset.done $0x0  }
0x8e: {  	s25 =	simm.s32 $0x980;
	s28 =	rddreg [dreg:$0x17];
	[sflag:s13] =	ssyncadd.s32 $0xFFFFE000  }
0x8f: {  	[hbm4b:s28+s2] =	stream.linear.scatter [tilespmem:s25], [sflag:$0x1], $0x2000, $0x38;
	[tilespmem:$0x1A980] =	vst v63  }
0x90: {  	_ =	swait.ge [sflag:s12], $0x2000  }
0x91: {  	[sflag:s12] =	ssyncset.done $0x0  }
0x92: {  	s4 =	simm.s32 $0x2980;
	s28 =	rddreg [dreg:$0x18];
	[sflag:s12] =	ssyncadd.s32 $0xFFFFE000  }
0x93: {  	[hbm4b:s28+s2] =	stream.linear.scatter [tilespmem:s4], [sflag:$0x2], $0x2000, $0x38;
	[tilespmem:$0x1A980] =	vst v63  }
0x94: {  	_ =	swait.ge [sflag:s11], $0x2000  }
0x95: {  	[sflag:s11] =	ssyncset.done $0x0  }
0x96: {  	s5 =	simm.s32 $0x4980;
	s28 =	rddreg [dreg:$0x19];
	[sflag:s11] =	ssyncadd.s32 $0xFFFFE000  }
0x97: {  	[hbm4b:s28+s2] =	stream.linear.scatter [tilespmem:s5], [sflag:$0x3], $0x2000, $0x38;
	[tilespmem:$0x1A980] =	vst v63  }
0x98: {  	_ =	swait.ge [sflag:s17], $0x2800  }
0x99: {  	[sflag:s17] =	ssyncset.done $0x0  }
0x9a: {  	s26 =	simm.s32 $0x13;
	[sflag:s17] =	ssyncadd.s32 $0xFFFFD800  }
0x9b: {  	_ =	swait.ge [sflag:s26], $0x2800  }
0x9c: {  	[sflag:s26] =	ssyncset.done $0x0  }
0x9d: {  	[sflag:s26] =	ssyncadd.s32 $0xFFFFD800  }
0x9e: {  	_ =	swait.ge [sflag:s10], $0x2800  }
0x9f: {  	[sflag:s10] =	ssyncset.done $0x0  }
0xa0: {  	[sflag:s10] =	ssyncadd.s32 $0xFFFFD800  }
0xa1: {  	_ =	swait.ge [sflag:s8], $0x2800  }
0xa2: {  	[sflag:s8] =	ssyncset.done $0x0  }
0xa3: {  	[sflag:s8] =	ssyncadd.s32 $0xFFFFD800  }
0xa4: {  	_ =	swait.ge [sflag:s13], $0x2000  }
0xa5: {  	[sflag:s13] =	ssyncset.done $0x0  }
0xa6: {  	[sflag:s13] =	ssyncadd.s32 $0xFFFFE000  }
0xa7: {  	_ =	swait.ge [sflag:s12], $0x2000  }
0xa8: {  	s29 =	sld [smem:$0x7FA];
	_ =	sdelay $0x2  }
0xa9: {  	p1 =	sne.s32 s29, $0x1  }
.Ltmp1:
0xaa: {  	p0 =	por $0x1, $0x1;
	(pc) =	sbr.rel @!p1 .LBB2_7-.Ltmp1, $4  }
0xab: {  	s0 =	simm.s32 $0xB;
	s31 =	simm.s32 $0x10;
	[sflag:s12] =	ssyncset.done $0x0  }
0xac: {  	s19 =	simm.s32 $0xF;
	s22 =	simm.s32 $0xA;
	[sflag:s12] =	ssyncadd.s32 $0xFFFFE000  }
0xad: {  	s17 =	simm.s32 $0x13;
	s26 =	simm.s32 $0x11;
	_ =	swait.ge [sflag:s11], $0x2000  }
0xae: {  	s28 =	sadd.s32 $0xFFFFFFFF, s29;
	s30 =	rddreg [dreg:$0x9];
	[sflag:s11] =	ssyncset.done $0x0  }
0xaf: {  	s5 =	simm.s32 $0x4980;
	s20 =	simm.s32 $0x980  }
0xb0: {  	s23 =	simm.s32 $0x2980;
	s16 =	simm.s32 $0x10980;
	s21 =	simm.s32 $0x6980  }
.LBB2_4:
0xb1: {  	[sflag:s11] =	ssyncadd.s32 $0xFFFFE000  }
0xb2: {  	[tilespmem:s2], [sflag:$0x14] =	stream.linear.gather [hbm4b:s30+s2], $0x40, $0x38;
	[tilespmem:$0x1A980] =	vst v63  }
0xb3: {  	_ =	swait.ge [sflag:s24], $0x40  }
0xb4: {  	[sflag:s24] =	ssyncset.done $0x0  }
0xb5: {  	s1 =	simm.s32 $0x80;
	s30 =	rddreg [dreg:$0xa];
	[sflag:s24] =	ssyncadd.s32 $0xFFFFFFC0  }
0xb6: {  	[tilespmem:s1], [sflag:$0x14] =	stream.linear.gather [hbm4b:s30+s2], $0x40, $0x38;
	[tilespmem:$0x1A980] =	vst v63  }
0xb7: {  	_ =	swait.ge [sflag:s24], $0x40  }
0xb8: {  	[sflag:s24] =	ssyncset.done $0x0  }
0xb9: {  	s6 =	simm.s32 $0x100;
	s30 =	rddreg [dreg:$0xb];
	[sflag:s24] =	ssyncadd.s32 $0xFFFFFFC0  }
0xba: {  	[tilespmem:s6], [sflag:$0x14] =	stream.linear.gather [hbm4b:s30+s2], $0x40, $0x38;
	[tilespmem:$0x1A980] =	vst v63  }
0xbb: {  	_ =	swait.ge [sflag:s24], $0x40  }
0xbc: {  	[sflag:s24] =	ssyncset.done $0x0  }
0xbd: {  	s25 =	simm.s32 $0x180;
	s30 =	rddreg [dreg:$0xc];
	[sflag:s24] =	ssyncadd.s32 $0xFFFFFFC0  }
0xbe: {  	[tilespmem:s25], [sflag:$0x14] =	stream.linear.gather [hbm4b:s30+s2], $0x500, $0x38;
	[tilespmem:$0x1A980] =	vst v63  }
0xbf: {  	_ =	swait.ge [sflag:s24], $0x500  }
0xc0: {  	[sflag:s24] =	ssyncset.done $0x0  }
0xc1: {  	s29 =	simm.s32 $0x40;
	s30 =	rddreg [dreg:$0x6];
	[sflag:s24] =	ssyncadd.s32 $0xFFFFFB00  }
0xc2: {  	[tilespmem:s20], [sflag:$0x1] =	stream.indirect.gather [hbm4b:s30+s29], $0x80, s2, s29, $0xb8;
	[tilespmem:$0x1A980] =	vst v63  }
0xc3: {  	s4 =	rddreg [dreg:$0x7]  }
0xc4: {  	[tilespmem:s23], [sflag:$0x2] =	stream.indirect.gather [hbm4b:s4+s29], $0x80, s1, s29, $0xb8;
	[tilespmem:$0x1A980] =	vst v63  }
0xc5: {  	s30 =	rddreg [dreg:$0x8]  }
0xc6: {  	[tilespmem:s5], [sflag:$0x3] =	stream.indirect.gather [hbm4b:s30+s29], $0x80, s6, s29, $0xb8;
	[tilespmem:$0x1A980] =	vst v63  }
0xc7: {  	_ = 	snop  }
0xc8: {  	[tilespmem:s9], [sflag:$0x4] =	stream.indirect.gather [hbm4b:s3+s18], $0x80, s25, s18, $0xb8;
	[tilespmem:$0x1A980] =	vst v63  }
0xc9: {  	s6 =	rddreg [dreg:$0x1a]  }
0xca: {  	[tilespmem:s7], [sflag:$0x5] =	stream.indirect.gather [hbm4b:s3+s18], $0x80, s6, s18, $0xb8;
	[tilespmem:$0x1A980] =	vst v63  }
0xcb: {  	s30 =	rddreg [dreg:$0x1b];
	s29 =	simm.s32 $0xB980  }
0xcc: {  	[tilespmem:s29], [sflag:$0x6] =	stream.indirect.gather [hbm4b:s3+s18], $0x80, s30, s18, $0xb8;
	[tilespmem:$0x1A980] =	vst v63  }
0xcd: {  	s25 =	simm.s32 $0xE180;
	s7 =	rddreg [dreg:$0x1c]  }
0xce: {  	[tilespmem:s25], [sflag:$0x7] =	stream.indirect.gather [hbm4b:s3+s18], $0x80, s7, s18, $0xb8;
	[tilespmem:$0x1A980] =	vst v63  }
0xcf: {  	s30 =	rddreg [dreg:$0x1d]  }
0xd0: {  	[tilespmem:s16], [sflag:$0x8] =	stream.indirect.gather [hbm4b:s3+s18], $0x80, s30, s18, $0xb8;
	[tilespmem:$0x1A980] =	vst v63  }
0xd1: {  	_ =	swait.ge [sflag:s15], $0x2800  }
0xd2: {  	[sflag:s15] =	ssyncset.done $0x0  }
0xd3: {  	s1 =	rddreg [dreg:$0xd];
	[sflag:s15] =	ssyncadd.s32 $0xFFFFD800  }
0xd4: {  	[hbm4b:s1+s2] =	stream.linear.scatter [tilespmem:s9], [sflag:$0xC], $0x2800, $0x38;
	[tilespmem:$0x1A980] =	vst v63  }
0xd5: {  	s7 =	simm.s32 $0x13180;
	s30 =	rddreg [dreg:$0x1e]  }
0xd6: {  	[tilespmem:s7], [sflag:$0x9] =	stream.indirect.gather [hbm4b:s3+s18], $0x80, s30, s18, $0xb8;
	[tilespmem:$0x1A980] =	vst v63  }
0xd7: {  	_ =	swait.ge [sflag:s14], $0x2800  }
0xd8: {  	[sflag:s14] =	ssyncset.done $0x0  }
0xd9: {  	s9 =	simm.s32 $0x9180;
	s6 =	rddreg [dreg:$0xe];
	[sflag:s14] =	ssyncadd.s32 $0xFFFFD800  }
0xda: {  	[hbm4b:s6+s2] =	stream.linear.scatter [tilespmem:s9], [sflag:$0xD], $0x2800, $0x38;
	[tilespmem:$0x1A980] =	vst v63  }
0xdb: {  	s1 =	simm.s32 $0x6;
	s30 =	rddreg [dreg:$0x1f];
	s6 =	simm.s32 $0x15980  }
0xdc: {  	[tilespmem:s6], [sflag:$0xA] =	stream.indirect.gather [hbm4b:s3+s18], $0x80, s30, s18, $0xb8;
	[tilespmem:$0x1A980] =	vst v63  }
0xdd: {  	_ =	swait.ge [sflag:s1], $0x2800  }
0xde: {  	s4 =	rddreg [dreg:$0xf];
	[sflag:s1] =	ssyncset.done $0x0  }
0xdf: {  	s30 =	sld [smem:$0x7FB];
	[sflag:s1] =	ssyncadd.s32 $0xFFFFD800  }
0xe0: {  	[hbm4b:s4+s2] =	stream.linear.scatter [tilespmem:s29], [sflag:$0xE], $0x2800, $0x38;
	[tilespmem:$0x1A980] =	vst v63  }
0xe1: {  	s1 =	simm.s32 $0x7;
	s29 =	simm.s32 $0x18180  }
0xe2: {  	[tilespmem:s29], [sflag:$0xB] =	stream.indirect.gather [hbm4b:s3+s18], $0x80, s30, s18, $0xb8;
	[tilespmem:$0x1A980] =	vst v63  }
0xe3: {  	_ =	swait.ge [sflag:s1], $0x2800  }
0xe4: {  	[sflag:s1] =	ssyncset.done $0x0  }
0xe5: {  	s4 =	rddreg [dreg:$0x10];
	[sflag:s1] =	ssyncadd.s32 $0xFFFFD800  }
0xe6: {  	[hbm4b:s4+s2] =	stream.linear.scatter [tilespmem:s25], [sflag:$0xF], $0x2800, $0x38;
	[tilespmem:$0x1A980] =	vst v63  }
0xe7: {  	_ =	swait.ge [sflag:s10], $0x2800  }
0xe8: {  	s1 =	sld [smem:$0x7FC]  }
0xe9: {  	[sflag:s10] =	ssyncset.done $0x0  }
0xea: {  	s4 =	simm.s32 $0x8;
	[sflag:s10] =	ssyncadd.s32 $0xFFFFD800  }
0xeb: {  	[tilespmem:s21], [sflag:$0x4] =	stream.indirect.gather [hbm4b:s3+s18], $0x80, s1, s18, $0xb8;
	[tilespmem:$0x1A980] =	vst v63  }
0xec: {  	_ =	swait.ge [sflag:s4], $0x2800  }
0xed: {  	[sflag:s4] =	ssyncset.done $0x0  }
0xee: {  	s25 =	rddreg [dreg:$0x11];
	[sflag:s4] =	ssyncadd.s32 $0xFFFFD800  }
0xef: {  	[hbm4b:s25+s2] =	stream.linear.scatter [tilespmem:s16], [sflag:$0x10], $0x2800, $0x38;
	[tilespmem:$0x1A980] =	vst v63  }
0xf0: {  	_ =	swait.ge [sflag:s8], $0x2800  }
0xf1: {  	s1 =	sld [smem:$0x7FD]  }
0xf2: {  	[sflag:s8] =	ssyncset.done $0x0  }
0xf3: {  	s4 =	simm.s32 $0x9;
	[sflag:s8] =	ssyncadd.s32 $0xFFFFD800  }
0xf4: {  	[tilespmem:s9], [sflag:$0x5] =	stream.indirect.gather [hbm4b:s3+s18], $0x80, s1, s18, $0xb8;
	[tilespmem:$0x1A980] =	vst v63  }
0xf5: {  	_ =	swait.ge [sflag:s4], $0x2800  }
0xf6: {  	[sflag:s4] =	ssyncset.done $0x0  }
0xf7: {  	s25 =	rddreg [dreg:$0x12];
	[sflag:s4] =	ssyncadd.s32 $0xFFFFD800  }
0xf8: {  	[hbm4b:s25+s2] =	stream.linear.scatter [tilespmem:s7], [sflag:$0x11], $0x2800, $0x38;
	[tilespmem:$0x1A980] =	vst v63  }
0xf9: {  	s25 =	simm.s32 $0xE  }
0xfa: {  	_ =	swait.ge [sflag:s25], $0x2800  }
0xfb: {  	[sflag:s25] =	ssyncset.done $0x0  }
0xfc: {  	[sflag:s25] =	ssyncadd.s32 $0xFFFFD800  }
0xfd: {  	_ =	swait.ge [sflag:s22], $0x2800  }
0xfe: {  	[sflag:s22] =	ssyncset.done $0x0  }
0xff: {  	s1 =	rddreg [dreg:$0x13];
	[sflag:s22] =	ssyncadd.s32 $0xFFFFD800  }
0x100: {  	[hbm4b:s1+s2] =	stream.linear.scatter [tilespmem:s6], [sflag:$0x12], $0x2800, $0x38;
	[tilespmem:$0x1A980] =	vst v63  }
0x101: {  	_ =	swait.ge [sflag:s19], $0x2800  }
0x102: {  	[sflag:s19] =	ssyncset.done $0x0  }
0x103: {  	[sflag:s19] =	ssyncadd.s32 $0xFFFFD800  }
0x104: {  	_ =	swait.ge [sflag:s0], $0x2800  }
0x105: {  	[sflag:s0] =	ssyncset.done $0x0  }
0x106: {  	s6 =	rddreg [dreg:$0x14];
	[sflag:s0] =	ssyncadd.s32 $0xFFFFD800  }
0x107: {  	[hbm4b:s6+s2] =	stream.linear.scatter [tilespmem:s29], [sflag:$0x13], $0x2800, $0x38;
	[tilespmem:$0x1A980] =	vst v63  }
0x108: {  	_ =	swait.ge [sflag:s31], $0x2800  }
0x109: {  	[sflag:s31] =	ssyncset.done $0x0  }
0x10a: {  	[sflag:s31] =	ssyncadd.s32 $0xFFFFD800  }
0x10b: {  	_ =	swait.ge [sflag:s15], $0x2800  }
0x10c: {  	[sflag:s15] =	ssyncset.done $0x0  }
0x10d: {  	s9 =	simm.s32 $0x6980;
	s25 =	rddreg [dreg:$0x15];
	[sflag:s15] =	ssyncadd.s32 $0xFFFFD800  }
0x10e: {  	[hbm4b:s25+s2] =	stream.linear.scatter [tilespmem:s9], [sflag:$0xC], $0x2800, $0x38;
	[tilespmem:$0x1A980] =	vst v63  }
0x10f: {  	_ =	swait.ge [sflag:s26], $0x2800  }
0x110: {  	[sflag:s26] =	ssyncset.done $0x0  }
0x111: {  	[sflag:s26] =	ssyncadd.s32 $0xFFFFD800  }
0x112: {  	_ =	swait.ge [sflag:s14], $0x2800  }
0x113: {  	[sflag:s14] =	ssyncset.done $0x0  }
0x114: {  	s7 =	simm.s32 $0x9180;
	s29 =	rddreg [dreg:$0x16];
	[sflag:s14] =	ssyncadd.s32 $0xFFFFD800  }
0x115: {  	[hbm4b:s29+s2] =	stream.linear.scatter [tilespmem:s7], [sflag:$0xD], $0x2800, $0x38;
	[tilespmem:$0x1A980] =	vst v63  }
0x116: {  	_ =	swait.ge [sflag:s13], $0x2000  }
0x117: {  	[sflag:s13] =	ssyncset.done $0x0  }
0x118: {  	s1 =	rddreg [dreg:$0x17];
	[sflag:s13] =	ssyncadd.s32 $0xFFFFE000  }
0x119: {  	[hbm4b:s1+s2] =	stream.linear.scatter [tilespmem:s20], [sflag:$0x1], $0x2000, $0x38;
	[tilespmem:$0x1A980] =	vst v63  }
0x11a: {  	_ =	swait.ge [sflag:s12], $0x2000  }
0x11b: {  	[sflag:s12] =	ssyncset.done $0x0  }
0x11c: {  	s6 =	rddreg [dreg:$0x18];
	[sflag:s12] =	ssyncadd.s32 $0xFFFFE000  }
0x11d: {  	[hbm4b:s6+s2] =	stream.linear.scatter [tilespmem:s23], [sflag:$0x2], $0x2000, $0x38;
	[tilespmem:$0x1A980] =	vst v63  }
0x11e: {  	_ =	swait.ge [sflag:s11], $0x2000  }
0x11f: {  	[sflag:s11] =	ssyncset.done $0x0  }
0x120: {  	s29 =	simm.s32 $0x12;
	s25 =	rddreg [dreg:$0x19];
	[sflag:s11] =	ssyncadd.s32 $0xFFFFE000  }
0x121: {  	[hbm4b:s25+s2] =	stream.linear.scatter [tilespmem:s5], [sflag:$0x3], $0x2000, $0x38;
	[tilespmem:$0x1A980] =	vst v63  }
0x122: {  	_ =	swait.ge [sflag:s29], $0x2800  }
0x123: {  	[sflag:s29] =	ssyncset.done $0x0  }
0x124: {  	[sflag:s29] =	ssyncadd.s32 $0xFFFFD800  }
0x125: {  	_ =	swait.ge [sflag:s17], $0x2800  }
0x126: {  	[sflag:s17] =	ssyncset.done $0x0  }
0x127: {  	[sflag:s17] =	ssyncadd.s32 $0xFFFFD800  }
0x128: {  	_ =	swait.ge [sflag:s10], $0x2800  }
0x129: {  	[sflag:s10] =	ssyncset.done $0x0  }
0x12a: {  	[sflag:s10] =	ssyncadd.s32 $0xFFFFD800  }
0x12b: {  	_ =	swait.ge [sflag:s8], $0x2800  }
0x12c: {  	[sflag:s8] =	ssyncset.done $0x0  }
0x12d: {  	[sflag:s8] =	ssyncadd.s32 $0xFFFFD800  }
0x12e: {  	_ =	swait.ge [sflag:s13], $0x2000  }
0x12f: {  	[sflag:s13] =	ssyncset.done $0x0  }
0x130: {  	p1 =	sne.s32 s28, $0x1;
	[sflag:s13] =	ssyncadd.s32 $0xFFFFE000  }
.Ltmp2:
0x131: {  	_ =	swait.ge [sflag:s12], $0x2000;
	(pc) =	sbr.rel @p1 .LBB2_4-.Ltmp2, $4  }
0x132: {  	[sflag:s12] =	ssyncset.done $0x0  }
0x133: {  	[sflag:s12] =	ssyncadd.s32 $0xFFFFE000  }
0x134: {  	_ =	swait.ge [sflag:s11], $0x2000  }
0x135: {  	s28 =	sadd.s32 $0xFFFFFFFF, s28;
	s30 =	rddreg [dreg:$0x9];
	[sflag:s11] =	ssyncset.done $0x0  }
0x136: {  	s28 =	simm.s32 $0x2980;
	s5 =	simm.s32 $0x980;
	s17 =	simm.s32 $0x12  }
0x137: {  	s29 =	simm.s32 $0x15980;
	s21 =	simm.s32 $0x11;
	s26 =	simm.s32 $0x13180  }
0x138: {  	s16 =	simm.s32 $0x10;
	s31 =	simm.s32 $0x10980;
	s1 =	simm.s32 $0xB  }
0x139: {  	s19 =	simm.s32 $0xE180;
	s20 =	simm.s32 $0xA;
	s22 =	simm.s32 $0xB980  }
.LBB2_6:
0x13a: {  	[sflag:s11] =	ssyncadd.s32 @p0 $0xFFFFE000  }
0x13b: {  	[tilespmem:s2], [sflag:$0x14] =	stream.linear.gather [hbm4b:s30+s2], $0x40, $0x38;
	[tilespmem:$0x1A980] =	vst v63  }
0x13c: {  	_ =	swait.ge [sflag:s24], $0x40  }
0x13d: {  	[sflag:s24] =	ssyncset.done $0x0  }
0x13e: {  	s6 =	simm.s32 $0x80;
	s4 =	rddreg [dreg:$0xa];
	[sflag:s24] =	ssyncadd.s32 $0xFFFFFFC0  }
0x13f: {  	[tilespmem:s6], [sflag:$0x14] =	stream.linear.gather [hbm4b:s4+s2], $0x40, $0x38;
	[tilespmem:$0x1A980] =	vst v63  }
0x140: {  	_ =	swait.ge [sflag:s24], $0x40  }
0x141: {  	[sflag:s24] =	ssyncset.done $0x0  }
0x142: {  	s23 =	simm.s32 $0x100;
	s0 =	rddreg [dreg:$0xb];
	[sflag:s24] =	ssyncadd.s32 $0xFFFFFFC0  }
0x143: {  	[tilespmem:s23], [sflag:$0x14] =	stream.linear.gather [hbm4b:s0+s2], $0x40, $0x38;
	[tilespmem:$0x1A980] =	vst v63  }
0x144: {  	_ =	swait.ge [sflag:s24], $0x40  }
0x145: {  	[sflag:s24] =	ssyncset.done $0x0  }
0x146: {  	s0 =	simm.s32 $0x180;
	s25 =	rddreg [dreg:$0xc];
	[sflag:s24] =	ssyncadd.s32 $0xFFFFFFC0  }
0x147: {  	[tilespmem:s0], [sflag:$0x14] =	stream.linear.gather [hbm4b:s25+s2], $0x500, $0x38;
	[tilespmem:$0x1A980] =	vst v63  }
0x148: {  	_ =	swait.ge [sflag:s24], $0x500  }
0x149: {  	[sflag:s24] =	ssyncset.done $0x0  }
0x14a: {  	s25 =	simm.s32 $0x40;
	s4 =	rddreg [dreg:$0x6];
	[sflag:s24] =	ssyncadd.s32 $0xFFFFFB00  }
0x14b: {  	[tilespmem:s5], [sflag:$0x1] =	stream.indirect.gather [hbm4b:s4+s25], $0x80, s2, s25, $0xb8;
	[tilespmem:$0x1A980] =	vst v63  }
0x14c: {  	s30 =	rddreg [dreg:$0x7]  }
0x14d: {  	[tilespmem:s28], [sflag:$0x2] =	stream.indirect.gather [hbm4b:s30+s25], $0x80, s6, s25, $0xb8;
	[tilespmem:$0x1A980] =	vst v63  }
0x14e: {  	s24 =	simm.s32 $0x4980;
	s5 =	rddreg [dreg:$0x8]  }
0x14f: {  	[tilespmem:s24], [sflag:$0x3] =	stream.indirect.gather [hbm4b:s5+s25], $0x80, s23, s25, $0xb8;
	[tilespmem:$0x1A980] =	vst v63  }
0x150: {  	_ = 	snop  }
0x151: {  	[tilespmem:s9], [sflag:$0x4] =	stream.indirect.gather [hbm4b:s3+s18], $0x80, s0, s18, $0xb8;
	[tilespmem:$0x1A980] =	vst v63  }
0x152: {  	s30 =	rddreg [dreg:$0x1a]  }
0x153: {  	[tilespmem:s7], [sflag:$0x5] =	stream.indirect.gather [hbm4b:s3+s18], $0x80, s30, s18, $0xb8;
	[tilespmem:$0x1A980] =	vst v63  }
0x154: {  	s0 =	rddreg [dreg:$0x1b]  }
0x155: {  	[tilespmem:s22], [sflag:$0x6] =	stream.indirect.gather [hbm4b:s3+s18], $0x80, s0, s18, $0xb8;
	[tilespmem:$0x1A980] =	vst v63  }
0x156: {  	s25 =	rddreg [dreg:$0x1c]  }
0x157: {  	[tilespmem:s19], [sflag:$0x7] =	stream.indirect.gather [hbm4b:s3+s18], $0x80, s25, s18, $0xb8;
	[tilespmem:$0x1A980] =	vst v63  }
0x158: {  	s28 =	rddreg [dreg:$0x1d]  }
0x159: {  	[tilespmem:s31], [sflag:$0x8] =	stream.indirect.gather [hbm4b:s3+s18], $0x80, s28, s18, $0xb8;
	[tilespmem:$0x1A980] =	vst v63  }
0x15a: {  	_ =	swait.ge [sflag:s15], $0x2800  }
0x15b: {  	[sflag:s15] =	ssyncset.done $0x0  }
0x15c: {  	s30 =	rddreg [dreg:$0xd];
	[sflag:s15] =	ssyncadd.s32 $0xFFFFD800  }
0x15d: {  	[hbm4b:s30+s2] =	stream.linear.scatter [tilespmem:s9], [sflag:$0xC], $0x2800, $0x38;
	[tilespmem:$0x1A980] =	vst v63  }
0x15e: {  	s0 =	rddreg [dreg:$0x1e]  }
0x15f: {  	[tilespmem:s26], [sflag:$0x9] =	stream.indirect.gather [hbm4b:s3+s18], $0x80, s0, s18, $0xb8;
	[tilespmem:$0x1A980] =	vst v63  }
0x160: {  	_ =	swait.ge [sflag:s14], $0x2800  }
0x161: {  	[sflag:s14] =	ssyncset.done $0x0  }
0x162: {  	s5 =	rddreg [dreg:$0xe];
	[sflag:s14] =	ssyncadd.s32 $0xFFFFD800  }
0x163: {  	[hbm4b:s5+s2] =	stream.linear.scatter [tilespmem:s7], [sflag:$0xD], $0x2800, $0x38;
	[tilespmem:$0x1A980] =	vst v63  }
0x164: {  	s28 =	simm.s32 $0x6;
	s25 =	rddreg [dreg:$0x1f]  }
0x165: {  	[tilespmem:s29], [sflag:$0xA] =	stream.indirect.gather [hbm4b:s3+s18], $0x80, s25, s18, $0xb8;
	[tilespmem:$0x1A980] =	vst v63  }
0x166: {  	_ =	swait.ge [sflag:s28], $0x2800  }
0x167: {  	s30 =	rddreg [dreg:$0xf];
	[sflag:s28] =	ssyncset.done $0x0  }
0x168: {  	s0 =	sld [smem:$0x7FB];
	[sflag:s28] =	ssyncadd.s32 $0xFFFFD800  }
0x169: {  	[hbm4b:s30+s2] =	stream.linear.scatter [tilespmem:s22], [sflag:$0xE], $0x2800, $0x38;
	[tilespmem:$0x1A980] =	vst v63  }
0x16a: {  	s4 =	simm.s32 $0x7;
	s22 =	simm.s32 $0x18180  }
0x16b: {  	[tilespmem:s22], [sflag:$0xB] =	stream.indirect.gather [hbm4b:s3+s18], $0x80, s0, s18, $0xb8;
	[tilespmem:$0x1A980] =	vst v63  }
0x16c: {  	_ =	swait.ge [sflag:s4], $0x2800  }
0x16d: {  	[sflag:s4] =	ssyncset.done $0x0  }
0x16e: {  	s5 =	rddreg [dreg:$0x10];
	[sflag:s4] =	ssyncadd.s32 $0xFFFFD800  }
0x16f: {  	[hbm4b:s5+s2] =	stream.linear.scatter [tilespmem:s19], [sflag:$0xF], $0x2800, $0x38;
	[tilespmem:$0x1A980] =	vst v63  }
0x170: {  	_ =	swait.ge [sflag:s10], $0x2800  }
0x171: {  	s25 =	sld [smem:$0x7FC]  }
0x172: {  	[sflag:s10] =	ssyncset.done $0x0  }
0x173: {  	s28 =	simm.s32 $0x8;
	[sflag:s10] =	ssyncadd.s32 $0xFFFFD800  }
0x174: {  	[tilespmem:s9], [sflag:$0x4] =	stream.indirect.gather [hbm4b:s3+s18], $0x80, s25, s18, $0xb8;
	[tilespmem:$0x1A980] =	vst v63  }
0x175: {  	_ =	swait.ge [sflag:s28], $0x2800  }
0x176: {  	[sflag:s28] =	ssyncset.done $0x0  }
0x177: {  	s30 =	rddreg [dreg:$0x11];
	[sflag:s28] =	ssyncadd.s32 $0xFFFFD800  }
0x178: {  	[hbm4b:s30+s2] =	stream.linear.scatter [tilespmem:s31], [sflag:$0x10], $0x2800, $0x38;
	[tilespmem:$0x1A980] =	vst v63  }
0x179: {  	_ =	swait.ge [sflag:s8], $0x2800  }
0x17a: {  	s31 =	sld [smem:$0x7FD]  }
0x17b: {  	[sflag:s8] =	ssyncset.done $0x0  }
0x17c: {  	s0 =	simm.s32 $0x9;
	[sflag:s8] =	ssyncadd.s32 $0xFFFFD800  }
0x17d: {  	[tilespmem:s7], [sflag:$0x5] =	stream.indirect.gather [hbm4b:s3+s18], $0x80, s31, s18, $0xb8;
	[tilespmem:$0x1A980] =	vst v63  }
0x17e: {  	_ =	swait.ge [sflag:s0], $0x2800  }
0x17f: {  	[sflag:s0] =	ssyncset.done $0x0  }
0x180: {  	s5 =	simm.s32 $0xE;
	s4 =	rddreg [dreg:$0x12];
	[sflag:s0] =	ssyncadd.s32 $0xFFFFD800  }
0x181: {  	[hbm4b:s4+s2] =	stream.linear.scatter [tilespmem:s26], [sflag:$0x11], $0x2800, $0x38;
	[tilespmem:$0x1A980] =	vst v63  }
0x182: {  	_ =	swait.ge [sflag:s5], $0x2800  }
0x183: {  	[sflag:s5] =	ssyncset.done $0x0  }
0x184: {  	[sflag:s5] =	ssyncadd.s32 $0xFFFFD800  }
0x185: {  	_ =	swait.ge [sflag:s20], $0x2800  }
0x186: {  	[sflag:s20] =	ssyncset.done $0x0  }
0x187: {  	s19 =	simm.s32 $0xF;
	s18 =	rddreg [dreg:$0x13];
	[sflag:s20] =	ssyncadd.s32 $0xFFFFD800  }
0x188: {  	[hbm4b:s18+s2] =	stream.linear.scatter [tilespmem:s29], [sflag:$0x12], $0x2800, $0x38;
	[tilespmem:$0x1A980] =	vst v63  }
0x189: {  	_ =	swait.ge [sflag:s19], $0x2800  }
0x18a: {  	[sflag:s19] =	ssyncset.done $0x0  }
0x18b: {  	[sflag:s19] =	ssyncadd.s32 $0xFFFFD800  }
0x18c: {  	_ =	swait.ge [sflag:s1], $0x2800  }
0x18d: {  	[sflag:s1] =	ssyncset.done $0x0  }
0x18e: {  	s20 =	rddreg [dreg:$0x14];
	[sflag:s1] =	ssyncadd.s32 $0xFFFFD800  }
0x18f: {  	[hbm4b:s20+s2] =	stream.linear.scatter [tilespmem:s22], [sflag:$0x13], $0x2800, $0x38;
	[tilespmem:$0x1A980] =	vst v63  }
0x190: {  	_ =	swait.ge [sflag:s16], $0x2800  }
0x191: {  	[sflag:s16] =	ssyncset.done $0x0  }
0x192: {  	[sflag:s16] =	ssyncadd.s32 $0xFFFFD800  }
0x193: {  	_ =	swait.ge [sflag:s15], $0x2800  }
0x194: {  	[sflag:s15] =	ssyncset.done $0x0  }
0x195: {  	s22 =	rddreg [dreg:$0x15];
	[sflag:s15] =	ssyncadd.s32 $0xFFFFD800  }
0x196: {  	[hbm4b:s22+s2] =	stream.linear.scatter [tilespmem:s9], [sflag:$0xC], $0x2800, $0x38;
	[tilespmem:$0x1A980] =	vst v63  }
0x197: {  	_ =	swait.ge [sflag:s21], $0x2800  }
0x198: {  	[sflag:s21] =	ssyncset.done $0x0  }
0x199: {  	[sflag:s21] =	ssyncadd.s32 $0xFFFFD800  }
0x19a: {  	_ =	swait.ge [sflag:s14], $0x2800  }
0x19b: {  	[sflag:s14] =	ssyncset.done $0x0  }
0x19c: {  	s25 =	rddreg [dreg:$0x16];
	[sflag:s14] =	ssyncadd.s32 $0xFFFFD800  }
0x19d: {  	[hbm4b:s25+s2] =	stream.linear.scatter [tilespmem:s7], [sflag:$0xD], $0x2800, $0x38;
	[tilespmem:$0x1A980] =	vst v63  }
0x19e: {  	_ =	swait.ge [sflag:s13], $0x2000  }
0x19f: {  	[sflag:s13] =	ssyncset.done $0x0  }
0x1a0: {  	s23 =	simm.s32 $0x980;
	s26 =	rddreg [dreg:$0x17];
	[sflag:s13] =	ssyncadd.s32 $0xFFFFE000  }
0x1a1: {  	[hbm4b:s26+s2] =	stream.linear.scatter [tilespmem:s23], [sflag:$0x1], $0x2000, $0x38;
	[tilespmem:$0x1A980] =	vst v63  }
0x1a2: {  	_ =	swait.ge [sflag:s12], $0x2000  }
0x1a3: {  	[sflag:s12] =	ssyncset.done $0x0  }
0x1a4: {  	s6 =	simm.s32 $0x2980;
	s28 =	rddreg [dreg:$0x18];
	[sflag:s12] =	ssyncadd.s32 $0xFFFFE000  }
0x1a5: {  	[hbm4b:s28+s2] =	stream.linear.scatter [tilespmem:s6], [sflag:$0x2], $0x2000, $0x38;
	[tilespmem:$0x1A980] =	vst v63  }
0x1a6: {  	_ =	swait.ge [sflag:s11], $0x2000  }
0x1a7: {  	[sflag:s11] =	ssyncset.done $0x0  }
0x1a8: {  	s29 =	rddreg [dreg:$0x19];
	[sflag:s11] =	ssyncadd.s32 $0xFFFFE000  }
0x1a9: {  	[hbm4b:s29+s2] =	stream.linear.scatter [tilespmem:s24], [sflag:$0x3], $0x2000, $0x38;
	[tilespmem:$0x1A980] =	vst v63  }
0x1aa: {  	_ =	swait.ge [sflag:s17], $0x2800  }
0x1ab: {  	[sflag:s17] =	ssyncset.done $0x0  }
0x1ac: {  	s30 =	simm.s32 $0x13;
	[sflag:s17] =	ssyncadd.s32 $0xFFFFD800  }
0x1ad: {  	_ =	swait.ge [sflag:s30], $0x2800  }
0x1ae: {  	[sflag:s30] =	ssyncset.done $0x0  }
0x1af: {  	[sflag:s30] =	ssyncadd.s32 $0xFFFFD800  }
0x1b0: {  	_ =	swait.ge [sflag:s10], $0x2800  }
0x1b1: {  	[sflag:s10] =	ssyncset.done $0x0  }
0x1b2: {  	[sflag:s10] =	ssyncadd.s32 $0xFFFFD800  }
0x1b3: {  	_ =	swait.ge [sflag:s8], $0x2800  }
0x1b4: {  	[sflag:s8] =	ssyncset.done $0x0  }
0x1b5: {  	[sflag:s8] =	ssyncadd.s32 $0xFFFFD800  }
0x1b6: {  	_ =	swait.ge [sflag:s13], $0x2000  }
0x1b7: {  	[sflag:s13] =	ssyncset.done $0x0  }
0x1b8: {  	[sflag:s13] =	ssyncadd.s32 $0xFFFFE000  }
0x1b9: {  	_ =	swait.ge [sflag:s12], $0x2000  }
0x1ba: {  	[sflag:s12] =	ssyncset.done $0x0  }
0x1bb: {  	[sflag:s12] =	ssyncadd.s32 $0xFFFFE000  }
0x1bc: {  	_ =	swait.ge [sflag:s11], $0x2000  }
0x1bd: {  	[sflag:s11] =	ssyncset.done $0x0  }
0x1be: {  	[sflag:s11] =	ssyncadd.s32 $0xFFFFE000  }
0x1bf: {  	_ =	sfence.sel $0x180000  }
0x1c0: {  	[bflag:$0x0] =	sbarrier.arrive $0xFFFF  }
0x1c1: {  	_ =	strace $0x9000004A  }
0x1c2: {  	s31 =	stileid.u32;
	[bflag:$0x2] =	sbarrier.arrive $0xFFFF  }
0x1c3: {  	p0 =	sne.s32 s31, $0x0;
	s0 =	rddreg [dreg:$0x5]  }
0x1c4: {  	s0 =	sadd.s32 @!p0 $0x100000, s0  }
0x1c5: {  	[sflag:s0] =	ssyncadd.tile.s32 @!p0 $0x1;
	_ =	shalt  }
.LBB2_1:
.Ltmp3:
0x1c6: {  	(pc) =	sbr.rel .LBB2_6-.Ltmp3, $2  }
0x1c7: {  	_ =	sdelay $0x2  }
0x1c8: {  	s28 =	simm.s32 $0x2980;
	s29 =	simm.s32 $0x15980  }
.LBB2_7:
.Ltmp4:
0x1c9: {  	(pc) =	sbr.rel .LBB2_6-.Ltmp4, $4  }
0x1ca: {  	s28 =	simm.s32 $0x2980;
	s5 =	simm.s32 $0x980;
	s17 =	simm.s32 $0x12  }
0x1cb: {  	s29 =	simm.s32 $0x15980;
	s21 =	simm.s32 $0x11;
	s26 =	simm.s32 $0x13180  }
0x1cc: {  	s16 =	simm.s32 $0x10;
	s31 =	simm.s32 $0x10980;
	s1 =	simm.s32 $0xB  }
0x1cd: {  	s19 =	simm.s32 $0xE180;
	s20 =	simm.s32 $0xA;
	s22 =	simm.s32 $0xB980  }
.Lfunc_end2:
_tile_overlayer_lowered:
.L_overlay_start_2:
0x1ce: {  	(tag) =	ssettag $0x2  }
0x1cf: {  	s0 =	rddreg [dreg:$0x0];
	s2 =	stileid.u32  }
0x1d0: {  	s1 =	rddreg [dreg:$0x1];
	p0 =	sne.s32 s2, $0x0  }
0x1d1: {  	s3 =	rddreg [dreg:$0x2];
	[bflag:$0x3] =	sbarrier.arrive $0xFFFF;
	s2 =	simm.s32 @!p0 $0x1C14  }
0x1d2: {  	[timem:s3], [sflag:s2] =	dma.local @!p0 [hbm:s0], s1  }
0x1d3: {  	s0 =	simm.s32 @!p0 $0x14  }
0x1d4: {  	_ =	swait.ge @!p0 [sflag:s0], s1  }
0x1d5: {  	s1 =	ssub.s32 @!p0 $0x0, s1;
	[sflag:s0] =	ssyncset.done @!p0 $0x0  }
0x1d6: {  	[sflag:s0] =	ssyncadd.s32 @!p0 s1  }
0x1d7: {  	[bflag:$0x3] =	sbarrier.arrive $0xFFFF  }
0x1d8: {  	_ =	shalt  }

</sc_bundles>
